<compile_context>
chip_gen: v7x
topology: tpu7x:2x2x1
jax: 0.10.2.dev20260603
libtpu: 0.0.44.dev20260713+nightly
codegen_flags: <defaults>
</compile_context>

<pallas_src>
import functools

import jax
import jax.numpy as jnp
from jax import lax
from jax.experimental import pallas as pl
from jax.experimental.pallas import tpu as pltpu
from jax.experimental.pallas import tpu_sc as plsc

N0, N1, N2 = 10000, 5000, 2048
E1, E2 = 160000, 65536
D = 128

NC, NS = 2, 16
NT = NC * NS
K1, K2 = 80, 64
ZC = 64
LANES = 16


def _make_sc_segsum(num_rows_pad, chunks_per_tile, K):
    rows_per_tile = num_rows_pad // NS
    assert rows_per_tile % ZC == 0
    cnt_rows = num_rows_pad // 128
    assert cnt_rows <= rows_per_tile
    assert chunks_per_tile % 4 == 0
    hl = 4 if num_rows_pad > 4096 else LANES
    nhalf = LANES // hl

    @functools.partial(
        pl.kernel,
        mesh=plsc.VectorSubcoreMesh(core_axis_name="c", subcore_axis_name="s"),
        compiler_params=pltpu.CompilerParams(needs_layout_passes=False,
                                             use_tc_tiling_on_sc=True),
        out_type=[
            jax.ShapeDtypeStruct((NC, num_rows_pad, D), jnp.float32),
            jax.ShapeDtypeStruct((NT, cnt_rows, 128), jnp.float32),
        ],
        scratch_types=[
            pltpu.VMEM((chunks_per_tile, K), jnp.int32),
            pltpu.VMEM((chunks_per_tile, K), jnp.int32),
            pltpu.VMEM((K, D), jnp.float32),
            pltpu.VMEM((K, D), jnp.float32),
            pltpu.VMEM((K, D), jnp.float32),
            pltpu.VMEM((K, D), jnp.float32),
            pltpu.VMEM((hl * cnt_rows, 128), jnp.float32),
            pltpu.SemaphoreType.DMA,
            pltpu.SemaphoreType.DMA,
            pltpu.SemaphoreType.DMA,
            pltpu.SemaphoreType.DMA,
            pltpu.SemaphoreType.DMA,
            pltpu.SemaphoreType.DMA,
            pltpu.SemaphoreType.DMA,
            pltpu.SemaphoreType.DMA,
            pltpu.SemaphoreType.DMA,
            pltpu.VMEM_SHARED((num_rows_pad, D), jnp.float32),
        ],
    )
    def segsum(table, srcs, dsts, z_d, acc_out, cnt_out,
               idx_s, idx_d, rows0, rows1, rows2, rows3, hist,
               sg0, sg1, sg2, sg3, ss0, ss1, ss2, ss3, sem_p, acc_sh):
        rows = [rows0, rows1, rows2, rows3]
        sem_g = [sg0, sg1, sg2, sg3]
        sem_s = [ss0, ss1, ss2, ss3]
        c = lax.axis_index("c")
        s = lax.axis_index("s")
        tid = c * NS + s
        pltpu.sync_copy(srcs.at[pl.ds(tid * chunks_per_tile, chunks_per_tile)], idx_s)
        pltpu.async_copy(dsts.at[pl.ds(tid * chunks_per_tile, chunks_per_tile)], idx_d, sem_p)

        pltpu.async_copy(table.at[idx_s.at[0]], rows0, sg0)
        pltpu.async_copy(table.at[idx_s.at[1]], rows1, sg1)

        zbase = s * rows_per_tile
        nz = rows_per_tile // ZC
        for i in range(nz):
            pltpu.async_copy(z_d, acc_sh.at[pl.ds(zbase + i * ZC, ZC)], sem_p)
        hist_rows = hl * cnt_rows
        hz = []
        r = 0
        while r < hist_rows:
            n = min(ZC, hist_rows - r)
            hz.append((r, n))
            r += n
        for r, n in hz:
            pltpu.async_copy(z_d.at[pl.ds(0, n)], hist.at[pl.ds(r, n)], sem_p)
        for i in range(nz):
            pltpu.make_async_copy(z_d, acc_sh.at[pl.ds(zbase + i * ZC, ZC)], sem_p).wait()
        for r, n in hz:
            pltpu.make_async_copy(z_d.at[pl.ds(0, n)], hist.at[pl.ds(r, n)], sem_p).wait()
        pltpu.make_async_copy(dsts.at[pl.ds(tid * chunks_per_tile, chunks_per_tile)],
                              idx_d, sem_p).wait()
        plsc.subcore_barrier()

        iota16 = lax.iota(jnp.int32, LANES)
        lanes = lax.rem(iota16, hl)
        one16 = jnp.ones((LANES,), jnp.float32)
        halves = [None] if nhalf == 1 else [
            (iota16 // hl) == t for t in range(nhalf)]

        lrows = lanes * cnt_rows

        def hist_chunk(j):
            def hbody(g, carry):
                idx16 = idx_d[j, pl.ds(g * LANES, LANES)]
                row = lrows + lax.shift_right_logical(idx16, 7)
                col = lax.bitwise_and(idx16, 127)
                for msk in halves:
                    plsc.addupdate_scatter(hist, [row, col], one16, mask=msk)
                return carry
            lax.fori_loop(0, K // LANES, hbody, 0)

        def waitS(b, j):
            pltpu.make_async_copy(rows[b], acc_sh.at[idx_d.at[j]], sem_s[b]).wait()

        def ebody(jj, carry):
            j0 = jj * 4
            for u in range(4):
                j = j0 + u
                b2 = (u + 2) % 4

                @pl.when(j >= 2)
                def _():
                    waitS(b2, j - 2)

                @pl.when(j + 2 < chunks_per_tile)
                def _():
                    pltpu.async_copy(table.at[idx_s.at[j + 2]], rows[b2], sem_g[b2])

                pltpu.make_async_copy(table.at[idx_s.at[j]], rows[u], sem_g[u]).wait()
                pltpu.async_copy(rows[u], acc_sh.at[idx_d.at[j]], sem_s[u], add=True)
                hist_chunk(j)
            return carry

        lax.fori_loop(0, chunks_per_tile // 4, ebody, 0)
        waitS(2, chunks_per_tile - 2)
        waitS(3, chunks_per_tile - 1)

        def rbody(r, carry):
            for q in range(8):
                o = q * LANES
                tot = hist[r, pl.ds(o, LANES)]
                for l in range(1, hl):
                    tot = tot + hist[l * cnt_rows + r, pl.ds(o, LANES)]
                hist[r, pl.ds(o, LANES)] = tot
            return carry

        lax.fori_loop(0, cnt_rows, rbody, 0)
        plsc.subcore_barrier()

        pltpu.async_copy(acc_sh.at[pl.ds(zbase, rows_per_tile)],
                         acc_out.at[c, pl.ds(zbase, rows_per_tile)], sem_p)
        pltpu.async_copy(hist.at[pl.ds(0, cnt_rows)], cnt_out.at[tid], sem_p)
        pltpu.make_async_copy(acc_sh.at[pl.ds(zbase, rows_per_tile)],
                              acc_out.at[c, pl.ds(zbase, rows_per_tile)], sem_p).wait()
        pltpu.make_async_copy(hist.at[pl.ds(0, cnt_rows)], cnt_out.at[tid], sem_p).wait()

    return segsum


def _tc_layer(acc, cnt, x_src, W_l, b_l, W_r, n_rows, blk, relu, row0=0):
    grid = n_rows // blk
    assert row0 % blk == 0 and blk % 128 == 0
    r0 = row0 // blk
    blkb = blk // 128

    def body(a_ref, c_ref, x_ref, wl_ref, b_ref, wr_ref, o_ref):
        a = a_ref[0] + a_ref[1]
        cb = jnp.sum(c_ref[...], axis=0)
        rowi = lax.broadcasted_iota(jnp.int32, (blk, blkb), 0)
        rsel = (rowi // 128 == lax.broadcasted_iota(jnp.int32, (blk, blkb), 1))
        expand = jnp.dot(rsel.astype(jnp.float32), cb,
                         preferred_element_type=jnp.float32)
        li = lax.broadcasted_iota(jnp.int32, (blk, D), 0) % 128
        lsel = li == lax.broadcasted_iota(jnp.int32, (blk, D), 1)
        crow = jnp.sum(jnp.where(lsel, expand, 0.0), axis=1, keepdims=True)
        mean = a / jnp.maximum(crow, 1.0)
        h = (jnp.dot(mean, wl_ref[...], preferred_element_type=jnp.float32)
             + b_ref[...]
             + jnp.dot(x_ref[...], wr_ref[...], preferred_element_type=jnp.float32))
        if relu:
            h = jnp.maximum(h, 0.0)
        o_ref[...] = h

    return pl.pallas_call(
        body,
        grid=(grid,),
        in_specs=[
            pl.BlockSpec((2, blk, D), lambda i: (0, i + r0, 0)),
            pl.BlockSpec((NT, blkb, 128), lambda i: (0, i + r0, 0)),
            pl.BlockSpec((blk, D), lambda i: (i + r0, 0)),
            pl.BlockSpec((D, D), lambda i: (0, 0)),
            pl.BlockSpec((1, D), lambda i: (0, 0)),
            pl.BlockSpec((D, D), lambda i: (0, 0)),
        ],
        out_specs=pl.BlockSpec((blk, D), lambda i: (i, 0)),
        out_shape=jax.ShapeDtypeStruct((n_rows, D), jnp.float32),
    )(acc, cnt, x_src, W_l, b_l.reshape(1, D), W_r)


EP1 = 163840
P1 = 5120
CPT1 = EP1 // (NT * K1)
P2 = 2048
CPT2 = E2 // (NT * K2)

_segsum1 = _make_sc_segsum(P1, CPT1, K1)
_segsum2 = _make_sc_segsum(P2, CPT2, K2)


def kernel(x, edge_index1, edge_index2, W_l1, b_l1, W_r1, W_l2, b_l2, W_r2):
    z_d = jnp.zeros((ZC, D), jnp.float32)

    pad1 = EP1 - E1
    ar = jnp.arange(pad1, dtype=jnp.int32)
    src1 = jnp.concatenate([edge_index1[0], ar % N1]).reshape(-1, K1)
    dst1 = jnp.concatenate([edge_index1[1], N1 + ar % (P1 - N1)]).reshape(-1, K1)
    src2 = edge_index2[0].reshape(-1, K2)
    dst2 = edge_index2[1].reshape(-1, K2)

    acc1, cnt1 = _segsum1(x, src1, dst1, z_d)
    h_head = _tc_layer(acc1, cnt1, x, W_l1, b_l1, W_r1, N2, 1024, relu=True)
    h_tail = _tc_layer(acc1, cnt1, x, W_l1, b_l1, W_r1, P1 - N2, 1024,
                       relu=True, row0=N2)
    acc2, cnt2 = _segsum2(h_head, src2, dst2, z_d)
    h = jnp.concatenate([h_head, h_tail])[:N1]
    h2 = _tc_layer(acc2, cnt2, h_head, W_l2, b_l2, W_r2, N2, 1024, relu=False)
    return (h2, h2, h)

# --- scband reference (transcript-rebuilt; emitter-appended) ---
"""Pipeline reference for scband-sage-16209206575330 (READ-ONLY COPY).

The authoritative reference and input builder live on the scoring server;
editing this copy changes nothing except your own understanding.
"""

import jax, jax.numpy as jnp
import numpy as np

N0, N1, N2 = 10000, 5000, 2048
E1, E2 = 160000, 65536
D = 128


def setup_inputs(seed: int = 0) -> dict:
    key = jax.random.key(seed)
    ks = jax.random.split(key, 10)
    s = 1.0 / np.sqrt(D)
    x = jax.random.normal(ks[0], (N0, D), dtype=jnp.float32)
    edge_index1 = jax.random.randint(ks[1], (2, E1), 0, N1, dtype=jnp.int32)
    edge_index2 = jax.random.randint(ks[2], (2, E2), 0, N2, dtype=jnp.int32)
    W_l1 = jax.random.normal(ks[3], (D, D), dtype=jnp.float32) * s
    b_l1 = jnp.zeros((D,), dtype=jnp.float32)
    W_r1 = jax.random.normal(ks[4], (D, D), dtype=jnp.float32) * s
    W_l2 = jax.random.normal(ks[5], (D, D), dtype=jnp.float32) * s
    b_l2 = jnp.zeros((D,), dtype=jnp.float32)
    W_r2 = jax.random.normal(ks[6], (D, D), dtype=jnp.float32) * s
    return {"x": x, "edge_index1": edge_index1, "edge_index2": edge_index2,
            "W_l1": W_l1, "b_l1": b_l1, "W_r1": W_r1,
            "W_l2": W_l2, "b_l2": b_l2, "W_r2": W_r2}


def sage_conv(x_src, x_dst, edge_index, W_l, b_l, W_r):
    # PyG SAGEConv with bipartite (x_src, x_dst) input, aggr='mean',
    # root_weight=True, normalize=False:
    #   out = lin_l(mean_{j in N(i)} x_src[j]) + lin_r(x_dst[i])
    src = edge_index[0]
    dst = edge_index[1]
    msg = jnp.take(x_src, src, axis=0)                      # gather [E, D]
    num = x_dst.shape[0]
    agg = jax.ops.segment_sum(msg, dst, num_segments=num)   # scatter-add
    cnt = jax.ops.segment_sum(jnp.ones((msg.shape[0],), msg.dtype), dst, num_segments=num)
    mean = agg / jnp.maximum(cnt, 1.0)[:, None]
    return mean @ W_l + b_l + x_dst @ W_r


def reference(x, edge_index1, edge_index2, W_l1, b_l1, W_r1, W_l2, b_l2, W_r2):
    # SAGE.forward(x, adjs) with adjs = [(edge_index1, _, (N0, N1)), (edge_index2, _, (N1, N2))]
    # Layer 0 (i=0, not last): conv -> relu -> dropout(p=0.5, training=False -> identity)
    x_target = x[:N1]
    h = sage_conv(x, x_target, edge_index1, W_l1, b_l1, W_r1)
    h = jax.nn.relu(h)
    # Layer 1 (i=num_layers-1): out = x (input to last conv), then conv
    out_saved = h
    h_target = h[:N2]
    h2 = sage_conv(h, h_target, edge_index2, W_l2, b_l2, W_r2)
    return (h2, h2, out_saved)

if __name__ == "__main__":
    import jax
    _d = setup_inputs()
    print(jax.jit(kernel)(*tuple(_d.values())))

</pallas_src>

<mosaic_0001>
#map = affine_map<(d0, d1) -> (0, 0)>
#map1 = affine_map<(d0, d1) -> (0, 0, 0)>
module attributes {stable_mosaic.version = 14 : i64} {
  func.func @segsum(%arg0: i32, %arg1: i32, %arg2: memref<2048x128xf32, #tpu.memory_space<hbm>>, %arg3: memref<1024x64xi32, #tpu.memory_space<hbm>>, %arg4: memref<1024x64xi32, #tpu.memory_space<hbm>>, %arg5: memref<64x128xf32, #tpu.memory_space<hbm>>, %arg6: memref<2x2048x128xf32, #tpu.memory_space<hbm>>, %arg7: memref<32x16x128xf32, #tpu.memory_space<hbm>>, %arg8: memref<32x64xi32, #tpu.memory_space<vmem>>, %arg9: memref<32x64xi32, #tpu.memory_space<vmem>>, %arg10: memref<64x128xf32, #tpu.memory_space<vmem>>, %arg11: memref<64x128xf32, #tpu.memory_space<vmem>>, %arg12: memref<64x128xf32, #tpu.memory_space<vmem>>, %arg13: memref<64x128xf32, #tpu.memory_space<vmem>>, %arg14: memref<256x128xf32, #tpu.memory_space<vmem>>, %arg15: memref<!tpu.dma_semaphore, #tpu.memory_space<semaphore_mem>>, %arg16: memref<!tpu.dma_semaphore, #tpu.memory_space<semaphore_mem>>, %arg17: memref<!tpu.dma_semaphore, #tpu.memory_space<semaphore_mem>>, %arg18: memref<!tpu.dma_semaphore, #tpu.memory_space<semaphore_mem>>, %arg19: memref<!tpu.dma_semaphore, #tpu.memory_space<semaphore_mem>>, %arg20: memref<!tpu.dma_semaphore, #tpu.memory_space<semaphore_mem>>, %arg21: memref<!tpu.dma_semaphore, #tpu.memory_space<semaphore_mem>>, %arg22: memref<!tpu.dma_semaphore, #tpu.memory_space<semaphore_mem>>, %arg23: memref<!tpu.dma_semaphore, #tpu.memory_space<semaphore_mem>>, %arg24: memref<2048x128xf32, #tpu.memory_space<vmem_shared>>) attributes {dimension_semantics = [#tpu.dimension_semantics<core_parallel>, #tpu.dimension_semantics<subcore_parallel>], iteration_bounds = array<i64: 2, 16>, scalar_prefetch = 0 : i64, scratch_operands = 17 : i64, tpu.core_type = #tpu.core_type<sc_vector_subcore>, window_params = [{transform_indices = #map}, {transform_indices = #map}, {transform_indices = #map}, {transform_indices = #map}, {transform_indices = #map1}, {transform_indices = #map1}]} {
    %mul3A = arith.constant 16 : i32
    %mul3A_0 = arith.muli %arg0, %mul3A : i32
    %add3A = arith.addi %mul3A_0, %arg1 : i32
    %mul3A_1 = arith.constant 32 : i32
    %mul3A_2 = arith.muli %add3A, %mul3A_1 : i32
    "tpu.region"() ({
      %run_scoped3A = tpu.sem_alloc : memref<!tpu.dma_semaphore, #tpu.memory_space<semaphore_mem>>
      %dma_start3A_211 = arith.constant 0 : i32
      %dma_start3A_212 = tpu.memref_slice %arg3[%mul3A_2, %dma_start3A_211] : memref<1024x64xi32, #tpu.memory_space<hbm>> -> memref<32x64xi32, #tpu.memory_space<hbm>>
      %dma_start3A_213 = arith.constant 0 : i32
      %dma_start3A_214 = tpu.memref_slice %arg3[%mul3A_2, %dma_start3A_213] : memref<1024x64xi32, #tpu.memory_space<hbm>> -> memref<32x64xi32, #tpu.memory_space<hbm>>
      tpu.enqueue_dma source(%dma_start3A_214 : memref<32x64xi32, #tpu.memory_space<hbm>>) target(%arg8 : memref<32x64xi32, #tpu.memory_space<vmem>>) target_semaphore(%run_scoped3A : memref<!tpu.dma_semaphore, #tpu.memory_space<semaphore_mem>>)
      %dma_wait3A_215 = arith.constant 0 : i32
      %dma_wait3A_216 = tpu.memref_slice %arg3[%mul3A_2, %dma_wait3A_215] : memref<1024x64xi32, #tpu.memory_space<hbm>> -> memref<32x64xi32, #tpu.memory_space<hbm>>
      %dma_wait3A_217 = arith.constant 0 : i32
      %dma_wait3A_218 = tpu.memref_slice %arg3[%mul3A_2, %dma_wait3A_217] : memref<1024x64xi32, #tpu.memory_space<hbm>> -> memref<32x64xi32, #tpu.memory_space<hbm>>
      tpu.wait_dma2 semaphore(%run_scoped3A : memref<!tpu.dma_semaphore, #tpu.memory_space<semaphore_mem>>) src(%dma_wait3A_218 : memref<32x64xi32, #tpu.memory_space<hbm>>) dst(%arg8 : memref<32x64xi32, #tpu.memory_space<vmem>>)
      tpu.yield
    }) : () -> ()
    %mul3A_3 = arith.constant 32 : i32
    %mul3A_4 = arith.muli %add3A, %mul3A_3 : i32
    %dma_start3A = arith.constant 0 : i32
    %dma_start3A_5 = tpu.memref_slice %arg4[%mul3A_4, %dma_start3A] : memref<1024x64xi32, #tpu.memory_space<hbm>> -> memref<32x64xi32, #tpu.memory_space<hbm>>
    %dma_start3A_6 = arith.constant 0 : i32
    %dma_start3A_7 = tpu.memref_slice %arg4[%mul3A_4, %dma_start3A_6] : memref<1024x64xi32, #tpu.memory_space<hbm>> -> memref<32x64xi32, #tpu.memory_space<hbm>>
    tpu.enqueue_dma source(%dma_start3A_7 : memref<32x64xi32, #tpu.memory_space<hbm>>) target(%arg9 : memref<32x64xi32, #tpu.memory_space<vmem>>) target_semaphore(%arg23 : memref<!tpu.dma_semaphore, #tpu.memory_space<semaphore_mem>>)
    %dma_start3A_8 = arith.constant 0 : i32
    %dma_start3A_9 = arith.constant 0 : i32
    %dma_start3A_10 = tpu.memref_slice %arg8[%dma_start3A_8, %dma_start3A_9] : memref<32x64xi32, #tpu.memory_space<vmem>> -> memref<1x64xi32, #tpu.memory_space<vmem>>
    %dma_start3A_11 = tpu.memref_squeeze %dma_start3A_10 : memref<1x64xi32, #tpu.memory_space<vmem>> -> memref<64xi32, #tpu.memory_space<vmem>>
    %dma_start3A_12 = arith.constant 0 : i32
    %dma_start3A_13 = arith.constant 0 : i32
    %dma_start3A_14 = tpu.memref_slice %arg2[%dma_start3A_12, %dma_start3A_13] : memref<2048x128xf32, #tpu.memory_space<hbm>> -> memref<2048x128xf32, #tpu.memory_space<hbm>>
    tpu.enqueue_indirect_dma source(%dma_start3A_14 : memref<2048x128xf32, #tpu.memory_space<hbm>>) target(%arg10 : memref<64x128xf32, #tpu.memory_space<vmem>>) offsets(%dma_start3A_11 : memref<64xi32, #tpu.memory_space<vmem>>) semaphore(%arg15 : memref<!tpu.dma_semaphore, #tpu.memory_space<semaphore_mem>>)
    %dma_start3A_15 = arith.constant 1 : i32
    %dma_start3A_16 = arith.constant 0 : i32
    %dma_start3A_17 = tpu.memref_slice %arg8[%dma_start3A_15, %dma_start3A_16] : memref<32x64xi32, #tpu.memory_space<vmem>> -> memref<1x64xi32, #tpu.memory_space<vmem>>
    %dma_start3A_18 = tpu.memref_squeeze %dma_start3A_17 : memref<1x64xi32, #tpu.memory_space<vmem>> -> memref<64xi32, #tpu.memory_space<vmem>>
    %dma_start3A_19 = arith.constant 0 : i32
    %dma_start3A_20 = arith.constant 0 : i32
    %dma_start3A_21 = tpu.memref_slice %arg2[%dma_start3A_19, %dma_start3A_20] : memref<2048x128xf32, #tpu.memory_space<hbm>> -> memref<2048x128xf32, #tpu.memory_space<hbm>>
    tpu.enqueue_indirect_dma source(%dma_start3A_21 : memref<2048x128xf32, #tpu.memory_space<hbm>>) target(%arg11 : memref<64x128xf32, #tpu.memory_space<vmem>>) offsets(%dma_start3A_18 : memref<64xi32, #tpu.memory_space<vmem>>) semaphore(%arg16 : memref<!tpu.dma_semaphore, #tpu.memory_space<semaphore_mem>>)
    %mul3A_22 = arith.constant 128 : i32
    %mul3A_23 = arith.muli %arg1, %mul3A_22 : i32
    %add3A_24 = arith.constant 0 : i32
    %add3A_25 = arith.addi %mul3A_23, %add3A_24 : i32
    %dma_start3A_26 = arith.constant 0 : i32
    %dma_start3A_27 = tpu.memref_slice %arg24[%add3A_25, %dma_start3A_26] : memref<2048x128xf32, #tpu.memory_space<vmem_shared>> -> memref<64x128xf32, #tpu.memory_space<vmem_shared>>
    tpu.enqueue_dma source(%arg5 : memref<64x128xf32, #tpu.memory_space<hbm>>) target(%dma_start3A_27 : memref<64x128xf32, #tpu.memory_space<vmem_shared>>) target_semaphore(%arg23 : memref<!tpu.dma_semaphore, #tpu.memory_space<semaphore_mem>>)
    %add3A_28 = arith.constant 64 : i32
    %add3A_29 = arith.addi %mul3A_23, %add3A_28 : i32
    %dma_start3A_30 = arith.constant 0 : i32
    %dma_start3A_31 = tpu.memref_slice %arg24[%add3A_29, %dma_start3A_30] : memref<2048x128xf32, #tpu.memory_space<vmem_shared>> -> memref<64x128xf32, #tpu.memory_space<vmem_shared>>
    tpu.enqueue_dma source(%arg5 : memref<64x128xf32, #tpu.memory_space<hbm>>) target(%dma_start3A_31 : memref<64x128xf32, #tpu.memory_space<vmem_shared>>) target_semaphore(%arg23 : memref<!tpu.dma_semaphore, #tpu.memory_space<semaphore_mem>>)
    %dma_start3A_32 = arith.constant 0 : i32
    %dma_start3A_33 = arith.constant 0 : i32
    %dma_start3A_34 = tpu.memref_slice %arg14[%dma_start3A_32, %dma_start3A_33] : memref<256x128xf32, #tpu.memory_space<vmem>> -> memref<64x128xf32, #tpu.memory_space<vmem>>
    %dma_start3A_35 = arith.constant 0 : i32
    %dma_start3A_36 = arith.constant 0 : i32
    %dma_start3A_37 = tpu.memref_slice %arg5[%dma_start3A_35, %dma_start3A_36] : memref<64x128xf32, #tpu.memory_space<hbm>> -> memref<64x128xf32, #tpu.memory_space<hbm>>
    %dma_start3A_38 = arith.constant 0 : i32
    %dma_start3A_39 = arith.constant 0 : i32
    %dma_start3A_40 = tpu.memref_slice %arg14[%dma_start3A_38, %dma_start3A_39] : memref<256x128xf32, #tpu.memory_space<vmem>> -> memref<64x128xf32, #tpu.memory_space<vmem>>
    %dma_start3A_41 = arith.constant 0 : i32
    %dma_start3A_42 = arith.constant 0 : i32
    %dma_start3A_43 = tpu.memref_slice %arg5[%dma_start3A_41, %dma_start3A_42] : memref<64x128xf32, #tpu.memory_space<hbm>> -> memref<64x128xf32, #tpu.memory_space<hbm>>
    tpu.enqueue_dma source(%dma_start3A_43 : memref<64x128xf32, #tpu.memory_space<hbm>>) target(%dma_start3A_40 : memref<64x128xf32, #tpu.memory_space<vmem>>) target_semaphore(%arg23 : memref<!tpu.dma_semaphore, #tpu.memory_space<semaphore_mem>>)
    %dma_start3A_44 = arith.constant 64 : i32
    %dma_start3A_45 = arith.constant 0 : i32
    %dma_start3A_46 = tpu.memref_slice %arg14[%dma_start3A_44, %dma_start3A_45] : memref<256x128xf32, #tpu.memory_space<vmem>> -> memref<64x128xf32, #tpu.memory_space<vmem>>
    %dma_start3A_47 = arith.constant 0 : i32
    %dma_start3A_48 = arith.constant 0 : i32
    %dma_start3A_49 = tpu.memref_slice %arg5[%dma_start3A_47, %dma_start3A_48] : memref<64x128xf32, #tpu.memory_space<hbm>> -> memref<64x128xf32, #tpu.memory_space<hbm>>
    %dma_start3A_50 = arith.constant 64 : i32
    %dma_start3A_51 = arith.constant 0 : i32
    %dma_start3A_52 = tpu.memref_slice %arg14[%dma_start3A_50, %dma_start3A_51] : memref<256x128xf32, #tpu.memory_space<vmem>> -> memref<64x128xf32, #tpu.memory_space<vmem>>
    %dma_start3A_53 = arith.constant 0 : i32
    %dma_start3A_54 = arith.constant 0 : i32
    %dma_start3A_55 = tpu.memref_slice %arg5[%dma_start3A_53, %dma_start3A_54] : memref<64x128xf32, #tpu.memory_space<hbm>> -> memref<64x128xf32, #tpu.memory_space<hbm>>
    tpu.enqueue_dma source(%dma_start3A_55 : memref<64x128xf32, #tpu.memory_space<hbm>>) target(%dma_start3A_52 : memref<64x128xf32, #tpu.memory_space<vmem>>) target_semaphore(%arg23 : memref<!tpu.dma_semaphore, #tpu.memory_space<semaphore_mem>>)
    %dma_start3A_56 = arith.constant 128 : i32
    %dma_start3A_57 = arith.constant 0 : i32
    %dma_start3A_58 = tpu.memref_slice %arg14[%dma_start3A_56, %dma_start3A_57] : memref<256x128xf32, #tpu.memory_space<vmem>> -> memref<64x128xf32, #tpu.memory_space<vmem>>
    %dma_start3A_59 = arith.constant 0 : i32
    %dma_start3A_60 = arith.constant 0 : i32
    %dma_start3A_61 = tpu.memref_slice %arg5[%dma_start3A_59, %dma_start3A_60] : memref<64x128xf32, #tpu.memory_space<hbm>> -> memref<64x128xf32, #tpu.memory_space<hbm>>
    %dma_start3A_62 = arith.constant 128 : i32
    %dma_start3A_63 = arith.constant 0 : i32
    %dma_start3A_64 = tpu.memref_slice %arg14[%dma_start3A_62, %dma_start3A_63] : memref<256x128xf32, #tpu.memory_space<vmem>> -> memref<64x128xf32, #tpu.memory_space<vmem>>
    %dma_start3A_65 = arith.constant 0 : i32
    %dma_start3A_66 = arith.constant 0 : i32
    %dma_start3A_67 = tpu.memref_slice %arg5[%dma_start3A_65, %dma_start3A_66] : memref<64x128xf32, #tpu.memory_space<hbm>> -> memref<64x128xf32, #tpu.memory_space<hbm>>
    tpu.enqueue_dma source(%dma_start3A_67 : memref<64x128xf32, #tpu.memory_space<hbm>>) target(%dma_start3A_64 : memref<64x128xf32, #tpu.memory_space<vmem>>) target_semaphore(%arg23 : memref<!tpu.dma_semaphore, #tpu.memory_space<semaphore_mem>>)
    %dma_start3A_68 = arith.constant 192 : i32
    %dma_start3A_69 = arith.constant 0 : i32
    %dma_start3A_70 = tpu.memref_slice %arg14[%dma_start3A_68, %dma_start3A_69] : memref<256x128xf32, #tpu.memory_space<vmem>> -> memref<64x128xf32, #tpu.memory_space<vmem>>
    %dma_start3A_71 = arith.constant 0 : i32
    %dma_start3A_72 = arith.constant 0 : i32
    %dma_start3A_73 = tpu.memref_slice %arg5[%dma_start3A_71, %dma_start3A_72] : memref<64x128xf32, #tpu.memory_space<hbm>> -> memref<64x128xf32, #tpu.memory_space<hbm>>
    %dma_start3A_74 = arith.constant 192 : i32
    %dma_start3A_75 = arith.constant 0 : i32
    %dma_start3A_76 = tpu.memref_slice %arg14[%dma_start3A_74, %dma_start3A_75] : memref<256x128xf32, #tpu.memory_space<vmem>> -> memref<64x128xf32, #tpu.memory_space<vmem>>
    %dma_start3A_77 = arith.constant 0 : i32
    %dma_start3A_78 = arith.constant 0 : i32
    %dma_start3A_79 = tpu.memref_slice %arg5[%dma_start3A_77, %dma_start3A_78] : memref<64x128xf32, #tpu.memory_space<hbm>> -> memref<64x128xf32, #tpu.memory_space<hbm>>
    tpu.enqueue_dma source(%dma_start3A_79 : memref<64x128xf32, #tpu.memory_space<hbm>>) target(%dma_start3A_76 : memref<64x128xf32, #tpu.memory_space<vmem>>) target_semaphore(%arg23 : memref<!tpu.dma_semaphore, #tpu.memory_space<semaphore_mem>>)
    %add3A_80 = arith.constant 0 : i32
    %add3A_81 = arith.addi %mul3A_23, %add3A_80 : i32
    %dma_wait3A = arith.constant 0 : i32
    %dma_wait3A_82 = tpu.memref_slice %arg24[%add3A_81, %dma_wait3A] : memref<2048x128xf32, #tpu.memory_space<vmem_shared>> -> memref<64x128xf32, #tpu.memory_space<vmem_shared>>
    tpu.wait_dma2 semaphore(%arg23 : memref<!tpu.dma_semaphore, #tpu.memory_space<semaphore_mem>>) src(%arg5 : memref<64x128xf32, #tpu.memory_space<hbm>>) dst(%dma_wait3A_82 : memref<64x128xf32, #tpu.memory_space<vmem_shared>>)
    %add3A_83 = arith.constant 64 : i32
    %add3A_84 = arith.addi %mul3A_23, %add3A_83 : i32
    %dma_wait3A_85 = arith.constant 0 : i32
    %dma_wait3A_86 = tpu.memref_slice %arg24[%add3A_84, %dma_wait3A_85] : memref<2048x128xf32, #tpu.memory_space<vmem_shared>> -> memref<64x128xf32, #tpu.memory_space<vmem_shared>>
    tpu.wait_dma2 semaphore(%arg23 : memref<!tpu.dma_semaphore, #tpu.memory_space<semaphore_mem>>) src(%arg5 : memref<64x128xf32, #tpu.memory_space<hbm>>) dst(%dma_wait3A_86 : memref<64x128xf32, #tpu.memory_space<vmem_shared>>)
    %dma_wait3A_87 = arith.constant 0 : i32
    %dma_wait3A_88 = arith.constant 0 : i32
    %dma_wait3A_89 = tpu.memref_slice %arg14[%dma_wait3A_87, %dma_wait3A_88] : memref<256x128xf32, #tpu.memory_space<vmem>> -> memref<64x128xf32, #tpu.memory_space<vmem>>
    %dma_wait3A_90 = arith.constant 0 : i32
    %dma_wait3A_91 = arith.constant 0 : i32
    %dma_wait3A_92 = tpu.memref_slice %arg5[%dma_wait3A_90, %dma_wait3A_91] : memref<64x128xf32, #tpu.memory_space<hbm>> -> memref<64x128xf32, #tpu.memory_space<hbm>>
    %dma_wait3A_93 = arith.constant 0 : i32
    %dma_wait3A_94 = arith.constant 0 : i32
    %dma_wait3A_95 = tpu.memref_slice %arg14[%dma_wait3A_93, %dma_wait3A_94] : memref<256x128xf32, #tpu.memory_space<vmem>> -> memref<64x128xf32, #tpu.memory_space<vmem>>
    %dma_wait3A_96 = arith.constant 0 : i32
    %dma_wait3A_97 = arith.constant 0 : i32
    %dma_wait3A_98 = tpu.memref_slice %arg5[%dma_wait3A_96, %dma_wait3A_97] : memref<64x128xf32, #tpu.memory_space<hbm>> -> memref<64x128xf32, #tpu.memory_space<hbm>>
    tpu.wait_dma2 semaphore(%arg23 : memref<!tpu.dma_semaphore, #tpu.memory_space<semaphore_mem>>) src(%dma_wait3A_98 : memref<64x128xf32, #tpu.memory_space<hbm>>) dst(%dma_wait3A_95 : memref<64x128xf32, #tpu.memory_space<vmem>>)
    %dma_wait3A_99 = arith.constant 64 : i32
    %dma_wait3A_100 = arith.constant 0 : i32
    %dma_wait3A_101 = tpu.memref_slice %arg14[%dma_wait3A_99, %dma_wait3A_100] : memref<256x128xf32, #tpu.memory_space<vmem>> -> memref<64x128xf32, #tpu.memory_space<vmem>>
    %dma_wait3A_102 = arith.constant 0 : i32
    %dma_wait3A_103 = arith.constant 0 : i32
    %dma_wait3A_104 = tpu.memref_slice %arg5[%dma_wait3A_102, %dma_wait3A_103] : memref<64x128xf32, #tpu.memory_space<hbm>> -> memref<64x128xf32, #tpu.memory_space<hbm>>
    %dma_wait3A_105 = arith.constant 64 : i32
    %dma_wait3A_106 = arith.constant 0 : i32
    %dma_wait3A_107 = tpu.memref_slice %arg14[%dma_wait3A_105, %dma_wait3A_106] : memref<256x128xf32, #tpu.memory_space<vmem>> -> memref<64x128xf32, #tpu.memory_space<vmem>>
    %dma_wait3A_108 = arith.constant 0 : i32
    %dma_wait3A_109 = arith.constant 0 : i32
    %dma_wait3A_110 = tpu.memref_slice %arg5[%dma_wait3A_108, %dma_wait3A_109] : memref<64x128xf32, #tpu.memory_space<hbm>> -> memref<64x128xf32, #tpu.memory_space<hbm>>
    tpu.wait_dma2 semaphore(%arg23 : memref<!tpu.dma_semaphore, #tpu.memory_space<semaphore_mem>>) src(%dma_wait3A_110 : memref<64x128xf32, #tpu.memory_space<hbm>>) dst(%dma_wait3A_107 : memref<64x128xf32, #tpu.memory_space<vmem>>)
    %dma_wait3A_111 = arith.constant 128 : i32
    %dma_wait3A_112 = arith.constant 0 : i32
    %dma_wait3A_113 = tpu.memref_slice %arg14[%dma_wait3A_111, %dma_wait3A_112] : memref<256x128xf32, #tpu.memory_space<vmem>> -> memref<64x128xf32, #tpu.memory_space<vmem>>
    %dma_wait3A_114 = arith.constant 0 : i32
    %dma_wait3A_115 = arith.constant 0 : i32
    %dma_wait3A_116 = tpu.memref_slice %arg5[%dma_wait3A_114, %dma_wait3A_115] : memref<64x128xf32, #tpu.memory_space<hbm>> -> memref<64x128xf32, #tpu.memory_space<hbm>>
    %dma_wait3A_117 = arith.constant 128 : i32
    %dma_wait3A_118 = arith.constant 0 : i32
    %dma_wait3A_119 = tpu.memref_slice %arg14[%dma_wait3A_117, %dma_wait3A_118] : memref<256x128xf32, #tpu.memory_space<vmem>> -> memref<64x128xf32, #tpu.memory_space<vmem>>
    %dma_wait3A_120 = arith.constant 0 : i32
    %dma_wait3A_121 = arith.constant 0 : i32
    %dma_wait3A_122 = tpu.memref_slice %arg5[%dma_wait3A_120, %dma_wait3A_121] : memref<64x128xf32, #tpu.memory_space<hbm>> -> memref<64x128xf32, #tpu.memory_space<hbm>>
    tpu.wait_dma2 semaphore(%arg23 : memref<!tpu.dma_semaphore, #tpu.memory_space<semaphore_mem>>) src(%dma_wait3A_122 : memref<64x128xf32, #tpu.memory_space<hbm>>) dst(%dma_wait3A_119 : memref<64x128xf32, #tpu.memory_space<vmem>>)
    %dma_wait3A_123 = arith.constant 192 : i32
    %dma_wait3A_124 = arith.constant 0 : i32
    %dma_wait3A_125 = tpu.memref_slice %arg14[%dma_wait3A_123, %dma_wait3A_124] : memref<256x128xf32, #tpu.memory_space<vmem>> -> memref<64x128xf32, #tpu.memory_space<vmem>>
    %dma_wait3A_126 = arith.constant 0 : i32
    %dma_wait3A_127 = arith.constant 0 : i32
    %dma_wait3A_128 = tpu.memref_slice %arg5[%dma_wait3A_126, %dma_wait3A_127] : memref<64x128xf32, #tpu.memory_space<hbm>> -> memref<64x128xf32, #tpu.memory_space<hbm>>
    %dma_wait3A_129 = arith.constant 192 : i32
    %dma_wait3A_130 = arith.constant 0 : i32
    %dma_wait3A_131 = tpu.memref_slice %arg14[%dma_wait3A_129, %dma_wait3A_130] : memref<256x128xf32, #tpu.memory_space<vmem>> -> memref<64x128xf32, #tpu.memory_space<vmem>>
    %dma_wait3A_132 = arith.constant 0 : i32
    %dma_wait3A_133 = arith.constant 0 : i32
    %dma_wait3A_134 = tpu.memref_slice %arg5[%dma_wait3A_132, %dma_wait3A_133] : memref<64x128xf32, #tpu.memory_space<hbm>> -> memref<64x128xf32, #tpu.memory_space<hbm>>
    tpu.wait_dma2 semaphore(%arg23 : memref<!tpu.dma_semaphore, #tpu.memory_space<semaphore_mem>>) src(%dma_wait3A_134 : memref<64x128xf32, #tpu.memory_space<hbm>>) dst(%dma_wait3A_131 : memref<64x128xf32, #tpu.memory_space<vmem>>)
    %mul3A_135 = arith.constant 32 : i32
    %mul3A_136 = arith.muli %add3A, %mul3A_135 : i32
    %dma_wait3A_137 = arith.constant 0 : i32
    %dma_wait3A_138 = tpu.memref_slice %arg4[%mul3A_136, %dma_wait3A_137] : memref<1024x64xi32, #tpu.memory_space<hbm>> -> memref<32x64xi32, #tpu.memory_space<hbm>>
    %dma_wait3A_139 = arith.constant 0 : i32
    %dma_wait3A_140 = tpu.memref_slice %arg4[%mul3A_136, %dma_wait3A_139] : memref<1024x64xi32, #tpu.memory_space<hbm>> -> memref<32x64xi32, #tpu.memory_space<hbm>>
    tpu.wait_dma2 semaphore(%arg23 : memref<!tpu.dma_semaphore, #tpu.memory_space<semaphore_mem>>) src(%dma_wait3A_140 : memref<32x64xi32, #tpu.memory_space<hbm>>) dst(%arg9 : memref<32x64xi32, #tpu.memory_space<vmem>>)
    %barrier3A = arith.constant 0 : index
    tpu.barrier barrier_id(%barrier3A)
    %iota3A = tpu.iota {dimensions = array<i32: 0>} : vector<16xi32>
    %rem3A = arith.constant 16 : i32
    %rem3A_141 = vector.broadcast %rem3A : i32 to vector<16xi32>
    %rem3A_142 = arith.remsi %iota3A, %rem3A_141 : vector<16xi32>
    %broadcast_in_dim3A = arith.constant 1.000000e+00 : f32
    %broadcast_in_dim3A_143 = vector.broadcast %broadcast_in_dim3A : f32 to vector<16xf32>
    %mul3A_144 = arith.constant 16 : i32
    %mul3A_145 = vector.broadcast %mul3A_144 : i32 to vector<16xi32>
    %mul3A_146 = arith.muli %rem3A_142, %mul3A_145 : vector<16xi32>
    %scan3A = arith.constant 0 : i32
    %scan3A_147 = arith.constant 0 : i32
    %scan3A_148 = arith.constant 8 : i32
    %scan3A_149 = arith.addi %scan3A_147, %scan3A_148 : i32
    %scan3A_150 = arith.constant 1 : i32
    scf.for %scan3A_211 = %scan3A_147 to %scan3A_149 step %scan3A_150  : i32 {
      %mul3A_212 = arith.constant 4 : i32
      %mul3A_213 = arith.muli %scan3A_211, %mul3A_212 : i32
      %add3A_214 = arith.constant 0 : i32
      %add3A_215 = arith.addi %mul3A_213, %add3A_214 : i32
      %ge3A = arith.constant 2 : i32
      %ge3A_216 = arith.cmpi sge, %add3A_215, %ge3A : i32
      %convert_element_type3A = arith.extui %ge3A_216 : i1 to i32
      %cond3A = arith.constant 0 : i32
      %cond3A_217 = arith.cmpi ne, %convert_element_type3A, %cond3A : i32
      scf.if %cond3A_217 {
        %sub3A = arith.constant 2 : i32
        %sub3A_338 = arith.subi %add3A_215, %sub3A : i32
        %dma_wait3A_339 = arith.constant 0 : i32
        %dma_wait3A_340 = tpu.memref_slice %arg9[%sub3A_338, %dma_wait3A_339] : memref<32x64xi32, #tpu.memory_space<vmem>> -> memref<1x64xi32, #tpu.memory_space<vmem>>
        %dma_wait3A_341 = tpu.memref_squeeze %dma_wait3A_340 : memref<1x64xi32, #tpu.memory_space<vmem>> -> memref<64xi32, #tpu.memory_space<vmem>>
        %dma_wait3A_342 = arith.constant 0 : i32
        %dma_wait3A_343 = arith.constant 0 : i32
        %dma_wait3A_344 = tpu.memref_slice %arg24[%dma_wait3A_342, %dma_wait3A_343] : memref<2048x128xf32, #tpu.memory_space<vmem_shared>> -> memref<2048x128xf32, #tpu.memory_space<vmem_shared>>
        tpu.wait_indirect_dma semaphore(%arg21 : memref<!tpu.dma_semaphore, #tpu.memory_space<semaphore_mem>>) src(%arg12 : memref<64x128xf32, #tpu.memory_space<vmem>>) dst(%dma_wait3A_344 : memref<2048x128xf32, #tpu.memory_space<vmem_shared>>)
      } else {
      }
      %add3A_218 = arith.constant 2 : i32
      %add3A_219 = arith.addi %add3A_215, %add3A_218 : i32
      %lt3A = arith.constant 32 : i32
      %lt3A_220 = arith.cmpi slt, %add3A_219, %lt3A : i32
      %convert_element_type3A_221 = arith.extui %lt3A_220 : i1 to i32
      %cond3A_222 = arith.constant 0 : i32
      %cond3A_223 = arith.cmpi ne, %convert_element_type3A_221, %cond3A_222 : i32
      scf.if %cond3A_223 {
        %add3A_338 = arith.constant 2 : i32
        %add3A_339 = arith.addi %add3A_215, %add3A_338 : i32
        %dma_start3A_340 = arith.constant 0 : i32
        %dma_start3A_341 = tpu.memref_slice %arg8[%add3A_339, %dma_start3A_340] : memref<32x64xi32, #tpu.memory_space<vmem>> -> memref<1x64xi32, #tpu.memory_space<vmem>>
        %dma_start3A_342 = tpu.memref_squeeze %dma_start3A_341 : memref<1x64xi32, #tpu.memory_space<vmem>> -> memref<64xi32, #tpu.memory_space<vmem>>
        %dma_start3A_343 = arith.constant 0 : i32
        %dma_start3A_344 = arith.constant 0 : i32
        %dma_start3A_345 = tpu.memref_slice %arg2[%dma_start3A_343, %dma_start3A_344] : memref<2048x128xf32, #tpu.memory_space<hbm>> -> memref<2048x128xf32, #tpu.memory_space<hbm>>
        tpu.enqueue_indirect_dma source(%dma_start3A_345 : memref<2048x128xf32, #tpu.memory_space<hbm>>) target(%arg12 : memref<64x128xf32, #tpu.memory_space<vmem>>) offsets(%dma_start3A_342 : memref<64xi32, #tpu.memory_space<vmem>>) semaphore(%arg17 : memref<!tpu.dma_semaphore, #tpu.memory_space<semaphore_mem>>)
      } else {
      }
      %dma_wait3A_224 = arith.constant 0 : i32
      %dma_wait3A_225 = tpu.memref_slice %arg8[%add3A_215, %dma_wait3A_224] : memref<32x64xi32, #tpu.memory_space<vmem>> -> memref<1x64xi32, #tpu.memory_space<vmem>>
      %dma_wait3A_226 = tpu.memref_squeeze %dma_wait3A_225 : memref<1x64xi32, #tpu.memory_space<vmem>> -> memref<64xi32, #tpu.memory_space<vmem>>
      %dma_wait3A_227 = arith.constant 0 : i32
      %dma_wait3A_228 = arith.constant 0 : i32
      %dma_wait3A_229 = tpu.memref_slice %arg2[%dma_wait3A_227, %dma_wait3A_228] : memref<2048x128xf32, #tpu.memory_space<hbm>> -> memref<2048x128xf32, #tpu.memory_space<hbm>>
      tpu.wait_indirect_dma semaphore(%arg15 : memref<!tpu.dma_semaphore, #tpu.memory_space<semaphore_mem>>) src(%dma_wait3A_229 : memref<2048x128xf32, #tpu.memory_space<hbm>>) dst(%arg10 : memref<64x128xf32, #tpu.memory_space<vmem>>)
      %dma_start3A_230 = arith.constant 0 : i32
      %dma_start3A_231 = tpu.memref_slice %arg9[%add3A_215, %dma_start3A_230] : memref<32x64xi32, #tpu.memory_space<vmem>> -> memref<1x64xi32, #tpu.memory_space<vmem>>
      %dma_start3A_232 = tpu.memref_squeeze %dma_start3A_231 : memref<1x64xi32, #tpu.memory_space<vmem>> -> memref<64xi32, #tpu.memory_space<vmem>>
      %dma_start3A_233 = arith.constant 0 : i32
      %dma_start3A_234 = arith.constant 0 : i32
      %dma_start3A_235 = tpu.memref_slice %arg24[%dma_start3A_233, %dma_start3A_234] : memref<2048x128xf32, #tpu.memory_space<vmem_shared>> -> memref<2048x128xf32, #tpu.memory_space<vmem_shared>>
      tpu.enqueue_indirect_dma source(%arg10 : memref<64x128xf32, #tpu.memory_space<vmem>>) target(%dma_start3A_235 : memref<2048x128xf32, #tpu.memory_space<vmem_shared>>) offsets(%dma_start3A_232 : memref<64xi32, #tpu.memory_space<vmem>>) semaphore(%arg19 : memref<!tpu.dma_semaphore, #tpu.memory_space<semaphore_mem>>) {add = true}
      %scan3A_236 = arith.constant 0 : i32
      %scan3A_237 = arith.constant 0 : i32
      %scan3A_238 = arith.constant 4 : i32
      %scan3A_239 = arith.addi %scan3A_237, %scan3A_238 : i32
      %scan3A_240 = arith.constant 1 : i32
      scf.for %scan3A_338 = %scan3A_237 to %scan3A_239 step %scan3A_240  : i32 {
        %mul3A_339 = arith.constant 16 : i32
        %mul3A_340 = arith.muli %scan3A_338, %mul3A_339 : i32
        %get3A = arith.index_cast %add3A_215 : i32 to index
        %get3A_341 = arith.index_cast %mul3A_340 : i32 to index
        %get3A_342 = tpu.vector_load %arg9[%get3A, %get3A_341] {strides = array<i32>} : memref<32x64xi32, #tpu.memory_space<vmem>>, vector<16xi32>,
        %shift_right_logical3A = arith.constant 7 : i32
        %shift_right_logical3A_343 = vector.broadcast %shift_right_logical3A : i32 to vector<16xi32>
        %shift_right_logical3A_344 = arith.shrui %get3A_342, %shift_right_logical3A_343 : vector<16xi32>
        %add3A_345 = arith.addi %mul3A_146, %shift_right_logical3A_344 : vector<16xi32>
        %and3A = arith.constant 127 : i32
        %and3A_346 = vector.broadcast %and3A : i32 to vector<16xi32>
        %and3A_347 = arith.andi %get3A_342, %and3A_346 : vector<16xi32>
        tpu.vector_store_idx %arg14[%add3A_345, %and3A_347], %broadcast_in_dim3A_143 {add = true} : memref<256x128xf32, #tpu.memory_space<vmem>>[vector<16xi32>, vector<16xi32>], vector<16xf32>,
      }
      %scan3A_241 = arith.constant 4 : i32
      %add3A_242 = arith.constant 1 : i32
      %add3A_243 = arith.addi %mul3A_213, %add3A_242 : i32
      %ge3A_244 = arith.constant 2 : i32
      %ge3A_245 = arith.cmpi sge, %add3A_243, %ge3A_244 : i32
      %convert_element_type3A_246 = arith.extui %ge3A_245 : i1 to i32
      %cond3A_247 = arith.constant 0 : i32
      %cond3A_248 = arith.cmpi ne, %convert_element_type3A_246, %cond3A_247 : i32
      scf.if %cond3A_248 {
        %sub3A = arith.constant 2 : i32
        %sub3A_338 = arith.subi %add3A_243, %sub3A : i32
        %dma_wait3A_339 = arith.constant 0 : i32
        %dma_wait3A_340 = tpu.memref_slice %arg9[%sub3A_338, %dma_wait3A_339] : memref<32x64xi32, #tpu.memory_space<vmem>> -> memref<1x64xi32, #tpu.memory_space<vmem>>
        %dma_wait3A_341 = tpu.memref_squeeze %dma_wait3A_340 : memref<1x64xi32, #tpu.memory_space<vmem>> -> memref<64xi32, #tpu.memory_space<vmem>>
        %dma_wait3A_342 = arith.constant 0 : i32
        %dma_wait3A_343 = arith.constant 0 : i32
        %dma_wait3A_344 = tpu.memref_slice %arg24[%dma_wait3A_342, %dma_wait3A_343] : memref<2048x128xf32, #tpu.memory_space<vmem_shared>> -> memref<2048x128xf32, #tpu.memory_space<vmem_shared>>
        tpu.wait_indirect_dma semaphore(%arg22 : memref<!tpu.dma_semaphore, #tpu.memory_space<semaphore_mem>>) src(%arg13 : memref<64x128xf32, #tpu.memory_space<vmem>>) dst(%dma_wait3A_344 : memref<2048x128xf32, #tpu.memory_space<vmem_shared>>)
      } else {
      }
      %add3A_249 = arith.constant 2 : i32
      %add3A_250 = arith.addi %add3A_243, %add3A_249 : i32
      %lt3A_251 = arith.constant 32 : i32
      %lt3A_252 = arith.cmpi slt, %add3A_250, %lt3A_251 : i32
      %convert_element_type3A_253 = arith.extui %lt3A_252 : i1 to i32
      %cond3A_254 = arith.constant 0 : i32
      %cond3A_255 = arith.cmpi ne, %convert_element_type3A_253, %cond3A_254 : i32
      scf.if %cond3A_255 {
        %add3A_338 = arith.constant 2 : i32
        %add3A_339 = arith.addi %add3A_243, %add3A_338 : i32
        %dma_start3A_340 = arith.constant 0 : i32
        %dma_start3A_341 = tpu.memref_slice %arg8[%add3A_339, %dma_start3A_340] : memref<32x64xi32, #tpu.memory_space<vmem>> -> memref<1x64xi32, #tpu.memory_space<vmem>>
        %dma_start3A_342 = tpu.memref_squeeze %dma_start3A_341 : memref<1x64xi32, #tpu.memory_space<vmem>> -> memref<64xi32, #tpu.memory_space<vmem>>
        %dma_start3A_343 = arith.constant 0 : i32
        %dma_start3A_344 = arith.constant 0 : i32
        %dma_start3A_345 = tpu.memref_slice %arg2[%dma_start3A_343, %dma_start3A_344] : memref<2048x128xf32, #tpu.memory_space<hbm>> -> memref<2048x128xf32, #tpu.memory_space<hbm>>
        tpu.enqueue_indirect_dma source(%dma_start3A_345 : memref<2048x128xf32, #tpu.memory_space<hbm>>) target(%arg13 : memref<64x128xf32, #tpu.memory_space<vmem>>) offsets(%dma_start3A_342 : memref<64xi32, #tpu.memory_space<vmem>>) semaphore(%arg18 : memref<!tpu.dma_semaphore, #tpu.memory_space<semaphore_mem>>)
      } else {
      }
      %dma_wait3A_256 = arith.constant 0 : i32
      %dma_wait3A_257 = tpu.memref_slice %arg8[%add3A_243, %dma_wait3A_256] : memref<32x64xi32, #tpu.memory_space<vmem>> -> memref<1x64xi32, #tpu.memory_space<vmem>>
      %dma_wait3A_258 = tpu.memref_squeeze %dma_wait3A_257 : memref<1x64xi32, #tpu.memory_space<vmem>> -> memref<64xi32, #tpu.memory_space<vmem>>
      %dma_wait3A_259 = arith.constant 0 : i32
      %dma_wait3A_260 = arith.constant 0 : i32
      %dma_wait3A_261 = tpu.memref_slice %arg2[%dma_wait3A_259, %dma_wait3A_260] : memref<2048x128xf32, #tpu.memory_space<hbm>> -> memref<2048x128xf32, #tpu.memory_space<hbm>>
      tpu.wait_indirect_dma semaphore(%arg16 : memref<!tpu.dma_semaphore, #tpu.memory_space<semaphore_mem>>) src(%dma_wait3A_261 : memref<2048x128xf32, #tpu.memory_space<hbm>>) dst(%arg11 : memref<64x128xf32, #tpu.memory_space<vmem>>)
      %dma_start3A_262 = arith.constant 0 : i32
      %dma_start3A_263 = tpu.memref_slice %arg9[%add3A_243, %dma_start3A_262] : memref<32x64xi32, #tpu.memory_space<vmem>> -> memref<1x64xi32, #tpu.memory_space<vmem>>
      %dma_start3A_264 = tpu.memref_squeeze %dma_start3A_263 : memref<1x64xi32, #tpu.memory_space<vmem>> -> memref<64xi32, #tpu.memory_space<vmem>>
      %dma_start3A_265 = arith.constant 0 : i32
      %dma_start3A_266 = arith.constant 0 : i32
      %dma_start3A_267 = tpu.memref_slice %arg24[%dma_start3A_265, %dma_start3A_266] : memref<2048x128xf32, #tpu.memory_space<vmem_shared>> -> memref<2048x128xf32, #tpu.memory_space<vmem_shared>>
      tpu.enqueue_indirect_dma source(%arg11 : memref<64x128xf32, #tpu.memory_space<vmem>>) target(%dma_start3A_267 : memref<2048x128xf32, #tpu.memory_space<vmem_shared>>) offsets(%dma_start3A_264 : memref<64xi32, #tpu.memory_space<vmem>>) semaphore(%arg20 : memref<!tpu.dma_semaphore, #tpu.memory_space<semaphore_mem>>) {add = true}
      %scan3A_268 = arith.constant 0 : i32
      %scan3A_269 = arith.constant 0 : i32
      %scan3A_270 = arith.constant 4 : i32
      %scan3A_271 = arith.addi %scan3A_269, %scan3A_270 : i32
      %scan3A_272 = arith.constant 1 : i32
      scf.for %scan3A_338 = %scan3A_269 to %scan3A_271 step %scan3A_272  : i32 {
        %mul3A_339 = arith.constant 16 : i32
        %mul3A_340 = arith.muli %scan3A_338, %mul3A_339 : i32
        %get3A = arith.index_cast %add3A_243 : i32 to index
        %get3A_341 = arith.index_cast %mul3A_340 : i32 to index
        %get3A_342 = tpu.vector_load %arg9[%get3A, %get3A_341] {strides = array<i32>} : memref<32x64xi32, #tpu.memory_space<vmem>>, vector<16xi32>,
        %shift_right_logical3A = arith.constant 7 : i32
        %shift_right_logical3A_343 = vector.broadcast %shift_right_logical3A : i32 to vector<16xi32>
        %shift_right_logical3A_344 = arith.shrui %get3A_342, %shift_right_logical3A_343 : vector<16xi32>
        %add3A_345 = arith.addi %mul3A_146, %shift_right_logical3A_344 : vector<16xi32>
        %and3A = arith.constant 127 : i32
        %and3A_346 = vector.broadcast %and3A : i32 to vector<16xi32>
        %and3A_347 = arith.andi %get3A_342, %and3A_346 : vector<16xi32>
        tpu.vector_store_idx %arg14[%add3A_345, %and3A_347], %broadcast_in_dim3A_143 {add = true} : memref<256x128xf32, #tpu.memory_space<vmem>>[vector<16xi32>, vector<16xi32>], vector<16xf32>,
      }
      %scan3A_273 = arith.constant 4 : i32
      %add3A_274 = arith.constant 2 : i32
      %add3A_275 = arith.addi %mul3A_213, %add3A_274 : i32
      %ge3A_276 = arith.constant 2 : i32
      %ge3A_277 = arith.cmpi sge, %add3A_275, %ge3A_276 : i32
      %convert_element_type3A_278 = arith.extui %ge3A_277 : i1 to i32
      %cond3A_279 = arith.constant 0 : i32
      %cond3A_280 = arith.cmpi ne, %convert_element_type3A_278, %cond3A_279 : i32
      scf.if %cond3A_280 {
        %sub3A = arith.constant 2 : i32
        %sub3A_338 = arith.subi %add3A_275, %sub3A : i32
        %dma_wait3A_339 = arith.constant 0 : i32
        %dma_wait3A_340 = tpu.memref_slice %arg9[%sub3A_338, %dma_wait3A_339] : memref<32x64xi32, #tpu.memory_space<vmem>> -> memref<1x64xi32, #tpu.memory_space<vmem>>
        %dma_wait3A_341 = tpu.memref_squeeze %dma_wait3A_340 : memref<1x64xi32, #tpu.memory_space<vmem>> -> memref<64xi32, #tpu.memory_space<vmem>>
        %dma_wait3A_342 = arith.constant 0 : i32
        %dma_wait3A_343 = arith.constant 0 : i32
        %dma_wait3A_344 = tpu.memref_slice %arg24[%dma_wait3A_342, %dma_wait3A_343] : memref<2048x128xf32, #tpu.memory_space<vmem_shared>> -> memref<2048x128xf32, #tpu.memory_space<vmem_shared>>
        tpu.wait_indirect_dma semaphore(%arg19 : memref<!tpu.dma_semaphore, #tpu.memory_space<semaphore_mem>>) src(%arg10 : memref<64x128xf32, #tpu.memory_space<vmem>>) dst(%dma_wait3A_344 : memref<2048x128xf32, #tpu.memory_space<vmem_shared>>)
      } else {
      }
      %add3A_281 = arith.constant 2 : i32
      %add3A_282 = arith.addi %add3A_275, %add3A_281 : i32
      %lt3A_283 = arith.constant 32 : i32
      %lt3A_284 = arith.cmpi slt, %add3A_282, %lt3A_283 : i32
      %convert_element_type3A_285 = arith.extui %lt3A_284 : i1 to i32
      %cond3A_286 = arith.constant 0 : i32
      %cond3A_287 = arith.cmpi ne, %convert_element_type3A_285, %cond3A_286 : i32
      scf.if %cond3A_287 {
        %add3A_338 = arith.constant 2 : i32
        %add3A_339 = arith.addi %add3A_275, %add3A_338 : i32
        %dma_start3A_340 = arith.constant 0 : i32
        %dma_start3A_341 = tpu.memref_slice %arg8[%add3A_339, %dma_start3A_340] : memref<32x64xi32, #tpu.memory_space<vmem>> -> memref<1x64xi32, #tpu.memory_space<vmem>>
        %dma_start3A_342 = tpu.memref_squeeze %dma_start3A_341 : memref<1x64xi32, #tpu.memory_space<vmem>> -> memref<64xi32, #tpu.memory_space<vmem>>
        %dma_start3A_343 = arith.constant 0 : i32
        %dma_start3A_344 = arith.constant 0 : i32
        %dma_start3A_345 = tpu.memref_slice %arg2[%dma_start3A_343, %dma_start3A_344] : memref<2048x128xf32, #tpu.memory_space<hbm>> -> memref<2048x128xf32, #tpu.memory_space<hbm>>
        tpu.enqueue_indirect_dma source(%dma_start3A_345 : memref<2048x128xf32, #tpu.memory_space<hbm>>) target(%arg10 : memref<64x128xf32, #tpu.memory_space<vmem>>) offsets(%dma_start3A_342 : memref<64xi32, #tpu.memory_space<vmem>>) semaphore(%arg15 : memref<!tpu.dma_semaphore, #tpu.memory_space<semaphore_mem>>)
      } else {
      }
      %dma_wait3A_288 = arith.constant 0 : i32
      %dma_wait3A_289 = tpu.memref_slice %arg8[%add3A_275, %dma_wait3A_288] : memref<32x64xi32, #tpu.memory_space<vmem>> -> memref<1x64xi32, #tpu.memory_space<vmem>>
      %dma_wait3A_290 = tpu.memref_squeeze %dma_wait3A_289 : memref<1x64xi32, #tpu.memory_space<vmem>> -> memref<64xi32, #tpu.memory_space<vmem>>
      %dma_wait3A_291 = arith.constant 0 : i32
      %dma_wait3A_292 = arith.constant 0 : i32
      %dma_wait3A_293 = tpu.memref_slice %arg2[%dma_wait3A_291, %dma_wait3A_292] : memref<2048x128xf32, #tpu.memory_space<hbm>> -> memref<2048x128xf32, #tpu.memory_space<hbm>>
      tpu.wait_indirect_dma semaphore(%arg17 : memref<!tpu.dma_semaphore, #tpu.memory_space<semaphore_mem>>) src(%dma_wait3A_293 : memref<2048x128xf32, #tpu.memory_space<hbm>>) dst(%arg12 : memref<64x128xf32, #tpu.memory_space<vmem>>)
      %dma_start3A_294 = arith.constant 0 : i32
      %dma_start3A_295 = tpu.memref_slice %arg9[%add3A_275, %dma_start3A_294] : memref<32x64xi32, #tpu.memory_space<vmem>> -> memref<1x64xi32, #tpu.memory_space<vmem>>
      %dma_start3A_296 = tpu.memref_squeeze %dma_start3A_295 : memref<1x64xi32, #tpu.memory_space<vmem>> -> memref<64xi32, #tpu.memory_space<vmem>>
      %dma_start3A_297 = arith.constant 0 : i32
      %dma_start3A_298 = arith.constant 0 : i32
      %dma_start3A_299 = tpu.memref_slice %arg24[%dma_start3A_297, %dma_start3A_298] : memref<2048x128xf32, #tpu.memory_space<vmem_shared>> -> memref<2048x128xf32, #tpu.memory_space<vmem_shared>>
      tpu.enqueue_indirect_dma source(%arg12 : memref<64x128xf32, #tpu.memory_space<vmem>>) target(%dma_start3A_299 : memref<2048x128xf32, #tpu.memory_space<vmem_shared>>) offsets(%dma_start3A_296 : memref<64xi32, #tpu.memory_space<vmem>>) semaphore(%arg21 : memref<!tpu.dma_semaphore, #tpu.memory_space<semaphore_mem>>) {add = true}
      %scan3A_300 = arith.constant 0 : i32
      %scan3A_301 = arith.constant 0 : i32
      %scan3A_302 = arith.constant 4 : i32
      %scan3A_303 = arith.addi %scan3A_301, %scan3A_302 : i32
      %scan3A_304 = arith.constant 1 : i32
      scf.for %scan3A_338 = %scan3A_301 to %scan3A_303 step %scan3A_304  : i32 {
        %mul3A_339 = arith.constant 16 : i32
        %mul3A_340 = arith.muli %scan3A_338, %mul3A_339 : i32
        %get3A = arith.index_cast %add3A_275 : i32 to index
        %get3A_341 = arith.index_cast %mul3A_340 : i32 to index
        %get3A_342 = tpu.vector_load %arg9[%get3A, %get3A_341] {strides = array<i32>} : memref<32x64xi32, #tpu.memory_space<vmem>>, vector<16xi32>,
        %shift_right_logical3A = arith.constant 7 : i32
        %shift_right_logical3A_343 = vector.broadcast %shift_right_logical3A : i32 to vector<16xi32>
        %shift_right_logical3A_344 = arith.shrui %get3A_342, %shift_right_logical3A_343 : vector<16xi32>
        %add3A_345 = arith.addi %mul3A_146, %shift_right_logical3A_344 : vector<16xi32>
        %and3A = arith.constant 127 : i32
        %and3A_346 = vector.broadcast %and3A : i32 to vector<16xi32>
        %and3A_347 = arith.andi %get3A_342, %and3A_346 : vector<16xi32>
        tpu.vector_store_idx %arg14[%add3A_345, %and3A_347], %broadcast_in_dim3A_143 {add = true} : memref<256x128xf32, #tpu.memory_space<vmem>>[vector<16xi32>, vector<16xi32>], vector<16xf32>,
      }
      %scan3A_305 = arith.constant 4 : i32
      %add3A_306 = arith.constant 3 : i32
      %add3A_307 = arith.addi %mul3A_213, %add3A_306 : i32
      %ge3A_308 = arith.constant 2 : i32
      %ge3A_309 = arith.cmpi sge, %add3A_307, %ge3A_308 : i32
      %convert_element_type3A_310 = arith.extui %ge3A_309 : i1 to i32
      %cond3A_311 = arith.constant 0 : i32
      %cond3A_312 = arith.cmpi ne, %convert_element_type3A_310, %cond3A_311 : i32
      scf.if %cond3A_312 {
        %sub3A = arith.constant 2 : i32
        %sub3A_338 = arith.subi %add3A_307, %sub3A : i32
        %dma_wait3A_339 = arith.constant 0 : i32
        %dma_wait3A_340 = tpu.memref_slice %arg9[%sub3A_338, %dma_wait3A_339] : memref<32x64xi32, #tpu.memory_space<vmem>> -> memref<1x64xi32, #tpu.memory_space<vmem>>
        %dma_wait3A_341 = tpu.memref_squeeze %dma_wait3A_340 : memref<1x64xi32, #tpu.memory_space<vmem>> -> memref<64xi32, #tpu.memory_space<vmem>>
        %dma_wait3A_342 = arith.constant 0 : i32
        %dma_wait3A_343 = arith.constant 0 : i32
        %dma_wait3A_344 = tpu.memref_slice %arg24[%dma_wait3A_342, %dma_wait3A_343] : memref<2048x128xf32, #tpu.memory_space<vmem_shared>> -> memref<2048x128xf32, #tpu.memory_space<vmem_shared>>
        tpu.wait_indirect_dma semaphore(%arg20 : memref<!tpu.dma_semaphore, #tpu.memory_space<semaphore_mem>>) src(%arg11 : memref<64x128xf32, #tpu.memory_space<vmem>>) dst(%dma_wait3A_344 : memref<2048x128xf32, #tpu.memory_space<vmem_shared>>)
      } else {
      }
      %add3A_313 = arith.constant 2 : i32
      %add3A_314 = arith.addi %add3A_307, %add3A_313 : i32
      %lt3A_315 = arith.constant 32 : i32
      %lt3A_316 = arith.cmpi slt, %add3A_314, %lt3A_315 : i32
      %convert_element_type3A_317 = arith.extui %lt3A_316 : i1 to i32
      %cond3A_318 = arith.constant 0 : i32
      %cond3A_319 = arith.cmpi ne, %convert_element_type3A_317, %cond3A_318 : i32
      scf.if %cond3A_319 {
        %add3A_338 = arith.constant 2 : i32
        %add3A_339 = arith.addi %add3A_307, %add3A_338 : i32
        %dma_start3A_340 = arith.constant 0 : i32
        %dma_start3A_341 = tpu.memref_slice %arg8[%add3A_339, %dma_start3A_340] : memref<32x64xi32, #tpu.memory_space<vmem>> -> memref<1x64xi32, #tpu.memory_space<vmem>>
        %dma_start3A_342 = tpu.memref_squeeze %dma_start3A_341 : memref<1x64xi32, #tpu.memory_space<vmem>> -> memref<64xi32, #tpu.memory_space<vmem>>
        %dma_start3A_343 = arith.constant 0 : i32
        %dma_start3A_344 = arith.constant 0 : i32
        %dma_start3A_345 = tpu.memref_slice %arg2[%dma_start3A_343, %dma_start3A_344] : memref<2048x128xf32, #tpu.memory_space<hbm>> -> memref<2048x128xf32, #tpu.memory_space<hbm>>
        tpu.enqueue_indirect_dma source(%dma_start3A_345 : memref<2048x128xf32, #tpu.memory_space<hbm>>) target(%arg11 : memref<64x128xf32, #tpu.memory_space<vmem>>) offsets(%dma_start3A_342 : memref<64xi32, #tpu.memory_space<vmem>>) semaphore(%arg16 : memref<!tpu.dma_semaphore, #tpu.memory_space<semaphore_mem>>)
      } else {
      }
      %dma_wait3A_320 = arith.constant 0 : i32
      %dma_wait3A_321 = tpu.memref_slice %arg8[%add3A_307, %dma_wait3A_320] : memref<32x64xi32, #tpu.memory_space<vmem>> -> memref<1x64xi32, #tpu.memory_space<vmem>>
      %dma_wait3A_322 = tpu.memref_squeeze %dma_wait3A_321 : memref<1x64xi32, #tpu.memory_space<vmem>> -> memref<64xi32, #tpu.memory_space<vmem>>
      %dma_wait3A_323 = arith.constant 0 : i32
      %dma_wait3A_324 = arith.constant 0 : i32
      %dma_wait3A_325 = tpu.memref_slice %arg2[%dma_wait3A_323, %dma_wait3A_324] : memref<2048x128xf32, #tpu.memory_space<hbm>> -> memref<2048x128xf32, #tpu.memory_space<hbm>>
      tpu.wait_indirect_dma semaphore(%arg18 : memref<!tpu.dma_semaphore, #tpu.memory_space<semaphore_mem>>) src(%dma_wait3A_325 : memref<2048x128xf32, #tpu.memory_space<hbm>>) dst(%arg13 : memref<64x128xf32, #tpu.memory_space<vmem>>)
      %dma_start3A_326 = arith.constant 0 : i32
      %dma_start3A_327 = tpu.memref_slice %arg9[%add3A_307, %dma_start3A_326] : memref<32x64xi32, #tpu.memory_space<vmem>> -> memref<1x64xi32, #tpu.memory_space<vmem>>
      %dma_start3A_328 = tpu.memref_squeeze %dma_start3A_327 : memref<1x64xi32, #tpu.memory_space<vmem>> -> memref<64xi32, #tpu.memory_space<vmem>>
      %dma_start3A_329 = arith.constant 0 : i32
      %dma_start3A_330 = arith.constant 0 : i32
      %dma_start3A_331 = tpu.memref_slice %arg24[%dma_start3A_329, %dma_start3A_330] : memref<2048x128xf32, #tpu.memory_space<vmem_shared>> -> memref<2048x128xf32, #tpu.memory_space<vmem_shared>>
      tpu.enqueue_indirect_dma source(%arg13 : memref<64x128xf32, #tpu.memory_space<vmem>>) target(%dma_start3A_331 : memref<2048x128xf32, #tpu.memory_space<vmem_shared>>) offsets(%dma_start3A_328 : memref<64xi32, #tpu.memory_space<vmem>>) semaphore(%arg22 : memref<!tpu.dma_semaphore, #tpu.memory_space<semaphore_mem>>) {add = true}
      %scan3A_332 = arith.constant 0 : i32
      %scan3A_333 = arith.constant 0 : i32
      %scan3A_334 = arith.constant 4 : i32
      %scan3A_335 = arith.addi %scan3A_333, %scan3A_334 : i32
      %scan3A_336 = arith.constant 1 : i32
      scf.for %scan3A_338 = %scan3A_333 to %scan3A_335 step %scan3A_336  : i32 {
        %mul3A_339 = arith.constant 16 : i32
        %mul3A_340 = arith.muli %scan3A_338, %mul3A_339 : i32
        %get3A = arith.index_cast %add3A_307 : i32 to index
        %get3A_341 = arith.index_cast %mul3A_340 : i32 to index
        %get3A_342 = tpu.vector_load %arg9[%get3A, %get3A_341] {strides = array<i32>} : memref<32x64xi32, #tpu.memory_space<vmem>>, vector<16xi32>,
        %shift_right_logical3A = arith.constant 7 : i32
        %shift_right_logical3A_343 = vector.broadcast %shift_right_logical3A : i32 to vector<16xi32>
        %shift_right_logical3A_344 = arith.shrui %get3A_342, %shift_right_logical3A_343 : vector<16xi32>
        %add3A_345 = arith.addi %mul3A_146, %shift_right_logical3A_344 : vector<16xi32>
        %and3A = arith.constant 127 : i32
        %and3A_346 = vector.broadcast %and3A : i32 to vector<16xi32>
        %and3A_347 = arith.andi %get3A_342, %and3A_346 : vector<16xi32>
        tpu.vector_store_idx %arg14[%add3A_345, %and3A_347], %broadcast_in_dim3A_143 {add = true} : memref<256x128xf32, #tpu.memory_space<vmem>>[vector<16xi32>, vector<16xi32>], vector<16xf32>,
      }
      %scan3A_337 = arith.constant 4 : i32
    }
    %scan3A_151 = arith.constant 8 : i32
    %dma_wait3A_152 = arith.constant 30 : i32
    %dma_wait3A_153 = arith.constant 0 : i32
    %dma_wait3A_154 = tpu.memref_slice %arg9[%dma_wait3A_152, %dma_wait3A_153] : memref<32x64xi32, #tpu.memory_space<vmem>> -> memref<1x64xi32, #tpu.memory_space<vmem>>
    %dma_wait3A_155 = tpu.memref_squeeze %dma_wait3A_154 : memref<1x64xi32, #tpu.memory_space<vmem>> -> memref<64xi32, #tpu.memory_space<vmem>>
    %dma_wait3A_156 = arith.constant 0 : i32
    %dma_wait3A_157 = arith.constant 0 : i32
    %dma_wait3A_158 = tpu.memref_slice %arg24[%dma_wait3A_156, %dma_wait3A_157] : memref<2048x128xf32, #tpu.memory_space<vmem_shared>> -> memref<2048x128xf32, #tpu.memory_space<vmem_shared>>
    tpu.wait_indirect_dma semaphore(%arg21 : memref<!tpu.dma_semaphore, #tpu.memory_space<semaphore_mem>>) src(%arg12 : memref<64x128xf32, #tpu.memory_space<vmem>>) dst(%dma_wait3A_158 : memref<2048x128xf32, #tpu.memory_space<vmem_shared>>)
    %dma_wait3A_159 = arith.constant 31 : i32
    %dma_wait3A_160 = arith.constant 0 : i32
    %dma_wait3A_161 = tpu.memref_slice %arg9[%dma_wait3A_159, %dma_wait3A_160] : memref<32x64xi32, #tpu.memory_space<vmem>> -> memref<1x64xi32, #tpu.memory_space<vmem>>
    %dma_wait3A_162 = tpu.memref_squeeze %dma_wait3A_161 : memref<1x64xi32, #tpu.memory_space<vmem>> -> memref<64xi32, #tpu.memory_space<vmem>>
    %dma_wait3A_163 = arith.constant 0 : i32
    %dma_wait3A_164 = arith.constant 0 : i32
    %dma_wait3A_165 = tpu.memref_slice %arg24[%dma_wait3A_163, %dma_wait3A_164] : memref<2048x128xf32, #tpu.memory_space<vmem_shared>> -> memref<2048x128xf32, #tpu.memory_space<vmem_shared>>
    tpu.wait_indirect_dma semaphore(%arg22 : memref<!tpu.dma_semaphore, #tpu.memory_space<semaphore_mem>>) src(%arg13 : memref<64x128xf32, #tpu.memory_space<vmem>>) dst(%dma_wait3A_165 : memref<2048x128xf32, #tpu.memory_space<vmem_shared>>)
    %scan3A_166 = arith.constant 0 : i32
    %scan3A_167 = arith.constant 0 : i32
    %scan3A_168 = arith.constant 16 : i32
    %scan3A_169 = arith.addi %scan3A_167, %scan3A_168 : i32
    %scan3A_170 = arith.constant 1 : i32
    scf.for %scan3A_211 = %scan3A_167 to %scan3A_169 step %scan3A_170  : i32 {
      %get3A = arith.index_cast %scan3A_211 : i32 to index
      %get3A_212 = arith.constant 0 : index
      %get3A_213 = tpu.vector_load %arg14[%get3A, %get3A_212] {strides = array<i32>} : memref<256x128xf32, #tpu.memory_space<vmem>>, vector<16xf32>,
      %add3A_214 = arith.constant 16 : i32
      %add3A_215 = arith.addi %add3A_214, %scan3A_211 : i32
      %get3A_216 = arith.index_cast %add3A_215 : i32 to index
      %get3A_217 = arith.constant 0 : index
      %get3A_218 = tpu.vector_load %arg14[%get3A_216, %get3A_217] {strides = array<i32>} : memref<256x128xf32, #tpu.memory_space<vmem>>, vector<16xf32>,
      %add3A_219 = arith.addf %get3A_213, %get3A_218 : vector<16xf32>
      %add3A_220 = arith.constant 32 : i32
      %add3A_221 = arith.addi %add3A_220, %scan3A_211 : i32
      %get3A_222 = arith.index_cast %add3A_221 : i32 to index
      %get3A_223 = arith.constant 0 : index
      %get3A_224 = tpu.vector_load %arg14[%get3A_222, %get3A_223] {strides = array<i32>} : memref<256x128xf32, #tpu.memory_space<vmem>>, vector<16xf32>,
      %add3A_225 = arith.addf %add3A_219, %get3A_224 : vector<16xf32>
      %add3A_226 = arith.constant 48 : i32
      %add3A_227 = arith.addi %add3A_226, %scan3A_211 : i32
      %get3A_228 = arith.index_cast %add3A_227 : i32 to index
      %get3A_229 = arith.constant 0 : index
      %get3A_230 = tpu.vector_load %arg14[%get3A_228, %get3A_229] {strides = array<i32>} : memref<256x128xf32, #tpu.memory_space<vmem>>, vector<16xf32>,
      %add3A_231 = arith.addf %add3A_225, %get3A_230 : vector<16xf32>
      %add3A_232 = arith.constant 64 : i32
      %add3A_233 = arith.addi %add3A_232, %scan3A_211 : i32
      %get3A_234 = arith.index_cast %add3A_233 : i32 to index
      %get3A_235 = arith.constant 0 : index
      %get3A_236 = tpu.vector_load %arg14[%get3A_234, %get3A_235] {strides = array<i32>} : memref<256x128xf32, #tpu.memory_space<vmem>>, vector<16xf32>,
      %add3A_237 = arith.addf %add3A_231, %get3A_236 : vector<16xf32>
      %add3A_238 = arith.constant 80 : i32
      %add3A_239 = arith.addi %add3A_238, %scan3A_211 : i32
      %get3A_240 = arith.index_cast %add3A_239 : i32 to index
      %get3A_241 = arith.constant 0 : index
      %get3A_242 = tpu.vector_load %arg14[%get3A_240, %get3A_241] {strides = array<i32>} : memref<256x128xf32, #tpu.memory_space<vmem>>, vector<16xf32>,
      %add3A_243 = arith.addf %add3A_237, %get3A_242 : vector<16xf32>
      %add3A_244 = arith.constant 96 : i32
      %add3A_245 = arith.addi %add3A_244, %scan3A_211 : i32
      %get3A_246 = arith.index_cast %add3A_245 : i32 to index
      %get3A_247 = arith.constant 0 : index
      %get3A_248 = tpu.vector_load %arg14[%get3A_246, %get3A_247] {strides = array<i32>} : memref<256x128xf32, #tpu.memory_space<vmem>>, vector<16xf32>,
      %add3A_249 = arith.addf %add3A_243, %get3A_248 : vector<16xf32>
      %add3A_250 = arith.constant 112 : i32
      %add3A_251 = arith.addi %add3A_250, %scan3A_211 : i32
      %get3A_252 = arith.index_cast %add3A_251 : i32 to index
      %get3A_253 = arith.constant 0 : index
      %get3A_254 = tpu.vector_load %arg14[%get3A_252, %get3A_253] {strides = array<i32>} : memref<256x128xf32, #tpu.memory_space<vmem>>, vector<16xf32>,
      %add3A_255 = arith.addf %add3A_249, %get3A_254 : vector<16xf32>
      %add3A_256 = arith.constant 128 : i32
      %add3A_257 = arith.addi %add3A_256, %scan3A_211 : i32
      %get3A_258 = arith.index_cast %add3A_257 : i32 to index
      %get3A_259 = arith.constant 0 : index
      %get3A_260 = tpu.vector_load %arg14[%get3A_258, %get3A_259] {strides = array<i32>} : memref<256x128xf32, #tpu.memory_space<vmem>>, vector<16xf32>,
      %add3A_261 = arith.addf %add3A_255, %get3A_260 : vector<16xf32>
      %add3A_262 = arith.constant 144 : i32
      %add3A_263 = arith.addi %add3A_262, %scan3A_211 : i32
      %get3A_264 = arith.index_cast %add3A_263 : i32 to index
      %get3A_265 = arith.constant 0 : index
      %get3A_266 = tpu.vector_load %arg14[%get3A_264, %get3A_265] {strides = array<i32>} : memref<256x128xf32, #tpu.memory_space<vmem>>, vector<16xf32>,
      %add3A_267 = arith.addf %add3A_261, %get3A_266 : vector<16xf32>
      %add3A_268 = arith.constant 160 : i32
      %add3A_269 = arith.addi %add3A_268, %scan3A_211 : i32
      %get3A_270 = arith.index_cast %add3A_269 : i32 to index
      %get3A_271 = arith.constant 0 : index
      %get3A_272 = tpu.vector_load %arg14[%get3A_270, %get3A_271] {strides = array<i32>} : memref<256x128xf32, #tpu.memory_space<vmem>>, vector<16xf32>,
      %add3A_273 = arith.addf %add3A_267, %get3A_272 : vector<16xf32>
      %add3A_274 = arith.constant 176 : i32
      %add3A_275 = arith.addi %add3A_274, %scan3A_211 : i32
      %get3A_276 = arith.index_cast %add3A_275 : i32 to index
      %get3A_277 = arith.constant 0 : index
      %get3A_278 = tpu.vector_load %arg14[%get3A_276, %get3A_277] {strides = array<i32>} : memref<256x128xf32, #tpu.memory_space<vmem>>, vector<16xf32>,
      %add3A_279 = arith.addf %add3A_273, %get3A_278 : vector<16xf32>
      %add3A_280 = arith.constant 192 : i32
      %add3A_281 = arith.addi %add3A_280, %scan3A_211 : i32
      %get3A_282 = arith.index_cast %add3A_281 : i32 to index
      %get3A_283 = arith.constant 0 : index
      %get3A_284 = tpu.vector_load %arg14[%get3A_282, %get3A_283] {strides = array<i32>} : memref<256x128xf32, #tpu.memory_space<vmem>>, vector<16xf32>,
      %add3A_285 = arith.addf %add3A_279, %get3A_284 : vector<16xf32>
      %add3A_286 = arith.constant 208 : i32
      %add3A_287 = arith.addi %add3A_286, %scan3A_211 : i32
      %get3A_288 = arith.index_cast %add3A_287 : i32 to index
      %get3A_289 = arith.constant 0 : index
      %get3A_290 = tpu.vector_load %arg14[%get3A_288, %get3A_289] {strides = array<i32>} : memref<256x128xf32, #tpu.memory_space<vmem>>, vector<16xf32>,
      %add3A_291 = arith.addf %add3A_285, %get3A_290 : vector<16xf32>
      %add3A_292 = arith.constant 224 : i32
      %add3A_293 = arith.addi %add3A_292, %scan3A_211 : i32
      %get3A_294 = arith.index_cast %add3A_293 : i32 to index
      %get3A_295 = arith.constant 0 : index
      %get3A_296 = tpu.vector_load %arg14[%get3A_294, %get3A_295] {strides = array<i32>} : memref<256x128xf32, #tpu.memory_space<vmem>>, vector<16xf32>,
      %add3A_297 = arith.addf %add3A_291, %get3A_296 : vector<16xf32>
      %add3A_298 = arith.constant 240 : i32
      %add3A_299 = arith.addi %add3A_298, %scan3A_211 : i32
      %get3A_300 = arith.index_cast %add3A_299 : i32 to index
      %get3A_301 = arith.constant 0 : index
      %get3A_302 = tpu.vector_load %arg14[%get3A_300, %get3A_301] {strides = array<i32>} : memref<256x128xf32, #tpu.memory_space<vmem>>, vector<16xf32>,
      %add3A_303 = arith.addf %add3A_297, %get3A_302 : vector<16xf32>
      %swap3A = arith.index_cast %scan3A_211 : i32 to index
      %swap3A_304 = arith.constant 0 : index
      %swap3A_305 = tpu.vector_load %arg14[%swap3A, %swap3A_304] {strides = array<i32>} : memref<256x128xf32, #tpu.memory_space<vmem>>, vector<16xf32>,
      tpu.vector_store %arg14[%swap3A, %swap3A_304], %add3A_303 {strides = array<i32>} : memref<256x128xf32, #tpu.memory_space<vmem>>, vector<16xf32>,
      %get3A_306 = arith.index_cast %scan3A_211 : i32 to index
      %get3A_307 = arith.constant 16 : index
      %get3A_308 = tpu.vector_load %arg14[%get3A_306, %get3A_307] {strides = array<i32>} : memref<256x128xf32, #tpu.memory_space<vmem>>, vector<16xf32>,
      %add3A_309 = arith.constant 16 : i32
      %add3A_310 = arith.addi %add3A_309, %scan3A_211 : i32
      %get3A_311 = arith.index_cast %add3A_310 : i32 to index
      %get3A_312 = arith.constant 16 : index
      %get3A_313 = tpu.vector_load %arg14[%get3A_311, %get3A_312] {strides = array<i32>} : memref<256x128xf32, #tpu.memory_space<vmem>>, vector<16xf32>,
      %add3A_314 = arith.addf %get3A_308, %get3A_313 : vector<16xf32>
      %add3A_315 = arith.constant 32 : i32
      %add3A_316 = arith.addi %add3A_315, %scan3A_211 : i32
      %get3A_317 = arith.index_cast %add3A_316 : i32 to index
      %get3A_318 = arith.constant 16 : index
      %get3A_319 = tpu.vector_load %arg14[%get3A_317, %get3A_318] {strides = array<i32>} : memref<256x128xf32, #tpu.memory_space<vmem>>, vector<16xf32>,
      %add3A_320 = arith.addf %add3A_314, %get3A_319 : vector<16xf32>
      %add3A_321 = arith.constant 48 : i32
      %add3A_322 = arith.addi %add3A_321, %scan3A_211 : i32
      %get3A_323 = arith.index_cast %add3A_322 : i32 to index
      %get3A_324 = arith.constant 16 : index
      %get3A_325 = tpu.vector_load %arg14[%get3A_323, %get3A_324] {strides = array<i32>} : memref<256x128xf32, #tpu.memory_space<vmem>>, vector<16xf32>,
      %add3A_326 = arith.addf %add3A_320, %get3A_325 : vector<16xf32>
      %add3A_327 = arith.constant 64 : i32
      %add3A_328 = arith.addi %add3A_327, %scan3A_211 : i32
      %get3A_329 = arith.index_cast %add3A_328 : i32 to index
      %get3A_330 = arith.constant 16 : index
      %get3A_331 = tpu.vector_load %arg14[%get3A_329, %get3A_330] {strides = array<i32>} : memref<256x128xf32, #tpu.memory_space<vmem>>, vector<16xf32>,
      %add3A_332 = arith.addf %add3A_326, %get3A_331 : vector<16xf32>
      %add3A_333 = arith.constant 80 : i32
      %add3A_334 = arith.addi %add3A_333, %scan3A_211 : i32
      %get3A_335 = arith.index_cast %add3A_334 : i32 to index
      %get3A_336 = arith.constant 16 : index
      %get3A_337 = tpu.vector_load %arg14[%get3A_335, %get3A_336] {strides = array<i32>} : memref<256x128xf32, #tpu.memory_space<vmem>>, vector<16xf32>,
      %add3A_338 = arith.addf %add3A_332, %get3A_337 : vector<16xf32>
      %add3A_339 = arith.constant 96 : i32
      %add3A_340 = arith.addi %add3A_339, %scan3A_211 : i32
      %get3A_341 = arith.index_cast %add3A_340 : i32 to index
      %get3A_342 = arith.constant 16 : index
      %get3A_343 = tpu.vector_load %arg14[%get3A_341, %get3A_342] {strides = array<i32>} : memref<256x128xf32, #tpu.memory_space<vmem>>, vector<16xf32>,
      %add3A_344 = arith.addf %add3A_338, %get3A_343 : vector<16xf32>
      %add3A_345 = arith.constant 112 : i32
      %add3A_346 = arith.addi %add3A_345, %scan3A_211 : i32
      %get3A_347 = arith.index_cast %add3A_346 : i32 to index
      %get3A_348 = arith.constant 16 : index
      %get3A_349 = tpu.vector_load %arg14[%get3A_347, %get3A_348] {strides = array<i32>} : memref<256x128xf32, #tpu.memory_space<vmem>>, vector<16xf32>,
      %add3A_350 = arith.addf %add3A_344, %get3A_349 : vector<16xf32>
      %add3A_351 = arith.constant 128 : i32
      %add3A_352 = arith.addi %add3A_351, %scan3A_211 : i32
      %get3A_353 = arith.index_cast %add3A_352 : i32 to index
      %get3A_354 = arith.constant 16 : index
      %get3A_355 = tpu.vector_load %arg14[%get3A_353, %get3A_354] {strides = array<i32>} : memref<256x128xf32, #tpu.memory_space<vmem>>, vector<16xf32>,
      %add3A_356 = arith.addf %add3A_350, %get3A_355 : vector<16xf32>
      %add3A_357 = arith.constant 144 : i32
      %add3A_358 = arith.addi %add3A_357, %scan3A_211 : i32
      %get3A_359 = arith.index_cast %add3A_358 : i32 to index
      %get3A_360 = arith.constant 16 : index
      %get3A_361 = tpu.vector_load %arg14[%get3A_359, %get3A_360] {strides = array<i32>} : memref<256x128xf32, #tpu.memory_space<vmem>>, vector<16xf32>,
      %add3A_362 = arith.addf %add3A_356, %get3A_361 : vector<16xf32>
      %add3A_363 = arith.constant 160 : i32
      %add3A_364 = arith.addi %add3A_363, %scan3A_211 : i32
      %get3A_365 = arith.index_cast %add3A_364 : i32 to index
      %get3A_366 = arith.constant 16 : index
      %get3A_367 = tpu.vector_load %arg14[%get3A_365, %get3A_366] {strides = array<i32>} : memref<256x128xf32, #tpu.memory_space<vmem>>, vector<16xf32>,
      %add3A_368 = arith.addf %add3A_362, %get3A_367 : vector<16xf32>
      %add3A_369 = arith.constant 176 : i32
      %add3A_370 = arith.addi %add3A_369, %scan3A_211 : i32
      %get3A_371 = arith.index_cast %add3A_370 : i32 to index
      %get3A_372 = arith.constant 16 : index
      %get3A_373 = tpu.vector_load %arg14[%get3A_371, %get3A_372] {strides = array<i32>} : memref<256x128xf32, #tpu.memory_space<vmem>>, vector<16xf32>,
      %add3A_374 = arith.addf %add3A_368, %get3A_373 : vector<16xf32>
      %add3A_375 = arith.constant 192 : i32
      %add3A_376 = arith.addi %add3A_375, %scan3A_211 : i32
      %get3A_377 = arith.index_cast %add3A_376 : i32 to index
      %get3A_378 = arith.constant 16 : index
      %get3A_379 = tpu.vector_load %arg14[%get3A_377, %get3A_378] {strides = array<i32>} : memref<256x128xf32, #tpu.memory_space<vmem>>, vector<16xf32>,
      %add3A_380 = arith.addf %add3A_374, %get3A_379 : vector<16xf32>
      %add3A_381 = arith.constant 208 : i32
      %add3A_382 = arith.addi %add3A_381, %scan3A_211 : i32
      %get3A_383 = arith.index_cast %add3A_382 : i32 to index
      %get3A_384 = arith.constant 16 : index
      %get3A_385 = tpu.vector_load %arg14[%get3A_383, %get3A_384] {strides = array<i32>} : memref<256x128xf32, #tpu.memory_space<vmem>>, vector<16xf32>,
      %add3A_386 = arith.addf %add3A_380, %get3A_385 : vector<16xf32>
      %add3A_387 = arith.constant 224 : i32
      %add3A_388 = arith.addi %add3A_387, %scan3A_211 : i32
      %get3A_389 = arith.index_cast %add3A_388 : i32 to index
      %get3A_390 = arith.constant 16 : index
      %get3A_391 = tpu.vector_load %arg14[%get3A_389, %get3A_390] {strides = array<i32>} : memref<256x128xf32, #tpu.memory_space<vmem>>, vector<16xf32>,
      %add3A_392 = arith.addf %add3A_386, %get3A_391 : vector<16xf32>
      %add3A_393 = arith.constant 240 : i32
      %add3A_394 = arith.addi %add3A_393, %scan3A_211 : i32
      %get3A_395 = arith.index_cast %add3A_394 : i32 to index
      %get3A_396 = arith.constant 16 : index
      %get3A_397 = tpu.vector_load %arg14[%get3A_395, %get3A_396] {strides = array<i32>} : memref<256x128xf32, #tpu.memory_space<vmem>>, vector<16xf32>,
      %add3A_398 = arith.addf %add3A_392, %get3A_397 : vector<16xf32>
      %swap3A_399 = arith.index_cast %scan3A_211 : i32 to index
      %swap3A_400 = arith.constant 16 : index
      %swap3A_401 = tpu.vector_load %arg14[%swap3A_399, %swap3A_400] {strides = array<i32>} : memref<256x128xf32, #tpu.memory_space<vmem>>, vector<16xf32>,
      tpu.vector_store %arg14[%swap3A_399, %swap3A_400], %add3A_398 {strides = array<i32>} : memref<256x128xf32, #tpu.memory_space<vmem>>, vector<16xf32>,
      %get3A_402 = arith.index_cast %scan3A_211 : i32 to index
      %get3A_403 = arith.constant 32 : index
      %get3A_404 = tpu.vector_load %arg14[%get3A_402, %get3A_403] {strides = array<i32>} : memref<256x128xf32, #tpu.memory_space<vmem>>, vector<16xf32>,
      %add3A_405 = arith.constant 16 : i32
      %add3A_406 = arith.addi %add3A_405, %scan3A_211 : i32
      %get3A_407 = arith.index_cast %add3A_406 : i32 to index
      %get3A_408 = arith.constant 32 : index
      %get3A_409 = tpu.vector_load %arg14[%get3A_407, %get3A_408] {strides = array<i32>} : memref<256x128xf32, #tpu.memory_space<vmem>>, vector<16xf32>,
      %add3A_410 = arith.addf %get3A_404, %get3A_409 : vector<16xf32>
      %add3A_411 = arith.constant 32 : i32
      %add3A_412 = arith.addi %add3A_411, %scan3A_211 : i32
      %get3A_413 = arith.index_cast %add3A_412 : i32 to index
      %get3A_414 = arith.constant 32 : index
      %get3A_415 = tpu.vector_load %arg14[%get3A_413, %get3A_414] {strides = array<i32>} : memref<256x128xf32, #tpu.memory_space<vmem>>, vector<16xf32>,
      %add3A_416 = arith.addf %add3A_410, %get3A_415 : vector<16xf32>
      %add3A_417 = arith.constant 48 : i32
      %add3A_418 = arith.addi %add3A_417, %scan3A_211 : i32
      %get3A_419 = arith.index_cast %add3A_418 : i32 to index
      %get3A_420 = arith.constant 32 : index
      %get3A_421 = tpu.vector_load %arg14[%get3A_419, %get3A_420] {strides = array<i32>} : memref<256x128xf32, #tpu.memory_space<vmem>>, vector<16xf32>,
      %add3A_422 = arith.addf %add3A_416, %get3A_421 : vector<16xf32>
      %add3A_423 = arith.constant 64 : i32
      %add3A_424 = arith.addi %add3A_423, %scan3A_211 : i32
      %get3A_425 = arith.index_cast %add3A_424 : i32 to index
      %get3A_426 = arith.constant 32 : index
      %get3A_427 = tpu.vector_load %arg14[%get3A_425, %get3A_426] {strides = array<i32>} : memref<256x128xf32, #tpu.memory_space<vmem>>, vector<16xf32>,
      %add3A_428 = arith.addf %add3A_422, %get3A_427 : vector<16xf32>
      %add3A_429 = arith.constant 80 : i32
      %add3A_430 = arith.addi %add3A_429, %scan3A_211 : i32
      %get3A_431 = arith.index_cast %add3A_430 : i32 to index
      %get3A_432 = arith.constant 32 : index
      %get3A_433 = tpu.vector_load %arg14[%get3A_431, %get3A_432] {strides = array<i32>} : memref<256x128xf32, #tpu.memory_space<vmem>>, vector<16xf32>,
      %add3A_434 = arith.addf %add3A_428, %get3A_433 : vector<16xf32>
      %add3A_435 = arith.constant 96 : i32
      %add3A_436 = arith.addi %add3A_435, %scan3A_211 : i32
      %get3A_437 = arith.index_cast %add3A_436 : i32 to index
      %get3A_438 = arith.constant 32 : index
      %get3A_439 = tpu.vector_load %arg14[%get3A_437, %get3A_438] {strides = array<i32>} : memref<256x128xf32, #tpu.memory_space<vmem>>, vector<16xf32>,
      %add3A_440 = arith.addf %add3A_434, %get3A_439 : vector<16xf32>
      %add3A_441 = arith.constant 112 : i32
      %add3A_442 = arith.addi %add3A_441, %scan3A_211 : i32
      %get3A_443 = arith.index_cast %add3A_442 : i32 to index
      %get3A_444 = arith.constant 32 : index
      %get3A_445 = tpu.vector_load %arg14[%get3A_443, %get3A_444] {strides = array<i32>} : memref<256x128xf32, #tpu.memory_space<vmem>>, vector<16xf32>,
      %add3A_446 = arith.addf %add3A_440, %get3A_445 : vector<16xf32>
      %add3A_447 = arith.constant 128 : i32
      %add3A_448 = arith.addi %add3A_447, %scan3A_211 : i32
      %get3A_449 = arith.index_cast %add3A_448 : i32 to index
      %get3A_450 = arith.constant 32 : index
      %get3A_451 = tpu.vector_load %arg14[%get3A_449, %get3A_450] {strides = array<i32>} : memref<256x128xf32, #tpu.memory_space<vmem>>, vector<16xf32>,
      %add3A_452 = arith.addf %add3A_446, %get3A_451 : vector<16xf32>
      %add3A_453 = arith.constant 144 : i32
      %add3A_454 = arith.addi %add3A_453, %scan3A_211 : i32
      %get3A_455 = arith.index_cast %add3A_454 : i32 to index
      %get3A_456 = arith.constant 32 : index
      %get3A_457 = tpu.vector_load %arg14[%get3A_455, %get3A_456] {strides = array<i32>} : memref<256x128xf32, #tpu.memory_space<vmem>>, vector<16xf32>,
      %add3A_458 = arith.addf %add3A_452, %get3A_457 : vector<16xf32>
      %add3A_459 = arith.constant 160 : i32
      %add3A_460 = arith.addi %add3A_459, %scan3A_211 : i32
      %get3A_461 = arith.index_cast %add3A_460 : i32 to index
      %get3A_462 = arith.constant 32 : index
      %get3A_463 = tpu.vector_load %arg14[%get3A_461, %get3A_462] {strides = array<i32>} : memref<256x128xf32, #tpu.memory_space<vmem>>, vector<16xf32>,
      %add3A_464 = arith.addf %add3A_458, %get3A_463 : vector<16xf32>
      %add3A_465 = arith.constant 176 : i32
      %add3A_466 = arith.addi %add3A_465, %scan3A_211 : i32
      %get3A_467 = arith.index_cast %add3A_466 : i32 to index
      %get3A_468 = arith.constant 32 : index
      %get3A_469 = tpu.vector_load %arg14[%get3A_467, %get3A_468] {strides = array<i32>} : memref<256x128xf32, #tpu.memory_space<vmem>>, vector<16xf32>,
      %add3A_470 = arith.addf %add3A_464, %get3A_469 : vector<16xf32>
      %add3A_471 = arith.constant 192 : i32
      %add3A_472 = arith.addi %add3A_471, %scan3A_211 : i32
      %get3A_473 = arith.index_cast %add3A_472 : i32 to index
      %get3A_474 = arith.constant 32 : index
      %get3A_475 = tpu.vector_load %arg14[%get3A_473, %get3A_474] {strides = array<i32>} : memref<256x128xf32, #tpu.memory_space<vmem>>, vector<16xf32>,
      %add3A_476 = arith.addf %add3A_470, %get3A_475 : vector<16xf32>
      %add3A_477 = arith.constant 208 : i32
      %add3A_478 = arith.addi %add3A_477, %scan3A_211 : i32
      %get3A_479 = arith.index_cast %add3A_478 : i32 to index
      %get3A_480 = arith.constant 32 : index
      %get3A_481 = tpu.vector_load %arg14[%get3A_479, %get3A_480] {strides = array<i32>} : memref<256x128xf32, #tpu.memory_space<vmem>>, vector<16xf32>,
      %add3A_482 = arith.addf %add3A_476, %get3A_481 : vector<16xf32>
      %add3A_483 = arith.constant 224 : i32
      %add3A_484 = arith.addi %add3A_483, %scan3A_211 : i32
      %get3A_485 = arith.index_cast %add3A_484 : i32 to index
      %get3A_486 = arith.constant 32 : index
      %get3A_487 = tpu.vector_load %arg14[%get3A_485, %get3A_486] {strides = array<i32>} : memref<256x128xf32, #tpu.memory_space<vmem>>, vector<16xf32>,
      %add3A_488 = arith.addf %add3A_482, %get3A_487 : vector<16xf32>
      %add3A_489 = arith.constant 240 : i32
      %add3A_490 = arith.addi %add3A_489, %scan3A_211 : i32
      %get3A_491 = arith.index_cast %add3A_490 : i32 to index
      %get3A_492 = arith.constant 32 : index
      %get3A_493 = tpu.vector_load %arg14[%get3A_491, %get3A_492] {strides = array<i32>} : memref<256x128xf32, #tpu.memory_space<vmem>>, vector<16xf32>,
      %add3A_494 = arith.addf %add3A_488, %get3A_493 : vector<16xf32>
      %swap3A_495 = arith.index_cast %scan3A_211 : i32 to index
      %swap3A_496 = arith.constant 32 : index
      %swap3A_497 = tpu.vector_load %arg14[%swap3A_495, %swap3A_496] {strides = array<i32>} : memref<256x128xf32, #tpu.memory_space<vmem>>, vector<16xf32>,
      tpu.vector_store %arg14[%swap3A_495, %swap3A_496], %add3A_494 {strides = array<i32>} : memref<256x128xf32, #tpu.memory_space<vmem>>, vector<16xf32>,
      %get3A_498 = arith.index_cast %scan3A_211 : i32 to index
      %get3A_499 = arith.constant 48 : index
      %get3A_500 = tpu.vector_load %arg14[%get3A_498, %get3A_499] {strides = array<i32>} : memref<256x128xf32, #tpu.memory_space<vmem>>, vector<16xf32>,
      %add3A_501 = arith.constant 16 : i32
      %add3A_502 = arith.addi %add3A_501, %scan3A_211 : i32
      %get3A_503 = arith.index_cast %add3A_502 : i32 to index
      %get3A_504 = arith.constant 48 : index
      %get3A_505 = tpu.vector_load %arg14[%get3A_503, %get3A_504] {strides = array<i32>} : memref<256x128xf32, #tpu.memory_space<vmem>>, vector<16xf32>,
      %add3A_506 = arith.addf %get3A_500, %get3A_505 : vector<16xf32>
      %add3A_507 = arith.constant 32 : i32
      %add3A_508 = arith.addi %add3A_507, %scan3A_211 : i32
      %get3A_509 = arith.index_cast %add3A_508 : i32 to index
      %get3A_510 = arith.constant 48 : index
      %get3A_511 = tpu.vector_load %arg14[%get3A_509, %get3A_510] {strides = array<i32>} : memref<256x128xf32, #tpu.memory_space<vmem>>, vector<16xf32>,
      %add3A_512 = arith.addf %add3A_506, %get3A_511 : vector<16xf32>
      %add3A_513 = arith.constant 48 : i32
      %add3A_514 = arith.addi %add3A_513, %scan3A_211 : i32
      %get3A_515 = arith.index_cast %add3A_514 : i32 to index
      %get3A_516 = arith.constant 48 : index
      %get3A_517 = tpu.vector_load %arg14[%get3A_515, %get3A_516] {strides = array<i32>} : memref<256x128xf32, #tpu.memory_space<vmem>>, vector<16xf32>,
      %add3A_518 = arith.addf %add3A_512, %get3A_517 : vector<16xf32>
      %add3A_519 = arith.constant 64 : i32
      %add3A_520 = arith.addi %add3A_519, %scan3A_211 : i32
      %get3A_521 = arith.index_cast %add3A_520 : i32 to index
      %get3A_522 = arith.constant 48 : index
      %get3A_523 = tpu.vector_load %arg14[%get3A_521, %get3A_522] {strides = array<i32>} : memref<256x128xf32, #tpu.memory_space<vmem>>, vector<16xf32>,
      %add3A_524 = arith.addf %add3A_518, %get3A_523 : vector<16xf32>
      %add3A_525 = arith.constant 80 : i32
      %add3A_526 = arith.addi %add3A_525, %scan3A_211 : i32
      %get3A_527 = arith.index_cast %add3A_526 : i32 to index
      %get3A_528 = arith.constant 48 : index
      %get3A_529 = tpu.vector_load %arg14[%get3A_527, %get3A_528] {strides = array<i32>} : memref<256x128xf32, #tpu.memory_space<vmem>>, vector<16xf32>,
      %add3A_530 = arith.addf %add3A_524, %get3A_529 : vector<16xf32>
      %add3A_531 = arith.constant 96 : i32
      %add3A_532 = arith.addi %add3A_531, %scan3A_211 : i32
      %get3A_533 = arith.index_cast %add3A_532 : i32 to index
      %get3A_534 = arith.constant 48 : index
      %get3A_535 = tpu.vector_load %arg14[%get3A_533, %get3A_534] {strides = array<i32>} : memref<256x128xf32, #tpu.memory_space<vmem>>, vector<16xf32>,
      %add3A_536 = arith.addf %add3A_530, %get3A_535 : vector<16xf32>
      %add3A_537 = arith.constant 112 : i32
      %add3A_538 = arith.addi %add3A_537, %scan3A_211 : i32
      %get3A_539 = arith.index_cast %add3A_538 : i32 to index
      %get3A_540 = arith.constant 48 : index
      %get3A_541 = tpu.vector_load %arg14[%get3A_539, %get3A_540] {strides = array<i32>} : memref<256x128xf32, #tpu.memory_space<vmem>>, vector<16xf32>,
      %add3A_542 = arith.addf %add3A_536, %get3A_541 : vector<16xf32>
      %add3A_543 = arith.constant 128 : i32
      %add3A_544 = arith.addi %add3A_543, %scan3A_211 : i32
      %get3A_545 = arith.index_cast %add3A_544 : i32 to index
      %get3A_546 = arith.constant 48 : index
      %get3A_547 = tpu.vector_load %arg14[%get3A_545, %get3A_546] {strides = array<i32>} : memref<256x128xf32, #tpu.memory_space<vmem>>, vector<16xf32>,
      %add3A_548 = arith.addf %add3A_542, %get3A_547 : vector<16xf32>
      %add3A_549 = arith.constant 144 : i32
      %add3A_550 = arith.addi %add3A_549, %scan3A_211 : i32
      %get3A_551 = arith.index_cast %add3A_550 : i32 to index
      %get3A_552 = arith.constant 48 : index
      %get3A_553 = tpu.vector_load %arg14[%get3A_551, %get3A_552] {strides = array<i32>} : memref<256x128xf32, #tpu.memory_space<vmem>>, vector<16xf32>,
      %add3A_554 = arith.addf %add3A_548, %get3A_553 : vector<16xf32>
      %add3A_555 = arith.constant 160 : i32
      %add3A_556 = arith.addi %add3A_555, %scan3A_211 : i32
      %get3A_557 = arith.index_cast %add3A_556 : i32 to index
      %get3A_558 = arith.constant 48 : index
      %get3A_559 = tpu.vector_load %arg14[%get3A_557, %get3A_558] {strides = array<i32>} : memref<256x128xf32, #tpu.memory_space<vmem>>, vector<16xf32>,
      %add3A_560 = arith.addf %add3A_554, %get3A_559 : vector<16xf32>
      %add3A_561 = arith.constant 176 : i32
      %add3A_562 = arith.addi %add3A_561, %scan3A_211 : i32
      %get3A_563 = arith.index_cast %add3A_562 : i32 to index
      %get3A_564 = arith.constant 48 : index
      %get3A_565 = tpu.vector_load %arg14[%get3A_563, %get3A_564] {strides = array<i32>} : memref<256x128xf32, #tpu.memory_space<vmem>>, vector<16xf32>,
      %add3A_566 = arith.addf %add3A_560, %get3A_565 : vector<16xf32>
      %add3A_567 = arith.constant 192 : i32
      %add3A_568 = arith.addi %add3A_567, %scan3A_211 : i32
      %get3A_569 = arith.index_cast %add3A_568 : i32 to index
      %get3A_570 = arith.constant 48 : index
      %get3A_571 = tpu.vector_load %arg14[%get3A_569, %get3A_570] {strides = array<i32>} : memref<256x128xf32, #tpu.memory_space<vmem>>, vector<16xf32>,
      %add3A_572 = arith.addf %add3A_566, %get3A_571 : vector<16xf32>
      %add3A_573 = arith.constant 208 : i32
      %add3A_574 = arith.addi %add3A_573, %scan3A_211 : i32
      %get3A_575 = arith.index_cast %add3A_574 : i32 to index
      %get3A_576 = arith.constant 48 : index
      %get3A_577 = tpu.vector_load %arg14[%get3A_575, %get3A_576] {strides = array<i32>} : memref<256x128xf32, #tpu.memory_space<vmem>>, vector<16xf32>,
      %add3A_578 = arith.addf %add3A_572, %get3A_577 : vector<16xf32>
      %add3A_579 = arith.constant 224 : i32
      %add3A_580 = arith.addi %add3A_579, %scan3A_211 : i32
      %get3A_581 = arith.index_cast %add3A_580 : i32 to index
      %get3A_582 = arith.constant 48 : index
      %get3A_583 = tpu.vector_load %arg14[%get3A_581, %get3A_582] {strides = array<i32>} : memref<256x128xf32, #tpu.memory_space<vmem>>, vector<16xf32>,
      %add3A_584 = arith.addf %add3A_578, %get3A_583 : vector<16xf32>
      %add3A_585 = arith.constant 240 : i32
      %add3A_586 = arith.addi %add3A_585, %scan3A_211 : i32
      %get3A_587 = arith.index_cast %add3A_586 : i32 to index
      %get3A_588 = arith.constant 48 : index
      %get3A_589 = tpu.vector_load %arg14[%get3A_587, %get3A_588] {strides = array<i32>} : memref<256x128xf32, #tpu.memory_space<vmem>>, vector<16xf32>,
      %add3A_590 = arith.addf %add3A_584, %get3A_589 : vector<16xf32>
      %swap3A_591 = arith.index_cast %scan3A_211 : i32 to index
      %swap3A_592 = arith.constant 48 : index
      %swap3A_593 = tpu.vector_load %arg14[%swap3A_591, %swap3A_592] {strides = array<i32>} : memref<256x128xf32, #tpu.memory_space<vmem>>, vector<16xf32>,
      tpu.vector_store %arg14[%swap3A_591, %swap3A_592], %add3A_590 {strides = array<i32>} : memref<256x128xf32, #tpu.memory_space<vmem>>, vector<16xf32>,
      %get3A_594 = arith.index_cast %scan3A_211 : i32 to index
      %get3A_595 = arith.constant 64 : index
      %get3A_596 = tpu.vector_load %arg14[%get3A_594, %get3A_595] {strides = array<i32>} : memref<256x128xf32, #tpu.memory_space<vmem>>, vector<16xf32>,
      %add3A_597 = arith.constant 16 : i32
      %add3A_598 = arith.addi %add3A_597, %scan3A_211 : i32
      %get3A_599 = arith.index_cast %add3A_598 : i32 to index
      %get3A_600 = arith.constant 64 : index
      %get3A_601 = tpu.vector_load %arg14[%get3A_599, %get3A_600] {strides = array<i32>} : memref<256x128xf32, #tpu.memory_space<vmem>>, vector<16xf32>,
      %add3A_602 = arith.addf %get3A_596, %get3A_601 : vector<16xf32>
      %add3A_603 = arith.constant 32 : i32
      %add3A_604 = arith.addi %add3A_603, %scan3A_211 : i32
      %get3A_605 = arith.index_cast %add3A_604 : i32 to index
      %get3A_606 = arith.constant 64 : index
      %get3A_607 = tpu.vector_load %arg14[%get3A_605, %get3A_606] {strides = array<i32>} : memref<256x128xf32, #tpu.memory_space<vmem>>, vector<16xf32>,
      %add3A_608 = arith.addf %add3A_602, %get3A_607 : vector<16xf32>
      %add3A_609 = arith.constant 48 : i32
      %add3A_610 = arith.addi %add3A_609, %scan3A_211 : i32
      %get3A_611 = arith.index_cast %add3A_610 : i32 to index
      %get3A_612 = arith.constant 64 : index
      %get3A_613 = tpu.vector_load %arg14[%get3A_611, %get3A_612] {strides = array<i32>} : memref<256x128xf32, #tpu.memory_space<vmem>>, vector<16xf32>,
      %add3A_614 = arith.addf %add3A_608, %get3A_613 : vector<16xf32>
      %add3A_615 = arith.constant 64 : i32
      %add3A_616 = arith.addi %add3A_615, %scan3A_211 : i32
      %get3A_617 = arith.index_cast %add3A_616 : i32 to index
      %get3A_618 = arith.constant 64 : index
      %get3A_619 = tpu.vector_load %arg14[%get3A_617, %get3A_618] {strides = array<i32>} : memref<256x128xf32, #tpu.memory_space<vmem>>, vector<16xf32>,
      %add3A_620 = arith.addf %add3A_614, %get3A_619 : vector<16xf32>
      %add3A_621 = arith.constant 80 : i32
      %add3A_622 = arith.addi %add3A_621, %scan3A_211 : i32
      %get3A_623 = arith.index_cast %add3A_622 : i32 to index
      %get3A_624 = arith.constant 64 : index
      %get3A_625 = tpu.vector_load %arg14[%get3A_623, %get3A_624] {strides = array<i32>} : memref<256x128xf32, #tpu.memory_space<vmem>>, vector<16xf32>,
      %add3A_626 = arith.addf %add3A_620, %get3A_625 : vector<16xf32>
      %add3A_627 = arith.constant 96 : i32
      %add3A_628 = arith.addi %add3A_627, %scan3A_211 : i32
      %get3A_629 = arith.index_cast %add3A_628 : i32 to index
      %get3A_630 = arith.constant 64 : index
      %get3A_631 = tpu.vector_load %arg14[%get3A_629, %get3A_630] {strides = array<i32>} : memref<256x128xf32, #tpu.memory_space<vmem>>, vector<16xf32>,
      %add3A_632 = arith.addf %add3A_626, %get3A_631 : vector<16xf32>
      %add3A_633 = arith.constant 112 : i32
      %add3A_634 = arith.addi %add3A_633, %scan3A_211 : i32
      %get3A_635 = arith.index_cast %add3A_634 : i32 to index
      %get3A_636 = arith.constant 64 : index
      %get3A_637 = tpu.vector_load %arg14[%get3A_635, %get3A_636] {strides = array<i32>} : memref<256x128xf32, #tpu.memory_space<vmem>>, vector<16xf32>,
      %add3A_638 = arith.addf %add3A_632, %get3A_637 : vector<16xf32>
      %add3A_639 = arith.constant 128 : i32
      %add3A_640 = arith.addi %add3A_639, %scan3A_211 : i32
      %get3A_641 = arith.index_cast %add3A_640 : i32 to index
      %get3A_642 = arith.constant 64 : index
      %get3A_643 = tpu.vector_load %arg14[%get3A_641, %get3A_642] {strides = array<i32>} : memref<256x128xf32, #tpu.memory_space<vmem>>, vector<16xf32>,
      %add3A_644 = arith.addf %add3A_638, %get3A_643 : vector<16xf32>
      %add3A_645 = arith.constant 144 : i32
      %add3A_646 = arith.addi %add3A_645, %scan3A_211 : i32
      %get3A_647 = arith.index_cast %add3A_646 : i32 to index
      %get3A_648 = arith.constant 64 : index
      %get3A_649 = tpu.vector_load %arg14[%get3A_647, %get3A_648] {strides = array<i32>} : memref<256x128xf32, #tpu.memory_space<vmem>>, vector<16xf32>,
      %add3A_650 = arith.addf %add3A_644, %get3A_649 : vector<16xf32>
      %add3A_651 = arith.constant 160 : i32
      %add3A_652 = arith.addi %add3A_651, %scan3A_211 : i32
      %get3A_653 = arith.index_cast %add3A_652 : i32 to index
      %get3A_654 = arith.constant 64 : index
      %get3A_655 = tpu.vector_load %arg14[%get3A_653, %get3A_654] {strides = array<i32>} : memref<256x128xf32, #tpu.memory_space<vmem>>, vector<16xf32>,
      %add3A_656 = arith.addf %add3A_650, %get3A_655 : vector<16xf32>
      %add3A_657 = arith.constant 176 : i32
      %add3A_658 = arith.addi %add3A_657, %scan3A_211 : i32
      %get3A_659 = arith.index_cast %add3A_658 : i32 to index
      %get3A_660 = arith.constant 64 : index
      %get3A_661 = tpu.vector_load %arg14[%get3A_659, %get3A_660] {strides = array<i32>} : memref<256x128xf32, #tpu.memory_space<vmem>>, vector<16xf32>,
      %add3A_662 = arith.addf %add3A_656, %get3A_661 : vector<16xf32>
      %add3A_663 = arith.constant 192 : i32
      %add3A_664 = arith.addi %add3A_663, %scan3A_211 : i32
      %get3A_665 = arith.index_cast %add3A_664 : i32 to index
      %get3A_666 = arith.constant 64 : index
      %get3A_667 = tpu.vector_load %arg14[%get3A_665, %get3A_666] {strides = array<i32>} : memref<256x128xf32, #tpu.memory_space<vmem>>, vector<16xf32>,
      %add3A_668 = arith.addf %add3A_662, %get3A_667 : vector<16xf32>
      %add3A_669 = arith.constant 208 : i32
      %add3A_670 = arith.addi %add3A_669, %scan3A_211 : i32
      %get3A_671 = arith.index_cast %add3A_670 : i32 to index
      %get3A_672 = arith.constant 64 : index
      %get3A_673 = tpu.vector_load %arg14[%get3A_671, %get3A_672] {strides = array<i32>} : memref<256x128xf32, #tpu.memory_space<vmem>>, vector<16xf32>,
      %add3A_674 = arith.addf %add3A_668, %get3A_673 : vector<16xf32>
      %add3A_675 = arith.constant 224 : i32
      %add3A_676 = arith.addi %add3A_675, %scan3A_211 : i32
      %get3A_677 = arith.index_cast %add3A_676 : i32 to index
      %get3A_678 = arith.constant 64 : index
      %get3A_679 = tpu.vector_load %arg14[%get3A_677, %get3A_678] {strides = array<i32>} : memref<256x128xf32, #tpu.memory_space<vmem>>, vector<16xf32>,
      %add3A_680 = arith.addf %add3A_674, %get3A_679 : vector<16xf32>
      %add3A_681 = arith.constant 240 : i32
      %add3A_682 = arith.addi %add3A_681, %scan3A_211 : i32
      %get3A_683 = arith.index_cast %add3A_682 : i32 to index
      %get3A_684 = arith.constant 64 : index
      %get3A_685 = tpu.vector_load %arg14[%get3A_683, %get3A_684] {strides = array<i32>} : memref<256x128xf32, #tpu.memory_space<vmem>>, vector<16xf32>,
      %add3A_686 = arith.addf %add3A_680, %get3A_685 : vector<16xf32>
      %swap3A_687 = arith.index_cast %scan3A_211 : i32 to index
      %swap3A_688 = arith.constant 64 : index
      %swap3A_689 = tpu.vector_load %arg14[%swap3A_687, %swap3A_688] {strides = array<i32>} : memref<256x128xf32, #tpu.memory_space<vmem>>, vector<16xf32>,
      tpu.vector_store %arg14[%swap3A_687, %swap3A_688], %add3A_686 {strides = array<i32>} : memref<256x128xf32, #tpu.memory_space<vmem>>, vector<16xf32>,
      %get3A_690 = arith.index_cast %scan3A_211 : i32 to index
      %get3A_691 = arith.constant 80 : index
      %get3A_692 = tpu.vector_load %arg14[%get3A_690, %get3A_691] {strides = array<i32>} : memref<256x128xf32, #tpu.memory_space<vmem>>, vector<16xf32>,
      %add3A_693 = arith.constant 16 : i32
      %add3A_694 = arith.addi %add3A_693, %scan3A_211 : i32
      %get3A_695 = arith.index_cast %add3A_694 : i32 to index
      %get3A_696 = arith.constant 80 : index
      %get3A_697 = tpu.vector_load %arg14[%get3A_695, %get3A_696] {strides = array<i32>} : memref<256x128xf32, #tpu.memory_space<vmem>>, vector<16xf32>,
      %add3A_698 = arith.addf %get3A_692, %get3A_697 : vector<16xf32>
      %add3A_699 = arith.constant 32 : i32
      %add3A_700 = arith.addi %add3A_699, %scan3A_211 : i32
      %get3A_701 = arith.index_cast %add3A_700 : i32 to index
      %get3A_702 = arith.constant 80 : index
      %get3A_703 = tpu.vector_load %arg14[%get3A_701, %get3A_702] {strides = array<i32>} : memref<256x128xf32, #tpu.memory_space<vmem>>, vector<16xf32>,
      %add3A_704 = arith.addf %add3A_698, %get3A_703 : vector<16xf32>
      %add3A_705 = arith.constant 48 : i32
      %add3A_706 = arith.addi %add3A_705, %scan3A_211 : i32
      %get3A_707 = arith.index_cast %add3A_706 : i32 to index
      %get3A_708 = arith.constant 80 : index
      %get3A_709 = tpu.vector_load %arg14[%get3A_707, %get3A_708] {strides = array<i32>} : memref<256x128xf32, #tpu.memory_space<vmem>>, vector<16xf32>,
      %add3A_710 = arith.addf %add3A_704, %get3A_709 : vector<16xf32>
      %add3A_711 = arith.constant 64 : i32
      %add3A_712 = arith.addi %add3A_711, %scan3A_211 : i32
      %get3A_713 = arith.index_cast %add3A_712 : i32 to index
      %get3A_714 = arith.constant 80 : index
      %get3A_715 = tpu.vector_load %arg14[%get3A_713, %get3A_714] {strides = array<i32>} : memref<256x128xf32, #tpu.memory_space<vmem>>, vector<16xf32>,
      %add3A_716 = arith.addf %add3A_710, %get3A_715 : vector<16xf32>
      %add3A_717 = arith.constant 80 : i32
      %add3A_718 = arith.addi %add3A_717, %scan3A_211 : i32
      %get3A_719 = arith.index_cast %add3A_718 : i32 to index
      %get3A_720 = arith.constant 80 : index
      %get3A_721 = tpu.vector_load %arg14[%get3A_719, %get3A_720] {strides = array<i32>} : memref<256x128xf32, #tpu.memory_space<vmem>>, vector<16xf32>,
      %add3A_722 = arith.addf %add3A_716, %get3A_721 : vector<16xf32>
      %add3A_723 = arith.constant 96 : i32
      %add3A_724 = arith.addi %add3A_723, %scan3A_211 : i32
      %get3A_725 = arith.index_cast %add3A_724 : i32 to index
      %get3A_726 = arith.constant 80 : index
      %get3A_727 = tpu.vector_load %arg14[%get3A_725, %get3A_726] {strides = array<i32>} : memref<256x128xf32, #tpu.memory_space<vmem>>, vector<16xf32>,
      %add3A_728 = arith.addf %add3A_722, %get3A_727 : vector<16xf32>
      %add3A_729 = arith.constant 112 : i32
      %add3A_730 = arith.addi %add3A_729, %scan3A_211 : i32
      %get3A_731 = arith.index_cast %add3A_730 : i32 to index
      %get3A_732 = arith.constant 80 : index
      %get3A_733 = tpu.vector_load %arg14[%get3A_731, %get3A_732] {strides = array<i32>} : memref<256x128xf32, #tpu.memory_space<vmem>>, vector<16xf32>,
      %add3A_734 = arith.addf %add3A_728, %get3A_733 : vector<16xf32>
      %add3A_735 = arith.constant 128 : i32
      %add3A_736 = arith.addi %add3A_735, %scan3A_211 : i32
      %get3A_737 = arith.index_cast %add3A_736 : i32 to index
      %get3A_738 = arith.constant 80 : index
      %get3A_739 = tpu.vector_load %arg14[%get3A_737, %get3A_738] {strides = array<i32>} : memref<256x128xf32, #tpu.memory_space<vmem>>, vector<16xf32>,
      %add3A_740 = arith.addf %add3A_734, %get3A_739 : vector<16xf32>
      %add3A_741 = arith.constant 144 : i32
      %add3A_742 = arith.addi %add3A_741, %scan3A_211 : i32
      %get3A_743 = arith.index_cast %add3A_742 : i32 to index
      %get3A_744 = arith.constant 80 : index
      %get3A_745 = tpu.vector_load %arg14[%get3A_743, %get3A_744] {strides = array<i32>} : memref<256x128xf32, #tpu.memory_space<vmem>>, vector<16xf32>,
      %add3A_746 = arith.addf %add3A_740, %get3A_745 : vector<16xf32>
      %add3A_747 = arith.constant 160 : i32
      %add3A_748 = arith.addi %add3A_747, %scan3A_211 : i32
      %get3A_749 = arith.index_cast %add3A_748 : i32 to index
      %get3A_750 = arith.constant 80 : index
      %get3A_751 = tpu.vector_load %arg14[%get3A_749, %get3A_750] {strides = array<i32>} : memref<256x128xf32, #tpu.memory_space<vmem>>, vector<16xf32>,
      %add3A_752 = arith.addf %add3A_746, %get3A_751 : vector<16xf32>
      %add3A_753 = arith.constant 176 : i32
      %add3A_754 = arith.addi %add3A_753, %scan3A_211 : i32
      %get3A_755 = arith.index_cast %add3A_754 : i32 to index
      %get3A_756 = arith.constant 80 : index
      %get3A_757 = tpu.vector_load %arg14[%get3A_755, %get3A_756] {strides = array<i32>} : memref<256x128xf32, #tpu.memory_space<vmem>>, vector<16xf32>,
      %add3A_758 = arith.addf %add3A_752, %get3A_757 : vector<16xf32>
      %add3A_759 = arith.constant 192 : i32
      %add3A_760 = arith.addi %add3A_759, %scan3A_211 : i32
      %get3A_761 = arith.index_cast %add3A_760 : i32 to index
      %get3A_762 = arith.constant 80 : index
      %get3A_763 = tpu.vector_load %arg14[%get3A_761, %get3A_762] {strides = array<i32>} : memref<256x128xf32, #tpu.memory_space<vmem>>, vector<16xf32>,
      %add3A_764 = arith.addf %add3A_758, %get3A_763 : vector<16xf32>
      %add3A_765 = arith.constant 208 : i32
      %add3A_766 = arith.addi %add3A_765, %scan3A_211 : i32
      %get3A_767 = arith.index_cast %add3A_766 : i32 to index
      %get3A_768 = arith.constant 80 : index
      %get3A_769 = tpu.vector_load %arg14[%get3A_767, %get3A_768] {strides = array<i32>} : memref<256x128xf32, #tpu.memory_space<vmem>>, vector<16xf32>,
      %add3A_770 = arith.addf %add3A_764, %get3A_769 : vector<16xf32>
      %add3A_771 = arith.constant 224 : i32
      %add3A_772 = arith.addi %add3A_771, %scan3A_211 : i32
      %get3A_773 = arith.index_cast %add3A_772 : i32 to index
      %get3A_774 = arith.constant 80 : index
      %get3A_775 = tpu.vector_load %arg14[%get3A_773, %get3A_774] {strides = array<i32>} : memref<256x128xf32, #tpu.memory_space<vmem>>, vector<16xf32>,
      %add3A_776 = arith.addf %add3A_770, %get3A_775 : vector<16xf32>
      %add3A_777 = arith.constant 240 : i32
      %add3A_778 = arith.addi %add3A_777, %scan3A_211 : i32
      %get3A_779 = arith.index_cast %add3A_778 : i32 to index
      %get3A_780 = arith.constant 80 : index
      %get3A_781 = tpu.vector_load %arg14[%get3A_779, %get3A_780] {strides = array<i32>} : memref<256x128xf32, #tpu.memory_space<vmem>>, vector<16xf32>,
      %add3A_782 = arith.addf %add3A_776, %get3A_781 : vector<16xf32>
      %swap3A_783 = arith.index_cast %scan3A_211 : i32 to index
      %swap3A_784 = arith.constant 80 : index
      %swap3A_785 = tpu.vector_load %arg14[%swap3A_783, %swap3A_784] {strides = array<i32>} : memref<256x128xf32, #tpu.memory_space<vmem>>, vector<16xf32>,
      tpu.vector_store %arg14[%swap3A_783, %swap3A_784], %add3A_782 {strides = array<i32>} : memref<256x128xf32, #tpu.memory_space<vmem>>, vector<16xf32>,
      %get3A_786 = arith.index_cast %scan3A_211 : i32 to index
      %get3A_787 = arith.constant 96 : index
      %get3A_788 = tpu.vector_load %arg14[%get3A_786, %get3A_787] {strides = array<i32>} : memref<256x128xf32, #tpu.memory_space<vmem>>, vector<16xf32>,
      %add3A_789 = arith.constant 16 : i32
      %add3A_790 = arith.addi %add3A_789, %scan3A_211 : i32
      %get3A_791 = arith.index_cast %add3A_790 : i32 to index
      %get3A_792 = arith.constant 96 : index
      %get3A_793 = tpu.vector_load %arg14[%get3A_791, %get3A_792] {strides = array<i32>} : memref<256x128xf32, #tpu.memory_space<vmem>>, vector<16xf32>,
      %add3A_794 = arith.addf %get3A_788, %get3A_793 : vector<16xf32>
      %add3A_795 = arith.constant 32 : i32
      %add3A_796 = arith.addi %add3A_795, %scan3A_211 : i32
      %get3A_797 = arith.index_cast %add3A_796 : i32 to index
      %get3A_798 = arith.constant 96 : index
      %get3A_799 = tpu.vector_load %arg14[%get3A_797, %get3A_798] {strides = array<i32>} : memref<256x128xf32, #tpu.memory_space<vmem>>, vector<16xf32>,
      %add3A_800 = arith.addf %add3A_794, %get3A_799 : vector<16xf32>
      %add3A_801 = arith.constant 48 : i32
      %add3A_802 = arith.addi %add3A_801, %scan3A_211 : i32
      %get3A_803 = arith.index_cast %add3A_802 : i32 to index
      %get3A_804 = arith.constant 96 : index
      %get3A_805 = tpu.vector_load %arg14[%get3A_803, %get3A_804] {strides = array<i32>} : memref<256x128xf32, #tpu.memory_space<vmem>>, vector<16xf32>,
      %add3A_806 = arith.addf %add3A_800, %get3A_805 : vector<16xf32>
      %add3A_807 = arith.constant 64 : i32
      %add3A_808 = arith.addi %add3A_807, %scan3A_211 : i32
      %get3A_809 = arith.index_cast %add3A_808 : i32 to index
      %get3A_810 = arith.constant 96 : index
      %get3A_811 = tpu.vector_load %arg14[%get3A_809, %get3A_810] {strides = array<i32>} : memref<256x128xf32, #tpu.memory_space<vmem>>, vector<16xf32>,
      %add3A_812 = arith.addf %add3A_806, %get3A_811 : vector<16xf32>
      %add3A_813 = arith.constant 80 : i32
      %add3A_814 = arith.addi %add3A_813, %scan3A_211 : i32
      %get3A_815 = arith.index_cast %add3A_814 : i32 to index
      %get3A_816 = arith.constant 96 : index
      %get3A_817 = tpu.vector_load %arg14[%get3A_815, %get3A_816] {strides = array<i32>} : memref<256x128xf32, #tpu.memory_space<vmem>>, vector<16xf32>,
      %add3A_818 = arith.addf %add3A_812, %get3A_817 : vector<16xf32>
      %add3A_819 = arith.constant 96 : i32
      %add3A_820 = arith.addi %add3A_819, %scan3A_211 : i32
      %get3A_821 = arith.index_cast %add3A_820 : i32 to index
      %get3A_822 = arith.constant 96 : index
      %get3A_823 = tpu.vector_load %arg14[%get3A_821, %get3A_822] {strides = array<i32>} : memref<256x128xf32, #tpu.memory_space<vmem>>, vector<16xf32>,
      %add3A_824 = arith.addf %add3A_818, %get3A_823 : vector<16xf32>
      %add3A_825 = arith.constant 112 : i32
      %add3A_826 = arith.addi %add3A_825, %scan3A_211 : i32
      %get3A_827 = arith.index_cast %add3A_826 : i32 to index
      %get3A_828 = arith.constant 96 : index
      %get3A_829 = tpu.vector_load %arg14[%get3A_827, %get3A_828] {strides = array<i32>} : memref<256x128xf32, #tpu.memory_space<vmem>>, vector<16xf32>,
      %add3A_830 = arith.addf %add3A_824, %get3A_829 : vector<16xf32>
      %add3A_831 = arith.constant 128 : i32
      %add3A_832 = arith.addi %add3A_831, %scan3A_211 : i32
      %get3A_833 = arith.index_cast %add3A_832 : i32 to index
      %get3A_834 = arith.constant 96 : index
      %get3A_835 = tpu.vector_load %arg14[%get3A_833, %get3A_834] {strides = array<i32>} : memref<256x128xf32, #tpu.memory_space<vmem>>, vector<16xf32>,
      %add3A_836 = arith.addf %add3A_830, %get3A_835 : vector<16xf32>
      %add3A_837 = arith.constant 144 : i32
      %add3A_838 = arith.addi %add3A_837, %scan3A_211 : i32
      %get3A_839 = arith.index_cast %add3A_838 : i32 to index
      %get3A_840 = arith.constant 96 : index
      %get3A_841 = tpu.vector_load %arg14[%get3A_839, %get3A_840] {strides = array<i32>} : memref<256x128xf32, #tpu.memory_space<vmem>>, vector<16xf32>,
      %add3A_842 = arith.addf %add3A_836, %get3A_841 : vector<16xf32>
      %add3A_843 = arith.constant 160 : i32
      %add3A_844 = arith.addi %add3A_843, %scan3A_211 : i32
      %get3A_845 = arith.index_cast %add3A_844 : i32 to index
      %get3A_846 = arith.constant 96 : index
      %get3A_847 = tpu.vector_load %arg14[%get3A_845, %get3A_846] {strides = array<i32>} : memref<256x128xf32, #tpu.memory_space<vmem>>, vector<16xf32>,
      %add3A_848 = arith.addf %add3A_842, %get3A_847 : vector<16xf32>
      %add3A_849 = arith.constant 176 : i32
      %add3A_850 = arith.addi %add3A_849, %scan3A_211 : i32
      %get3A_851 = arith.index_cast %add3A_850 : i32 to index
      %get3A_852 = arith.constant 96 : index
      %get3A_853 = tpu.vector_load %arg14[%get3A_851, %get3A_852] {strides = array<i32>} : memref<256x128xf32, #tpu.memory_space<vmem>>, vector<16xf32>,
      %add3A_854 = arith.addf %add3A_848, %get3A_853 : vector<16xf32>
      %add3A_855 = arith.constant 192 : i32
      %add3A_856 = arith.addi %add3A_855, %scan3A_211 : i32
      %get3A_857 = arith.index_cast %add3A_856 : i32 to index
      %get3A_858 = arith.constant 96 : index
      %get3A_859 = tpu.vector_load %arg14[%get3A_857, %get3A_858] {strides = array<i32>} : memref<256x128xf32, #tpu.memory_space<vmem>>, vector<16xf32>,
      %add3A_860 = arith.addf %add3A_854, %get3A_859 : vector<16xf32>
      %add3A_861 = arith.constant 208 : i32
      %add3A_862 = arith.addi %add3A_861, %scan3A_211 : i32
      %get3A_863 = arith.index_cast %add3A_862 : i32 to index
      %get3A_864 = arith.constant 96 : index
      %get3A_865 = tpu.vector_load %arg14[%get3A_863, %get3A_864] {strides = array<i32>} : memref<256x128xf32, #tpu.memory_space<vmem>>, vector<16xf32>,
      %add3A_866 = arith.addf %add3A_860, %get3A_865 : vector<16xf32>
      %add3A_867 = arith.constant 224 : i32
      %add3A_868 = arith.addi %add3A_867, %scan3A_211 : i32
      %get3A_869 = arith.index_cast %add3A_868 : i32 to index
      %get3A_870 = arith.constant 96 : index
      %get3A_871 = tpu.vector_load %arg14[%get3A_869, %get3A_870] {strides = array<i32>} : memref<256x128xf32, #tpu.memory_space<vmem>>, vector<16xf32>,
      %add3A_872 = arith.addf %add3A_866, %get3A_871 : vector<16xf32>
      %add3A_873 = arith.constant 240 : i32
      %add3A_874 = arith.addi %add3A_873, %scan3A_211 : i32
      %get3A_875 = arith.index_cast %add3A_874 : i32 to index
      %get3A_876 = arith.constant 96 : index
      %get3A_877 = tpu.vector_load %arg14[%get3A_875, %get3A_876] {strides = array<i32>} : memref<256x128xf32, #tpu.memory_space<vmem>>, vector<16xf32>,
      %add3A_878 = arith.addf %add3A_872, %get3A_877 : vector<16xf32>
      %swap3A_879 = arith.index_cast %scan3A_211 : i32 to index
      %swap3A_880 = arith.constant 96 : index
      %swap3A_881 = tpu.vector_load %arg14[%swap3A_879, %swap3A_880] {strides = array<i32>} : memref<256x128xf32, #tpu.memory_space<vmem>>, vector<16xf32>,
      tpu.vector_store %arg14[%swap3A_879, %swap3A_880], %add3A_878 {strides = array<i32>} : memref<256x128xf32, #tpu.memory_space<vmem>>, vector<16xf32>,
      %get3A_882 = arith.index_cast %scan3A_211 : i32 to index
      %get3A_883 = arith.constant 112 : index
      %get3A_884 = tpu.vector_load %arg14[%get3A_882, %get3A_883] {strides = array<i32>} : memref<256x128xf32, #tpu.memory_space<vmem>>, vector<16xf32>,
      %add3A_885 = arith.constant 16 : i32
      %add3A_886 = arith.addi %add3A_885, %scan3A_211 : i32
      %get3A_887 = arith.index_cast %add3A_886 : i32 to index
      %get3A_888 = arith.constant 112 : index
      %get3A_889 = tpu.vector_load %arg14[%get3A_887, %get3A_888] {strides = array<i32>} : memref<256x128xf32, #tpu.memory_space<vmem>>, vector<16xf32>,
      %add3A_890 = arith.addf %get3A_884, %get3A_889 : vector<16xf32>
      %add3A_891 = arith.constant 32 : i32
      %add3A_892 = arith.addi %add3A_891, %scan3A_211 : i32
      %get3A_893 = arith.index_cast %add3A_892 : i32 to index
      %get3A_894 = arith.constant 112 : index
      %get3A_895 = tpu.vector_load %arg14[%get3A_893, %get3A_894] {strides = array<i32>} : memref<256x128xf32, #tpu.memory_space<vmem>>, vector<16xf32>,
      %add3A_896 = arith.addf %add3A_890, %get3A_895 : vector<16xf32>
      %add3A_897 = arith.constant 48 : i32
      %add3A_898 = arith.addi %add3A_897, %scan3A_211 : i32
      %get3A_899 = arith.index_cast %add3A_898 : i32 to index
      %get3A_900 = arith.constant 112 : index
      %get3A_901 = tpu.vector_load %arg14[%get3A_899, %get3A_900] {strides = array<i32>} : memref<256x128xf32, #tpu.memory_space<vmem>>, vector<16xf32>,
      %add3A_902 = arith.addf %add3A_896, %get3A_901 : vector<16xf32>
      %add3A_903 = arith.constant 64 : i32
      %add3A_904 = arith.addi %add3A_903, %scan3A_211 : i32
      %get3A_905 = arith.index_cast %add3A_904 : i32 to index
      %get3A_906 = arith.constant 112 : index
      %get3A_907 = tpu.vector_load %arg14[%get3A_905, %get3A_906] {strides = array<i32>} : memref<256x128xf32, #tpu.memory_space<vmem>>, vector<16xf32>,
      %add3A_908 = arith.addf %add3A_902, %get3A_907 : vector<16xf32>
      %add3A_909 = arith.constant 80 : i32
      %add3A_910 = arith.addi %add3A_909, %scan3A_211 : i32
      %get3A_911 = arith.index_cast %add3A_910 : i32 to index
      %get3A_912 = arith.constant 112 : index
      %get3A_913 = tpu.vector_load %arg14[%get3A_911, %get3A_912] {strides = array<i32>} : memref<256x128xf32, #tpu.memory_space<vmem>>, vector<16xf32>,
      %add3A_914 = arith.addf %add3A_908, %get3A_913 : vector<16xf32>
      %add3A_915 = arith.constant 96 : i32
      %add3A_916 = arith.addi %add3A_915, %scan3A_211 : i32
      %get3A_917 = arith.index_cast %add3A_916 : i32 to index
      %get3A_918 = arith.constant 112 : index
      %get3A_919 = tpu.vector_load %arg14[%get3A_917, %get3A_918] {strides = array<i32>} : memref<256x128xf32, #tpu.memory_space<vmem>>, vector<16xf32>,
      %add3A_920 = arith.addf %add3A_914, %get3A_919 : vector<16xf32>
      %add3A_921 = arith.constant 112 : i32
      %add3A_922 = arith.addi %add3A_921, %scan3A_211 : i32
      %get3A_923 = arith.index_cast %add3A_922 : i32 to index
      %get3A_924 = arith.constant 112 : index
      %get3A_925 = tpu.vector_load %arg14[%get3A_923, %get3A_924] {strides = array<i32>} : memref<256x128xf32, #tpu.memory_space<vmem>>, vector<16xf32>,
      %add3A_926 = arith.addf %add3A_920, %get3A_925 : vector<16xf32>
      %add3A_927 = arith.constant 128 : i32
      %add3A_928 = arith.addi %add3A_927, %scan3A_211 : i32
      %get3A_929 = arith.index_cast %add3A_928 : i32 to index
      %get3A_930 = arith.constant 112 : index
      %get3A_931 = tpu.vector_load %arg14[%get3A_929, %get3A_930] {strides = array<i32>} : memref<256x128xf32, #tpu.memory_space<vmem>>, vector<16xf32>,
      %add3A_932 = arith.addf %add3A_926, %get3A_931 : vector<16xf32>
      %add3A_933 = arith.constant 144 : i32
      %add3A_934 = arith.addi %add3A_933, %scan3A_211 : i32
      %get3A_935 = arith.index_cast %add3A_934 : i32 to index
      %get3A_936 = arith.constant 112 : index
      %get3A_937 = tpu.vector_load %arg14[%get3A_935, %get3A_936] {strides = array<i32>} : memref<256x128xf32, #tpu.memory_space<vmem>>, vector<16xf32>,
      %add3A_938 = arith.addf %add3A_932, %get3A_937 : vector<16xf32>
      %add3A_939 = arith.constant 160 : i32
      %add3A_940 = arith.addi %add3A_939, %scan3A_211 : i32
      %get3A_941 = arith.index_cast %add3A_940 : i32 to index
      %get3A_942 = arith.constant 112 : index
      %get3A_943 = tpu.vector_load %arg14[%get3A_941, %get3A_942] {strides = array<i32>} : memref<256x128xf32, #tpu.memory_space<vmem>>, vector<16xf32>,
      %add3A_944 = arith.addf %add3A_938, %get3A_943 : vector<16xf32>
      %add3A_945 = arith.constant 176 : i32
      %add3A_946 = arith.addi %add3A_945, %scan3A_211 : i32
      %get3A_947 = arith.index_cast %add3A_946 : i32 to index
      %get3A_948 = arith.constant 112 : index
      %get3A_949 = tpu.vector_load %arg14[%get3A_947, %get3A_948] {strides = array<i32>} : memref<256x128xf32, #tpu.memory_space<vmem>>, vector<16xf32>,
      %add3A_950 = arith.addf %add3A_944, %get3A_949 : vector<16xf32>
      %add3A_951 = arith.constant 192 : i32
      %add3A_952 = arith.addi %add3A_951, %scan3A_211 : i32
      %get3A_953 = arith.index_cast %add3A_952 : i32 to index
      %get3A_954 = arith.constant 112 : index
      %get3A_955 = tpu.vector_load %arg14[%get3A_953, %get3A_954] {strides = array<i32>} : memref<256x128xf32, #tpu.memory_space<vmem>>, vector<16xf32>,
      %add3A_956 = arith.addf %add3A_950, %get3A_955 : vector<16xf32>
      %add3A_957 = arith.constant 208 : i32
      %add3A_958 = arith.addi %add3A_957, %scan3A_211 : i32
      %get3A_959 = arith.index_cast %add3A_958 : i32 to index
      %get3A_960 = arith.constant 112 : index
      %get3A_961 = tpu.vector_load %arg14[%get3A_959, %get3A_960] {strides = array<i32>} : memref<256x128xf32, #tpu.memory_space<vmem>>, vector<16xf32>,
      %add3A_962 = arith.addf %add3A_956, %get3A_961 : vector<16xf32>
      %add3A_963 = arith.constant 224 : i32
      %add3A_964 = arith.addi %add3A_963, %scan3A_211 : i32
      %get3A_965 = arith.index_cast %add3A_964 : i32 to index
      %get3A_966 = arith.constant 112 : index
      %get3A_967 = tpu.vector_load %arg14[%get3A_965, %get3A_966] {strides = array<i32>} : memref<256x128xf32, #tpu.memory_space<vmem>>, vector<16xf32>,
      %add3A_968 = arith.addf %add3A_962, %get3A_967 : vector<16xf32>
      %add3A_969 = arith.constant 240 : i32
      %add3A_970 = arith.addi %add3A_969, %scan3A_211 : i32
      %get3A_971 = arith.index_cast %add3A_970 : i32 to index
      %get3A_972 = arith.constant 112 : index
      %get3A_973 = tpu.vector_load %arg14[%get3A_971, %get3A_972] {strides = array<i32>} : memref<256x128xf32, #tpu.memory_space<vmem>>, vector<16xf32>,
      %add3A_974 = arith.addf %add3A_968, %get3A_973 : vector<16xf32>
      %swap3A_975 = arith.index_cast %scan3A_211 : i32 to index
      %swap3A_976 = arith.constant 112 : index
      %swap3A_977 = tpu.vector_load %arg14[%swap3A_975, %swap3A_976] {strides = array<i32>} : memref<256x128xf32, #tpu.memory_space<vmem>>, vector<16xf32>,
      tpu.vector_store %arg14[%swap3A_975, %swap3A_976], %add3A_974 {strides = array<i32>} : memref<256x128xf32, #tpu.memory_space<vmem>>, vector<16xf32>,
    }
    %scan3A_171 = arith.constant 16 : i32
    %barrier3A_172 = arith.constant 0 : index
    tpu.barrier barrier_id(%barrier3A_172)
    %dma_start3A_173 = arith.constant 0 : i32
    %dma_start3A_174 = tpu.memref_slice %arg6[%arg0, %mul3A_23, %dma_start3A_173] : memref<2x2048x128xf32, #tpu.memory_space<hbm>> -> memref<1x128x128xf32, #tpu.memory_space<hbm>>
    %dma_start3A_175 = tpu.memref_squeeze %dma_start3A_174 : memref<1x128x128xf32, #tpu.memory_space<hbm>> -> memref<128x128xf32, #tpu.memory_space<hbm>>
    %dma_start3A_176 = arith.constant 0 : i32
    %dma_start3A_177 = tpu.memref_slice %arg24[%mul3A_23, %dma_start3A_176] : memref<2048x128xf32, #tpu.memory_space<vmem_shared>> -> memref<128x128xf32, #tpu.memory_space<vmem_shared>>
    tpu.enqueue_dma source(%dma_start3A_177 : memref<128x128xf32, #tpu.memory_space<vmem_shared>>) target(%dma_start3A_175 : memref<128x128xf32, #tpu.memory_space<hbm>>) target_semaphore(%arg23 : memref<!tpu.dma_semaphore, #tpu.memory_space<semaphore_mem>>)
    %dma_start3A_178 = arith.constant 0 : i32
    %dma_start3A_179 = arith.constant 0 : i32
    %dma_start3A_180 = tpu.memref_slice %arg14[%dma_start3A_178, %dma_start3A_179] : memref<256x128xf32, #tpu.memory_space<vmem>> -> memref<16x128xf32, #tpu.memory_space<vmem>>
    %dma_start3A_181 = arith.constant 0 : i32
    %dma_start3A_182 = arith.constant 0 : i32
    %dma_start3A_183 = tpu.memref_slice %arg7[%add3A, %dma_start3A_181, %dma_start3A_182] : memref<32x16x128xf32, #tpu.memory_space<hbm>> -> memref<1x16x128xf32, #tpu.memory_space<hbm>>
    %dma_start3A_184 = tpu.memref_squeeze %dma_start3A_183 : memref<1x16x128xf32, #tpu.memory_space<hbm>> -> memref<16x128xf32, #tpu.memory_space<hbm>>
    %dma_start3A_185 = arith.constant 0 : i32
    %dma_start3A_186 = arith.constant 0 : i32
    %dma_start3A_187 = tpu.memref_slice %arg7[%add3A, %dma_start3A_185, %dma_start3A_186] : memref<32x16x128xf32, #tpu.memory_space<hbm>> -> memref<1x16x128xf32, #tpu.memory_space<hbm>>
    %dma_start3A_188 = tpu.memref_squeeze %dma_start3A_187 : memref<1x16x128xf32, #tpu.memory_space<hbm>> -> memref<16x128xf32, #tpu.memory_space<hbm>>
    %dma_start3A_189 = arith.constant 0 : i32
    %dma_start3A_190 = arith.constant 0 : i32
    %dma_start3A_191 = tpu.memref_slice %arg14[%dma_start3A_189, %dma_start3A_190] : memref<256x128xf32, #tpu.memory_space<vmem>> -> memref<16x128xf32, #tpu.memory_space<vmem>>
    tpu.enqueue_dma source(%dma_start3A_191 : memref<16x128xf32, #tpu.memory_space<vmem>>) target(%dma_start3A_188 : memref<16x128xf32, #tpu.memory_space<hbm>>) target_semaphore(%arg23 : memref<!tpu.dma_semaphore, #tpu.memory_space<semaphore_mem>>)
    %dma_wait3A_192 = arith.constant 0 : i32
    %dma_wait3A_193 = tpu.memref_slice %arg6[%arg0, %mul3A_23, %dma_wait3A_192] : memref<2x2048x128xf32, #tpu.memory_space<hbm>> -> memref<1x128x128xf32, #tpu.memory_space<hbm>>
    %dma_wait3A_194 = tpu.memref_squeeze %dma_wait3A_193 : memref<1x128x128xf32, #tpu.memory_space<hbm>> -> memref<128x128xf32, #tpu.memory_space<hbm>>
    %dma_wait3A_195 = arith.constant 0 : i32
    %dma_wait3A_196 = tpu.memref_slice %arg24[%mul3A_23, %dma_wait3A_195] : memref<2048x128xf32, #tpu.memory_space<vmem_shared>> -> memref<128x128xf32, #tpu.memory_space<vmem_shared>>
    tpu.wait_dma2 semaphore(%arg23 : memref<!tpu.dma_semaphore, #tpu.memory_space<semaphore_mem>>) src(%dma_wait3A_196 : memref<128x128xf32, #tpu.memory_space<vmem_shared>>) dst(%dma_wait3A_194 : memref<128x128xf32, #tpu.memory_space<hbm>>)
    %dma_wait3A_197 = arith.constant 0 : i32
    %dma_wait3A_198 = arith.constant 0 : i32
    %dma_wait3A_199 = tpu.memref_slice %arg14[%dma_wait3A_197, %dma_wait3A_198] : memref<256x128xf32, #tpu.memory_space<vmem>> -> memref<16x128xf32, #tpu.memory_space<vmem>>
    %dma_wait3A_200 = arith.constant 0 : i32
    %dma_wait3A_201 = arith.constant 0 : i32
    %dma_wait3A_202 = tpu.memref_slice %arg7[%add3A, %dma_wait3A_200, %dma_wait3A_201] : memref<32x16x128xf32, #tpu.memory_space<hbm>> -> memref<1x16x128xf32, #tpu.memory_space<hbm>>
    %dma_wait3A_203 = tpu.memref_squeeze %dma_wait3A_202 : memref<1x16x128xf32, #tpu.memory_space<hbm>> -> memref<16x128xf32, #tpu.memory_space<hbm>>
    %dma_wait3A_204 = arith.constant 0 : i32
    %dma_wait3A_205 = arith.constant 0 : i32
    %dma_wait3A_206 = tpu.memref_slice %arg7[%add3A, %dma_wait3A_204, %dma_wait3A_205] : memref<32x16x128xf32, #tpu.memory_space<hbm>> -> memref<1x16x128xf32, #tpu.memory_space<hbm>>
    %dma_wait3A_207 = tpu.memref_squeeze %dma_wait3A_206 : memref<1x16x128xf32, #tpu.memory_space<hbm>> -> memref<16x128xf32, #tpu.memory_space<hbm>>
    %dma_wait3A_208 = arith.constant 0 : i32
    %dma_wait3A_209 = arith.constant 0 : i32
    %dma_wait3A_210 = tpu.memref_slice %arg14[%dma_wait3A_208, %dma_wait3A_209] : memref<256x128xf32, #tpu.memory_space<vmem>> -> memref<16x128xf32, #tpu.memory_space<vmem>>
    tpu.wait_dma2 semaphore(%arg23 : memref<!tpu.dma_semaphore, #tpu.memory_space<semaphore_mem>>) src(%dma_wait3A_210 : memref<16x128xf32, #tpu.memory_space<vmem>>) dst(%dma_wait3A_207 : memref<16x128xf32, #tpu.memory_space<hbm>>)
    return
  }
}

#map = affine_map<(d0, d1) -> (0, 0)>
#map1 = affine_map<(d0, d1) -> (0, 0, 0)>
module attributes {stable_mosaic.version = 14 : i64} {
  func.func @segsum(%arg0: i32, %arg1: i32, %arg2: memref<10000x128xf32, #tpu.memory_space<hbm>>, %arg3: memref<2048x80xi32, #tpu.memory_space<hbm>>, %arg4: memref<2048x80xi32, #tpu.memory_space<hbm>>, %arg5: memref<64x128xf32, #tpu.memory_space<hbm>>, %arg6: memref<2x5120x128xf32, #tpu.memory_space<hbm>>, %arg7: memref<32x40x128xf32, #tpu.memory_space<hbm>>, %arg8: memref<64x80xi32, #tpu.memory_space<vmem>>, %arg9: memref<64x80xi32, #tpu.memory_space<vmem>>, %arg10: memref<80x128xf32, #tpu.memory_space<vmem>>, %arg11: memref<80x128xf32, #tpu.memory_space<vmem>>, %arg12: memref<80x128xf32, #tpu.memory_space<vmem>>, %arg13: memref<80x128xf32, #tpu.memory_space<vmem>>, %arg14: memref<160x128xf32, #tpu.memory_space<vmem>>, %arg15: memref<!tpu.dma_semaphore, #tpu.memory_space<semaphore_mem>>, %arg16: memref<!tpu.dma_semaphore, #tpu.memory_space<semaphore_mem>>, %arg17: memref<!tpu.dma_semaphore, #tpu.memory_space<semaphore_mem>>, %arg18: memref<!tpu.dma_semaphore, #tpu.memory_space<semaphore_mem>>, %arg19: memref<!tpu.dma_semaphore, #tpu.memory_space<semaphore_mem>>, %arg20: memref<!tpu.dma_semaphore, #tpu.memory_space<semaphore_mem>>, %arg21: memref<!tpu.dma_semaphore, #tpu.memory_space<semaphore_mem>>, %arg22: memref<!tpu.dma_semaphore, #tpu.memory_space<semaphore_mem>>, %arg23: memref<!tpu.dma_semaphore, #tpu.memory_space<semaphore_mem>>, %arg24: memref<5120x128xf32, #tpu.memory_space<vmem_shared>>) attributes {dimension_semantics = [#tpu.dimension_semantics<core_parallel>, #tpu.dimension_semantics<subcore_parallel>], iteration_bounds = array<i64: 2, 16>, scalar_prefetch = 0 : i64, scratch_operands = 17 : i64, tpu.core_type = #tpu.core_type<sc_vector_subcore>, window_params = [{transform_indices = #map}, {transform_indices = #map}, {transform_indices = #map}, {transform_indices = #map}, {transform_indices = #map1}, {transform_indices = #map1}]} {
    %mul3A = arith.constant 16 : i32
    %mul3A_0 = arith.muli %arg0, %mul3A : i32
    %add3A = arith.addi %mul3A_0, %arg1 : i32
    %mul3A_1 = arith.constant 64 : i32
    %mul3A_2 = arith.muli %add3A, %mul3A_1 : i32
    "tpu.region"() ({
      %run_scoped3A = tpu.sem_alloc : memref<!tpu.dma_semaphore, #tpu.memory_space<semaphore_mem>>
      %dma_start3A_339 = arith.constant 0 : i32
      %dma_start3A_340 = tpu.memref_slice %arg3[%mul3A_2, %dma_start3A_339] : memref<2048x80xi32, #tpu.memory_space<hbm>> -> memref<64x80xi32, #tpu.memory_space<hbm>>
      %dma_start3A_341 = arith.constant 0 : i32
      %dma_start3A_342 = tpu.memref_slice %arg3[%mul3A_2, %dma_start3A_341] : memref<2048x80xi32, #tpu.memory_space<hbm>> -> memref<64x80xi32, #tpu.memory_space<hbm>>
      tpu.enqueue_dma source(%dma_start3A_342 : memref<64x80xi32, #tpu.memory_space<hbm>>) target(%arg8 : memref<64x80xi32, #tpu.memory_space<vmem>>) target_semaphore(%run_scoped3A : memref<!tpu.dma_semaphore, #tpu.memory_space<semaphore_mem>>)
      %dma_wait3A_343 = arith.constant 0 : i32
      %dma_wait3A_344 = tpu.memref_slice %arg3[%mul3A_2, %dma_wait3A_343] : memref<2048x80xi32, #tpu.memory_space<hbm>> -> memref<64x80xi32, #tpu.memory_space<hbm>>
      %dma_wait3A_345 = arith.constant 0 : i32
      %dma_wait3A_346 = tpu.memref_slice %arg3[%mul3A_2, %dma_wait3A_345] : memref<2048x80xi32, #tpu.memory_space<hbm>> -> memref<64x80xi32, #tpu.memory_space<hbm>>
      tpu.wait_dma2 semaphore(%run_scoped3A : memref<!tpu.dma_semaphore, #tpu.memory_space<semaphore_mem>>) src(%dma_wait3A_346 : memref<64x80xi32, #tpu.memory_space<hbm>>) dst(%arg8 : memref<64x80xi32, #tpu.memory_space<vmem>>)
      tpu.yield
    }) : () -> ()
    %mul3A_3 = arith.constant 64 : i32
    %mul3A_4 = arith.muli %add3A, %mul3A_3 : i32
    %dma_start3A = arith.constant 0 : i32
    %dma_start3A_5 = tpu.memref_slice %arg4[%mul3A_4, %dma_start3A] : memref<2048x80xi32, #tpu.memory_space<hbm>> -> memref<64x80xi32, #tpu.memory_space<hbm>>
    %dma_start3A_6 = arith.constant 0 : i32
    %dma_start3A_7 = tpu.memref_slice %arg4[%mul3A_4, %dma_start3A_6] : memref<2048x80xi32, #tpu.memory_space<hbm>> -> memref<64x80xi32, #tpu.memory_space<hbm>>
    tpu.enqueue_dma source(%dma_start3A_7 : memref<64x80xi32, #tpu.memory_space<hbm>>) target(%arg9 : memref<64x80xi32, #tpu.memory_space<vmem>>) target_semaphore(%arg23 : memref<!tpu.dma_semaphore, #tpu.memory_space<semaphore_mem>>)
    %dma_start3A_8 = arith.constant 0 : i32
    %dma_start3A_9 = arith.constant 0 : i32
    %dma_start3A_10 = tpu.memref_slice %arg8[%dma_start3A_8, %dma_start3A_9] : memref<64x80xi32, #tpu.memory_space<vmem>> -> memref<1x80xi32, #tpu.memory_space<vmem>>
    %dma_start3A_11 = tpu.memref_squeeze %dma_start3A_10 : memref<1x80xi32, #tpu.memory_space<vmem>> -> memref<80xi32, #tpu.memory_space<vmem>>
    %dma_start3A_12 = arith.constant 0 : i32
    %dma_start3A_13 = arith.constant 0 : i32
    %dma_start3A_14 = tpu.memref_slice %arg2[%dma_start3A_12, %dma_start3A_13] : memref<10000x128xf32, #tpu.memory_space<hbm>> -> memref<10000x128xf32, #tpu.memory_space<hbm>>
    tpu.enqueue_indirect_dma source(%dma_start3A_14 : memref<10000x128xf32, #tpu.memory_space<hbm>>) target(%arg10 : memref<80x128xf32, #tpu.memory_space<vmem>>) offsets(%dma_start3A_11 : memref<80xi32, #tpu.memory_space<vmem>>) semaphore(%arg15 : memref<!tpu.dma_semaphore, #tpu.memory_space<semaphore_mem>>)
    %dma_start3A_15 = arith.constant 1 : i32
    %dma_start3A_16 = arith.constant 0 : i32
    %dma_start3A_17 = tpu.memref_slice %arg8[%dma_start3A_15, %dma_start3A_16] : memref<64x80xi32, #tpu.memory_space<vmem>> -> memref<1x80xi32, #tpu.memory_space<vmem>>
    %dma_start3A_18 = tpu.memref_squeeze %dma_start3A_17 : memref<1x80xi32, #tpu.memory_space<vmem>> -> memref<80xi32, #tpu.memory_space<vmem>>
    %dma_start3A_19 = arith.constant 0 : i32
    %dma_start3A_20 = arith.constant 0 : i32
    %dma_start3A_21 = tpu.memref_slice %arg2[%dma_start3A_19, %dma_start3A_20] : memref<10000x128xf32, #tpu.memory_space<hbm>> -> memref<10000x128xf32, #tpu.memory_space<hbm>>
    tpu.enqueue_indirect_dma source(%dma_start3A_21 : memref<10000x128xf32, #tpu.memory_space<hbm>>) target(%arg11 : memref<80x128xf32, #tpu.memory_space<vmem>>) offsets(%dma_start3A_18 : memref<80xi32, #tpu.memory_space<vmem>>) semaphore(%arg16 : memref<!tpu.dma_semaphore, #tpu.memory_space<semaphore_mem>>)
    %mul3A_22 = arith.constant 320 : i32
    %mul3A_23 = arith.muli %arg1, %mul3A_22 : i32
    %add3A_24 = arith.constant 0 : i32
    %add3A_25 = arith.addi %mul3A_23, %add3A_24 : i32
    %dma_start3A_26 = arith.constant 0 : i32
    %dma_start3A_27 = tpu.memref_slice %arg24[%add3A_25, %dma_start3A_26] : memref<5120x128xf32, #tpu.memory_space<vmem_shared>> -> memref<64x128xf32, #tpu.memory_space<vmem_shared>>
    tpu.enqueue_dma source(%arg5 : memref<64x128xf32, #tpu.memory_space<hbm>>) target(%dma_start3A_27 : memref<64x128xf32, #tpu.memory_space<vmem_shared>>) target_semaphore(%arg23 : memref<!tpu.dma_semaphore, #tpu.memory_space<semaphore_mem>>)
    %add3A_28 = arith.constant 64 : i32
    %add3A_29 = arith.addi %mul3A_23, %add3A_28 : i32
    %dma_start3A_30 = arith.constant 0 : i32
    %dma_start3A_31 = tpu.memref_slice %arg24[%add3A_29, %dma_start3A_30] : memref<5120x128xf32, #tpu.memory_space<vmem_shared>> -> memref<64x128xf32, #tpu.memory_space<vmem_shared>>
    tpu.enqueue_dma source(%arg5 : memref<64x128xf32, #tpu.memory_space<hbm>>) target(%dma_start3A_31 : memref<64x128xf32, #tpu.memory_space<vmem_shared>>) target_semaphore(%arg23 : memref<!tpu.dma_semaphore, #tpu.memory_space<semaphore_mem>>)
    %add3A_32 = arith.constant 128 : i32
    %add3A_33 = arith.addi %mul3A_23, %add3A_32 : i32
    %dma_start3A_34 = arith.constant 0 : i32
    %dma_start3A_35 = tpu.memref_slice %arg24[%add3A_33, %dma_start3A_34] : memref<5120x128xf32, #tpu.memory_space<vmem_shared>> -> memref<64x128xf32, #tpu.memory_space<vmem_shared>>
    tpu.enqueue_dma source(%arg5 : memref<64x128xf32, #tpu.memory_space<hbm>>) target(%dma_start3A_35 : memref<64x128xf32, #tpu.memory_space<vmem_shared>>) target_semaphore(%arg23 : memref<!tpu.dma_semaphore, #tpu.memory_space<semaphore_mem>>)
    %add3A_36 = arith.constant 192 : i32
    %add3A_37 = arith.addi %mul3A_23, %add3A_36 : i32
    %dma_start3A_38 = arith.constant 0 : i32
    %dma_start3A_39 = tpu.memref_slice %arg24[%add3A_37, %dma_start3A_38] : memref<5120x128xf32, #tpu.memory_space<vmem_shared>> -> memref<64x128xf32, #tpu.memory_space<vmem_shared>>
    tpu.enqueue_dma source(%arg5 : memref<64x128xf32, #tpu.memory_space<hbm>>) target(%dma_start3A_39 : memref<64x128xf32, #tpu.memory_space<vmem_shared>>) target_semaphore(%arg23 : memref<!tpu.dma_semaphore, #tpu.memory_space<semaphore_mem>>)
    %add3A_40 = arith.constant 256 : i32
    %add3A_41 = arith.addi %mul3A_23, %add3A_40 : i32
    %dma_start3A_42 = arith.constant 0 : i32
    %dma_start3A_43 = tpu.memref_slice %arg24[%add3A_41, %dma_start3A_42] : memref<5120x128xf32, #tpu.memory_space<vmem_shared>> -> memref<64x128xf32, #tpu.memory_space<vmem_shared>>
    tpu.enqueue_dma source(%arg5 : memref<64x128xf32, #tpu.memory_space<hbm>>) target(%dma_start3A_43 : memref<64x128xf32, #tpu.memory_space<vmem_shared>>) target_semaphore(%arg23 : memref<!tpu.dma_semaphore, #tpu.memory_space<semaphore_mem>>)
    %dma_start3A_44 = arith.constant 0 : i32
    %dma_start3A_45 = arith.constant 0 : i32
    %dma_start3A_46 = tpu.memref_slice %arg14[%dma_start3A_44, %dma_start3A_45] : memref<160x128xf32, #tpu.memory_space<vmem>> -> memref<64x128xf32, #tpu.memory_space<vmem>>
    %dma_start3A_47 = arith.constant 0 : i32
    %dma_start3A_48 = arith.constant 0 : i32
    %dma_start3A_49 = tpu.memref_slice %arg5[%dma_start3A_47, %dma_start3A_48] : memref<64x128xf32, #tpu.memory_space<hbm>> -> memref<64x128xf32, #tpu.memory_space<hbm>>
    %dma_start3A_50 = arith.constant 0 : i32
    %dma_start3A_51 = arith.constant 0 : i32
    %dma_start3A_52 = tpu.memref_slice %arg14[%dma_start3A_50, %dma_start3A_51] : memref<160x128xf32, #tpu.memory_space<vmem>> -> memref<64x128xf32, #tpu.memory_space<vmem>>
    %dma_start3A_53 = arith.constant 0 : i32
    %dma_start3A_54 = arith.constant 0 : i32
    %dma_start3A_55 = tpu.memref_slice %arg5[%dma_start3A_53, %dma_start3A_54] : memref<64x128xf32, #tpu.memory_space<hbm>> -> memref<64x128xf32, #tpu.memory_space<hbm>>
    tpu.enqueue_dma source(%dma_start3A_55 : memref<64x128xf32, #tpu.memory_space<hbm>>) target(%dma_start3A_52 : memref<64x128xf32, #tpu.memory_space<vmem>>) target_semaphore(%arg23 : memref<!tpu.dma_semaphore, #tpu.memory_space<semaphore_mem>>)
    %dma_start3A_56 = arith.constant 64 : i32
    %dma_start3A_57 = arith.constant 0 : i32
    %dma_start3A_58 = tpu.memref_slice %arg14[%dma_start3A_56, %dma_start3A_57] : memref<160x128xf32, #tpu.memory_space<vmem>> -> memref<64x128xf32, #tpu.memory_space<vmem>>
    %dma_start3A_59 = arith.constant 0 : i32
    %dma_start3A_60 = arith.constant 0 : i32
    %dma_start3A_61 = tpu.memref_slice %arg5[%dma_start3A_59, %dma_start3A_60] : memref<64x128xf32, #tpu.memory_space<hbm>> -> memref<64x128xf32, #tpu.memory_space<hbm>>
    %dma_start3A_62 = arith.constant 64 : i32
    %dma_start3A_63 = arith.constant 0 : i32
    %dma_start3A_64 = tpu.memref_slice %arg14[%dma_start3A_62, %dma_start3A_63] : memref<160x128xf32, #tpu.memory_space<vmem>> -> memref<64x128xf32, #tpu.memory_space<vmem>>
    %dma_start3A_65 = arith.constant 0 : i32
    %dma_start3A_66 = arith.constant 0 : i32
    %dma_start3A_67 = tpu.memref_slice %arg5[%dma_start3A_65, %dma_start3A_66] : memref<64x128xf32, #tpu.memory_space<hbm>> -> memref<64x128xf32, #tpu.memory_space<hbm>>
    tpu.enqueue_dma source(%dma_start3A_67 : memref<64x128xf32, #tpu.memory_space<hbm>>) target(%dma_start3A_64 : memref<64x128xf32, #tpu.memory_space<vmem>>) target_semaphore(%arg23 : memref<!tpu.dma_semaphore, #tpu.memory_space<semaphore_mem>>)
    %dma_start3A_68 = arith.constant 128 : i32
    %dma_start3A_69 = arith.constant 0 : i32
    %dma_start3A_70 = tpu.memref_slice %arg14[%dma_start3A_68, %dma_start3A_69] : memref<160x128xf32, #tpu.memory_space<vmem>> -> memref<32x128xf32, #tpu.memory_space<vmem>>
    %dma_start3A_71 = arith.constant 0 : i32
    %dma_start3A_72 = arith.constant 0 : i32
    %dma_start3A_73 = tpu.memref_slice %arg5[%dma_start3A_71, %dma_start3A_72] : memref<64x128xf32, #tpu.memory_space<hbm>> -> memref<32x128xf32, #tpu.memory_space<hbm>>
    %dma_start3A_74 = arith.constant 128 : i32
    %dma_start3A_75 = arith.constant 0 : i32
    %dma_start3A_76 = tpu.memref_slice %arg14[%dma_start3A_74, %dma_start3A_75] : memref<160x128xf32, #tpu.memory_space<vmem>> -> memref<32x128xf32, #tpu.memory_space<vmem>>
    %dma_start3A_77 = arith.constant 0 : i32
    %dma_start3A_78 = arith.constant 0 : i32
    %dma_start3A_79 = tpu.memref_slice %arg5[%dma_start3A_77, %dma_start3A_78] : memref<64x128xf32, #tpu.memory_space<hbm>> -> memref<32x128xf32, #tpu.memory_space<hbm>>
    tpu.enqueue_dma source(%dma_start3A_79 : memref<32x128xf32, #tpu.memory_space<hbm>>) target(%dma_start3A_76 : memref<32x128xf32, #tpu.memory_space<vmem>>) target_semaphore(%arg23 : memref<!tpu.dma_semaphore, #tpu.memory_space<semaphore_mem>>)
    %add3A_80 = arith.constant 0 : i32
    %add3A_81 = arith.addi %mul3A_23, %add3A_80 : i32
    %dma_wait3A = arith.constant 0 : i32
    %dma_wait3A_82 = tpu.memref_slice %arg24[%add3A_81, %dma_wait3A] : memref<5120x128xf32, #tpu.memory_space<vmem_shared>> -> memref<64x128xf32, #tpu.memory_space<vmem_shared>>
    tpu.wait_dma2 semaphore(%arg23 : memref<!tpu.dma_semaphore, #tpu.memory_space<semaphore_mem>>) src(%arg5 : memref<64x128xf32, #tpu.memory_space<hbm>>) dst(%dma_wait3A_82 : memref<64x128xf32, #tpu.memory_space<vmem_shared>>)
    %add3A_83 = arith.constant 64 : i32
    %add3A_84 = arith.addi %mul3A_23, %add3A_83 : i32
    %dma_wait3A_85 = arith.constant 0 : i32
    %dma_wait3A_86 = tpu.memref_slice %arg24[%add3A_84, %dma_wait3A_85] : memref<5120x128xf32, #tpu.memory_space<vmem_shared>> -> memref<64x128xf32, #tpu.memory_space<vmem_shared>>
    tpu.wait_dma2 semaphore(%arg23 : memref<!tpu.dma_semaphore, #tpu.memory_space<semaphore_mem>>) src(%arg5 : memref<64x128xf32, #tpu.memory_space<hbm>>) dst(%dma_wait3A_86 : memref<64x128xf32, #tpu.memory_space<vmem_shared>>)
    %add3A_87 = arith.constant 128 : i32
    %add3A_88 = arith.addi %mul3A_23, %add3A_87 : i32
    %dma_wait3A_89 = arith.constant 0 : i32
    %dma_wait3A_90 = tpu.memref_slice %arg24[%add3A_88, %dma_wait3A_89] : memref<5120x128xf32, #tpu.memory_space<vmem_shared>> -> memref<64x128xf32, #tpu.memory_space<vmem_shared>>
    tpu.wait_dma2 semaphore(%arg23 : memref<!tpu.dma_semaphore, #tpu.memory_space<semaphore_mem>>) src(%arg5 : memref<64x128xf32, #tpu.memory_space<hbm>>) dst(%dma_wait3A_90 : memref<64x128xf32, #tpu.memory_space<vmem_shared>>)
    %add3A_91 = arith.constant 192 : i32
    %add3A_92 = arith.addi %mul3A_23, %add3A_91 : i32
    %dma_wait3A_93 = arith.constant 0 : i32
    %dma_wait3A_94 = tpu.memref_slice %arg24[%add3A_92, %dma_wait3A_93] : memref<5120x128xf32, #tpu.memory_space<vmem_shared>> -> memref<64x128xf32, #tpu.memory_space<vmem_shared>>
    tpu.wait_dma2 semaphore(%arg23 : memref<!tpu.dma_semaphore, #tpu.memory_space<semaphore_mem>>) src(%arg5 : memref<64x128xf32, #tpu.memory_space<hbm>>) dst(%dma_wait3A_94 : memref<64x128xf32, #tpu.memory_space<vmem_shared>>)
    %add3A_95 = arith.constant 256 : i32
    %add3A_96 = arith.addi %mul3A_23, %add3A_95 : i32
    %dma_wait3A_97 = arith.constant 0 : i32
    %dma_wait3A_98 = tpu.memref_slice %arg24[%add3A_96, %dma_wait3A_97] : memref<5120x128xf32, #tpu.memory_space<vmem_shared>> -> memref<64x128xf32, #tpu.memory_space<vmem_shared>>
    tpu.wait_dma2 semaphore(%arg23 : memref<!tpu.dma_semaphore, #tpu.memory_space<semaphore_mem>>) src(%arg5 : memref<64x128xf32, #tpu.memory_space<hbm>>) dst(%dma_wait3A_98 : memref<64x128xf32, #tpu.memory_space<vmem_shared>>)
    %dma_wait3A_99 = arith.constant 0 : i32
    %dma_wait3A_100 = arith.constant 0 : i32
    %dma_wait3A_101 = tpu.memref_slice %arg14[%dma_wait3A_99, %dma_wait3A_100] : memref<160x128xf32, #tpu.memory_space<vmem>> -> memref<64x128xf32, #tpu.memory_space<vmem>>
    %dma_wait3A_102 = arith.constant 0 : i32
    %dma_wait3A_103 = arith.constant 0 : i32
    %dma_wait3A_104 = tpu.memref_slice %arg5[%dma_wait3A_102, %dma_wait3A_103] : memref<64x128xf32, #tpu.memory_space<hbm>> -> memref<64x128xf32, #tpu.memory_space<hbm>>
    %dma_wait3A_105 = arith.constant 0 : i32
    %dma_wait3A_106 = arith.constant 0 : i32
    %dma_wait3A_107 = tpu.memref_slice %arg14[%dma_wait3A_105, %dma_wait3A_106] : memref<160x128xf32, #tpu.memory_space<vmem>> -> memref<64x128xf32, #tpu.memory_space<vmem>>
    %dma_wait3A_108 = arith.constant 0 : i32
    %dma_wait3A_109 = arith.constant 0 : i32
    %dma_wait3A_110 = tpu.memref_slice %arg5[%dma_wait3A_108, %dma_wait3A_109] : memref<64x128xf32, #tpu.memory_space<hbm>> -> memref<64x128xf32, #tpu.memory_space<hbm>>
    tpu.wait_dma2 semaphore(%arg23 : memref<!tpu.dma_semaphore, #tpu.memory_space<semaphore_mem>>) src(%dma_wait3A_110 : memref<64x128xf32, #tpu.memory_space<hbm>>) dst(%dma_wait3A_107 : memref<64x128xf32, #tpu.memory_space<vmem>>)
    %dma_wait3A_111 = arith.constant 64 : i32
    %dma_wait3A_112 = arith.constant 0 : i32
    %dma_wait3A_113 = tpu.memref_slice %arg14[%dma_wait3A_111, %dma_wait3A_112] : memref<160x128xf32, #tpu.memory_space<vmem>> -> memref<64x128xf32, #tpu.memory_space<vmem>>
    %dma_wait3A_114 = arith.constant 0 : i32
    %dma_wait3A_115 = arith.constant 0 : i32
    %dma_wait3A_116 = tpu.memref_slice %arg5[%dma_wait3A_114, %dma_wait3A_115] : memref<64x128xf32, #tpu.memory_space<hbm>> -> memref<64x128xf32, #tpu.memory_space<hbm>>
    %dma_wait3A_117 = arith.constant 64 : i32
    %dma_wait3A_118 = arith.constant 0 : i32
    %dma_wait3A_119 = tpu.memref_slice %arg14[%dma_wait3A_117, %dma_wait3A_118] : memref<160x128xf32, #tpu.memory_space<vmem>> -> memref<64x128xf32, #tpu.memory_space<vmem>>
    %dma_wait3A_120 = arith.constant 0 : i32
    %dma_wait3A_121 = arith.constant 0 : i32
    %dma_wait3A_122 = tpu.memref_slice %arg5[%dma_wait3A_120, %dma_wait3A_121] : memref<64x128xf32, #tpu.memory_space<hbm>> -> memref<64x128xf32, #tpu.memory_space<hbm>>
    tpu.wait_dma2 semaphore(%arg23 : memref<!tpu.dma_semaphore, #tpu.memory_space<semaphore_mem>>) src(%dma_wait3A_122 : memref<64x128xf32, #tpu.memory_space<hbm>>) dst(%dma_wait3A_119 : memref<64x128xf32, #tpu.memory_space<vmem>>)
    %dma_wait3A_123 = arith.constant 128 : i32
    %dma_wait3A_124 = arith.constant 0 : i32
    %dma_wait3A_125 = tpu.memref_slice %arg14[%dma_wait3A_123, %dma_wait3A_124] : memref<160x128xf32, #tpu.memory_space<vmem>> -> memref<32x128xf32, #tpu.memory_space<vmem>>
    %dma_wait3A_126 = arith.constant 0 : i32
    %dma_wait3A_127 = arith.constant 0 : i32
    %dma_wait3A_128 = tpu.memref_slice %arg5[%dma_wait3A_126, %dma_wait3A_127] : memref<64x128xf32, #tpu.memory_space<hbm>> -> memref<32x128xf32, #tpu.memory_space<hbm>>
    %dma_wait3A_129 = arith.constant 128 : i32
    %dma_wait3A_130 = arith.constant 0 : i32
    %dma_wait3A_131 = tpu.memref_slice %arg14[%dma_wait3A_129, %dma_wait3A_130] : memref<160x128xf32, #tpu.memory_space<vmem>> -> memref<32x128xf32, #tpu.memory_space<vmem>>
    %dma_wait3A_132 = arith.constant 0 : i32
    %dma_wait3A_133 = arith.constant 0 : i32
    %dma_wait3A_134 = tpu.memref_slice %arg5[%dma_wait3A_132, %dma_wait3A_133] : memref<64x128xf32, #tpu.memory_space<hbm>> -> memref<32x128xf32, #tpu.memory_space<hbm>>
    tpu.wait_dma2 semaphore(%arg23 : memref<!tpu.dma_semaphore, #tpu.memory_space<semaphore_mem>>) src(%dma_wait3A_134 : memref<32x128xf32, #tpu.memory_space<hbm>>) dst(%dma_wait3A_131 : memref<32x128xf32, #tpu.memory_space<vmem>>)
    %mul3A_135 = arith.constant 64 : i32
    %mul3A_136 = arith.muli %add3A, %mul3A_135 : i32
    %dma_wait3A_137 = arith.constant 0 : i32
    %dma_wait3A_138 = tpu.memref_slice %arg4[%mul3A_136, %dma_wait3A_137] : memref<2048x80xi32, #tpu.memory_space<hbm>> -> memref<64x80xi32, #tpu.memory_space<hbm>>
    %dma_wait3A_139 = arith.constant 0 : i32
    %dma_wait3A_140 = tpu.memref_slice %arg4[%mul3A_136, %dma_wait3A_139] : memref<2048x80xi32, #tpu.memory_space<hbm>> -> memref<64x80xi32, #tpu.memory_space<hbm>>
    tpu.wait_dma2 semaphore(%arg23 : memref<!tpu.dma_semaphore, #tpu.memory_space<semaphore_mem>>) src(%dma_wait3A_140 : memref<64x80xi32, #tpu.memory_space<hbm>>) dst(%arg9 : memref<64x80xi32, #tpu.memory_space<vmem>>)
    %barrier3A = arith.constant 0 : index
    tpu.barrier barrier_id(%barrier3A)
    %iota3A = tpu.iota {dimensions = array<i32: 0>} : vector<16xi32>
    %rem3A = arith.constant 4 : i32
    %rem3A_141 = vector.broadcast %rem3A : i32 to vector<16xi32>
    %rem3A_142 = arith.remsi %iota3A, %rem3A_141 : vector<16xi32>
    %broadcast_in_dim3A = arith.constant 1.000000e+00 : f32
    %broadcast_in_dim3A_143 = vector.broadcast %broadcast_in_dim3A : f32 to vector<16xf32>
    %jit3A = arith.constant 4 : i32
    %div3A = vector.broadcast %jit3A : i32 to vector<16xi32>
    %div3A_144 = arith.divsi %iota3A, %div3A : vector<16xi32>
    %sign3A = arith.constant 0 : i32
    %sign3A_145 = vector.broadcast %sign3A : i32 to vector<16xi32>
    %sign3A_146 = arith.cmpi sgt, %iota3A, %sign3A_145 : vector<16xi32>
    %sign3A_147 = arith.extui %sign3A_146 : vector<16xi1> to vector<16xi32>
    %sign3A_148 = arith.constant 0 : i32
    %sign3A_149 = vector.broadcast %sign3A_148 : i32 to vector<16xi32>
    %sign3A_150 = arith.cmpi slt, %iota3A, %sign3A_149 : vector<16xi32>
    %sign3A_151 = arith.extui %sign3A_150 : vector<16xi1> to vector<16xi32>
    %sign3A_152 = arith.subi %sign3A_147, %sign3A_151 : vector<16xi32>
    %sign3A_153 = arith.constant 0 : i32
    %sign3A_154 = arith.cmpi sgt, %jit3A, %sign3A_153 : i32
    %sign3A_155 = arith.extui %sign3A_154 : i1 to i32
    %sign3A_156 = arith.constant 0 : i32
    %sign3A_157 = arith.cmpi slt, %jit3A, %sign3A_156 : i32
    %sign3A_158 = arith.extui %sign3A_157 : i1 to i32
    %sign3A_159 = arith.subi %sign3A_155, %sign3A_158 : i32
    %ne3A = vector.broadcast %sign3A_159 : i32 to vector<16xi32>
    %ne3A_160 = arith.cmpi ne, %sign3A_152, %ne3A : vector<16xi32>
    %rem3A_161 = vector.broadcast %jit3A : i32 to vector<16xi32>
    %rem3A_162 = arith.remsi %iota3A, %rem3A_161 : vector<16xi32>
    %ne3A_163 = arith.constant 0 : i32
    %ne3A_164 = vector.broadcast %ne3A_163 : i32 to vector<16xi32>
    %ne3A_165 = arith.cmpi ne, %rem3A_162, %ne3A_164 : vector<16xi32>
    %and3A = arith.andi %ne3A_160, %ne3A_165 : vector<16xi1>
    %sub3A = arith.constant 1 : i32
    %sub3A_166 = vector.broadcast %sub3A : i32 to vector<16xi32>
    %sub3A_167 = arith.subi %div3A_144, %sub3A_166 : vector<16xi32>
    %select_n3A = arith.select %and3A, %sub3A_167, %div3A_144 : vector<16xi1>, vector<16xi32>
    %eq3A = arith.constant 0 : i32
    %eq3A_168 = vector.broadcast %eq3A : i32 to vector<16xi32>
    %eq3A_169 = arith.cmpi eq, %select_n3A, %eq3A_168 : vector<16xi32>
    %jit3A_170 = arith.constant 4 : i32
    %div3A_171 = vector.broadcast %jit3A_170 : i32 to vector<16xi32>
    %div3A_172 = arith.divsi %iota3A, %div3A_171 : vector<16xi32>
    %sign3A_173 = arith.constant 0 : i32
    %sign3A_174 = vector.broadcast %sign3A_173 : i32 to vector<16xi32>
    %sign3A_175 = arith.cmpi sgt, %iota3A, %sign3A_174 : vector<16xi32>
    %sign3A_176 = arith.extui %sign3A_175 : vector<16xi1> to vector<16xi32>
    %sign3A_177 = arith.constant 0 : i32
    %sign3A_178 = vector.broadcast %sign3A_177 : i32 to vector<16xi32>
    %sign3A_179 = arith.cmpi slt, %iota3A, %sign3A_178 : vector<16xi32>
    %sign3A_180 = arith.extui %sign3A_179 : vector<16xi1> to vector<16xi32>
    %sign3A_181 = arith.subi %sign3A_176, %sign3A_180 : vector<16xi32>
    %sign3A_182 = arith.constant 0 : i32
    %sign3A_183 = arith.cmpi sgt, %jit3A_170, %sign3A_182 : i32
    %sign3A_184 = arith.extui %sign3A_183 : i1 to i32
    %sign3A_185 = arith.constant 0 : i32
    %sign3A_186 = arith.cmpi slt, %jit3A_170, %sign3A_185 : i32
    %sign3A_187 = arith.extui %sign3A_186 : i1 to i32
    %sign3A_188 = arith.subi %sign3A_184, %sign3A_187 : i32
    %ne3A_189 = vector.broadcast %sign3A_188 : i32 to vector<16xi32>
    %ne3A_190 = arith.cmpi ne, %sign3A_181, %ne3A_189 : vector<16xi32>
    %rem3A_191 = vector.broadcast %jit3A_170 : i32 to vector<16xi32>
    %rem3A_192 = arith.remsi %iota3A, %rem3A_191 : vector<16xi32>
    %ne3A_193 = arith.constant 0 : i32
    %ne3A_194 = vector.broadcast %ne3A_193 : i32 to vector<16xi32>
    %ne3A_195 = arith.cmpi ne, %rem3A_192, %ne3A_194 : vector<16xi32>
    %and3A_196 = arith.andi %ne3A_190, %ne3A_195 : vector<16xi1>
    %sub3A_197 = arith.constant 1 : i32
    %sub3A_198 = vector.broadcast %sub3A_197 : i32 to vector<16xi32>
    %sub3A_199 = arith.subi %div3A_172, %sub3A_198 : vector<16xi32>
    %select_n3A_200 = arith.select %and3A_196, %sub3A_199, %div3A_172 : vector<16xi1>, vector<16xi32>
    %eq3A_201 = arith.constant 1 : i32
    %eq3A_202 = vector.broadcast %eq3A_201 : i32 to vector<16xi32>
    %eq3A_203 = arith.cmpi eq, %select_n3A_200, %eq3A_202 : vector<16xi32>
    %jit3A_204 = arith.constant 4 : i32
    %div3A_205 = vector.broadcast %jit3A_204 : i32 to vector<16xi32>
    %div3A_206 = arith.divsi %iota3A, %div3A_205 : vector<16xi32>
    %sign3A_207 = arith.constant 0 : i32
    %sign3A_208 = vector.broadcast %sign3A_207 : i32 to vector<16xi32>
    %sign3A_209 = arith.cmpi sgt, %iota3A, %sign3A_208 : vector<16xi32>
    %sign3A_210 = arith.extui %sign3A_209 : vector<16xi1> to vector<16xi32>
    %sign3A_211 = arith.constant 0 : i32
    %sign3A_212 = vector.broadcast %sign3A_211 : i32 to vector<16xi32>
    %sign3A_213 = arith.cmpi slt, %iota3A, %sign3A_212 : vector<16xi32>
    %sign3A_214 = arith.extui %sign3A_213 : vector<16xi1> to vector<16xi32>
    %sign3A_215 = arith.subi %sign3A_210, %sign3A_214 : vector<16xi32>
    %sign3A_216 = arith.constant 0 : i32
    %sign3A_217 = arith.cmpi sgt, %jit3A_204, %sign3A_216 : i32
    %sign3A_218 = arith.extui %sign3A_217 : i1 to i32
    %sign3A_219 = arith.constant 0 : i32
    %sign3A_220 = arith.cmpi slt, %jit3A_204, %sign3A_219 : i32
    %sign3A_221 = arith.extui %sign3A_220 : i1 to i32
    %sign3A_222 = arith.subi %sign3A_218, %sign3A_221 : i32
    %ne3A_223 = vector.broadcast %sign3A_222 : i32 to vector<16xi32>
    %ne3A_224 = arith.cmpi ne, %sign3A_215, %ne3A_223 : vector<16xi32>
    %rem3A_225 = vector.broadcast %jit3A_204 : i32 to vector<16xi32>
    %rem3A_226 = arith.remsi %iota3A, %rem3A_225 : vector<16xi32>
    %ne3A_227 = arith.constant 0 : i32
    %ne3A_228 = vector.broadcast %ne3A_227 : i32 to vector<16xi32>
    %ne3A_229 = arith.cmpi ne, %rem3A_226, %ne3A_228 : vector<16xi32>
    %and3A_230 = arith.andi %ne3A_224, %ne3A_229 : vector<16xi1>
    %sub3A_231 = arith.constant 1 : i32
    %sub3A_232 = vector.broadcast %sub3A_231 : i32 to vector<16xi32>
    %sub3A_233 = arith.subi %div3A_206, %sub3A_232 : vector<16xi32>
    %select_n3A_234 = arith.select %and3A_230, %sub3A_233, %div3A_206 : vector<16xi1>, vector<16xi32>
    %eq3A_235 = arith.constant 2 : i32
    %eq3A_236 = vector.broadcast %eq3A_235 : i32 to vector<16xi32>
    %eq3A_237 = arith.cmpi eq, %select_n3A_234, %eq3A_236 : vector<16xi32>
    %jit3A_238 = arith.constant 4 : i32
    %div3A_239 = vector.broadcast %jit3A_238 : i32 to vector<16xi32>
    %div3A_240 = arith.divsi %iota3A, %div3A_239 : vector<16xi32>
    %sign3A_241 = arith.constant 0 : i32
    %sign3A_242 = vector.broadcast %sign3A_241 : i32 to vector<16xi32>
    %sign3A_243 = arith.cmpi sgt, %iota3A, %sign3A_242 : vector<16xi32>
    %sign3A_244 = arith.extui %sign3A_243 : vector<16xi1> to vector<16xi32>
    %sign3A_245 = arith.constant 0 : i32
    %sign3A_246 = vector.broadcast %sign3A_245 : i32 to vector<16xi32>
    %sign3A_247 = arith.cmpi slt, %iota3A, %sign3A_246 : vector<16xi32>
    %sign3A_248 = arith.extui %sign3A_247 : vector<16xi1> to vector<16xi32>
    %sign3A_249 = arith.subi %sign3A_244, %sign3A_248 : vector<16xi32>
    %sign3A_250 = arith.constant 0 : i32
    %sign3A_251 = arith.cmpi sgt, %jit3A_238, %sign3A_250 : i32
    %sign3A_252 = arith.extui %sign3A_251 : i1 to i32
    %sign3A_253 = arith.constant 0 : i32
    %sign3A_254 = arith.cmpi slt, %jit3A_238, %sign3A_253 : i32
    %sign3A_255 = arith.extui %sign3A_254 : i1 to i32
    %sign3A_256 = arith.subi %sign3A_252, %sign3A_255 : i32
    %ne3A_257 = vector.broadcast %sign3A_256 : i32 to vector<16xi32>
    %ne3A_258 = arith.cmpi ne, %sign3A_249, %ne3A_257 : vector<16xi32>
    %rem3A_259 = vector.broadcast %jit3A_238 : i32 to vector<16xi32>
    %rem3A_260 = arith.remsi %iota3A, %rem3A_259 : vector<16xi32>
    %ne3A_261 = arith.constant 0 : i32
    %ne3A_262 = vector.broadcast %ne3A_261 : i32 to vector<16xi32>
    %ne3A_263 = arith.cmpi ne, %rem3A_260, %ne3A_262 : vector<16xi32>
    %and3A_264 = arith.andi %ne3A_258, %ne3A_263 : vector<16xi1>
    %sub3A_265 = arith.constant 1 : i32
    %sub3A_266 = vector.broadcast %sub3A_265 : i32 to vector<16xi32>
    %sub3A_267 = arith.subi %div3A_240, %sub3A_266 : vector<16xi32>
    %select_n3A_268 = arith.select %and3A_264, %sub3A_267, %div3A_240 : vector<16xi1>, vector<16xi32>
    %eq3A_269 = arith.constant 3 : i32
    %eq3A_270 = vector.broadcast %eq3A_269 : i32 to vector<16xi32>
    %eq3A_271 = arith.cmpi eq, %select_n3A_268, %eq3A_270 : vector<16xi32>
    %mul3A_272 = arith.constant 40 : i32
    %mul3A_273 = vector.broadcast %mul3A_272 : i32 to vector<16xi32>
    %mul3A_274 = arith.muli %rem3A_142, %mul3A_273 : vector<16xi32>
    %scan3A = arith.constant 0 : i32
    %scan3A_275 = arith.constant 0 : i32
    %scan3A_276 = arith.constant 16 : i32
    %scan3A_277 = arith.addi %scan3A_275, %scan3A_276 : i32
    %scan3A_278 = arith.constant 1 : i32
    scf.for %scan3A_339 = %scan3A_275 to %scan3A_277 step %scan3A_278  : i32 {
      %mul3A_340 = arith.constant 4 : i32
      %mul3A_341 = arith.muli %scan3A_339, %mul3A_340 : i32
      %add3A_342 = arith.constant 0 : i32
      %add3A_343 = arith.addi %mul3A_341, %add3A_342 : i32
      %ge3A = arith.constant 2 : i32
      %ge3A_344 = arith.cmpi sge, %add3A_343, %ge3A : i32
      %convert_element_type3A = arith.extui %ge3A_344 : i1 to i32
      %cond3A = arith.constant 0 : i32
      %cond3A_345 = arith.cmpi ne, %convert_element_type3A, %cond3A : i32
      scf.if %cond3A_345 {
        %sub3A_466 = arith.constant 2 : i32
        %sub3A_467 = arith.subi %add3A_343, %sub3A_466 : i32
        %dma_wait3A_468 = arith.constant 0 : i32
        %dma_wait3A_469 = tpu.memref_slice %arg9[%sub3A_467, %dma_wait3A_468] : memref<64x80xi32, #tpu.memory_space<vmem>> -> memref<1x80xi32, #tpu.memory_space<vmem>>
        %dma_wait3A_470 = tpu.memref_squeeze %dma_wait3A_469 : memref<1x80xi32, #tpu.memory_space<vmem>> -> memref<80xi32, #tpu.memory_space<vmem>>
        %dma_wait3A_471 = arith.constant 0 : i32
        %dma_wait3A_472 = arith.constant 0 : i32
        %dma_wait3A_473 = tpu.memref_slice %arg24[%dma_wait3A_471, %dma_wait3A_472] : memref<5120x128xf32, #tpu.memory_space<vmem_shared>> -> memref<5120x128xf32, #tpu.memory_space<vmem_shared>>
        tpu.wait_indirect_dma semaphore(%arg21 : memref<!tpu.dma_semaphore, #tpu.memory_space<semaphore_mem>>) src(%arg12 : memref<80x128xf32, #tpu.memory_space<vmem>>) dst(%dma_wait3A_473 : memref<5120x128xf32, #tpu.memory_space<vmem_shared>>)
      } else {
      }
      %add3A_346 = arith.constant 2 : i32
      %add3A_347 = arith.addi %add3A_343, %add3A_346 : i32
      %lt3A = arith.constant 64 : i32
      %lt3A_348 = arith.cmpi slt, %add3A_347, %lt3A : i32
      %convert_element_type3A_349 = arith.extui %lt3A_348 : i1 to i32
      %cond3A_350 = arith.constant 0 : i32
      %cond3A_351 = arith.cmpi ne, %convert_element_type3A_349, %cond3A_350 : i32
      scf.if %cond3A_351 {
        %add3A_466 = arith.constant 2 : i32
        %add3A_467 = arith.addi %add3A_343, %add3A_466 : i32
        %dma_start3A_468 = arith.constant 0 : i32
        %dma_start3A_469 = tpu.memref_slice %arg8[%add3A_467, %dma_start3A_468] : memref<64x80xi32, #tpu.memory_space<vmem>> -> memref<1x80xi32, #tpu.memory_space<vmem>>
        %dma_start3A_470 = tpu.memref_squeeze %dma_start3A_469 : memref<1x80xi32, #tpu.memory_space<vmem>> -> memref<80xi32, #tpu.memory_space<vmem>>
        %dma_start3A_471 = arith.constant 0 : i32
        %dma_start3A_472 = arith.constant 0 : i32
        %dma_start3A_473 = tpu.memref_slice %arg2[%dma_start3A_471, %dma_start3A_472] : memref<10000x128xf32, #tpu.memory_space<hbm>> -> memref<10000x128xf32, #tpu.memory_space<hbm>>
        tpu.enqueue_indirect_dma source(%dma_start3A_473 : memref<10000x128xf32, #tpu.memory_space<hbm>>) target(%arg12 : memref<80x128xf32, #tpu.memory_space<vmem>>) offsets(%dma_start3A_470 : memref<80xi32, #tpu.memory_space<vmem>>) semaphore(%arg17 : memref<!tpu.dma_semaphore, #tpu.memory_space<semaphore_mem>>)
      } else {
      }
      %dma_wait3A_352 = arith.constant 0 : i32
      %dma_wait3A_353 = tpu.memref_slice %arg8[%add3A_343, %dma_wait3A_352] : memref<64x80xi32, #tpu.memory_space<vmem>> -> memref<1x80xi32, #tpu.memory_space<vmem>>
      %dma_wait3A_354 = tpu.memref_squeeze %dma_wait3A_353 : memref<1x80xi32, #tpu.memory_space<vmem>> -> memref<80xi32, #tpu.memory_space<vmem>>
      %dma_wait3A_355 = arith.constant 0 : i32
      %dma_wait3A_356 = arith.constant 0 : i32
      %dma_wait3A_357 = tpu.memref_slice %arg2[%dma_wait3A_355, %dma_wait3A_356] : memref<10000x128xf32, #tpu.memory_space<hbm>> -> memref<10000x128xf32, #tpu.memory_space<hbm>>
      tpu.wait_indirect_dma semaphore(%arg15 : memref<!tpu.dma_semaphore, #tpu.memory_space<semaphore_mem>>) src(%dma_wait3A_357 : memref<10000x128xf32, #tpu.memory_space<hbm>>) dst(%arg10 : memref<80x128xf32, #tpu.memory_space<vmem>>)
      %dma_start3A_358 = arith.constant 0 : i32
      %dma_start3A_359 = tpu.memref_slice %arg9[%add3A_343, %dma_start3A_358] : memref<64x80xi32, #tpu.memory_space<vmem>> -> memref<1x80xi32, #tpu.memory_space<vmem>>
      %dma_start3A_360 = tpu.memref_squeeze %dma_start3A_359 : memref<1x80xi32, #tpu.memory_space<vmem>> -> memref<80xi32, #tpu.memory_space<vmem>>
      %dma_start3A_361 = arith.constant 0 : i32
      %dma_start3A_362 = arith.constant 0 : i32
      %dma_start3A_363 = tpu.memref_slice %arg24[%dma_start3A_361, %dma_start3A_362] : memref<5120x128xf32, #tpu.memory_space<vmem_shared>> -> memref<5120x128xf32, #tpu.memory_space<vmem_shared>>
      tpu.enqueue_indirect_dma source(%arg10 : memref<80x128xf32, #tpu.memory_space<vmem>>) target(%dma_start3A_363 : memref<5120x128xf32, #tpu.memory_space<vmem_shared>>) offsets(%dma_start3A_360 : memref<80xi32, #tpu.memory_space<vmem>>) semaphore(%arg19 : memref<!tpu.dma_semaphore, #tpu.memory_space<semaphore_mem>>) {add = true}
      %scan3A_364 = arith.constant 0 : i32
      %scan3A_365 = arith.constant 0 : i32
      %scan3A_366 = arith.constant 5 : i32
      %scan3A_367 = arith.addi %scan3A_365, %scan3A_366 : i32
      %scan3A_368 = arith.constant 1 : i32
      scf.for %scan3A_466 = %scan3A_365 to %scan3A_367 step %scan3A_368  : i32 {
        %mul3A_467 = arith.constant 16 : i32
        %mul3A_468 = arith.muli %scan3A_466, %mul3A_467 : i32
        %get3A = arith.index_cast %add3A_343 : i32 to index
        %get3A_469 = arith.index_cast %mul3A_468 : i32 to index
        %get3A_470 = tpu.vector_load %arg9[%get3A, %get3A_469] {strides = array<i32>} : memref<64x80xi32, #tpu.memory_space<vmem>>, vector<16xi32>,
        %shift_right_logical3A = arith.constant 7 : i32
        %shift_right_logical3A_471 = vector.broadcast %shift_right_logical3A : i32 to vector<16xi32>
        %shift_right_logical3A_472 = arith.shrui %get3A_470, %shift_right_logical3A_471 : vector<16xi32>
        %add3A_473 = arith.addi %mul3A_274, %shift_right_logical3A_472 : vector<16xi32>
        %and3A_474 = arith.constant 127 : i32
        %and3A_475 = vector.broadcast %and3A_474 : i32 to vector<16xi32>
        %and3A_476 = arith.andi %get3A_470, %and3A_475 : vector<16xi32>
        tpu.vector_store_idx %arg14[%add3A_473, %and3A_476], %broadcast_in_dim3A_143 masked %eq3A_169 {add = true} : memref<160x128xf32, #tpu.memory_space<vmem>>[vector<16xi32>, vector<16xi32>], vector<16xf32>, vector<16xi1>
        tpu.vector_store_idx %arg14[%add3A_473, %and3A_476], %broadcast_in_dim3A_143 masked %eq3A_203 {add = true} : memref<160x128xf32, #tpu.memory_space<vmem>>[vector<16xi32>, vector<16xi32>], vector<16xf32>, vector<16xi1>
        tpu.vector_store_idx %arg14[%add3A_473, %and3A_476], %broadcast_in_dim3A_143 masked %eq3A_237 {add = true} : memref<160x128xf32, #tpu.memory_space<vmem>>[vector<16xi32>, vector<16xi32>], vector<16xf32>, vector<16xi1>
        tpu.vector_store_idx %arg14[%add3A_473, %and3A_476], %broadcast_in_dim3A_143 masked %eq3A_271 {add = true} : memref<160x128xf32, #tpu.memory_space<vmem>>[vector<16xi32>, vector<16xi32>], vector<16xf32>, vector<16xi1>
      }
      %scan3A_369 = arith.constant 5 : i32
      %add3A_370 = arith.constant 1 : i32
      %add3A_371 = arith.addi %mul3A_341, %add3A_370 : i32
      %ge3A_372 = arith.constant 2 : i32
      %ge3A_373 = arith.cmpi sge, %add3A_371, %ge3A_372 : i32
      %convert_element_type3A_374 = arith.extui %ge3A_373 : i1 to i32
      %cond3A_375 = arith.constant 0 : i32
      %cond3A_376 = arith.cmpi ne, %convert_element_type3A_374, %cond3A_375 : i32
      scf.if %cond3A_376 {
        %sub3A_466 = arith.constant 2 : i32
        %sub3A_467 = arith.subi %add3A_371, %sub3A_466 : i32
        %dma_wait3A_468 = arith.constant 0 : i32
        %dma_wait3A_469 = tpu.memref_slice %arg9[%sub3A_467, %dma_wait3A_468] : memref<64x80xi32, #tpu.memory_space<vmem>> -> memref<1x80xi32, #tpu.memory_space<vmem>>
        %dma_wait3A_470 = tpu.memref_squeeze %dma_wait3A_469 : memref<1x80xi32, #tpu.memory_space<vmem>> -> memref<80xi32, #tpu.memory_space<vmem>>
        %dma_wait3A_471 = arith.constant 0 : i32
        %dma_wait3A_472 = arith.constant 0 : i32
        %dma_wait3A_473 = tpu.memref_slice %arg24[%dma_wait3A_471, %dma_wait3A_472] : memref<5120x128xf32, #tpu.memory_space<vmem_shared>> -> memref<5120x128xf32, #tpu.memory_space<vmem_shared>>
        tpu.wait_indirect_dma semaphore(%arg22 : memref<!tpu.dma_semaphore, #tpu.memory_space<semaphore_mem>>) src(%arg13 : memref<80x128xf32, #tpu.memory_space<vmem>>) dst(%dma_wait3A_473 : memref<5120x128xf32, #tpu.memory_space<vmem_shared>>)
      } else {
      }
      %add3A_377 = arith.constant 2 : i32
      %add3A_378 = arith.addi %add3A_371, %add3A_377 : i32
      %lt3A_379 = arith.constant 64 : i32
      %lt3A_380 = arith.cmpi slt, %add3A_378, %lt3A_379 : i32
      %convert_element_type3A_381 = arith.extui %lt3A_380 : i1 to i32
      %cond3A_382 = arith.constant 0 : i32
      %cond3A_383 = arith.cmpi ne, %convert_element_type3A_381, %cond3A_382 : i32
      scf.if %cond3A_383 {
        %add3A_466 = arith.constant 2 : i32
        %add3A_467 = arith.addi %add3A_371, %add3A_466 : i32
        %dma_start3A_468 = arith.constant 0 : i32
        %dma_start3A_469 = tpu.memref_slice %arg8[%add3A_467, %dma_start3A_468] : memref<64x80xi32, #tpu.memory_space<vmem>> -> memref<1x80xi32, #tpu.memory_space<vmem>>
        %dma_start3A_470 = tpu.memref_squeeze %dma_start3A_469 : memref<1x80xi32, #tpu.memory_space<vmem>> -> memref<80xi32, #tpu.memory_space<vmem>>
        %dma_start3A_471 = arith.constant 0 : i32
        %dma_start3A_472 = arith.constant 0 : i32
        %dma_start3A_473 = tpu.memref_slice %arg2[%dma_start3A_471, %dma_start3A_472] : memref<10000x128xf32, #tpu.memory_space<hbm>> -> memref<10000x128xf32, #tpu.memory_space<hbm>>
        tpu.enqueue_indirect_dma source(%dma_start3A_473 : memref<10000x128xf32, #tpu.memory_space<hbm>>) target(%arg13 : memref<80x128xf32, #tpu.memory_space<vmem>>) offsets(%dma_start3A_470 : memref<80xi32, #tpu.memory_space<vmem>>) semaphore(%arg18 : memref<!tpu.dma_semaphore, #tpu.memory_space<semaphore_mem>>)
      } else {
      }
      %dma_wait3A_384 = arith.constant 0 : i32
      %dma_wait3A_385 = tpu.memref_slice %arg8[%add3A_371, %dma_wait3A_384] : memref<64x80xi32, #tpu.memory_space<vmem>> -> memref<1x80xi32, #tpu.memory_space<vmem>>
      %dma_wait3A_386 = tpu.memref_squeeze %dma_wait3A_385 : memref<1x80xi32, #tpu.memory_space<vmem>> -> memref<80xi32, #tpu.memory_space<vmem>>
      %dma_wait3A_387 = arith.constant 0 : i32
      %dma_wait3A_388 = arith.constant 0 : i32
      %dma_wait3A_389 = tpu.memref_slice %arg2[%dma_wait3A_387, %dma_wait3A_388] : memref<10000x128xf32, #tpu.memory_space<hbm>> -> memref<10000x128xf32, #tpu.memory_space<hbm>>
      tpu.wait_indirect_dma semaphore(%arg16 : memref<!tpu.dma_semaphore, #tpu.memory_space<semaphore_mem>>) src(%dma_wait3A_389 : memref<10000x128xf32, #tpu.memory_space<hbm>>) dst(%arg11 : memref<80x128xf32, #tpu.memory_space<vmem>>)
      %dma_start3A_390 = arith.constant 0 : i32
      %dma_start3A_391 = tpu.memref_slice %arg9[%add3A_371, %dma_start3A_390] : memref<64x80xi32, #tpu.memory_space<vmem>> -> memref<1x80xi32, #tpu.memory_space<vmem>>
      %dma_start3A_392 = tpu.memref_squeeze %dma_start3A_391 : memref<1x80xi32, #tpu.memory_space<vmem>> -> memref<80xi32, #tpu.memory_space<vmem>>
      %dma_start3A_393 = arith.constant 0 : i32
      %dma_start3A_394 = arith.constant 0 : i32
      %dma_start3A_395 = tpu.memref_slice %arg24[%dma_start3A_393, %dma_start3A_394] : memref<5120x128xf32, #tpu.memory_space<vmem_shared>> -> memref<5120x128xf32, #tpu.memory_space<vmem_shared>>
      tpu.enqueue_indirect_dma source(%arg11 : memref<80x128xf32, #tpu.memory_space<vmem>>) target(%dma_start3A_395 : memref<5120x128xf32, #tpu.memory_space<vmem_shared>>) offsets(%dma_start3A_392 : memref<80xi32, #tpu.memory_space<vmem>>) semaphore(%arg20 : memref<!tpu.dma_semaphore, #tpu.memory_space<semaphore_mem>>) {add = true}
      %scan3A_396 = arith.constant 0 : i32
      %scan3A_397 = arith.constant 0 : i32
      %scan3A_398 = arith.constant 5 : i32
      %scan3A_399 = arith.addi %scan3A_397, %scan3A_398 : i32
      %scan3A_400 = arith.constant 1 : i32
      scf.for %scan3A_466 = %scan3A_397 to %scan3A_399 step %scan3A_400  : i32 {
        %mul3A_467 = arith.constant 16 : i32
        %mul3A_468 = arith.muli %scan3A_466, %mul3A_467 : i32
        %get3A = arith.index_cast %add3A_371 : i32 to index
        %get3A_469 = arith.index_cast %mul3A_468 : i32 to index
        %get3A_470 = tpu.vector_load %arg9[%get3A, %get3A_469] {strides = array<i32>} : memref<64x80xi32, #tpu.memory_space<vmem>>, vector<16xi32>,
        %shift_right_logical3A = arith.constant 7 : i32
        %shift_right_logical3A_471 = vector.broadcast %shift_right_logical3A : i32 to vector<16xi32>
        %shift_right_logical3A_472 = arith.shrui %get3A_470, %shift_right_logical3A_471 : vector<16xi32>
        %add3A_473 = arith.addi %mul3A_274, %shift_right_logical3A_472 : vector<16xi32>
        %and3A_474 = arith.constant 127 : i32
        %and3A_475 = vector.broadcast %and3A_474 : i32 to vector<16xi32>
        %and3A_476 = arith.andi %get3A_470, %and3A_475 : vector<16xi32>
        tpu.vector_store_idx %arg14[%add3A_473, %and3A_476], %broadcast_in_dim3A_143 masked %eq3A_169 {add = true} : memref<160x128xf32, #tpu.memory_space<vmem>>[vector<16xi32>, vector<16xi32>], vector<16xf32>, vector<16xi1>
        tpu.vector_store_idx %arg14[%add3A_473, %and3A_476], %broadcast_in_dim3A_143 masked %eq3A_203 {add = true} : memref<160x128xf32, #tpu.memory_space<vmem>>[vector<16xi32>, vector<16xi32>], vector<16xf32>, vector<16xi1>
        tpu.vector_store_idx %arg14[%add3A_473, %and3A_476], %broadcast_in_dim3A_143 masked %eq3A_237 {add = true} : memref<160x128xf32, #tpu.memory_space<vmem>>[vector<16xi32>, vector<16xi32>], vector<16xf32>, vector<16xi1>
        tpu.vector_store_idx %arg14[%add3A_473, %and3A_476], %broadcast_in_dim3A_143 masked %eq3A_271 {add = true} : memref<160x128xf32, #tpu.memory_space<vmem>>[vector<16xi32>, vector<16xi32>], vector<16xf32>, vector<16xi1>
      }
      %scan3A_401 = arith.constant 5 : i32
      %add3A_402 = arith.constant 2 : i32
      %add3A_403 = arith.addi %mul3A_341, %add3A_402 : i32
      %ge3A_404 = arith.constant 2 : i32
      %ge3A_405 = arith.cmpi sge, %add3A_403, %ge3A_404 : i32
      %convert_element_type3A_406 = arith.extui %ge3A_405 : i1 to i32
      %cond3A_407 = arith.constant 0 : i32
      %cond3A_408 = arith.cmpi ne, %convert_element_type3A_406, %cond3A_407 : i32
      scf.if %cond3A_408 {
        %sub3A_466 = arith.constant 2 : i32
        %sub3A_467 = arith.subi %add3A_403, %sub3A_466 : i32
        %dma_wait3A_468 = arith.constant 0 : i32
        %dma_wait3A_469 = tpu.memref_slice %arg9[%sub3A_467, %dma_wait3A_468] : memref<64x80xi32, #tpu.memory_space<vmem>> -> memref<1x80xi32, #tpu.memory_space<vmem>>
        %dma_wait3A_470 = tpu.memref_squeeze %dma_wait3A_469 : memref<1x80xi32, #tpu.memory_space<vmem>> -> memref<80xi32, #tpu.memory_space<vmem>>
        %dma_wait3A_471 = arith.constant 0 : i32
        %dma_wait3A_472 = arith.constant 0 : i32
        %dma_wait3A_473 = tpu.memref_slice %arg24[%dma_wait3A_471, %dma_wait3A_472] : memref<5120x128xf32, #tpu.memory_space<vmem_shared>> -> memref<5120x128xf32, #tpu.memory_space<vmem_shared>>
        tpu.wait_indirect_dma semaphore(%arg19 : memref<!tpu.dma_semaphore, #tpu.memory_space<semaphore_mem>>) src(%arg10 : memref<80x128xf32, #tpu.memory_space<vmem>>) dst(%dma_wait3A_473 : memref<5120x128xf32, #tpu.memory_space<vmem_shared>>)
      } else {
      }
      %add3A_409 = arith.constant 2 : i32
      %add3A_410 = arith.addi %add3A_403, %add3A_409 : i32
      %lt3A_411 = arith.constant 64 : i32
      %lt3A_412 = arith.cmpi slt, %add3A_410, %lt3A_411 : i32
      %convert_element_type3A_413 = arith.extui %lt3A_412 : i1 to i32
      %cond3A_414 = arith.constant 0 : i32
      %cond3A_415 = arith.cmpi ne, %convert_element_type3A_413, %cond3A_414 : i32
      scf.if %cond3A_415 {
        %add3A_466 = arith.constant 2 : i32
        %add3A_467 = arith.addi %add3A_403, %add3A_466 : i32
        %dma_start3A_468 = arith.constant 0 : i32
        %dma_start3A_469 = tpu.memref_slice %arg8[%add3A_467, %dma_start3A_468] : memref<64x80xi32, #tpu.memory_space<vmem>> -> memref<1x80xi32, #tpu.memory_space<vmem>>
        %dma_start3A_470 = tpu.memref_squeeze %dma_start3A_469 : memref<1x80xi32, #tpu.memory_space<vmem>> -> memref<80xi32, #tpu.memory_space<vmem>>
        %dma_start3A_471 = arith.constant 0 : i32
        %dma_start3A_472 = arith.constant 0 : i32
        %dma_start3A_473 = tpu.memref_slice %arg2[%dma_start3A_471, %dma_start3A_472] : memref<10000x128xf32, #tpu.memory_space<hbm>> -> memref<10000x128xf32, #tpu.memory_space<hbm>>
        tpu.enqueue_indirect_dma source(%dma_start3A_473 : memref<10000x128xf32, #tpu.memory_space<hbm>>) target(%arg10 : memref<80x128xf32, #tpu.memory_space<vmem>>) offsets(%dma_start3A_470 : memref<80xi32, #tpu.memory_space<vmem>>) semaphore(%arg15 : memref<!tpu.dma_semaphore, #tpu.memory_space<semaphore_mem>>)
      } else {
      }
      %dma_wait3A_416 = arith.constant 0 : i32
      %dma_wait3A_417 = tpu.memref_slice %arg8[%add3A_403, %dma_wait3A_416] : memref<64x80xi32, #tpu.memory_space<vmem>> -> memref<1x80xi32, #tpu.memory_space<vmem>>
      %dma_wait3A_418 = tpu.memref_squeeze %dma_wait3A_417 : memref<1x80xi32, #tpu.memory_space<vmem>> -> memref<80xi32, #tpu.memory_space<vmem>>
      %dma_wait3A_419 = arith.constant 0 : i32
      %dma_wait3A_420 = arith.constant 0 : i32
      %dma_wait3A_421 = tpu.memref_slice %arg2[%dma_wait3A_419, %dma_wait3A_420] : memref<10000x128xf32, #tpu.memory_space<hbm>> -> memref<10000x128xf32, #tpu.memory_space<hbm>>
      tpu.wait_indirect_dma semaphore(%arg17 : memref<!tpu.dma_semaphore, #tpu.memory_space<semaphore_mem>>) src(%dma_wait3A_421 : memref<10000x128xf32, #tpu.memory_space<hbm>>) dst(%arg12 : memref<80x128xf32, #tpu.memory_space<vmem>>)
      %dma_start3A_422 = arith.constant 0 : i32
      %dma_start3A_423 = tpu.memref_slice %arg9[%add3A_403, %dma_start3A_422] : memref<64x80xi32, #tpu.memory_space<vmem>> -> memref<1x80xi32, #tpu.memory_space<vmem>>
      %dma_start3A_424 = tpu.memref_squeeze %dma_start3A_423 : memref<1x80xi32, #tpu.memory_space<vmem>> -> memref<80xi32, #tpu.memory_space<vmem>>
      %dma_start3A_425 = arith.constant 0 : i32
      %dma_start3A_426 = arith.constant 0 : i32
      %dma_start3A_427 = tpu.memref_slice %arg24[%dma_start3A_425, %dma_start3A_426] : memref<5120x128xf32, #tpu.memory_space<vmem_shared>> -> memref<5120x128xf32, #tpu.memory_space<vmem_shared>>
      tpu.enqueue_indirect_dma source(%arg12 : memref<80x128xf32, #tpu.memory_space<vmem>>) target(%dma_start3A_427 : memref<5120x128xf32, #tpu.memory_space<vmem_shared>>) offsets(%dma_start3A_424 : memref<80xi32, #tpu.memory_space<vmem>>) semaphore(%arg21 : memref<!tpu.dma_semaphore, #tpu.memory_space<semaphore_mem>>) {add = true}
      %scan3A_428 = arith.constant 0 : i32
      %scan3A_429 = arith.constant 0 : i32
      %scan3A_430 = arith.constant 5 : i32
      %scan3A_431 = arith.addi %scan3A_429, %scan3A_430 : i32
      %scan3A_432 = arith.constant 1 : i32
      scf.for %scan3A_466 = %scan3A_429 to %scan3A_431 step %scan3A_432  : i32 {
        %mul3A_467 = arith.constant 16 : i32
        %mul3A_468 = arith.muli %scan3A_466, %mul3A_467 : i32
        %get3A = arith.index_cast %add3A_403 : i32 to index
        %get3A_469 = arith.index_cast %mul3A_468 : i32 to index
        %get3A_470 = tpu.vector_load %arg9[%get3A, %get3A_469] {strides = array<i32>} : memref<64x80xi32, #tpu.memory_space<vmem>>, vector<16xi32>,
        %shift_right_logical3A = arith.constant 7 : i32
        %shift_right_logical3A_471 = vector.broadcast %shift_right_logical3A : i32 to vector<16xi32>
        %shift_right_logical3A_472 = arith.shrui %get3A_470, %shift_right_logical3A_471 : vector<16xi32>
        %add3A_473 = arith.addi %mul3A_274, %shift_right_logical3A_472 : vector<16xi32>
        %and3A_474 = arith.constant 127 : i32
        %and3A_475 = vector.broadcast %and3A_474 : i32 to vector<16xi32>
        %and3A_476 = arith.andi %get3A_470, %and3A_475 : vector<16xi32>
        tpu.vector_store_idx %arg14[%add3A_473, %and3A_476], %broadcast_in_dim3A_143 masked %eq3A_169 {add = true} : memref<160x128xf32, #tpu.memory_space<vmem>>[vector<16xi32>, vector<16xi32>], vector<16xf32>, vector<16xi1>
        tpu.vector_store_idx %arg14[%add3A_473, %and3A_476], %broadcast_in_dim3A_143 masked %eq3A_203 {add = true} : memref<160x128xf32, #tpu.memory_space<vmem>>[vector<16xi32>, vector<16xi32>], vector<16xf32>, vector<16xi1>
        tpu.vector_store_idx %arg14[%add3A_473, %and3A_476], %broadcast_in_dim3A_143 masked %eq3A_237 {add = true} : memref<160x128xf32, #tpu.memory_space<vmem>>[vector<16xi32>, vector<16xi32>], vector<16xf32>, vector<16xi1>
        tpu.vector_store_idx %arg14[%add3A_473, %and3A_476], %broadcast_in_dim3A_143 masked %eq3A_271 {add = true} : memref<160x128xf32, #tpu.memory_space<vmem>>[vector<16xi32>, vector<16xi32>], vector<16xf32>, vector<16xi1>
      }
      %scan3A_433 = arith.constant 5 : i32
      %add3A_434 = arith.constant 3 : i32
      %add3A_435 = arith.addi %mul3A_341, %add3A_434 : i32
      %ge3A_436 = arith.constant 2 : i32
      %ge3A_437 = arith.cmpi sge, %add3A_435, %ge3A_436 : i32
      %convert_element_type3A_438 = arith.extui %ge3A_437 : i1 to i32
      %cond3A_439 = arith.constant 0 : i32
      %cond3A_440 = arith.cmpi ne, %convert_element_type3A_438, %cond3A_439 : i32
      scf.if %cond3A_440 {
        %sub3A_466 = arith.constant 2 : i32
        %sub3A_467 = arith.subi %add3A_435, %sub3A_466 : i32
        %dma_wait3A_468 = arith.constant 0 : i32
        %dma_wait3A_469 = tpu.memref_slice %arg9[%sub3A_467, %dma_wait3A_468] : memref<64x80xi32, #tpu.memory_space<vmem>> -> memref<1x80xi32, #tpu.memory_space<vmem>>
        %dma_wait3A_470 = tpu.memref_squeeze %dma_wait3A_469 : memref<1x80xi32, #tpu.memory_space<vmem>> -> memref<80xi32, #tpu.memory_space<vmem>>
        %dma_wait3A_471 = arith.constant 0 : i32
        %dma_wait3A_472 = arith.constant 0 : i32
        %dma_wait3A_473 = tpu.memref_slice %arg24[%dma_wait3A_471, %dma_wait3A_472] : memref<5120x128xf32, #tpu.memory_space<vmem_shared>> -> memref<5120x128xf32, #tpu.memory_space<vmem_shared>>
        tpu.wait_indirect_dma semaphore(%arg20 : memref<!tpu.dma_semaphore, #tpu.memory_space<semaphore_mem>>) src(%arg11 : memref<80x128xf32, #tpu.memory_space<vmem>>) dst(%dma_wait3A_473 : memref<5120x128xf32, #tpu.memory_space<vmem_shared>>)
      } else {
      }
      %add3A_441 = arith.constant 2 : i32
      %add3A_442 = arith.addi %add3A_435, %add3A_441 : i32
      %lt3A_443 = arith.constant 64 : i32
      %lt3A_444 = arith.cmpi slt, %add3A_442, %lt3A_443 : i32
      %convert_element_type3A_445 = arith.extui %lt3A_444 : i1 to i32
      %cond3A_446 = arith.constant 0 : i32
      %cond3A_447 = arith.cmpi ne, %convert_element_type3A_445, %cond3A_446 : i32
      scf.if %cond3A_447 {
        %add3A_466 = arith.constant 2 : i32
        %add3A_467 = arith.addi %add3A_435, %add3A_466 : i32
        %dma_start3A_468 = arith.constant 0 : i32
        %dma_start3A_469 = tpu.memref_slice %arg8[%add3A_467, %dma_start3A_468] : memref<64x80xi32, #tpu.memory_space<vmem>> -> memref<1x80xi32, #tpu.memory_space<vmem>>
        %dma_start3A_470 = tpu.memref_squeeze %dma_start3A_469 : memref<1x80xi32, #tpu.memory_space<vmem>> -> memref<80xi32, #tpu.memory_space<vmem>>
        %dma_start3A_471 = arith.constant 0 : i32
        %dma_start3A_472 = arith.constant 0 : i32
        %dma_start3A_473 = tpu.memref_slice %arg2[%dma_start3A_471, %dma_start3A_472] : memref<10000x128xf32, #tpu.memory_space<hbm>> -> memref<10000x128xf32, #tpu.memory_space<hbm>>
        tpu.enqueue_indirect_dma source(%dma_start3A_473 : memref<10000x128xf32, #tpu.memory_space<hbm>>) target(%arg11 : memref<80x128xf32, #tpu.memory_space<vmem>>) offsets(%dma_start3A_470 : memref<80xi32, #tpu.memory_space<vmem>>) semaphore(%arg16 : memref<!tpu.dma_semaphore, #tpu.memory_space<semaphore_mem>>)
      } else {
      }
      %dma_wait3A_448 = arith.constant 0 : i32
      %dma_wait3A_449 = tpu.memref_slice %arg8[%add3A_435, %dma_wait3A_448] : memref<64x80xi32, #tpu.memory_space<vmem>> -> memref<1x80xi32, #tpu.memory_space<vmem>>
      %dma_wait3A_450 = tpu.memref_squeeze %dma_wait3A_449 : memref<1x80xi32, #tpu.memory_space<vmem>> -> memref<80xi32, #tpu.memory_space<vmem>>
      %dma_wait3A_451 = arith.constant 0 : i32
      %dma_wait3A_452 = arith.constant 0 : i32
      %dma_wait3A_453 = tpu.memref_slice %arg2[%dma_wait3A_451, %dma_wait3A_452] : memref<10000x128xf32, #tpu.memory_space<hbm>> -> memref<10000x128xf32, #tpu.memory_space<hbm>>
      tpu.wait_indirect_dma semaphore(%arg18 : memref<!tpu.dma_semaphore, #tpu.memory_space<semaphore_mem>>) src(%dma_wait3A_453 : memref<10000x128xf32, #tpu.memory_space<hbm>>) dst(%arg13 : memref<80x128xf32, #tpu.memory_space<vmem>>)
      %dma_start3A_454 = arith.constant 0 : i32
      %dma_start3A_455 = tpu.memref_slice %arg9[%add3A_435, %dma_start3A_454] : memref<64x80xi32, #tpu.memory_space<vmem>> -> memref<1x80xi32, #tpu.memory_space<vmem>>
      %dma_start3A_456 = tpu.memref_squeeze %dma_start3A_455 : memref<1x80xi32, #tpu.memory_space<vmem>> -> memref<80xi32, #tpu.memory_space<vmem>>
      %dma_start3A_457 = arith.constant 0 : i32
      %dma_start3A_458 = arith.constant 0 : i32
      %dma_start3A_459 = tpu.memref_slice %arg24[%dma_start3A_457, %dma_start3A_458] : memref<5120x128xf32, #tpu.memory_space<vmem_shared>> -> memref<5120x128xf32, #tpu.memory_space<vmem_shared>>
      tpu.enqueue_indirect_dma source(%arg13 : memref<80x128xf32, #tpu.memory_space<vmem>>) target(%dma_start3A_459 : memref<5120x128xf32, #tpu.memory_space<vmem_shared>>) offsets(%dma_start3A_456 : memref<80xi32, #tpu.memory_space<vmem>>) semaphore(%arg22 : memref<!tpu.dma_semaphore, #tpu.memory_space<semaphore_mem>>) {add = true}
      %scan3A_460 = arith.constant 0 : i32
      %scan3A_461 = arith.constant 0 : i32
      %scan3A_462 = arith.constant 5 : i32
      %scan3A_463 = arith.addi %scan3A_461, %scan3A_462 : i32
      %scan3A_464 = arith.constant 1 : i32
      scf.for %scan3A_466 = %scan3A_461 to %scan3A_463 step %scan3A_464  : i32 {
        %mul3A_467 = arith.constant 16 : i32
        %mul3A_468 = arith.muli %scan3A_466, %mul3A_467 : i32
        %get3A = arith.index_cast %add3A_435 : i32 to index
        %get3A_469 = arith.index_cast %mul3A_468 : i32 to index
        %get3A_470 = tpu.vector_load %arg9[%get3A, %get3A_469] {strides = array<i32>} : memref<64x80xi32, #tpu.memory_space<vmem>>, vector<16xi32>,
        %shift_right_logical3A = arith.constant 7 : i32
        %shift_right_logical3A_471 = vector.broadcast %shift_right_logical3A : i32 to vector<16xi32>
        %shift_right_logical3A_472 = arith.shrui %get3A_470, %shift_right_logical3A_471 : vector<16xi32>
        %add3A_473 = arith.addi %mul3A_274, %shift_right_logical3A_472 : vector<16xi32>
        %and3A_474 = arith.constant 127 : i32
        %and3A_475 = vector.broadcast %and3A_474 : i32 to vector<16xi32>
        %and3A_476 = arith.andi %get3A_470, %and3A_475 : vector<16xi32>
        tpu.vector_store_idx %arg14[%add3A_473, %and3A_476], %broadcast_in_dim3A_143 masked %eq3A_169 {add = true} : memref<160x128xf32, #tpu.memory_space<vmem>>[vector<16xi32>, vector<16xi32>], vector<16xf32>, vector<16xi1>
        tpu.vector_store_idx %arg14[%add3A_473, %and3A_476], %broadcast_in_dim3A_143 masked %eq3A_203 {add = true} : memref<160x128xf32, #tpu.memory_space<vmem>>[vector<16xi32>, vector<16xi32>], vector<16xf32>, vector<16xi1>
        tpu.vector_store_idx %arg14[%add3A_473, %and3A_476], %broadcast_in_dim3A_143 masked %eq3A_237 {add = true} : memref<160x128xf32, #tpu.memory_space<vmem>>[vector<16xi32>, vector<16xi32>], vector<16xf32>, vector<16xi1>
        tpu.vector_store_idx %arg14[%add3A_473, %and3A_476], %broadcast_in_dim3A_143 masked %eq3A_271 {add = true} : memref<160x128xf32, #tpu.memory_space<vmem>>[vector<16xi32>, vector<16xi32>], vector<16xf32>, vector<16xi1>
      }
      %scan3A_465 = arith.constant 5 : i32
    }
    %scan3A_279 = arith.constant 16 : i32
    %dma_wait3A_280 = arith.constant 62 : i32
    %dma_wait3A_281 = arith.constant 0 : i32
    %dma_wait3A_282 = tpu.memref_slice %arg9[%dma_wait3A_280, %dma_wait3A_281] : memref<64x80xi32, #tpu.memory_space<vmem>> -> memref<1x80xi32, #tpu.memory_space<vmem>>
    %dma_wait3A_283 = tpu.memref_squeeze %dma_wait3A_282 : memref<1x80xi32, #tpu.memory_space<vmem>> -> memref<80xi32, #tpu.memory_space<vmem>>
    %dma_wait3A_284 = arith.constant 0 : i32
    %dma_wait3A_285 = arith.constant 0 : i32
    %dma_wait3A_286 = tpu.memref_slice %arg24[%dma_wait3A_284, %dma_wait3A_285] : memref<5120x128xf32, #tpu.memory_space<vmem_shared>> -> memref<5120x128xf32, #tpu.memory_space<vmem_shared>>
    tpu.wait_indirect_dma semaphore(%arg21 : memref<!tpu.dma_semaphore, #tpu.memory_space<semaphore_mem>>) src(%arg12 : memref<80x128xf32, #tpu.memory_space<vmem>>) dst(%dma_wait3A_286 : memref<5120x128xf32, #tpu.memory_space<vmem_shared>>)
    %dma_wait3A_287 = arith.constant 63 : i32
    %dma_wait3A_288 = arith.constant 0 : i32
    %dma_wait3A_289 = tpu.memref_slice %arg9[%dma_wait3A_287, %dma_wait3A_288] : memref<64x80xi32, #tpu.memory_space<vmem>> -> memref<1x80xi32, #tpu.memory_space<vmem>>
    %dma_wait3A_290 = tpu.memref_squeeze %dma_wait3A_289 : memref<1x80xi32, #tpu.memory_space<vmem>> -> memref<80xi32, #tpu.memory_space<vmem>>
    %dma_wait3A_291 = arith.constant 0 : i32
    %dma_wait3A_292 = arith.constant 0 : i32
    %dma_wait3A_293 = tpu.memref_slice %arg24[%dma_wait3A_291, %dma_wait3A_292] : memref<5120x128xf32, #tpu.memory_space<vmem_shared>> -> memref<5120x128xf32, #tpu.memory_space<vmem_shared>>
    tpu.wait_indirect_dma semaphore(%arg22 : memref<!tpu.dma_semaphore, #tpu.memory_space<semaphore_mem>>) src(%arg13 : memref<80x128xf32, #tpu.memory_space<vmem>>) dst(%dma_wait3A_293 : memref<5120x128xf32, #tpu.memory_space<vmem_shared>>)
    %scan3A_294 = arith.constant 0 : i32
    %scan3A_295 = arith.constant 0 : i32
    %scan3A_296 = arith.constant 40 : i32
    %scan3A_297 = arith.addi %scan3A_295, %scan3A_296 : i32
    %scan3A_298 = arith.constant 1 : i32
    scf.for %scan3A_339 = %scan3A_295 to %scan3A_297 step %scan3A_298  : i32 {
      %get3A = arith.index_cast %scan3A_339 : i32 to index
      %get3A_340 = arith.constant 0 : index
      %get3A_341 = tpu.vector_load %arg14[%get3A, %get3A_340] {strides = array<i32>} : memref<160x128xf32, #tpu.memory_space<vmem>>, vector<16xf32>,
      %add3A_342 = arith.constant 40 : i32
      %add3A_343 = arith.addi %add3A_342, %scan3A_339 : i32
      %get3A_344 = arith.index_cast %add3A_343 : i32 to index
      %get3A_345 = arith.constant 0 : index
      %get3A_346 = tpu.vector_load %arg14[%get3A_344, %get3A_345] {strides = array<i32>} : memref<160x128xf32, #tpu.memory_space<vmem>>, vector<16xf32>,
      %add3A_347 = arith.addf %get3A_341, %get3A_346 : vector<16xf32>
      %add3A_348 = arith.constant 80 : i32
      %add3A_349 = arith.addi %add3A_348, %scan3A_339 : i32
      %get3A_350 = arith.index_cast %add3A_349 : i32 to index
      %get3A_351 = arith.constant 0 : index
      %get3A_352 = tpu.vector_load %arg14[%get3A_350, %get3A_351] {strides = array<i32>} : memref<160x128xf32, #tpu.memory_space<vmem>>, vector<16xf32>,
      %add3A_353 = arith.addf %add3A_347, %get3A_352 : vector<16xf32>
      %add3A_354 = arith.constant 120 : i32
      %add3A_355 = arith.addi %add3A_354, %scan3A_339 : i32
      %get3A_356 = arith.index_cast %add3A_355 : i32 to index
      %get3A_357 = arith.constant 0 : index
      %get3A_358 = tpu.vector_load %arg14[%get3A_356, %get3A_357] {strides = array<i32>} : memref<160x128xf32, #tpu.memory_space<vmem>>, vector<16xf32>,
      %add3A_359 = arith.addf %add3A_353, %get3A_358 : vector<16xf32>
      %swap3A = arith.index_cast %scan3A_339 : i32 to index
      %swap3A_360 = arith.constant 0 : index
      %swap3A_361 = tpu.vector_load %arg14[%swap3A, %swap3A_360] {strides = array<i32>} : memref<160x128xf32, #tpu.memory_space<vmem>>, vector<16xf32>,
      tpu.vector_store %arg14[%swap3A, %swap3A_360], %add3A_359 {strides = array<i32>} : memref<160x128xf32, #tpu.memory_space<vmem>>, vector<16xf32>,
      %get3A_362 = arith.index_cast %scan3A_339 : i32 to index
      %get3A_363 = arith.constant 16 : index
      %get3A_364 = tpu.vector_load %arg14[%get3A_362, %get3A_363] {strides = array<i32>} : memref<160x128xf32, #tpu.memory_space<vmem>>, vector<16xf32>,
      %add3A_365 = arith.constant 40 : i32
      %add3A_366 = arith.addi %add3A_365, %scan3A_339 : i32
      %get3A_367 = arith.index_cast %add3A_366 : i32 to index
      %get3A_368 = arith.constant 16 : index
      %get3A_369 = tpu.vector_load %arg14[%get3A_367, %get3A_368] {strides = array<i32>} : memref<160x128xf32, #tpu.memory_space<vmem>>, vector<16xf32>,
      %add3A_370 = arith.addf %get3A_364, %get3A_369 : vector<16xf32>
      %add3A_371 = arith.constant 80 : i32
      %add3A_372 = arith.addi %add3A_371, %scan3A_339 : i32
      %get3A_373 = arith.index_cast %add3A_372 : i32 to index
      %get3A_374 = arith.constant 16 : index
      %get3A_375 = tpu.vector_load %arg14[%get3A_373, %get3A_374] {strides = array<i32>} : memref<160x128xf32, #tpu.memory_space<vmem>>, vector<16xf32>,
      %add3A_376 = arith.addf %add3A_370, %get3A_375 : vector<16xf32>
      %add3A_377 = arith.constant 120 : i32
      %add3A_378 = arith.addi %add3A_377, %scan3A_339 : i32
      %get3A_379 = arith.index_cast %add3A_378 : i32 to index
      %get3A_380 = arith.constant 16 : index
      %get3A_381 = tpu.vector_load %arg14[%get3A_379, %get3A_380] {strides = array<i32>} : memref<160x128xf32, #tpu.memory_space<vmem>>, vector<16xf32>,
      %add3A_382 = arith.addf %add3A_376, %get3A_381 : vector<16xf32>
      %swap3A_383 = arith.index_cast %scan3A_339 : i32 to index
      %swap3A_384 = arith.constant 16 : index
      %swap3A_385 = tpu.vector_load %arg14[%swap3A_383, %swap3A_384] {strides = array<i32>} : memref<160x128xf32, #tpu.memory_space<vmem>>, vector<16xf32>,
      tpu.vector_store %arg14[%swap3A_383, %swap3A_384], %add3A_382 {strides = array<i32>} : memref<160x128xf32, #tpu.memory_space<vmem>>, vector<16xf32>,
      %get3A_386 = arith.index_cast %scan3A_339 : i32 to index
      %get3A_387 = arith.constant 32 : index
      %get3A_388 = tpu.vector_load %arg14[%get3A_386, %get3A_387] {strides = array<i32>} : memref<160x128xf32, #tpu.memory_space<vmem>>, vector<16xf32>,
      %add3A_389 = arith.constant 40 : i32
      %add3A_390 = arith.addi %add3A_389, %scan3A_339 : i32
      %get3A_391 = arith.index_cast %add3A_390 : i32 to index
      %get3A_392 = arith.constant 32 : index
      %get3A_393 = tpu.vector_load %arg14[%get3A_391, %get3A_392] {strides = array<i32>} : memref<160x128xf32, #tpu.memory_space<vmem>>, vector<16xf32>,
      %add3A_394 = arith.addf %get3A_388, %get3A_393 : vector<16xf32>
      %add3A_395 = arith.constant 80 : i32
      %add3A_396 = arith.addi %add3A_395, %scan3A_339 : i32
      %get3A_397 = arith.index_cast %add3A_396 : i32 to index
      %get3A_398 = arith.constant 32 : index
      %get3A_399 = tpu.vector_load %arg14[%get3A_397, %get3A_398] {strides = array<i32>} : memref<160x128xf32, #tpu.memory_space<vmem>>, vector<16xf32>,
      %add3A_400 = arith.addf %add3A_394, %get3A_399 : vector<16xf32>
      %add3A_401 = arith.constant 120 : i32
      %add3A_402 = arith.addi %add3A_401, %scan3A_339 : i32
      %get3A_403 = arith.index_cast %add3A_402 : i32 to index
      %get3A_404 = arith.constant 32 : index
      %get3A_405 = tpu.vector_load %arg14[%get3A_403, %get3A_404] {strides = array<i32>} : memref<160x128xf32, #tpu.memory_space<vmem>>, vector<16xf32>,
      %add3A_406 = arith.addf %add3A_400, %get3A_405 : vector<16xf32>
      %swap3A_407 = arith.index_cast %scan3A_339 : i32 to index
      %swap3A_408 = arith.constant 32 : index
      %swap3A_409 = tpu.vector_load %arg14[%swap3A_407, %swap3A_408] {strides = array<i32>} : memref<160x128xf32, #tpu.memory_space<vmem>>, vector<16xf32>,
      tpu.vector_store %arg14[%swap3A_407, %swap3A_408], %add3A_406 {strides = array<i32>} : memref<160x128xf32, #tpu.memory_space<vmem>>, vector<16xf32>,
      %get3A_410 = arith.index_cast %scan3A_339 : i32 to index
      %get3A_411 = arith.constant 48 : index
      %get3A_412 = tpu.vector_load %arg14[%get3A_410, %get3A_411] {strides = array<i32>} : memref<160x128xf32, #tpu.memory_space<vmem>>, vector<16xf32>,
      %add3A_413 = arith.constant 40 : i32
      %add3A_414 = arith.addi %add3A_413, %scan3A_339 : i32
      %get3A_415 = arith.index_cast %add3A_414 : i32 to index
      %get3A_416 = arith.constant 48 : index
      %get3A_417 = tpu.vector_load %arg14[%get3A_415, %get3A_416] {strides = array<i32>} : memref<160x128xf32, #tpu.memory_space<vmem>>, vector<16xf32>,
      %add3A_418 = arith.addf %get3A_412, %get3A_417 : vector<16xf32>
      %add3A_419 = arith.constant 80 : i32
      %add3A_420 = arith.addi %add3A_419, %scan3A_339 : i32
      %get3A_421 = arith.index_cast %add3A_420 : i32 to index
      %get3A_422 = arith.constant 48 : index
      %get3A_423 = tpu.vector_load %arg14[%get3A_421, %get3A_422] {strides = array<i32>} : memref<160x128xf32, #tpu.memory_space<vmem>>, vector<16xf32>,
      %add3A_424 = arith.addf %add3A_418, %get3A_423 : vector<16xf32>
      %add3A_425 = arith.constant 120 : i32
      %add3A_426 = arith.addi %add3A_425, %scan3A_339 : i32
      %get3A_427 = arith.index_cast %add3A_426 : i32 to index
      %get3A_428 = arith.constant 48 : index
      %get3A_429 = tpu.vector_load %arg14[%get3A_427, %get3A_428] {strides = array<i32>} : memref<160x128xf32, #tpu.memory_space<vmem>>, vector<16xf32>,
      %add3A_430 = arith.addf %add3A_424, %get3A_429 : vector<16xf32>
      %swap3A_431 = arith.index_cast %scan3A_339 : i32 to index
      %swap3A_432 = arith.constant 48 : index
      %swap3A_433 = tpu.vector_load %arg14[%swap3A_431, %swap3A_432] {strides = array<i32>} : memref<160x128xf32, #tpu.memory_space<vmem>>, vector<16xf32>,
      tpu.vector_store %arg14[%swap3A_431, %swap3A_432], %add3A_430 {strides = array<i32>} : memref<160x128xf32, #tpu.memory_space<vmem>>, vector<16xf32>,
      %get3A_434 = arith.index_cast %scan3A_339 : i32 to index
      %get3A_435 = arith.constant 64 : index
      %get3A_436 = tpu.vector_load %arg14[%get3A_434, %get3A_435] {strides = array<i32>} : memref<160x128xf32, #tpu.memory_space<vmem>>, vector<16xf32>,
      %add3A_437 = arith.constant 40 : i32
      %add3A_438 = arith.addi %add3A_437, %scan3A_339 : i32
      %get3A_439 = arith.index_cast %add3A_438 : i32 to index
      %get3A_440 = arith.constant 64 : index
      %get3A_441 = tpu.vector_load %arg14[%get3A_439, %get3A_440] {strides = array<i32>} : memref<160x128xf32, #tpu.memory_space<vmem>>, vector<16xf32>,
      %add3A_442 = arith.addf %get3A_436, %get3A_441 : vector<16xf32>
      %add3A_443 = arith.constant 80 : i32
      %add3A_444 = arith.addi %add3A_443, %scan3A_339 : i32
      %get3A_445 = arith.index_cast %add3A_444 : i32 to index
      %get3A_446 = arith.constant 64 : index
      %get3A_447 = tpu.vector_load %arg14[%get3A_445, %get3A_446] {strides = array<i32>} : memref<160x128xf32, #tpu.memory_space<vmem>>, vector<16xf32>,
      %add3A_448 = arith.addf %add3A_442, %get3A_447 : vector<16xf32>
      %add3A_449 = arith.constant 120 : i32
      %add3A_450 = arith.addi %add3A_449, %scan3A_339 : i32
      %get3A_451 = arith.index_cast %add3A_450 : i32 to index
      %get3A_452 = arith.constant 64 : index
      %get3A_453 = tpu.vector_load %arg14[%get3A_451, %get3A_452] {strides = array<i32>} : memref<160x128xf32, #tpu.memory_space<vmem>>, vector<16xf32>,
      %add3A_454 = arith.addf %add3A_448, %get3A_453 : vector<16xf32>
      %swap3A_455 = arith.index_cast %scan3A_339 : i32 to index
      %swap3A_456 = arith.constant 64 : index
      %swap3A_457 = tpu.vector_load %arg14[%swap3A_455, %swap3A_456] {strides = array<i32>} : memref<160x128xf32, #tpu.memory_space<vmem>>, vector<16xf32>,
      tpu.vector_store %arg14[%swap3A_455, %swap3A_456], %add3A_454 {strides = array<i32>} : memref<160x128xf32, #tpu.memory_space<vmem>>, vector<16xf32>,
      %get3A_458 = arith.index_cast %scan3A_339 : i32 to index
      %get3A_459 = arith.constant 80 : index
      %get3A_460 = tpu.vector_load %arg14[%get3A_458, %get3A_459] {strides = array<i32>} : memref<160x128xf32, #tpu.memory_space<vmem>>, vector<16xf32>,
      %add3A_461 = arith.constant 40 : i32
      %add3A_462 = arith.addi %add3A_461, %scan3A_339 : i32
      %get3A_463 = arith.index_cast %add3A_462 : i32 to index
      %get3A_464 = arith.constant 80 : index
      %get3A_465 = tpu.vector_load %arg14[%get3A_463, %get3A_464] {strides = array<i32>} : memref<160x128xf32, #tpu.memory_space<vmem>>, vector<16xf32>,
      %add3A_466 = arith.addf %get3A_460, %get3A_465 : vector<16xf32>
      %add3A_467 = arith.constant 80 : i32
      %add3A_468 = arith.addi %add3A_467, %scan3A_339 : i32
      %get3A_469 = arith.index_cast %add3A_468 : i32 to index
      %get3A_470 = arith.constant 80 : index
      %get3A_471 = tpu.vector_load %arg14[%get3A_469, %get3A_470] {strides = array<i32>} : memref<160x128xf32, #tpu.memory_space<vmem>>, vector<16xf32>,
      %add3A_472 = arith.addf %add3A_466, %get3A_471 : vector<16xf32>
      %add3A_473 = arith.constant 120 : i32
      %add3A_474 = arith.addi %add3A_473, %scan3A_339 : i32
      %get3A_475 = arith.index_cast %add3A_474 : i32 to index
      %get3A_476 = arith.constant 80 : index
      %get3A_477 = tpu.vector_load %arg14[%get3A_475, %get3A_476] {strides = array<i32>} : memref<160x128xf32, #tpu.memory_space<vmem>>, vector<16xf32>,
      %add3A_478 = arith.addf %add3A_472, %get3A_477 : vector<16xf32>
      %swap3A_479 = arith.index_cast %scan3A_339 : i32 to index
      %swap3A_480 = arith.constant 80 : index
      %swap3A_481 = tpu.vector_load %arg14[%swap3A_479, %swap3A_480] {strides = array<i32>} : memref<160x128xf32, #tpu.memory_space<vmem>>, vector<16xf32>,
      tpu.vector_store %arg14[%swap3A_479, %swap3A_480], %add3A_478 {strides = array<i32>} : memref<160x128xf32, #tpu.memory_space<vmem>>, vector<16xf32>,
      %get3A_482 = arith.index_cast %scan3A_339 : i32 to index
      %get3A_483 = arith.constant 96 : index
      %get3A_484 = tpu.vector_load %arg14[%get3A_482, %get3A_483] {strides = array<i32>} : memref<160x128xf32, #tpu.memory_space<vmem>>, vector<16xf32>,
      %add3A_485 = arith.constant 40 : i32
      %add3A_486 = arith.addi %add3A_485, %scan3A_339 : i32
      %get3A_487 = arith.index_cast %add3A_486 : i32 to index
      %get3A_488 = arith.constant 96 : index
      %get3A_489 = tpu.vector_load %arg14[%get3A_487, %get3A_488] {strides = array<i32>} : memref<160x128xf32, #tpu.memory_space<vmem>>, vector<16xf32>,
      %add3A_490 = arith.addf %get3A_484, %get3A_489 : vector<16xf32>
      %add3A_491 = arith.constant 80 : i32
      %add3A_492 = arith.addi %add3A_491, %scan3A_339 : i32
      %get3A_493 = arith.index_cast %add3A_492 : i32 to index
      %get3A_494 = arith.constant 96 : index
      %get3A_495 = tpu.vector_load %arg14[%get3A_493, %get3A_494] {strides = array<i32>} : memref<160x128xf32, #tpu.memory_space<vmem>>, vector<16xf32>,
      %add3A_496 = arith.addf %add3A_490, %get3A_495 : vector<16xf32>
      %add3A_497 = arith.constant 120 : i32
      %add3A_498 = arith.addi %add3A_497, %scan3A_339 : i32
      %get3A_499 = arith.index_cast %add3A_498 : i32 to index
      %get3A_500 = arith.constant 96 : index
      %get3A_501 = tpu.vector_load %arg14[%get3A_499, %get3A_500] {strides = array<i32>} : memref<160x128xf32, #tpu.memory_space<vmem>>, vector<16xf32>,
      %add3A_502 = arith.addf %add3A_496, %get3A_501 : vector<16xf32>
      %swap3A_503 = arith.index_cast %scan3A_339 : i32 to index
      %swap3A_504 = arith.constant 96 : index
      %swap3A_505 = tpu.vector_load %arg14[%swap3A_503, %swap3A_504] {strides = array<i32>} : memref<160x128xf32, #tpu.memory_space<vmem>>, vector<16xf32>,
      tpu.vector_store %arg14[%swap3A_503, %swap3A_504], %add3A_502 {strides = array<i32>} : memref<160x128xf32, #tpu.memory_space<vmem>>, vector<16xf32>,
      %get3A_506 = arith.index_cast %scan3A_339 : i32 to index
      %get3A_507 = arith.constant 112 : index
      %get3A_508 = tpu.vector_load %arg14[%get3A_506, %get3A_507] {strides = array<i32>} : memref<160x128xf32, #tpu.memory_space<vmem>>, vector<16xf32>,
      %add3A_509 = arith.constant 40 : i32
      %add3A_510 = arith.addi %add3A_509, %scan3A_339 : i32
      %get3A_511 = arith.index_cast %add3A_510 : i32 to index
      %get3A_512 = arith.constant 112 : index
      %get3A_513 = tpu.vector_load %arg14[%get3A_511, %get3A_512] {strides = array<i32>} : memref<160x128xf32, #tpu.memory_space<vmem>>, vector<16xf32>,
      %add3A_514 = arith.addf %get3A_508, %get3A_513 : vector<16xf32>
      %add3A_515 = arith.constant 80 : i32
      %add3A_516 = arith.addi %add3A_515, %scan3A_339 : i32
      %get3A_517 = arith.index_cast %add3A_516 : i32 to index
      %get3A_518 = arith.constant 112 : index
      %get3A_519 = tpu.vector_load %arg14[%get3A_517, %get3A_518] {strides = array<i32>} : memref<160x128xf32, #tpu.memory_space<vmem>>, vector<16xf32>,
      %add3A_520 = arith.addf %add3A_514, %get3A_519 : vector<16xf32>
      %add3A_521 = arith.constant 120 : i32
      %add3A_522 = arith.addi %add3A_521, %scan3A_339 : i32
      %get3A_523 = arith.index_cast %add3A_522 : i32 to index
      %get3A_524 = arith.constant 112 : index
      %get3A_525 = tpu.vector_load %arg14[%get3A_523, %get3A_524] {strides = array<i32>} : memref<160x128xf32, #tpu.memory_space<vmem>>, vector<16xf32>,
      %add3A_526 = arith.addf %add3A_520, %get3A_525 : vector<16xf32>
      %swap3A_527 = arith.index_cast %scan3A_339 : i32 to index
      %swap3A_528 = arith.constant 112 : index
      %swap3A_529 = tpu.vector_load %arg14[%swap3A_527, %swap3A_528] {strides = array<i32>} : memref<160x128xf32, #tpu.memory_space<vmem>>, vector<16xf32>,
      tpu.vector_store %arg14[%swap3A_527, %swap3A_528], %add3A_526 {strides = array<i32>} : memref<160x128xf32, #tpu.memory_space<vmem>>, vector<16xf32>,
    }
    %scan3A_299 = arith.constant 40 : i32
    %barrier3A_300 = arith.constant 0 : index
    tpu.barrier barrier_id(%barrier3A_300)
    %dma_start3A_301 = arith.constant 0 : i32
    %dma_start3A_302 = tpu.memref_slice %arg6[%arg0, %mul3A_23, %dma_start3A_301] : memref<2x5120x128xf32, #tpu.memory_space<hbm>> -> memref<1x320x128xf32, #tpu.memory_space<hbm>>
    %dma_start3A_303 = tpu.memref_squeeze %dma_start3A_302 : memref<1x320x128xf32, #tpu.memory_space<hbm>> -> memref<320x128xf32, #tpu.memory_space<hbm>>
    %dma_start3A_304 = arith.constant 0 : i32
    %dma_start3A_305 = tpu.memref_slice %arg24[%mul3A_23, %dma_start3A_304] : memref<5120x128xf32, #tpu.memory_space<vmem_shared>> -> memref<320x128xf32, #tpu.memory_space<vmem_shared>>
    tpu.enqueue_dma source(%dma_start3A_305 : memref<320x128xf32, #tpu.memory_space<vmem_shared>>) target(%dma_start3A_303 : memref<320x128xf32, #tpu.memory_space<hbm>>) target_semaphore(%arg23 : memref<!tpu.dma_semaphore, #tpu.memory_space<semaphore_mem>>)
    %dma_start3A_306 = arith.constant 0 : i32
    %dma_start3A_307 = arith.constant 0 : i32
    %dma_start3A_308 = tpu.memref_slice %arg14[%dma_start3A_306, %dma_start3A_307] : memref<160x128xf32, #tpu.memory_space<vmem>> -> memref<40x128xf32, #tpu.memory_space<vmem>>
    %dma_start3A_309 = arith.constant 0 : i32
    %dma_start3A_310 = arith.constant 0 : i32
    %dma_start3A_311 = tpu.memref_slice %arg7[%add3A, %dma_start3A_309, %dma_start3A_310] : memref<32x40x128xf32, #tpu.memory_space<hbm>> -> memref<1x40x128xf32, #tpu.memory_space<hbm>>
    %dma_start3A_312 = tpu.memref_squeeze %dma_start3A_311 : memref<1x40x128xf32, #tpu.memory_space<hbm>> -> memref<40x128xf32, #tpu.memory_space<hbm>>
    %dma_start3A_313 = arith.constant 0 : i32
    %dma_start3A_314 = arith.constant 0 : i32
    %dma_start3A_315 = tpu.memref_slice %arg7[%add3A, %dma_start3A_313, %dma_start3A_314] : memref<32x40x128xf32, #tpu.memory_space<hbm>> -> memref<1x40x128xf32, #tpu.memory_space<hbm>>
    %dma_start3A_316 = tpu.memref_squeeze %dma_start3A_315 : memref<1x40x128xf32, #tpu.memory_space<hbm>> -> memref<40x128xf32, #tpu.memory_space<hbm>>
    %dma_start3A_317 = arith.constant 0 : i32
    %dma_start3A_318 = arith.constant 0 : i32
    %dma_start3A_319 = tpu.memref_slice %arg14[%dma_start3A_317, %dma_start3A_318] : memref<160x128xf32, #tpu.memory_space<vmem>> -> memref<40x128xf32, #tpu.memory_space<vmem>>
    tpu.enqueue_dma source(%dma_start3A_319 : memref<40x128xf32, #tpu.memory_space<vmem>>) target(%dma_start3A_316 : memref<40x128xf32, #tpu.memory_space<hbm>>) target_semaphore(%arg23 : memref<!tpu.dma_semaphore, #tpu.memory_space<semaphore_mem>>)
    %dma_wait3A_320 = arith.constant 0 : i32
    %dma_wait3A_321 = tpu.memref_slice %arg6[%arg0, %mul3A_23, %dma_wait3A_320] : memref<2x5120x128xf32, #tpu.memory_space<hbm>> -> memref<1x320x128xf32, #tpu.memory_space<hbm>>
    %dma_wait3A_322 = tpu.memref_squeeze %dma_wait3A_321 : memref<1x320x128xf32, #tpu.memory_space<hbm>> -> memref<320x128xf32, #tpu.memory_space<hbm>>
    %dma_wait3A_323 = arith.constant 0 : i32
    %dma_wait3A_324 = tpu.memref_slice %arg24[%mul3A_23, %dma_wait3A_323] : memref<5120x128xf32, #tpu.memory_space<vmem_shared>> -> memref<320x128xf32, #tpu.memory_space<vmem_shared>>
    tpu.wait_dma2 semaphore(%arg23 : memref<!tpu.dma_semaphore, #tpu.memory_space<semaphore_mem>>) src(%dma_wait3A_324 : memref<320x128xf32, #tpu.memory_space<vmem_shared>>) dst(%dma_wait3A_322 : memref<320x128xf32, #tpu.memory_space<hbm>>)
    %dma_wait3A_325 = arith.constant 0 : i32
    %dma_wait3A_326 = arith.constant 0 : i32
    %dma_wait3A_327 = tpu.memref_slice %arg14[%dma_wait3A_325, %dma_wait3A_326] : memref<160x128xf32, #tpu.memory_space<vmem>> -> memref<40x128xf32, #tpu.memory_space<vmem>>
    %dma_wait3A_328 = arith.constant 0 : i32
    %dma_wait3A_329 = arith.constant 0 : i32
    %dma_wait3A_330 = tpu.memref_slice %arg7[%add3A, %dma_wait3A_328, %dma_wait3A_329] : memref<32x40x128xf32, #tpu.memory_space<hbm>> -> memref<1x40x128xf32, #tpu.memory_space<hbm>>
    %dma_wait3A_331 = tpu.memref_squeeze %dma_wait3A_330 : memref<1x40x128xf32, #tpu.memory_space<hbm>> -> memref<40x128xf32, #tpu.memory_space<hbm>>
    %dma_wait3A_332 = arith.constant 0 : i32
    %dma_wait3A_333 = arith.constant 0 : i32
    %dma_wait3A_334 = tpu.memref_slice %arg7[%add3A, %dma_wait3A_332, %dma_wait3A_333] : memref<32x40x128xf32, #tpu.memory_space<hbm>> -> memref<1x40x128xf32, #tpu.memory_space<hbm>>
    %dma_wait3A_335 = tpu.memref_squeeze %dma_wait3A_334 : memref<1x40x128xf32, #tpu.memory_space<hbm>> -> memref<40x128xf32, #tpu.memory_space<hbm>>
    %dma_wait3A_336 = arith.constant 0 : i32
    %dma_wait3A_337 = arith.constant 0 : i32
    %dma_wait3A_338 = tpu.memref_slice %arg14[%dma_wait3A_336, %dma_wait3A_337] : memref<160x128xf32, #tpu.memory_space<vmem>> -> memref<40x128xf32, #tpu.memory_space<vmem>>
    tpu.wait_dma2 semaphore(%arg23 : memref<!tpu.dma_semaphore, #tpu.memory_space<semaphore_mem>>) src(%dma_wait3A_338 : memref<40x128xf32, #tpu.memory_space<vmem>>) dst(%dma_wait3A_335 : memref<40x128xf32, #tpu.memory_space<hbm>>)
    return
  }
}

module attributes {stable_mosaic.version = 14 : i64} {
  func.func @body(%arg0: i32, %arg1: memref<2x1024x128xf32, #tpu.memory_space<vmem>>, %arg2: memref<32x8x128xf32, #tpu.memory_space<vmem>>, %arg3: memref<1024x128xf32, #tpu.memory_space<vmem>>, %arg4: memref<128x128xf32, #tpu.memory_space<vmem>>, %arg5: memref<1x128xf32, #tpu.memory_space<vmem>>, %arg6: memref<128x128xf32, #tpu.memory_space<vmem>>, %arg7: memref<1024x128xf32, #tpu.memory_space<vmem>>) attributes {dimension_semantics = [#tpu.dimension_semantics<arbitrary>], iteration_bounds = array<i64: 3>, scalar_prefetch = 0 : i64, scratch_operands = 0 : i64, tpu.core_type = #tpu.core_type<tc>, window_params = [{transform_indices = @transform_0, window_bounds = array<i64: 2, 1024, 128>}, {transform_indices = @transform_1, window_bounds = array<i64: 32, 8, 128>}, {transform_indices = @transform_2, window_bounds = array<i64: 1024, 128>}, {pipeline_mode = #tpu.pipeline_mode<synchronous>, transform_indices = @transform_3, window_bounds = array<i64: 128, 128>}, {pipeline_mode = #tpu.pipeline_mode<synchronous>, transform_indices = @transform_4, window_bounds = array<i64: 1, 128>}, {pipeline_mode = #tpu.pipeline_mode<synchronous>, transform_indices = @transform_5, window_bounds = array<i64: 128, 128>}, {transform_indices = @transform_6, window_bounds = array<i64: 1024, 128>}]} {
    %get3A = arith.constant 0 : index
    %get3A_0 = arith.constant 0 : index
    %get3A_1 = arith.constant 0 : index
    %get3A_2 = vector.load %arg1[%get3A, %get3A_0, %get3A_1] : memref<2x1024x128xf32, #tpu.memory_space<vmem>>, vector<1x1024x128xf32>
    %get3A_3 = vector.shape_cast %get3A_2 : vector<1x1024x128xf32> to vector<1024x128xf32>
    %get3A_4 = arith.constant 1 : index
    %get3A_5 = arith.constant 0 : index
    %get3A_6 = arith.constant 0 : index
    %get3A_7 = vector.load %arg1[%get3A_4, %get3A_5, %get3A_6] : memref<2x1024x128xf32, #tpu.memory_space<vmem>>, vector<1x1024x128xf32>
    %get3A_8 = vector.shape_cast %get3A_7 : vector<1x1024x128xf32> to vector<1024x128xf32>
    %add3A = arith.addf %get3A_3, %get3A_8 : vector<1024x128xf32>
    %get3A_9 = arith.constant 0 : index
    %get3A_10 = arith.constant 0 : index
    %get3A_11 = arith.constant 0 : index
    %get3A_12 = vector.load %arg2[%get3A_9, %get3A_10, %get3A_11] : memref<32x8x128xf32, #tpu.memory_space<vmem>>, vector<32x8x128xf32>
    %reduce_sum3A = arith.constant dense<0.000000e+00> : vector<8x128xf32>
    %reduce_sum3A_13 = vector.multi_reduction <add>, %get3A_12, %reduce_sum3A [0] : vector<32x8x128xf32> to vector<8x128xf32>
    %iota3A = tpu.iota {dimensions = array<i32: 0>} : vector<1024x8xi32>
    %jit3A = arith.constant 128 : i32
    %div3A = vector.broadcast %jit3A : i32 to vector<1024x8xi32>
    %div3A_14 = arith.divsi %iota3A, %div3A : vector<1024x8xi32>
    %sign3A = arith.constant 0 : i32
    %sign3A_15 = vector.broadcast %sign3A : i32 to vector<1024x8xi32>
    %sign3A_16 = arith.cmpi sgt, %iota3A, %sign3A_15 : vector<1024x8xi32>
    %sign3A_17 = arith.extui %sign3A_16 : vector<1024x8xi1> to vector<1024x8xi32>
    %sign3A_18 = arith.constant 0 : i32
    %sign3A_19 = vector.broadcast %sign3A_18 : i32 to vector<1024x8xi32>
    %sign3A_20 = arith.cmpi slt, %iota3A, %sign3A_19 : vector<1024x8xi32>
    %sign3A_21 = arith.extui %sign3A_20 : vector<1024x8xi1> to vector<1024x8xi32>
    %sign3A_22 = arith.subi %sign3A_17, %sign3A_21 : vector<1024x8xi32>
    %sign3A_23 = arith.constant 0 : i32
    %sign3A_24 = arith.cmpi sgt, %jit3A, %sign3A_23 : i32
    %sign3A_25 = arith.extui %sign3A_24 : i1 to i32
    %sign3A_26 = arith.constant 0 : i32
    %sign3A_27 = arith.cmpi slt, %jit3A, %sign3A_26 : i32
    %sign3A_28 = arith.extui %sign3A_27 : i1 to i32
    %sign3A_29 = arith.subi %sign3A_25, %sign3A_28 : i32
    %ne3A = vector.broadcast %sign3A_29 : i32 to vector<1024x8xi32>
    %ne3A_30 = arith.cmpi ne, %sign3A_22, %ne3A : vector<1024x8xi32>
    %rem3A = vector.broadcast %jit3A : i32 to vector<1024x8xi32>
    %rem3A_31 = arith.remsi %iota3A, %rem3A : vector<1024x8xi32>
    %ne3A_32 = arith.constant 0 : i32
    %ne3A_33 = vector.broadcast %ne3A_32 : i32 to vector<1024x8xi32>
    %ne3A_34 = arith.cmpi ne, %rem3A_31, %ne3A_33 : vector<1024x8xi32>
    %and3A = arith.andi %ne3A_30, %ne3A_34 : vector<1024x8xi1>
    %sub3A = arith.constant 1 : i32
    %sub3A_35 = vector.broadcast %sub3A : i32 to vector<1024x8xi32>
    %sub3A_36 = arith.subi %div3A_14, %sub3A_35 : vector<1024x8xi32>
    %select_n3A = arith.select %and3A, %sub3A_36, %div3A_14 : vector<1024x8xi1>, vector<1024x8xi32>
    %iota3A_37 = tpu.iota {dimensions = array<i32: 1>} : vector<1024x8xi32>
    %eq3A = arith.cmpi eq, %select_n3A, %iota3A_37 : vector<1024x8xi32>
    %convert_element_type3A = arith.extui %eq3A : vector<1024x8xi1> to vector<1024x8xi32>
    %convert_element_type3A_38 = arith.sitofp %convert_element_type3A : vector<1024x8xi32> to vector<1024x8xf32>
    %dot_general3A = arith.constant dense<0.000000e+00> : vector<1024x128xf32>
    %dot_general3A_39 = tpu.matmul %convert_element_type3A_38, %reduce_sum3A_13, %dot_general3A {dimension_numbers = #tpu.dot_dimension_numbers<[1], [0], [0], [1], [0, 0, 1, 1], [], []>, transpose_lhs_hint = false} : vector<1024x8xf32>, vector<8x128xf32>, vector<1024x128xf32> -> vector<1024x128xf32>
    %iota3A_40 = tpu.iota {dimensions = array<i32: 0>} : vector<1024x128xi32>
    %jit3A_41 = arith.constant 128 : i32
    %eq3A_42 = arith.constant 0 : i32
    %eq3A_43 = arith.cmpi eq, %jit3A_41, %eq3A_42 : i32
    %jit3A_44 = arith.constant 1 : i32
    %select_n3A_45 = arith.select %eq3A_43, %jit3A_44, %jit3A_41 : i32
    %rem3A_46 = vector.broadcast %select_n3A_45 : i32 to vector<1024x128xi32>
    %rem3A_47 = arith.remsi %iota3A_40, %rem3A_46 : vector<1024x128xi32>
    %ne3A_48 = arith.constant 0 : i32
    %ne3A_49 = vector.broadcast %ne3A_48 : i32 to vector<1024x128xi32>
    %ne3A_50 = arith.cmpi ne, %rem3A_47, %ne3A_49 : vector<1024x128xi32>
    %lt3A = arith.constant 0 : i32
    %lt3A_51 = vector.broadcast %lt3A : i32 to vector<1024x128xi32>
    %lt3A_52 = arith.cmpi slt, %rem3A_47, %lt3A_51 : vector<1024x128xi32>
    %lt3A_53 = arith.constant 0 : i32
    %lt3A_54 = arith.cmpi slt, %select_n3A_45, %lt3A_53 : i32
    %ne3A_55 = vector.broadcast %lt3A_54 : i1 to vector<1024x128xi1>
    %ne3A_56 = vector.broadcast %ne3A_55 : vector<1024x128xi1> to vector<1024x128xi1>
    %ne3A_57 = arith.xori %lt3A_52, %ne3A_56 : vector<1024x128xi1>
    %and3A_58 = arith.andi %ne3A_57, %ne3A_50 : vector<1024x128xi1>
    %add3A_59 = vector.broadcast %select_n3A_45 : i32 to vector<1024x128xi32>
    %add3A_60 = arith.addi %rem3A_47, %add3A_59 : vector<1024x128xi32>
    %select_n3A_61 = arith.select %and3A_58, %add3A_60, %rem3A_47 : vector<1024x128xi1>, vector<1024x128xi32>
    %iota3A_62 = tpu.iota {dimensions = array<i32: 1>} : vector<1024x128xi32>
    %eq3A_63 = arith.cmpi eq, %select_n3A_61, %iota3A_62 : vector<1024x128xi32>
    %jit3A_64 = arith.constant 0.000000e+00 : f32
    %broadcast_in_dim3A = vector.broadcast %jit3A_64 : f32 to vector<1024x128xf32>
    %select_n3A_65 = arith.select %eq3A_63, %dot_general3A_39, %broadcast_in_dim3A : vector<1024x128xi1>, vector<1024x128xf32>
    %reduce_sum3A_66 = arith.constant dense<0.000000e+00> : vector<1024xf32>
    %reduce_sum3A_67 = vector.multi_reduction <add>, %select_n3A_65, %reduce_sum3A_66 [1] : vector<1024x128xf32> to vector<1024xf32>
    %broadcast_in_dim3A_68 = vector.shape_cast %reduce_sum3A_67 : vector<1024xf32> to vector<1024x1xf32>
    %max3A = arith.constant 1.000000e+00 : f32
    %max3A_69 = vector.broadcast %max3A : f32 to vector<1024x1xf32>
    %max3A_70 = arith.maximumf %broadcast_in_dim3A_68, %max3A_69 : vector<1024x1xf32>
    %div3A_71 = vector.broadcast %max3A_70 : vector<1024x1xf32> to vector<1024x128xf32>
    %div3A_72 = arith.divf %add3A, %div3A_71 : vector<1024x128xf32>
    %get3A_73 = arith.constant 0 : index
    %get3A_74 = arith.constant 0 : index
    %get3A_75 = vector.load %arg4[%get3A_73, %get3A_74] : memref<128x128xf32, #tpu.memory_space<vmem>>, vector<128x128xf32>
    %dot_general3A_76 = arith.constant dense<0.000000e+00> : vector<1024x128xf32>
    %dot_general3A_77 = tpu.matmul %div3A_72, %get3A_75, %dot_general3A_76 {dimension_numbers = #tpu.dot_dimension_numbers<[1], [0], [0], [1], [0, 0, 1, 1], [], []>, transpose_lhs_hint = false} : vector<1024x128xf32>, vector<128x128xf32>, vector<1024x128xf32> -> vector<1024x128xf32>
    %get3A_78 = arith.constant 0 : index
    %get3A_79 = arith.constant 0 : index
    %get3A_80 = vector.load %arg5[%get3A_78, %get3A_79] : memref<1x128xf32, #tpu.memory_space<vmem>>, vector<1x128xf32>
    %add3A_81 = vector.broadcast %get3A_80 : vector<1x128xf32> to vector<1024x128xf32>
    %add3A_82 = arith.addf %dot_general3A_77, %add3A_81 : vector<1024x128xf32>
    %get3A_83 = arith.constant 0 : index
    %get3A_84 = arith.constant 0 : index
    %get3A_85 = vector.load %arg3[%get3A_83, %get3A_84] : memref<1024x128xf32, #tpu.memory_space<vmem>>, vector<1024x128xf32>
    %get3A_86 = arith.constant 0 : index
    %get3A_87 = arith.constant 0 : index
    %get3A_88 = vector.load %arg6[%get3A_86, %get3A_87] : memref<128x128xf32, #tpu.memory_space<vmem>>, vector<128x128xf32>
    %dot_general3A_89 = arith.constant dense<0.000000e+00> : vector<1024x128xf32>
    %dot_general3A_90 = tpu.matmul %get3A_85, %get3A_88, %dot_general3A_89 {dimension_numbers = #tpu.dot_dimension_numbers<[1], [0], [0], [1], [0, 0, 1, 1], [], []>, transpose_lhs_hint = false} : vector<1024x128xf32>, vector<128x128xf32>, vector<1024x128xf32> -> vector<1024x128xf32>
    %add3A_91 = arith.addf %add3A_82, %dot_general3A_90 : vector<1024x128xf32>
    %max3A_92 = arith.constant 0.000000e+00 : f32
    %max3A_93 = vector.broadcast %max3A_92 : f32 to vector<1024x128xf32>
    %max3A_94 = arith.maximumf %add3A_91, %max3A_93 : vector<1024x128xf32>
    %swap3A = arith.constant 0 : index
    %swap3A_95 = arith.constant 0 : index
    %swap3A_96 = vector.load %arg7[%swap3A, %swap3A_95] : memref<1024x128xf32, #tpu.memory_space<vmem>>, vector<1024x128xf32>
    tpu.vector_store %arg7[%swap3A, %swap3A_95], %max3A_94 {strides = array<i32>} : memref<1024x128xf32, #tpu.memory_space<vmem>>, vector<1024x128xf32>,
    return
  }
  func.func @transform_0(%arg0: i32) -> (i32, i32, i32) {
    %add3A = arith.constant 2 : i32
    %add3A_0 = arith.addi %arg0, %add3A : i32
    %c0_i32 = arith.constant 0 : i32
    %c0_i32_1 = arith.constant 0 : i32
    %c0_i32_2 = arith.constant 0 : i32
    return %c0_i32, %add3A_0, %c0_i32_1 : i32, i32, i32
  }
  func.func @transform_1(%arg0: i32) -> (i32, i32, i32) {
    %add3A = arith.constant 2 : i32
    %add3A_0 = arith.addi %arg0, %add3A : i32
    %c0_i32 = arith.constant 0 : i32
    %c0_i32_1 = arith.constant 0 : i32
    %c0_i32_2 = arith.constant 0 : i32
    return %c0_i32, %add3A_0, %c0_i32_1 : i32, i32, i32
  }
  func.func @transform_2(%arg0: i32) -> (i32, i32) {
    %add3A = arith.constant 2 : i32
    %add3A_0 = arith.addi %arg0, %add3A : i32
    %c0_i32 = arith.constant 0 : i32
    %c0_i32_1 = arith.constant 0 : i32
    return %add3A_0, %c0_i32 : i32, i32
  }
  func.func @transform_3(%arg0: i32) -> (i32, i32) {
    %c0_i32 = arith.constant 0 : i32
    %c0_i32_0 = arith.constant 0 : i32
    %c0_i32_1 = arith.constant 0 : i32
    return %c0_i32, %c0_i32_0 : i32, i32
  }
  func.func @transform_4(%arg0: i32) -> (i32, i32) {
    %c0_i32 = arith.constant 0 : i32
    %c0_i32_0 = arith.constant 0 : i32
    %c0_i32_1 = arith.constant 0 : i32
    return %c0_i32, %c0_i32_0 : i32, i32
  }
  func.func @transform_5(%arg0: i32) -> (i32, i32) {
    %c0_i32 = arith.constant 0 : i32
    %c0_i32_0 = arith.constant 0 : i32
    %c0_i32_1 = arith.constant 0 : i32
    return %c0_i32, %c0_i32_0 : i32, i32
  }
  func.func @transform_6(%arg0: i32) -> (i32, i32) {
    %c0_i32 = arith.constant 0 : i32
    %c0_i32_0 = arith.constant 0 : i32
    return %arg0, %c0_i32 : i32, i32
  }
}

module attributes {stable_mosaic.version = 14 : i64} {
  func.func @body(%arg0: i32, %arg1: memref<2x1024x128xf32, #tpu.memory_space<vmem>>, %arg2: memref<32x8x128xf32, #tpu.memory_space<vmem>>, %arg3: memref<1024x128xf32, #tpu.memory_space<vmem>>, %arg4: memref<128x128xf32, #tpu.memory_space<vmem>>, %arg5: memref<1x128xf32, #tpu.memory_space<vmem>>, %arg6: memref<128x128xf32, #tpu.memory_space<vmem>>, %arg7: memref<1024x128xf32, #tpu.memory_space<vmem>>) attributes {dimension_semantics = [#tpu.dimension_semantics<arbitrary>], iteration_bounds = array<i64: 2>, scalar_prefetch = 0 : i64, scratch_operands = 0 : i64, tpu.core_type = #tpu.core_type<tc>, window_params = [{transform_indices = @transform_0, window_bounds = array<i64: 2, 1024, 128>}, {transform_indices = @transform_1, window_bounds = array<i64: 32, 8, 128>}, {transform_indices = @transform_2, window_bounds = array<i64: 1024, 128>}, {pipeline_mode = #tpu.pipeline_mode<synchronous>, transform_indices = @transform_3, window_bounds = array<i64: 128, 128>}, {pipeline_mode = #tpu.pipeline_mode<synchronous>, transform_indices = @transform_4, window_bounds = array<i64: 1, 128>}, {pipeline_mode = #tpu.pipeline_mode<synchronous>, transform_indices = @transform_5, window_bounds = array<i64: 128, 128>}, {transform_indices = @transform_6, window_bounds = array<i64: 1024, 128>}]} {
    %get3A = arith.constant 0 : index
    %get3A_0 = arith.constant 0 : index
    %get3A_1 = arith.constant 0 : index
    %get3A_2 = vector.load %arg1[%get3A, %get3A_0, %get3A_1] : memref<2x1024x128xf32, #tpu.memory_space<vmem>>, vector<1x1024x128xf32>
    %get3A_3 = vector.shape_cast %get3A_2 : vector<1x1024x128xf32> to vector<1024x128xf32>
    %get3A_4 = arith.constant 1 : index
    %get3A_5 = arith.constant 0 : index
    %get3A_6 = arith.constant 0 : index
    %get3A_7 = vector.load %arg1[%get3A_4, %get3A_5, %get3A_6] : memref<2x1024x128xf32, #tpu.memory_space<vmem>>, vector<1x1024x128xf32>
    %get3A_8 = vector.shape_cast %get3A_7 : vector<1x1024x128xf32> to vector<1024x128xf32>
    %add3A = arith.addf %get3A_3, %get3A_8 : vector<1024x128xf32>
    %get3A_9 = arith.constant 0 : index
    %get3A_10 = arith.constant 0 : index
    %get3A_11 = arith.constant 0 : index
    %get3A_12 = vector.load %arg2[%get3A_9, %get3A_10, %get3A_11] : memref<32x8x128xf32, #tpu.memory_space<vmem>>, vector<32x8x128xf32>
    %reduce_sum3A = arith.constant dense<0.000000e+00> : vector<8x128xf32>
    %reduce_sum3A_13 = vector.multi_reduction <add>, %get3A_12, %reduce_sum3A [0] : vector<32x8x128xf32> to vector<8x128xf32>
    %iota3A = tpu.iota {dimensions = array<i32: 0>} : vector<1024x8xi32>
    %jit3A = arith.constant 128 : i32
    %div3A = vector.broadcast %jit3A : i32 to vector<1024x8xi32>
    %div3A_14 = arith.divsi %iota3A, %div3A : vector<1024x8xi32>
    %sign3A = arith.constant 0 : i32
    %sign3A_15 = vector.broadcast %sign3A : i32 to vector<1024x8xi32>
    %sign3A_16 = arith.cmpi sgt, %iota3A, %sign3A_15 : vector<1024x8xi32>
    %sign3A_17 = arith.extui %sign3A_16 : vector<1024x8xi1> to vector<1024x8xi32>
    %sign3A_18 = arith.constant 0 : i32
    %sign3A_19 = vector.broadcast %sign3A_18 : i32 to vector<1024x8xi32>
    %sign3A_20 = arith.cmpi slt, %iota3A, %sign3A_19 : vector<1024x8xi32>
    %sign3A_21 = arith.extui %sign3A_20 : vector<1024x8xi1> to vector<1024x8xi32>
    %sign3A_22 = arith.subi %sign3A_17, %sign3A_21 : vector<1024x8xi32>
    %sign3A_23 = arith.constant 0 : i32
    %sign3A_24 = arith.cmpi sgt, %jit3A, %sign3A_23 : i32
    %sign3A_25 = arith.extui %sign3A_24 : i1 to i32
    %sign3A_26 = arith.constant 0 : i32
    %sign3A_27 = arith.cmpi slt, %jit3A, %sign3A_26 : i32
    %sign3A_28 = arith.extui %sign3A_27 : i1 to i32
    %sign3A_29 = arith.subi %sign3A_25, %sign3A_28 : i32
    %ne3A = vector.broadcast %sign3A_29 : i32 to vector<1024x8xi32>
    %ne3A_30 = arith.cmpi ne, %sign3A_22, %ne3A : vector<1024x8xi32>
    %rem3A = vector.broadcast %jit3A : i32 to vector<1024x8xi32>
    %rem3A_31 = arith.remsi %iota3A, %rem3A : vector<1024x8xi32>
    %ne3A_32 = arith.constant 0 : i32
    %ne3A_33 = vector.broadcast %ne3A_32 : i32 to vector<1024x8xi32>
    %ne3A_34 = arith.cmpi ne, %rem3A_31, %ne3A_33 : vector<1024x8xi32>
    %and3A = arith.andi %ne3A_30, %ne3A_34 : vector<1024x8xi1>
    %sub3A = arith.constant 1 : i32
    %sub3A_35 = vector.broadcast %sub3A : i32 to vector<1024x8xi32>
    %sub3A_36 = arith.subi %div3A_14, %sub3A_35 : vector<1024x8xi32>
    %select_n3A = arith.select %and3A, %sub3A_36, %div3A_14 : vector<1024x8xi1>, vector<1024x8xi32>
    %iota3A_37 = tpu.iota {dimensions = array<i32: 1>} : vector<1024x8xi32>
    %eq3A = arith.cmpi eq, %select_n3A, %iota3A_37 : vector<1024x8xi32>
    %convert_element_type3A = arith.extui %eq3A : vector<1024x8xi1> to vector<1024x8xi32>
    %convert_element_type3A_38 = arith.sitofp %convert_element_type3A : vector<1024x8xi32> to vector<1024x8xf32>
    %dot_general3A = arith.constant dense<0.000000e+00> : vector<1024x128xf32>
    %dot_general3A_39 = tpu.matmul %convert_element_type3A_38, %reduce_sum3A_13, %dot_general3A {dimension_numbers = #tpu.dot_dimension_numbers<[1], [0], [0], [1], [0, 0, 1, 1], [], []>, transpose_lhs_hint = false} : vector<1024x8xf32>, vector<8x128xf32>, vector<1024x128xf32> -> vector<1024x128xf32>
    %iota3A_40 = tpu.iota {dimensions = array<i32: 0>} : vector<1024x128xi32>
    %jit3A_41 = arith.constant 128 : i32
    %eq3A_42 = arith.constant 0 : i32
    %eq3A_43 = arith.cmpi eq, %jit3A_41, %eq3A_42 : i32
    %jit3A_44 = arith.constant 1 : i32
    %select_n3A_45 = arith.select %eq3A_43, %jit3A_44, %jit3A_41 : i32
    %rem3A_46 = vector.broadcast %select_n3A_45 : i32 to vector<1024x128xi32>
    %rem3A_47 = arith.remsi %iota3A_40, %rem3A_46 : vector<1024x128xi32>
    %ne3A_48 = arith.constant 0 : i32
    %ne3A_49 = vector.broadcast %ne3A_48 : i32 to vector<1024x128xi32>
    %ne3A_50 = arith.cmpi ne, %rem3A_47, %ne3A_49 : vector<1024x128xi32>
    %lt3A = arith.constant 0 : i32
    %lt3A_51 = vector.broadcast %lt3A : i32 to vector<1024x128xi32>
    %lt3A_52 = arith.cmpi slt, %rem3A_47, %lt3A_51 : vector<1024x128xi32>
    %lt3A_53 = arith.constant 0 : i32
    %lt3A_54 = arith.cmpi slt, %select_n3A_45, %lt3A_53 : i32
    %ne3A_55 = vector.broadcast %lt3A_54 : i1 to vector<1024x128xi1>
    %ne3A_56 = vector.broadcast %ne3A_55 : vector<1024x128xi1> to vector<1024x128xi1>
    %ne3A_57 = arith.xori %lt3A_52, %ne3A_56 : vector<1024x128xi1>
    %and3A_58 = arith.andi %ne3A_57, %ne3A_50 : vector<1024x128xi1>
    %add3A_59 = vector.broadcast %select_n3A_45 : i32 to vector<1024x128xi32>
    %add3A_60 = arith.addi %rem3A_47, %add3A_59 : vector<1024x128xi32>
    %select_n3A_61 = arith.select %and3A_58, %add3A_60, %rem3A_47 : vector<1024x128xi1>, vector<1024x128xi32>
    %iota3A_62 = tpu.iota {dimensions = array<i32: 1>} : vector<1024x128xi32>
    %eq3A_63 = arith.cmpi eq, %select_n3A_61, %iota3A_62 : vector<1024x128xi32>
    %jit3A_64 = arith.constant 0.000000e+00 : f32
    %broadcast_in_dim3A = vector.broadcast %jit3A_64 : f32 to vector<1024x128xf32>
    %select_n3A_65 = arith.select %eq3A_63, %dot_general3A_39, %broadcast_in_dim3A : vector<1024x128xi1>, vector<1024x128xf32>
    %reduce_sum3A_66 = arith.constant dense<0.000000e+00> : vector<1024xf32>
    %reduce_sum3A_67 = vector.multi_reduction <add>, %select_n3A_65, %reduce_sum3A_66 [1] : vector<1024x128xf32> to vector<1024xf32>
    %broadcast_in_dim3A_68 = vector.shape_cast %reduce_sum3A_67 : vector<1024xf32> to vector<1024x1xf32>
    %max3A = arith.constant 1.000000e+00 : f32
    %max3A_69 = vector.broadcast %max3A : f32 to vector<1024x1xf32>
    %max3A_70 = arith.maximumf %broadcast_in_dim3A_68, %max3A_69 : vector<1024x1xf32>
    %div3A_71 = vector.broadcast %max3A_70 : vector<1024x1xf32> to vector<1024x128xf32>
    %div3A_72 = arith.divf %add3A, %div3A_71 : vector<1024x128xf32>
    %get3A_73 = arith.constant 0 : index
    %get3A_74 = arith.constant 0 : index
    %get3A_75 = vector.load %arg4[%get3A_73, %get3A_74] : memref<128x128xf32, #tpu.memory_space<vmem>>, vector<128x128xf32>
    %dot_general3A_76 = arith.constant dense<0.000000e+00> : vector<1024x128xf32>
    %dot_general3A_77 = tpu.matmul %div3A_72, %get3A_75, %dot_general3A_76 {dimension_numbers = #tpu.dot_dimension_numbers<[1], [0], [0], [1], [0, 0, 1, 1], [], []>, transpose_lhs_hint = false} : vector<1024x128xf32>, vector<128x128xf32>, vector<1024x128xf32> -> vector<1024x128xf32>
    %get3A_78 = arith.constant 0 : index
    %get3A_79 = arith.constant 0 : index
    %get3A_80 = vector.load %arg5[%get3A_78, %get3A_79] : memref<1x128xf32, #tpu.memory_space<vmem>>, vector<1x128xf32>
    %add3A_81 = vector.broadcast %get3A_80 : vector<1x128xf32> to vector<1024x128xf32>
    %add3A_82 = arith.addf %dot_general3A_77, %add3A_81 : vector<1024x128xf32>
    %get3A_83 = arith.constant 0 : index
    %get3A_84 = arith.constant 0 : index
    %get3A_85 = vector.load %arg3[%get3A_83, %get3A_84] : memref<1024x128xf32, #tpu.memory_space<vmem>>, vector<1024x128xf32>
    %get3A_86 = arith.constant 0 : index
    %get3A_87 = arith.constant 0 : index
    %get3A_88 = vector.load %arg6[%get3A_86, %get3A_87] : memref<128x128xf32, #tpu.memory_space<vmem>>, vector<128x128xf32>
    %dot_general3A_89 = arith.constant dense<0.000000e+00> : vector<1024x128xf32>
    %dot_general3A_90 = tpu.matmul %get3A_85, %get3A_88, %dot_general3A_89 {dimension_numbers = #tpu.dot_dimension_numbers<[1], [0], [0], [1], [0, 0, 1, 1], [], []>, transpose_lhs_hint = false} : vector<1024x128xf32>, vector<128x128xf32>, vector<1024x128xf32> -> vector<1024x128xf32>
    %add3A_91 = arith.addf %add3A_82, %dot_general3A_90 : vector<1024x128xf32>
    %max3A_92 = arith.constant 0.000000e+00 : f32
    %max3A_93 = vector.broadcast %max3A_92 : f32 to vector<1024x128xf32>
    %max3A_94 = arith.maximumf %add3A_91, %max3A_93 : vector<1024x128xf32>
    %swap3A = arith.constant 0 : index
    %swap3A_95 = arith.constant 0 : index
    %swap3A_96 = vector.load %arg7[%swap3A, %swap3A_95] : memref<1024x128xf32, #tpu.memory_space<vmem>>, vector<1024x128xf32>
    tpu.vector_store %arg7[%swap3A, %swap3A_95], %max3A_94 {strides = array<i32>} : memref<1024x128xf32, #tpu.memory_space<vmem>>, vector<1024x128xf32>,
    return
  }
  func.func @transform_0(%arg0: i32) -> (i32, i32, i32) {
    %add3A = arith.constant 0 : i32
    %add3A_0 = arith.addi %arg0, %add3A : i32
    %c0_i32 = arith.constant 0 : i32
    %c0_i32_1 = arith.constant 0 : i32
    %c0_i32_2 = arith.constant 0 : i32
    return %c0_i32, %add3A_0, %c0_i32_1 : i32, i32, i32
  }
  func.func @transform_1(%arg0: i32) -> (i32, i32, i32) {
    %add3A = arith.constant 0 : i32
    %add3A_0 = arith.addi %arg0, %add3A : i32
    %c0_i32 = arith.constant 0 : i32
    %c0_i32_1 = arith.constant 0 : i32
    %c0_i32_2 = arith.constant 0 : i32
    return %c0_i32, %add3A_0, %c0_i32_1 : i32, i32, i32
  }
  func.func @transform_2(%arg0: i32) -> (i32, i32) {
    %add3A = arith.constant 0 : i32
    %add3A_0 = arith.addi %arg0, %add3A : i32
    %c0_i32 = arith.constant 0 : i32
    %c0_i32_1 = arith.constant 0 : i32
    return %add3A_0, %c0_i32 : i32, i32
  }
  func.func @transform_3(%arg0: i32) -> (i32, i32) {
    %c0_i32 = arith.constant 0 : i32
    %c0_i32_0 = arith.constant 0 : i32
    %c0_i32_1 = arith.constant 0 : i32
    return %c0_i32, %c0_i32_0 : i32, i32
  }
  func.func @transform_4(%arg0: i32) -> (i32, i32) {
    %c0_i32 = arith.constant 0 : i32
    %c0_i32_0 = arith.constant 0 : i32
    %c0_i32_1 = arith.constant 0 : i32
    return %c0_i32, %c0_i32_0 : i32, i32
  }
  func.func @transform_5(%arg0: i32) -> (i32, i32) {
    %c0_i32 = arith.constant 0 : i32
    %c0_i32_0 = arith.constant 0 : i32
    %c0_i32_1 = arith.constant 0 : i32
    return %c0_i32, %c0_i32_0 : i32, i32
  }
  func.func @transform_6(%arg0: i32) -> (i32, i32) {
    %c0_i32 = arith.constant 0 : i32
    %c0_i32_0 = arith.constant 0 : i32
    return %arg0, %c0_i32 : i32, i32
  }
}

module attributes {stable_mosaic.version = 14 : i64} {
  func.func @body(%arg0: i32, %arg1: memref<2x1024x128xf32, #tpu.memory_space<vmem>>, %arg2: memref<32x8x128xf32, #tpu.memory_space<vmem>>, %arg3: memref<1024x128xf32, #tpu.memory_space<vmem>>, %arg4: memref<128x128xf32, #tpu.memory_space<vmem>>, %arg5: memref<1x128xf32, #tpu.memory_space<vmem>>, %arg6: memref<128x128xf32, #tpu.memory_space<vmem>>, %arg7: memref<1024x128xf32, #tpu.memory_space<vmem>>) attributes {dimension_semantics = [#tpu.dimension_semantics<arbitrary>], iteration_bounds = array<i64: 2>, scalar_prefetch = 0 : i64, scratch_operands = 0 : i64, tpu.core_type = #tpu.core_type<tc>, window_params = [{transform_indices = @transform_0, window_bounds = array<i64: 2, 1024, 128>}, {transform_indices = @transform_1, window_bounds = array<i64: 32, 8, 128>}, {transform_indices = @transform_2, window_bounds = array<i64: 1024, 128>}, {pipeline_mode = #tpu.pipeline_mode<synchronous>, transform_indices = @transform_3, window_bounds = array<i64: 128, 128>}, {pipeline_mode = #tpu.pipeline_mode<synchronous>, transform_indices = @transform_4, window_bounds = array<i64: 1, 128>}, {pipeline_mode = #tpu.pipeline_mode<synchronous>, transform_indices = @transform_5, window_bounds = array<i64: 128, 128>}, {transform_indices = @transform_6, window_bounds = array<i64: 1024, 128>}]} {
    %get3A = arith.constant 0 : index
    %get3A_0 = arith.constant 0 : index
    %get3A_1 = arith.constant 0 : index
    %get3A_2 = vector.load %arg1[%get3A, %get3A_0, %get3A_1] : memref<2x1024x128xf32, #tpu.memory_space<vmem>>, vector<1x1024x128xf32>
    %get3A_3 = vector.shape_cast %get3A_2 : vector<1x1024x128xf32> to vector<1024x128xf32>
    %get3A_4 = arith.constant 1 : index
    %get3A_5 = arith.constant 0 : index
    %get3A_6 = arith.constant 0 : index
    %get3A_7 = vector.load %arg1[%get3A_4, %get3A_5, %get3A_6] : memref<2x1024x128xf32, #tpu.memory_space<vmem>>, vector<1x1024x128xf32>
    %get3A_8 = vector.shape_cast %get3A_7 : vector<1x1024x128xf32> to vector<1024x128xf32>
    %add3A = arith.addf %get3A_3, %get3A_8 : vector<1024x128xf32>
    %get3A_9 = arith.constant 0 : index
    %get3A_10 = arith.constant 0 : index
    %get3A_11 = arith.constant 0 : index
    %get3A_12 = vector.load %arg2[%get3A_9, %get3A_10, %get3A_11] : memref<32x8x128xf32, #tpu.memory_space<vmem>>, vector<32x8x128xf32>
    %reduce_sum3A = arith.constant dense<0.000000e+00> : vector<8x128xf32>
    %reduce_sum3A_13 = vector.multi_reduction <add>, %get3A_12, %reduce_sum3A [0] : vector<32x8x128xf32> to vector<8x128xf32>
    %iota3A = tpu.iota {dimensions = array<i32: 0>} : vector<1024x8xi32>
    %jit3A = arith.constant 128 : i32
    %div3A = vector.broadcast %jit3A : i32 to vector<1024x8xi32>
    %div3A_14 = arith.divsi %iota3A, %div3A : vector<1024x8xi32>
    %sign3A = arith.constant 0 : i32
    %sign3A_15 = vector.broadcast %sign3A : i32 to vector<1024x8xi32>
    %sign3A_16 = arith.cmpi sgt, %iota3A, %sign3A_15 : vector<1024x8xi32>
    %sign3A_17 = arith.extui %sign3A_16 : vector<1024x8xi1> to vector<1024x8xi32>
    %sign3A_18 = arith.constant 0 : i32
    %sign3A_19 = vector.broadcast %sign3A_18 : i32 to vector<1024x8xi32>
    %sign3A_20 = arith.cmpi slt, %iota3A, %sign3A_19 : vector<1024x8xi32>
    %sign3A_21 = arith.extui %sign3A_20 : vector<1024x8xi1> to vector<1024x8xi32>
    %sign3A_22 = arith.subi %sign3A_17, %sign3A_21 : vector<1024x8xi32>
    %sign3A_23 = arith.constant 0 : i32
    %sign3A_24 = arith.cmpi sgt, %jit3A, %sign3A_23 : i32
    %sign3A_25 = arith.extui %sign3A_24 : i1 to i32
    %sign3A_26 = arith.constant 0 : i32
    %sign3A_27 = arith.cmpi slt, %jit3A, %sign3A_26 : i32
    %sign3A_28 = arith.extui %sign3A_27 : i1 to i32
    %sign3A_29 = arith.subi %sign3A_25, %sign3A_28 : i32
    %ne3A = vector.broadcast %sign3A_29 : i32 to vector<1024x8xi32>
    %ne3A_30 = arith.cmpi ne, %sign3A_22, %ne3A : vector<1024x8xi32>
    %rem3A = vector.broadcast %jit3A : i32 to vector<1024x8xi32>
    %rem3A_31 = arith.remsi %iota3A, %rem3A : vector<1024x8xi32>
    %ne3A_32 = arith.constant 0 : i32
    %ne3A_33 = vector.broadcast %ne3A_32 : i32 to vector<1024x8xi32>
    %ne3A_34 = arith.cmpi ne, %rem3A_31, %ne3A_33 : vector<1024x8xi32>
    %and3A = arith.andi %ne3A_30, %ne3A_34 : vector<1024x8xi1>
    %sub3A = arith.constant 1 : i32
    %sub3A_35 = vector.broadcast %sub3A : i32 to vector<1024x8xi32>
    %sub3A_36 = arith.subi %div3A_14, %sub3A_35 : vector<1024x8xi32>
    %select_n3A = arith.select %and3A, %sub3A_36, %div3A_14 : vector<1024x8xi1>, vector<1024x8xi32>
    %iota3A_37 = tpu.iota {dimensions = array<i32: 1>} : vector<1024x8xi32>
    %eq3A = arith.cmpi eq, %select_n3A, %iota3A_37 : vector<1024x8xi32>
    %convert_element_type3A = arith.extui %eq3A : vector<1024x8xi1> to vector<1024x8xi32>
    %convert_element_type3A_38 = arith.sitofp %convert_element_type3A : vector<1024x8xi32> to vector<1024x8xf32>
    %dot_general3A = arith.constant dense<0.000000e+00> : vector<1024x128xf32>
    %dot_general3A_39 = tpu.matmul %convert_element_type3A_38, %reduce_sum3A_13, %dot_general3A {dimension_numbers = #tpu.dot_dimension_numbers<[1], [0], [0], [1], [0, 0, 1, 1], [], []>, transpose_lhs_hint = false} : vector<1024x8xf32>, vector<8x128xf32>, vector<1024x128xf32> -> vector<1024x128xf32>
    %iota3A_40 = tpu.iota {dimensions = array<i32: 0>} : vector<1024x128xi32>
    %jit3A_41 = arith.constant 128 : i32
    %eq3A_42 = arith.constant 0 : i32
    %eq3A_43 = arith.cmpi eq, %jit3A_41, %eq3A_42 : i32
    %jit3A_44 = arith.constant 1 : i32
    %select_n3A_45 = arith.select %eq3A_43, %jit3A_44, %jit3A_41 : i32
    %rem3A_46 = vector.broadcast %select_n3A_45 : i32 to vector<1024x128xi32>
    %rem3A_47 = arith.remsi %iota3A_40, %rem3A_46 : vector<1024x128xi32>
    %ne3A_48 = arith.constant 0 : i32
    %ne3A_49 = vector.broadcast %ne3A_48 : i32 to vector<1024x128xi32>
    %ne3A_50 = arith.cmpi ne, %rem3A_47, %ne3A_49 : vector<1024x128xi32>
    %lt3A = arith.constant 0 : i32
    %lt3A_51 = vector.broadcast %lt3A : i32 to vector<1024x128xi32>
    %lt3A_52 = arith.cmpi slt, %rem3A_47, %lt3A_51 : vector<1024x128xi32>
    %lt3A_53 = arith.constant 0 : i32
    %lt3A_54 = arith.cmpi slt, %select_n3A_45, %lt3A_53 : i32
    %ne3A_55 = vector.broadcast %lt3A_54 : i1 to vector<1024x128xi1>
    %ne3A_56 = vector.broadcast %ne3A_55 : vector<1024x128xi1> to vector<1024x128xi1>
    %ne3A_57 = arith.xori %lt3A_52, %ne3A_56 : vector<1024x128xi1>
    %and3A_58 = arith.andi %ne3A_57, %ne3A_50 : vector<1024x128xi1>
    %add3A_59 = vector.broadcast %select_n3A_45 : i32 to vector<1024x128xi32>
    %add3A_60 = arith.addi %rem3A_47, %add3A_59 : vector<1024x128xi32>
    %select_n3A_61 = arith.select %and3A_58, %add3A_60, %rem3A_47 : vector<1024x128xi1>, vector<1024x128xi32>
    %iota3A_62 = tpu.iota {dimensions = array<i32: 1>} : vector<1024x128xi32>
    %eq3A_63 = arith.cmpi eq, %select_n3A_61, %iota3A_62 : vector<1024x128xi32>
    %jit3A_64 = arith.constant 0.000000e+00 : f32
    %broadcast_in_dim3A = vector.broadcast %jit3A_64 : f32 to vector<1024x128xf32>
    %select_n3A_65 = arith.select %eq3A_63, %dot_general3A_39, %broadcast_in_dim3A : vector<1024x128xi1>, vector<1024x128xf32>
    %reduce_sum3A_66 = arith.constant dense<0.000000e+00> : vector<1024xf32>
    %reduce_sum3A_67 = vector.multi_reduction <add>, %select_n3A_65, %reduce_sum3A_66 [1] : vector<1024x128xf32> to vector<1024xf32>
    %broadcast_in_dim3A_68 = vector.shape_cast %reduce_sum3A_67 : vector<1024xf32> to vector<1024x1xf32>
    %max3A = arith.constant 1.000000e+00 : f32
    %max3A_69 = vector.broadcast %max3A : f32 to vector<1024x1xf32>
    %max3A_70 = arith.maximumf %broadcast_in_dim3A_68, %max3A_69 : vector<1024x1xf32>
    %div3A_71 = vector.broadcast %max3A_70 : vector<1024x1xf32> to vector<1024x128xf32>
    %div3A_72 = arith.divf %add3A, %div3A_71 : vector<1024x128xf32>
    %get3A_73 = arith.constant 0 : index
    %get3A_74 = arith.constant 0 : index
    %get3A_75 = vector.load %arg4[%get3A_73, %get3A_74] : memref<128x128xf32, #tpu.memory_space<vmem>>, vector<128x128xf32>
    %dot_general3A_76 = arith.constant dense<0.000000e+00> : vector<1024x128xf32>
    %dot_general3A_77 = tpu.matmul %div3A_72, %get3A_75, %dot_general3A_76 {dimension_numbers = #tpu.dot_dimension_numbers<[1], [0], [0], [1], [0, 0, 1, 1], [], []>, transpose_lhs_hint = false} : vector<1024x128xf32>, vector<128x128xf32>, vector<1024x128xf32> -> vector<1024x128xf32>
    %get3A_78 = arith.constant 0 : index
    %get3A_79 = arith.constant 0 : index
    %get3A_80 = vector.load %arg5[%get3A_78, %get3A_79] : memref<1x128xf32, #tpu.memory_space<vmem>>, vector<1x128xf32>
    %add3A_81 = vector.broadcast %get3A_80 : vector<1x128xf32> to vector<1024x128xf32>
    %add3A_82 = arith.addf %dot_general3A_77, %add3A_81 : vector<1024x128xf32>
    %get3A_83 = arith.constant 0 : index
    %get3A_84 = arith.constant 0 : index
    %get3A_85 = vector.load %arg3[%get3A_83, %get3A_84] : memref<1024x128xf32, #tpu.memory_space<vmem>>, vector<1024x128xf32>
    %get3A_86 = arith.constant 0 : index
    %get3A_87 = arith.constant 0 : index
    %get3A_88 = vector.load %arg6[%get3A_86, %get3A_87] : memref<128x128xf32, #tpu.memory_space<vmem>>, vector<128x128xf32>
    %dot_general3A_89 = arith.constant dense<0.000000e+00> : vector<1024x128xf32>
    %dot_general3A_90 = tpu.matmul %get3A_85, %get3A_88, %dot_general3A_89 {dimension_numbers = #tpu.dot_dimension_numbers<[1], [0], [0], [1], [0, 0, 1, 1], [], []>, transpose_lhs_hint = false} : vector<1024x128xf32>, vector<128x128xf32>, vector<1024x128xf32> -> vector<1024x128xf32>
    %add3A_91 = arith.addf %add3A_82, %dot_general3A_90 : vector<1024x128xf32>
    %swap3A = arith.constant 0 : index
    %swap3A_92 = arith.constant 0 : index
    %swap3A_93 = vector.load %arg7[%swap3A, %swap3A_92] : memref<1024x128xf32, #tpu.memory_space<vmem>>, vector<1024x128xf32>
    tpu.vector_store %arg7[%swap3A, %swap3A_92], %add3A_91 {strides = array<i32>} : memref<1024x128xf32, #tpu.memory_space<vmem>>, vector<1024x128xf32>,
    return
  }
  func.func @transform_0(%arg0: i32) -> (i32, i32, i32) {
    %add3A = arith.constant 0 : i32
    %add3A_0 = arith.addi %arg0, %add3A : i32
    %c0_i32 = arith.constant 0 : i32
    %c0_i32_1 = arith.constant 0 : i32
    %c0_i32_2 = arith.constant 0 : i32
    return %c0_i32, %add3A_0, %c0_i32_1 : i32, i32, i32
  }
  func.func @transform_1(%arg0: i32) -> (i32, i32, i32) {
    %add3A = arith.constant 0 : i32
    %add3A_0 = arith.addi %arg0, %add3A : i32
    %c0_i32 = arith.constant 0 : i32
    %c0_i32_1 = arith.constant 0 : i32
    %c0_i32_2 = arith.constant 0 : i32
    return %c0_i32, %add3A_0, %c0_i32_1 : i32, i32, i32
  }
  func.func @transform_2(%arg0: i32) -> (i32, i32) {
    %add3A = arith.constant 0 : i32
    %add3A_0 = arith.addi %arg0, %add3A : i32
    %c0_i32 = arith.constant 0 : i32
    %c0_i32_1 = arith.constant 0 : i32
    return %add3A_0, %c0_i32 : i32, i32
  }
  func.func @transform_3(%arg0: i32) -> (i32, i32) {
    %c0_i32 = arith.constant 0 : i32
    %c0_i32_0 = arith.constant 0 : i32
    %c0_i32_1 = arith.constant 0 : i32
    return %c0_i32, %c0_i32_0 : i32, i32
  }
  func.func @transform_4(%arg0: i32) -> (i32, i32) {
    %c0_i32 = arith.constant 0 : i32
    %c0_i32_0 = arith.constant 0 : i32
    %c0_i32_1 = arith.constant 0 : i32
    return %c0_i32, %c0_i32_0 : i32, i32
  }
  func.func @transform_5(%arg0: i32) -> (i32, i32) {
    %c0_i32 = arith.constant 0 : i32
    %c0_i32_0 = arith.constant 0 : i32
    %c0_i32_1 = arith.constant 0 : i32
    return %c0_i32, %c0_i32_0 : i32, i32
  }
  func.func @transform_6(%arg0: i32) -> (i32, i32) {
    %c0_i32 = arith.constant 0 : i32
    %c0_i32_0 = arith.constant 0 : i32
    return %arg0, %c0_i32 : i32, i32
  }
}

</mosaic_0001>

<sc_bundles>
// kernel: kernel.10.cloned.1.call-start
scs
__scs_entry_jumppad:
0x0: {  	(pc) =	sbr.rel $0x88, $3  }
0x1: {  	(tag) =	ssettag $0x0;
	lr =	simm.s32 $0x1  }
0x2: {  	[smem:$0x3F98] =	sst lr;
	_ =	strace $0xD0000000  }
0x3: {  	_ = 	snop  }
0x4: {  	_ = 	snop  }
0x5: {  	_ = 	snop  }
0x6: {  	_ = 	snop  }
0x7: {  	_ = 	snop  }
__scs_overlays_trampoline_lowered:
0x8: {  	[smem:$0x3FA7] =	sst s0  }
0x9: {  	[smem:$0x3FA8] =	sst s1  }
0xa: {  	[smem:$0x3FA9] =	sst s2  }
0xb: {  	[smem:$0x3FAA] =	sst s3  }
0xc: {  	[smem:$0x3FAB] =	sst s4  }
0xd: {  	[smem:$0x3FAC] =	sst s5  }
0xe: {  	[smem:$0x3FAD] =	sst s6  }
0xf: {  	[smem:$0x3FAE] =	sst s7  }
0x10: {  	[smem:$0x3FAF] =	sst s8  }
0x11: {  	[smem:$0x3FB0] =	sst s9;
	s0 =	simm.s32 @!p0 $0x0  }
0x12: {  	s1 =	sld [smem:$0x3F96];
	s0 =	simm.s32 @p0 $0x1  }
0x13: {  	[smem:$0x3FB1] =	sst s0;
	s0 =	simm.s32 @!p1 $0x0  }
0x14: {  	s2 =	sld [smem:$0x3F95];
	s0 =	simm.s32 @p1 $0x1  }
0x15: {  	[smem:$0x3FB2] =	sst s0;
	s0 =	simm.s32 @!p2 $0x0  }
0x16: {  	s3 =	sld [smem:$0x3FDB];
	s0 =	simm.s32 @p2 $0x1  }
0x17: {  	s4 =	simm.s32 $0x1BF5;
	[smem:$0x3FB4] =	sst s0  }
0x18: {  	s0 =	sld [smem:$0x3F97];
	_ =	swait.ge [sflag:s4], $0x0  }
0x19: {  	s7 =	sld [smem:$0x3F98]  }
0x1a: {  	s8 =	sadd.s32 $0xFFFFE003, lr  }
0x1b: {  	s9 =	sadd.s32 $0xFFFFFEF7, lr;
	s5 =	simm.s32 $0xFFFFFFFF;
	p2 =	slt.u32 s8, $0xFFFFF086  }
0x1c: {  	p1 =	slt.u32 s9, $0xF7A;
	s5 =	simm.s32 @!p2 $0x0  }
0x1d: {  	s5 =	simm.s32 @p1 $0x1;
	p0 =	seq.s32 s7, s2  }
0x1e: {  	s7 =	smul.u32 @!p0 $0xF7A, s2;
	p2 =	seq.s32 @!p0 s5, $0x0  }
0x1f: {  	s9 =	smul.u32 $0xF7A, s1;
	s8 =	simm.s32 @!p0 $0x1BF5;
	p2 =	por !p2, p0  }
0x20: {  	[sflag:s8] =	ssyncset.s32 @!p0 $0xFFFFF086;
	s6 =	sadd.s32 @!p0 s3, s7;
	s7 =	simm.s32 @!p0 $0x108  }
0x21: {  	s3 =	sadd.s32 s3, s9;
	s6 =	sadd.s32 @!p0 $0x88, s6;
	s7 =	simm.s32 @p2 $0x1082  }
0x22: {  	[simem:s7], [sflag:s8] =	dma.local @!p0 [hbm:s6], $0xF7A  }
0x23: {  	s9 =	sor.u32 $0xD0000000, s2;
	s6 =	simm.s32 $0x108;
	_ =	swait.ge @!p0 [sflag:s8], $0x0  }
0x24: {  	s3 =	sadd.s32 $0x88, s3;
	s6 =	simm.s32 @!p1 $0x1082;
	[sflag:s4] =	ssyncset.s32 $0xFFFFF086  }
0x25: {  	[simem:s6], [sflag:s4] =	dma.local [hbm:s3], $0xF7A  }
0x26: {  	[smem:$0x3F98] =	sst s1;
	(tag) =	ssettag s2;
	_ =	strace s9  }
0x27: {  	s1 =	sld [smem:$0x3FA8]  }
0x28: {  	s2 =	sld [smem:$0x3FA9]  }
0x29: {  	s4 =	sld [smem:$0x3FAB]  }
0x2a: {  	p0 =	seq.s32 s5, $0x0;
	s5 =	sld [smem:$0x3FAC]  }
0x2b: {  	s6 =	sld [smem:$0x3FAD]  }
0x2c: {  	s7 =	sld [smem:$0x3FAE]  }
0x2d: {  	s3 =	simm.s32 $0x108;
	s8 =	sld [smem:$0x3FAF]  }
0x2e: {  	s3 =	simm.s32 @!p0 $0x1082;
	s9 =	sld [smem:$0x3FB0]  }
0x2f: {  	lr =	sadd.s32 s0, s3;
	s0 =	sld [smem:$0x3FA7]  }
0x30: {  	s3 =	sld [smem:$0x3FAA]  }
0x31: {  	[smem:$0x3FB3] =	sst s10  }
0x32: {  	s10 =	sld [smem:$0x3FB1];
	_ =	sdelay $0x3  }
0x33: {  	p0 =	seq.s32 s10, $0x1;
	s10 =	sld [smem:$0x3FB3];
	_ =	sdelay $0x3  }
0x34: {  	[smem:$0x3FB3] =	sst s10  }
0x35: {  	s10 =	sld [smem:$0x3FB2];
	_ =	sdelay $0x3  }
0x36: {  	p1 =	seq.s32 s10, $0x1;
	s10 =	sld [smem:$0x3FB3];
	_ =	sdelay $0x3  }
0x37: {  	[smem:$0x3FB3] =	sst s10  }
0x38: {  	s10 =	sld [smem:$0x3FB4]  }
0x39: {  	_ = 	snop;
	(pc) =	sbr.ind lr, $3  }
0x3a: {  	_ = 	snop  }
0x3b: {  	_ = 	snop  }
0x3c: {  	p2 =	seq.s32 s10, $0x1;
	s10 =	sld [smem:$0x3FB3]  }
0x3d: {  	_ =	shalt  }
0x3e: {  	_ =	shalt  }
0x3f: {  	_ =	shalt  }
0x40: {  	_ =	shalt  }
0x41: {  	_ =	shalt  }
0x42: {  	_ =	shalt  }
0x43: {  	_ =	shalt  }
0x44: {  	_ =	shalt  }
0x45: {  	_ =	shalt  }
0x46: {  	_ =	shalt  }
0x47: {  	_ =	shalt  }
0x48: {  	_ =	shalt  }
0x49: {  	_ =	shalt  }
0x4a: {  	_ =	shalt  }
0x4b: {  	_ =	shalt  }
0x4c: {  	_ =	shalt  }
0x4d: {  	_ =	shalt  }
0x4e: {  	_ =	shalt  }
0x4f: {  	_ =	shalt  }
0x50: {  	_ =	shalt  }
0x51: {  	_ =	shalt  }
0x52: {  	_ =	shalt  }
0x53: {  	_ =	shalt  }
0x54: {  	_ =	shalt  }
0x55: {  	_ =	shalt  }
0x56: {  	_ =	shalt  }
0x57: {  	_ =	shalt  }
0x58: {  	_ =	shalt  }
0x59: {  	_ =	shalt  }
0x5a: {  	_ =	shalt  }
0x5b: {  	_ =	shalt  }
0x5c: {  	_ =	shalt  }
0x5d: {  	_ =	shalt  }
0x5e: {  	_ =	shalt  }
0x5f: {  	_ =	shalt  }
0x60: {  	_ =	shalt  }
0x61: {  	_ =	shalt  }
0x62: {  	_ =	shalt  }
0x63: {  	_ =	shalt  }
0x64: {  	_ =	shalt  }
0x65: {  	_ =	shalt  }
0x66: {  	_ =	shalt  }
0x67: {  	_ =	shalt  }
0x68: {  	_ =	shalt  }
0x69: {  	_ =	shalt  }
0x6a: {  	_ =	shalt  }
0x6b: {  	_ =	shalt  }
0x6c: {  	_ =	shalt  }
0x6d: {  	_ =	shalt  }
0x6e: {  	_ =	shalt  }
0x6f: {  	_ =	shalt  }
0x70: {  	_ =	shalt  }
0x71: {  	_ =	shalt  }
0x72: {  	_ =	shalt  }
0x73: {  	_ =	shalt  }
0x74: {  	_ =	shalt  }
0x75: {  	_ =	shalt  }
0x76: {  	_ =	shalt  }
0x77: {  	_ =	shalt  }
0x78: {  	_ =	shalt  }
0x79: {  	_ =	shalt  }
0x7a: {  	_ =	shalt  }
0x7b: {  	_ =	shalt  }
0x7c: {  	_ =	shalt  }
0x7d: {  	_ =	shalt  }
0x7e: {  	_ =	shalt  }
0x7f: {  	_ =	shalt  }
0x80: {  	_ =	shalt  }
0x81: {  	_ =	shalt  }
0x82: {  	_ =	shalt  }
0x83: {  	_ =	shalt  }
0x84: {  	_ =	shalt  }
0x85: {  	_ =	shalt  }
0x86: {  	_ =	shalt  }
0x87: {  	_ =	shalt  }
.Lfunc_end0:
.L_simem_size_0:
called_computation.1_lowered:
.L_overlay_start_0:
0x88: {  	s2 =	sld [smem:$0x3FD9]  }
0x89: {  	s3 =	sld [smem:$0x3FFE];
	_ =	sdelay $0x1  }
0x8a: {  	s1 =	srdreg.scid  }
0x8b: {  	s0 =	sand.u32 $0x1, s1  }
0x8c: {  	s14 =	sshll.u32 s0, $0xA;
	s2 =	sadd.s32 s3, s2  }
0x8d: {  	s2 =	sadd.s32 s2, s14  }
0x8e: {  	[smem:$0x3FBF] =	sst s2  }
0x8f: {  	_ = 	snop  }
0x90: {  	s2 =	sld [smem:$0x3FD0];
	_ =	sdelay $0x2  }
0x91: {  	s15 =	simm.s32 $0xA;
	s4 =	simm.s32 $0x10  }
0x92: {  	[smem:s4], [sflag:s15] =	dma.local [hbm:s2], $0x1  }
0x93: {  	_ =	swait.eq [sflag:s15], $0x1  }
0x94: {  	[sflag:s15] =	ssyncset.done $0x0  }
0x95: {  	s16 =	sld [smem:$0x10];
	[sflag:s15] =	ssyncadd.s32 $0xFFFFFFFF  }
0x96: {  	s17 =	sld [smem:$0x11];
	(tm) =	ssettm $0x1  }
0x97: {  	s18 =	sld [smem:$0x3FFB];
	_ =	sdelay $0x3  }
0x98: {  	_ =	strace s18  }
0x99: {  	s4 =	sld [smem:$0x3FFC];
	_ =	sdelay $0x3  }
0x9a: {  	_ =	strace s4  }
0x9b: {  	s4 =	sld [smem:$0x3FFD];
	_ =	sdelay $0x3  }
0x9c: {  	_ =	strace s4  }
0x9d: {  	_ =	strace $0x8FFFFFFF  }
0x9e: {  	s19 =	sld [smem:$0x3FDB];
	_ =	sdelay $0x1  }
0x9f: {  	s5 =	simm.s32 $_scs_section_size  }
0xa0: {  	s6 =	simm.s32 $_size__tile_overlayer_lowered;
	s7 =	simm.s32 $_tile_overlayer_lowered  }
0xa1: {  	s22 =	simm.s32 $0x1BFF;
	s21 =	sshll.u32 s7, $0x1;
	s4 =	sadd.s32 s5, s19  }
0xa2: {  	s8 =	simm.s32 $0x0;
	s20 =	sshll.u32 s6, $0x1;
	s6 =	sadd.s32 s21, s4  }
0xa3: {  	[timem:s8], [sflag:s22] =	dma.local [hbm:s6], s20  }
0xa4: {  	_ =	swait.ge [sflag:s22], s20  }
0xa5: {  	s5 =	ssub.s32 $0x0, s20;
	[sflag:s22] =	ssyncset.done $0x0  }
0xa6: {  	[sflag:s22] =	ssyncadd.s32 s5;
	_ =	sdelay $0x1  }
0xa7: {  	s23 =	simm.s32 $0x1B8B  }
0xa8: {  	_ =	swait.ge [sflag:s23], $0x1  }
0xa9: {  	[sflag:s23] =	ssyncset.done $0x0  }
0xaa: {  	s25 =	simm.s32 $0x1B8E;
	s24 =	sld [smem:$0x3FFE];
	[sflag:s23] =	ssyncadd.s32 $0xFFFFFFFF  }
0xab: {  	s26 =	simm.s32 $execute0_lowered;
	[smem:$0x3FD2] =	sst s25  }
0xac: {  	s6 =	sshll.u32 s26, $0x1;
	_ =	strace $0x80000049;
	[dreg:$0x1] =	wrdreg $0xFFFFFFFF  }
0xad: {  	s28 =	simm.s32 $_size_execute0_lowered;
	s4 =	sadd.s32 s4, s6;
	[dreg:$0x0] =	wrdreg $0x0  }
0xae: {  	s6 =	sshll.u32 s28, $0x1;
	[dreg:$0x2] =	wrdreg s4  }
0xaf: {  	[dreg:$0x3] =	wrdreg s6  }
0xb0: {  	[dreg:$0x4] =	wrdreg $0xC0  }
0xb1: {  	_ =	task [dreg:s8], $0x5FFFF  }
0xb2: {  	[dreg:$0x1] =	wrdreg $0xFFFFFFFF  }
0xb3: {  	[dreg:$0x0] =	wrdreg $0x60  }
0xb4: {  	[dreg:$0x2] =	wrdreg s17  }
0xb5: {  	[dreg:$0x3] =	wrdreg s24  }
0xb6: {  	[dreg:$0x4] =	wrdreg s16  }
0xb7: {  	[dreg:$0x5] =	wrdreg $0x120000  }
0xb8: {  	[dreg:$0x6] =	wrdreg $0x9  }
0xb9: {  	_ =	task.clear_ibuf [dreg:s8], $0x7FFFF;
	_ =	strace $0x90000049  }
0xba: {  	s29 =	simm.s32 $0x9;
	_ =	strace $0x8000004B  }
0xbb: {  	_ =	swait.ge [sflag:s29], $0x1  }
0xbc: {  	[sflag:s29] =	ssyncadd.s32 $0xFFFFFFFF  }
0xbd: {  	_ =	strace $0x9000004B  }
0xbe: {  	_ =	sfence  }
0xbf: {  	s30 =	sld [smem:$0x0];
	_ =	sdelay $0x2  }
0xc0: {  	s31 =	sshll.u32 s1, $0xD;
	s1 =	sshrl.u32 s1, $0x2  }
0xc1: {  	s3 =	sand.u32 $0x4000, s31;
	s1 =	sadd.s32 s1, s30  }
0xc2: {  	s0 =	sor.u32 s3, s0;
	s1 =	sshll.u32 s1, $0x11  }
0xc3: {  	s0 =	sor.u32 s1, s0  }
0xc4: {  	s0 =	sadd.s32 $0x8F2B, s0  }
0xc5: {  	[sflag:s0] =	ssyncadd.remote.s32 $0x1  }
0xc6: {  	_ =	sfence.sel $0xFFFF  }
0xc7: {  	[dreg:$0x0] =	wrdreg $0xFFFFFFFF;
	(pc) =	sbr.abs _section_cstart, $3  }
0xc8: {  	[dreg:$0x1] =	wrdreg $0xFFFFFFFF  }
0xc9: {  	_ =	task.clear_ibuf [dreg:s8], $0x2FFFF;
	_ =	strace $0x9FFFFFFF  }
0xca: {  	(tm) =	ssettm $0x7FFFFFFF  }
0xcb: {  	_ =	shalt  }
tec
execute0_lowered:
.L_overlay_start_1:
0x0: {  	(tag) =	ssettag $0x1  }
0x1: {  	s0 =	rddreg [dreg:$0x0]  }
0x2: {  	s1 =	rddreg [dreg:$0x1]  }
0x3: {  	s9 =	rddreg [dreg:$0x2]  }
0x4: {  	s2 =	srdreg.scid;
	s3 =	rddreg [dreg:$0x3]  }
0x5: {  	s16 =	stileid.u32;
	s4 =	simm.s32 $0x0;
	s13 =	simm.s32 $0x40  }
0x6: {  	s14 =	simm.s32 $0x2000;
	s28 =	simm.s32 $0x8000;
	s29 =	simm.s32 $0x2  }
0x7: {  	s30 =	simm.s32 $0x5;
	s31 =	simm.s32 $0x3;
	s2 =	sand.u32 $0x1, s2  }
0x8: {  	[smem:$0x7FF] =	sst s4;
	s10 =	sshll.u32 s16, $0xB;
	s23 =	sshll.u32 s16, $0xE  }
0x9: {  	s26 =	sshll.u32 s16, $0x6;
	s5 =	sshll.u32 s2, $0x4;
	_ =	strace $0x8000004A  }
0xa: {  	s6 =	ssub.s32 $0x2, s2;
	s2 =	sshll.u32 s2, $0xF;
	s12 =	sadd.s32 s23, s3  }
0xb: {  	s17 =	sor.u32 $0x1C09, s26;
	s26 =	simm.s32 $0x1;
	s8 =	sor.u32 s16, s5  }
0xc: {  	s11 =	sshrl.u32 s6, $0x1;
	s15 =	sadd.s32 $0x2000, s12;
	s16 =	simm.s32 $0x4000  }
0xd: {  	s18 =	sshrl.u32 s12, $0x3;
	s12 =	simm.s32 $0x7;
	s5 =	sshll.u32 s8, $0x9  }
0xe: {  	s20 =	ssub.s32 s6, s11;
	s24 =	sshll.u32 s8, $0x8;
	s11 =	simm.s32 $0xA  }
0xf: {  	s19 =	sshrl.u32 s15, $0x3;
	s15 =	simm.s32 $0x8;
	s7 =	sadd.s32 s5, s1  }
0x10: {  	s5 =	sadd.s32 $0x2600, s1;
	s1 =	sadd.s32 s10, s1;
	s25 =	sadd.s32 s9, s24  }
0x11: {  	s10 =	smax.u32 s20, $0x1;
	s20 =	simm.s32 $0xA000;
	s24 =	simm.s32 $0x9  }
0x12: {  	v0 =	vlaneseq.u32;
	s21 =	sadd.s32 $0x2EA00, s7;
	s22 =	sadd.s32 $0x2AA00, s7;
	[dreg:$0x8] =	wrdreg s25  }
0x13: {  	v0 =	vmul.u32 $0x800, v0;
	s1 =	sadd.s32 s2, s1;
	s25 =	simm.s32 $0x6000;
	[dreg:$0x5] =	wrdreg s21  }
0x14: {  	s2 =	simm.s32 $0x4;
	[dreg:$0x6] =	wrdreg s22;
	s1 =	sadd.s32 $0x32A00, s1  }
0x15: {  	v1 =	vimm.f32 $1.000000000e+00;
	[tilespmem:$0x1FFF0] =	vst v0;
	s21 =	simm.s32 $0x0;
	[dreg:$0x7] =	wrdreg s1;
	s1 =	simm.s32 $0x6  }
.LBB2_1:
0x16: {  	s6 =	rddreg [dreg:$0x5]  }
0x17: {  	[tilespmem:s4], [sflag:$0xA] =	stream.linear.gather [hbm4b:s6+s4], $0x1000, $0x38;
	[tilespmem:$0x16000] =	vst v63  }
0x18: {  	_ =	swait.ge [sflag:s11], $0x1000  }
0x19: {  	[sflag:s11] =	ssyncset.done $0x0  }
0x1a: {  	s7 =	simm.s32 $0x1000;
	s23 =	rddreg [dreg:$0x6];
	[sflag:s11] =	ssyncadd.s32 $0xFFFFF000  }
0x1b: {  	[tilespmem:s7], [sflag:$0x9] =	stream.linear.gather [hbm4b:s23+s4], $0x1000, $0x38;
	[tilespmem:$0x16000] =	vst v63  }
0x1c: {  	_ = 	snop  }
0x1d: {  	[tilespmem:s14], [sflag:$0x1] =	stream.indirect.gather [hbm4b:s0+s13], $0x80, s4, s13, $0xb8;
	[tilespmem:$0x16000] =	vst v63  }
0x1e: {  	s8 =	simm.s32 $0x80  }
0x1f: {  	[tilespmem:s16], [sflag:$0x2] =	stream.indirect.gather [hbm4b:s0+s13], $0x80, s8, s13, $0xb8;
	[tilespmem:$0x16000] =	vst v63  }
0x20: {  	[spmem:s18], [sflag:s17] =	dma.local [hbm:s5], $0x400  }
0x21: {  	[spmem:s19], [sflag:s17] =	dma.local [hbm:s5], $0x400  }
0x22: {  	[tilespmem:s20], [sflag:$0x9] =	stream.linear.gather [hbm4b:s5+s4], $0x2000, $0x38;
	[tilespmem:$0x16000] =	vst v63  }
0x23: {  	s9 =	simm.s32 $0xC000  }
0x24: {  	[tilespmem:s9], [sflag:$0x9] =	stream.linear.gather [hbm4b:s5+s4], $0x2000, $0x38;
	[tilespmem:$0x16000] =	vst v63  }
0x25: {  	s22 =	simm.s32 $0xE000  }
0x26: {  	[tilespmem:s22], [sflag:$0x9] =	stream.linear.gather [hbm4b:s5+s4], $0x2000, $0x38;
	[tilespmem:$0x16000] =	vst v63  }
0x27: {  	s23 =	simm.s32 $0x10000  }
0x28: {  	[tilespmem:s23], [sflag:$0x9] =	stream.linear.gather [hbm4b:s5+s4], $0x2000, $0x38;
	[tilespmem:$0x16000] =	vst v63  }
0x29: {  	_ =	swait.ge [sflag:s24], $0x400  }
0x2a: {  	[sflag:s24] =	ssyncset.done $0x0  }
0x2b: {  	[sflag:s24] =	ssyncadd.s32 $0xFFFFFC00  }
0x2c: {  	_ =	swait.ge [sflag:s24], $0x400  }
0x2d: {  	[sflag:s24] =	ssyncset.done $0x0  }
0x2e: {  	[sflag:s24] =	ssyncadd.s32 $0xFFFFFC00  }
0x2f: {  	_ =	swait.ge [sflag:s24], $0x2000  }
0x30: {  	[sflag:s24] =	ssyncset.done $0x0  }
0x31: {  	[sflag:s24] =	ssyncadd.s32 $0xFFFFE000  }
0x32: {  	_ =	swait.ge [sflag:s24], $0x2000  }
0x33: {  	[sflag:s24] =	ssyncset.done $0x0  }
0x34: {  	[sflag:s24] =	ssyncadd.s32 $0xFFFFE000  }
0x35: {  	_ =	swait.ge [sflag:s24], $0x2000  }
0x36: {  	[sflag:s24] =	ssyncset.done $0x0  }
0x37: {  	[sflag:s24] =	ssyncadd.s32 $0xFFFFE000  }
0x38: {  	_ =	swait.ge [sflag:s24], $0x2000  }
0x39: {  	[sflag:s24] =	ssyncset.done $0x0  }
0x3a: {  	[sflag:s24] =	ssyncadd.s32 $0xFFFFE000  }
0x3b: {  	_ =	swait.ge [sflag:s24], $0x1000  }
0x3c: {  	[sflag:s24] =	ssyncset.done $0x0  }
0x3d: {  	[sflag:s24] =	ssyncadd.s32 $0xFFFFF000  }
0x3e: {  	s22 =	simm.s32 $0x0;
	[bflag:$0x0] =	sbarrier.arrive $0xFFFF  }
.LBB2_2:
0x3f: {  	p0 =	seq.s32 s22, $0x0  }
0x40: {  	s6 =	simm.s32 @!p0 $0x7  }
0x41: {  	_ =	swait.ge @!p0 [sflag:s6], $0x2000  }
0x42: {  	s23 =	sshra.s32 s22, $0x2;
	[sflag:s6] =	ssyncset.done @!p0 $0x0  }
0x43: {  	s8 =	sadd.s32 $0x100, s23;
	[sflag:s6] =	ssyncadd.s32 @!p0 $0xFFFFE000  }
0x44: {  	[tilespmem:s25], [sflag:$0x3] =	stream.indirect.gather [hbm4b:s0+s13], $0x80, s8, s13, $0xb8;
	[tilespmem:$0x16000] =	vst v63  }
0x45: {  	_ =	swait.ge [sflag:s26], $0x2000  }
0x46: {  	[sflag:s26] =	ssyncset.done $0x0  }
0x47: {  	s9 =	sadd.s32 $0x1000, s23;
	[sflag:s26] =	ssyncadd.s32 $0xFFFFE000  }
0x48: {  	[spmem:s3] =	stream.indirect.scatter.add.f32 [tilespmem:s14], [sflag:$0x5], $0x80, s9, s13, $0xb8;
	[tilespmem:$0x16000] =	vst v63  }
0x49: {  	v2 =	vld [tilespmem:s23+$0x1000];
	_ =	sdelay $0x4  }
0x4a: {  	v2 =	vadd.s32 v0, v2;
	_ =	sdelay $0x4  }
0x4b: {  	[tilespmem:v2+s20+$0x0] =	vst.idx.add.f32.msk $0xffff, v1  }
0x4c: {  	v2 =	vld [tilespmem:s23+$0x1010];
	_ =	sdelay $0x4  }
0x4d: {  	v2 =	vadd.s32 v0, v2;
	_ =	sdelay $0x4  }
0x4e: {  	[tilespmem:v2+s20+$0x0] =	vst.idx.add.f32.msk $0xffff, v1  }
0x4f: {  	v2 =	vld [tilespmem:s23+$0x1020];
	_ =	sdelay $0x4  }
0x50: {  	v2 =	vadd.s32 v0, v2;
	_ =	sdelay $0x4  }
0x51: {  	[tilespmem:v2+s20+$0x0] =	vst.idx.add.f32.msk $0xffff, v1  }
0x52: {  	v2 =	vld [tilespmem:s23+$0x1030];
	_ =	sdelay $0x4  }
0x53: {  	v2 =	vadd.s32 v0, v2;
	_ =	sdelay $0x4  }
0x54: {  	s6 =	simm.s32 @!p0 $0x8;
	[tilespmem:v2+s20+$0x0] =	vst.idx.add.f32.msk $0xffff, v1  }
0x55: {  	_ =	swait.ge @!p0 [sflag:s6], $0x2000  }
0x56: {  	[sflag:s6] =	ssyncset.done @!p0 $0x0  }
0x57: {  	s7 =	sadd.s32 $0x180, s23;
	[sflag:s6] =	ssyncadd.s32 @!p0 $0xFFFFE000  }
0x58: {  	[tilespmem:s28], [sflag:$0x4] =	stream.indirect.gather [hbm4b:s0+s13], $0x80, s7, s13, $0xb8;
	[tilespmem:$0x16000] =	vst v63  }
0x59: {  	_ =	swait.ge [sflag:s29], $0x2000  }
0x5a: {  	[sflag:s29] =	ssyncset.done $0x0  }
0x5b: {  	s8 =	sadd.s32 $0x1080, s23;
	[sflag:s29] =	ssyncadd.s32 $0xFFFFE000  }
0x5c: {  	[spmem:s3] =	stream.indirect.scatter.add.f32 [tilespmem:s16], [sflag:$0x6], $0x80, s8, s13, $0xb8;
	[tilespmem:$0x16000] =	vst v63  }
0x5d: {  	v2 =	vld [tilespmem:s23+$0x1080];
	_ =	sdelay $0x4  }
0x5e: {  	v2 =	vadd.s32 v0, v2;
	_ =	sdelay $0x4  }
0x5f: {  	[tilespmem:v2+s20+$0x0] =	vst.idx.add.f32.msk $0xffff, v1  }
0x60: {  	v2 =	vld [tilespmem:s23+$0x1090];
	_ =	sdelay $0x4  }
0x61: {  	v2 =	vadd.s32 v0, v2;
	_ =	sdelay $0x4  }
0x62: {  	[tilespmem:v2+s20+$0x0] =	vst.idx.add.f32.msk $0xffff, v1  }
0x63: {  	v2 =	vld [tilespmem:s23+$0x10A0];
	_ =	sdelay $0x4  }
0x64: {  	v2 =	vadd.s32 v0, v2;
	_ =	sdelay $0x4  }
0x65: {  	[tilespmem:v2+s20+$0x0] =	vst.idx.add.f32.msk $0xffff, v1  }
0x66: {  	v2 =	vld [tilespmem:s23+$0x10B0];
	_ =	sdelay $0x4  }
0x67: {  	v2 =	vadd.s32 v0, v2;
	_ =	sdelay $0x4  }
0x68: {  	[tilespmem:v2+s20+$0x0] =	vst.idx.add.f32.msk $0xffff, v1  }
0x69: {  	p0 =	seq.s32 s22, $0x3800;
	_ =	swait.ge [sflag:s30], $0x2000  }
0x6a: {  	s6 =	sshra.s32 @!p0 s22, $0x2;
	s9 =	simm.s32 @!p0 $0x2000;
	[sflag:s30] =	ssyncset.done $0x0  }
0x6b: {  	s7 =	sadd.s32 @!p0 $0x200, s6;
	s8 =	simm.s32 @!p0 $0x40;
	[sflag:s30] =	ssyncadd.s32 $0xFFFFE000  }
0x6c: {  	[tilespmem:s9], [sflag:$0x1] =	stream.indirect.gather @!p0 [hbm4b:s0+s8], $0x80, s7, s8, $0xb8;
	[tilespmem:$0x16000] =	vst v63  }
0x6d: {  	_ =	swait.ge [sflag:s31], $0x2000  }
0x6e: {  	[sflag:s31] =	ssyncset.done $0x0  }
0x6f: {  	s9 =	sadd.s32 $0x1100, s23;
	[sflag:s31] =	ssyncadd.s32 $0xFFFFE000  }
0x70: {  	[spmem:s3] =	stream.indirect.scatter.add.f32 [tilespmem:s25], [sflag:$0x7], $0x80, s9, s13, $0xb8;
	[tilespmem:$0x16000] =	vst v63  }
0x71: {  	v2 =	vld [tilespmem:s23+$0x1100];
	_ =	sdelay $0x4  }
0x72: {  	v2 =	vadd.s32 v0, v2;
	_ =	sdelay $0x4  }
0x73: {  	[tilespmem:v2+s20+$0x0] =	vst.idx.add.f32.msk $0xffff, v1  }
0x74: {  	v2 =	vld [tilespmem:s23+$0x1110];
	_ =	sdelay $0x4  }
0x75: {  	v2 =	vadd.s32 v0, v2;
	_ =	sdelay $0x4  }
0x76: {  	[tilespmem:v2+s20+$0x0] =	vst.idx.add.f32.msk $0xffff, v1  }
0x77: {  	v2 =	vld [tilespmem:s23+$0x1120];
	_ =	sdelay $0x4  }
0x78: {  	v2 =	vadd.s32 v0, v2;
	_ =	sdelay $0x4  }
0x79: {  	[tilespmem:v2+s20+$0x0] =	vst.idx.add.f32.msk $0xffff, v1  }
0x7a: {  	v2 =	vld [tilespmem:s23+$0x1130];
	_ =	sdelay $0x4  }
0x7b: {  	v2 =	vadd.s32 v0, v2;
	_ =	sdelay $0x4  }
0x7c: {  	[tilespmem:v2+s20+$0x0] =	vst.idx.add.f32.msk $0xffff, v1  }
0x7d: {  	_ =	swait.ge [sflag:s1], $0x2000  }
0x7e: {  	[sflag:s1] =	ssyncset.done $0x0  }
0x7f: {  	s6 =	sadd.s32 @!p0 $0x280, s6;
	s7 =	simm.s32 @!p0 $0x4000;
	[sflag:s1] =	ssyncadd.s32 $0xFFFFE000  }
0x80: {  	[tilespmem:s7], [sflag:$0x2] =	stream.indirect.gather @!p0 [hbm4b:s0+s8], $0x80, s6, s8, $0xb8;
	[tilespmem:$0x16000] =	vst v63  }
0x81: {  	_ =	swait.ge [sflag:s2], $0x2000  }
0x82: {  	[sflag:s2] =	ssyncset.done $0x0  }
0x83: {  	s9 =	sadd.s32 $0x1180, s23;
	[sflag:s2] =	ssyncadd.s32 $0xFFFFE000  }
0x84: {  	[spmem:s3] =	stream.indirect.scatter.add.f32 [tilespmem:s28], [sflag:$0x8], $0x80, s9, s13, $0xb8;
	[tilespmem:$0x16000] =	vst v63  }
0x85: {  	v2 =	vld [tilespmem:s23+$0x1180];
	_ =	sdelay $0x4  }
0x86: {  	v2 =	vadd.s32 v0, v2;
	_ =	sdelay $0x4  }
0x87: {  	[tilespmem:v2+s20+$0x0] =	vst.idx.add.f32.msk $0xffff, v1  }
0x88: {  	v2 =	vld [tilespmem:s23+$0x1190];
	_ =	sdelay $0x4  }
0x89: {  	v2 =	vadd.s32 v0, v2;
	_ =	sdelay $0x4  }
0x8a: {  	[tilespmem:v2+s20+$0x0] =	vst.idx.add.f32.msk $0xffff, v1  }
0x8b: {  	v2 =	vld [tilespmem:s23+$0x11A0];
	_ =	sdelay $0x4  }
0x8c: {  	v2 =	vadd.s32 v0, v2;
	_ =	sdelay $0x4  }
0x8d: {  	[tilespmem:v2+s20+$0x0] =	vst.idx.add.f32.msk $0xffff, v1  }
0x8e: {  	v2 =	vld [tilespmem:s23+$0x11B0];
	_ =	sdelay $0x3  }
0x8f: {  	s22 =	sadd.s32 $0x800, s22  }
0x90: {  	p0 =	sne.s32 s22, $0x4000;
	v2 =	vadd.s32 v0, v2  }
.Ltmp0:
0x91: {  	_ = 	snop;
	(pc) =	sbr.rel @p0 .LBB2_2-.Ltmp0, $2  }
0x92: {  	_ =	sdelay $0x2  }
0x93: {  	[tilespmem:v2+s20+$0x0] =	vst.idx.add.f32.msk $0xffff, v1  }
0x94: {  	_ =	swait.ge [sflag:s12], $0x2000  }
0x95: {  	[sflag:s12] =	ssyncset.done $0x0  }
0x96: {  	[sflag:s12] =	ssyncadd.s32 $0xFFFFE000  }
0x97: {  	_ =	swait.ge [sflag:s15], $0x2000  }
0x98: {  	[sflag:s15] =	ssyncset.done $0x0  }
0x99: {  	s22 =	simm.s32 $0x0;
	[sflag:s15] =	ssyncadd.s32 $0xFFFFE000  }
0x9a: {  	v17 =	vld [tilespmem:s22+$0x11800]  }
0x9b: {  	v16 =	vld [tilespmem:s22+$0x11810]  }
0x9c: {  	v15 =	vld [tilespmem:s22+$0x11820]  }
0x9d: {  	v14 =	vld [tilespmem:s22+$0x11830]  }
0x9e: {  	v0 =	vld [tilespmem:s22+$0x11840]  }
0x9f: {  	v56 =	vld [tilespmem:s22+$0x11850]  }
0xa0: {  	v2 =	vld [tilespmem:s22+$0x11000]  }
0xa1: {  	v1 =	vld [tilespmem:s22+$0x11010]  }
0xa2: {  	v21 =	vld [tilespmem:s22+$0x11020]  }
0xa3: {  	v20 =	vld [tilespmem:s22+$0x11030]  }
0xa4: {  	v57 =	vld [tilespmem:s22+$0x11040]  }
0xa5: {  	v58 =	vld [tilespmem:s22+$0x11050]  }
0xa6: {  	v6 =	vld [tilespmem:s22+$0x10800]  }
0xa7: {  	v5 =	vld [tilespmem:s22+$0x10810]  }
0xa8: {  	v4 =	vld [tilespmem:s22+$0x10820]  }
0xa9: {  	v3 =	vld [tilespmem:s22+$0x10830]  }
0xaa: {  	v59 =	vld [tilespmem:s22+$0x10840]  }
0xab: {  	v60 =	vld [tilespmem:s22+$0x10850]  }
0xac: {  	v41 =	vld [tilespmem:s22+$0x10000]  }
0xad: {  	v61 =	vld [tilespmem:s22+$0x10010]  }
0xae: {  	v8 =	vld [tilespmem:s22+$0x10020]  }
0xaf: {  	v7 =	vld [tilespmem:s22+$0x10030]  }
0xb0: {  	v9 =	vld [tilespmem:s22+$0x10040]  }
0xb1: {  	v62 =	vld [tilespmem:s22+$0x10050]  }
0xb2: {  	v37 =	vld [tilespmem:s22+$0xF800]  }
0xb3: {  	v38 =	vld [tilespmem:s22+$0xF810]  }
0xb4: {  	v44 =	vld [tilespmem:s22+$0xF820]  }
0xb5: {  	v45 =	vld [tilespmem:s22+$0xF830]  }
0xb6: {  	v11 =	vld [tilespmem:s22+$0xF840]  }
0xb7: {  	v10 =	vld [tilespmem:s22+$0xF850]  }
0xb8: {  	v42 =	vld [tilespmem:s22+$0xF000]  }
0xb9: {  	v43 =	vld [tilespmem:s22+$0xF010]  }
0xba: {  	v50 =	vld [tilespmem:s22+$0xF020]  }
0xbb: {  	v51 =	vld [tilespmem:s22+$0xF030]  }
0xbc: {  	v13 =	vld [tilespmem:s22+$0xF040]  }
0xbd: {  	v12 =	vld [tilespmem:s22+$0xF050]  }
0xbe: {  	v46 =	vld [tilespmem:s22+$0xE800]  }
0xbf: {  	v47 =	vld [tilespmem:s22+$0xE810]  }
0xc0: {  	v53 =	vld [tilespmem:s22+$0xE820]  }
0xc1: {  	v54 =	vld [tilespmem:s22+$0xE830]  }
0xc2: {  	v19 =	vld [tilespmem:s22+$0xE840]  }
0xc3: {  	v18 =	vld [tilespmem:s22+$0xE850]  }
0xc4: {  	v40 =	vld [tilespmem:s22+$0xE000]  }
0xc5: {  	v48 =	vld [tilespmem:s22+$0xE010]  }
0xc6: {  	v49 =	vld [tilespmem:s22+$0xE020]  }
0xc7: {  	v52 =	vld [tilespmem:s22+$0xE030]  }
0xc8: {  	v23 =	vld [tilespmem:s22+$0xE040]  }
0xc9: {  	v22 =	vld [tilespmem:s22+$0xE050]  }
0xca: {  	v36 =	vld [tilespmem:s22+$0xD800]  }
0xcb: {  	v39 =	vld [tilespmem:s22+$0xD810]  }
0xcc: {  	v55 =	vld [tilespmem:s22+$0xD820]  }
0xcd: {  	v34 =	vld [tilespmem:s22+$0xD000]  }
0xce: {  	v35 =	vld [tilespmem:s22+$0xD010]  }
0xcf: {  	v33 =	vld [tilespmem:s22+$0xC800]  }
0xd0: {  	v63 =	vld [tilespmem:s22+$0xB010]  }
0xd1: {  	v27 =	vld [tilespmem:s22+$0xA800]  }
0xd2: {  	v28 =	vld [tilespmem:s22+$0xA810]  }
0xd3: {  	v30 =	vld [tilespmem:s22+$0xA820]  }
0xd4: {  	v32 =	vld [tilespmem:s22+$0xA830]  }
0xd5: {  	v24 =	vld [tilespmem:s22+$0xA000]  }
0xd6: {  	v25 =	vld [tilespmem:s22+$0xA010]  }
0xd7: {  	v26 =	vld [tilespmem:s22+$0xA020]  }
0xd8: {  	v29 =	vld [tilespmem:s22+$0xA030]  }
0xd9: {  	v31 =	vld [tilespmem:s22+$0xB020]  }
0xda: {  	[tilespmem:$0x1FF80] =	vst v56;
	v56 =	vld [tilespmem:s22+$0xD830]  }
0xdb: {  	[tilespmem:$0x1FF90] =	vst v57;
	v57 =	vld [tilespmem:s22+$0xC810]  }
0xdc: {  	[tilespmem:$0x1FFA0] =	vst v58;
	v58 =	vld [tilespmem:s22+$0xC000]  }
0xdd: {  	[tilespmem:$0x1FFB0] =	vst v59;
	v59 =	vld [tilespmem:s22+$0xC010]  }
0xde: {  	[tilespmem:$0x1FFC0] =	vst v60;
	v60 =	vld [tilespmem:s22+$0xB800]  }
0xdf: {  	[tilespmem:$0x1FFE0] =	vst v61;
	v61 =	vld [tilespmem:s22+$0xB810]  }
0xe0: {  	[tilespmem:$0x1FFD0] =	vst v62;
	v62 =	vld [tilespmem:s22+$0xB000]  }
0xe1: {  	v24 =	vadd.f32 v27, v24;
	v27 =	vld [tilespmem:s22+$0xB030]  }
0xe2: {  	v25 =	vadd.f32 v28, v25;
	v28 =	vld [tilespmem:s22+$0xB820]  }
0xe3: {  	v26 =	vadd.f32 v30, v26;
	v30 =	vld [tilespmem:s22+$0xB830]  }
0xe4: {  	[tilespmem:$0x1FF70] =	vst v0;
	v0 =	vld [tilespmem:s22+$0xD030];
	v25 =	vadd.f32 v63, v25  }
0xe5: {  	v29 =	vadd.f32 v32, v29;
	v63 =	vld [tilespmem:s22+$0xC020];
	v24 =	vadd.f32 v62, v24  }
0xe6: {  	v26 =	vadd.f32 v31, v26;
	v31 =	vld [tilespmem:s22+$0xC030];
	v25 =	vadd.f32 v61, v25  }
0xe7: {  	v27 =	vadd.f32 v27, v29;
	v29 =	vld [tilespmem:s22+$0xC820];
	v24 =	vadd.f32 v60, v24  }
0xe8: {  	v26 =	vadd.f32 v28, v26;
	v28 =	vld [tilespmem:s22+$0xC830];
	v25 =	vadd.f32 v59, v25  }
0xe9: {  	v27 =	vadd.f32 v30, v27;
	v30 =	vld [tilespmem:s22+$0xD020];
	v24 =	vadd.f32 v58, v24  }
0xea: {  	v32 =	vld [tilespmem:s22+$0xD040];
	v26 =	vadd.f32 v63, v26;
	v60 =	vadd.f32 v57, v25  }
0xeb: {  	v61 =	vld [tilespmem:$0x1FFE0];
	v27 =	vadd.f32 v31, v27;
	v33 =	vadd.f32 v33, v24  }
0xec: {  	v25 =	vld [tilespmem:s22+$0xD850];
	v26 =	vadd.f32 v29, v26;
	v29 =	vadd.f32 v35, v60  }
0xed: {  	v24 =	vld [tilespmem:s22+$0xD840];
	v27 =	vadd.f32 v28, v27;
	v31 =	vadd.f32 v34, v33  }
0xee: {  	v26 =	vadd.f32 v30, v26;
	v30 =	vld [tilespmem:s22+$0xA040];
	v29 =	vadd.f32 v39, v29  }
0xef: {  	v33 =	vld [tilespmem:s22+$0xD050];
	v27 =	vadd.f32 v0, v27;
	v28 =	vadd.f32 v36, v31  }
0xf0: {  	v39 =	vld [tilespmem:s22+$0xC840];
	v26 =	vadd.f32 v55, v26;
	v29 =	vadd.f32 v48, v29  }
0xf1: {  	v27 =	vadd.f32 v56, v27;
	v48 =	vld [tilespmem:s22+$0xC040];
	v28 =	vadd.f32 v40, v28  }
0xf2: {  	v36 =	vld [tilespmem:s22+$0xA860];
	v26 =	vadd.f32 v49, v26;
	v29 =	vadd.f32 v47, v29  }
0xf3: {  	v31 =	vld [tilespmem:s22+$0xA870];
	v27 =	vadd.f32 v52, v27;
	v28 =	vadd.f32 v46, v28  }
0xf4: {  	v49 =	vld [tilespmem:s22+$0xC050];
	v26 =	vadd.f32 v53, v26;
	v29 =	vadd.f32 v43, v29  }
0xf5: {  	v40 =	vld [tilespmem:s22+$0xC850];
	v27 =	vadd.f32 v54, v27;
	v28 =	vadd.f32 v42, v28  }
0xf6: {  	v52 =	vld [tilespmem:s22+$0xB840];
	v26 =	vadd.f32 v50, v26;
	v29 =	vadd.f32 v38, v29  }
0xf7: {  	v47 =	vld [tilespmem:s22+$0xB850];
	v27 =	vadd.f32 v51, v27;
	v28 =	vadd.f32 v37, v28  }
0xf8: {  	v46 =	vld [tilespmem:s22+$0xB040];
	v26 =	vadd.f32 v44, v26;
	v29 =	vadd.f32 v61, v29  }
0xf9: {  	v43 =	vld [tilespmem:s22+$0xB050];
	v27 =	vadd.f32 v45, v27;
	v28 =	vadd.f32 v41, v28  }
0xfa: {  	v42 =	vld [tilespmem:s22+$0xA840];
	v26 =	vadd.f32 v8, v26;
	v62 =	vadd.f32 v5, v29  }
0xfb: {  	v37 =	vld [tilespmem:s22+$0xA850];
	v63 =	vadd.f32 v7, v27;
	v28 =	vadd.f32 v6, v28  }
0xfc: {  	v29 =	vld [tilespmem:s22+$0xA050];
	v35 =	vadd.f32 v4, v26;
	v27 =	vadd.f32 v1, v62  }
0xfd: {  	s23 =	simm.s32 $0x200;
	v26 =	vld [tilespmem:s22+$0xA060];
	v34 =	vadd.f32 v2, v28;
	v28 =	vadd.f32 v3, v63  }
.LBB2_4:
0xfe: {  	v7 =	vld [tilespmem:s22+$0xA070]  }
0xff: {  	v38 =	vld [tilespmem:s22+$0xC860]  }
0x100: {  	v41 =	vld [tilespmem:s22+$0xD860]  }
0x101: {  	v0 =	vld [tilespmem:$0x1FFD0]  }
0x102: {  	v44 =	vld [tilespmem:$0x1FFC0]  }
0x103: {  	v45 =	vld [tilespmem:$0x1FF90]  }
0x104: {  	v51 =	vld [tilespmem:$0x1FF80];
	v21 =	vadd.f32 v21, v35  }
0x105: {  	v16 =	vadd.f32 v16, v27;
	v27 =	vld [tilespmem:s22+$0xB060];
	v20 =	vadd.f32 v20, v28  }
0x106: {  	v28 =	vld [tilespmem:s22+$0xB070];
	v15 =	vadd.f32 v15, v21;
	v21 =	vadd.f32 v42, v30  }
0x107: {  	v14 =	vadd.f32 v14, v20;
	v20 =	vadd.f32 v37, v29;
	v29 =	vld [tilespmem:s22+$0xB860]  }
0x108: {  	v26 =	vadd.f32 v36, v26;
	v30 =	vld [tilespmem:s22+$0xB870]  }
0x109: {  	v31 =	vadd.f32 v31, v7;
	v37 =	vld [tilespmem:s22+$0xC060];
	v21 =	vadd.f32 v46, v21  }
0x10a: {  	v26 =	vadd.f32 v27, v26;
	v27 =	vld [tilespmem:s22+$0xC070];
	v20 =	vadd.f32 v43, v20  }
0x10b: {  	v17 =	vadd.f32 v17, v34;
	v42 =	vld [tilespmem:s22+$0xE060];
	v21 =	vadd.f32 v52, v21  }
0x10c: {  	v43 =	vld [tilespmem:$0x1FFB0];
	v28 =	vadd.f32 v28, v31;
	v20 =	vadd.f32 v47, v20  }
0x10d: {  	v26 =	vadd.f32 v29, v26;
	v29 =	vld [tilespmem:s22+$0xC870];
	v21 =	vadd.f32 v48, v21  }
0x10e: {  	v31 =	vld [tilespmem:s22+$0xD060];
	v28 =	vadd.f32 v30, v28;
	v20 =	vadd.f32 v49, v20  }
0x10f: {  	v30 =	vld [tilespmem:s22+$0xD070];
	v26 =	vadd.f32 v37, v26;
	v21 =	vadd.f32 v39, v21  }
0x110: {  	v47 =	vld [tilespmem:$0x1FFA0];
	v27 =	vadd.f32 v27, v28;
	v20 =	vadd.f32 v40, v20  }
0x111: {  	v28 =	vld [tilespmem:s22+$0xD870];
	v26 =	vadd.f32 v38, v26;
	v21 =	vadd.f32 v32, v21  }
0x112: {  	v49 =	vld [tilespmem:$0x1FF70];
	v20 =	vadd.f32 v33, v20;
	v27 =	vadd.f32 v29, v27  }
0x113: {  	v21 =	vadd.f32 v24, v21;
	v24 =	vadd.f32 v31, v26;
	v26 =	vld [tilespmem:s22+$0xE070]  }
0x114: {  	v20 =	vadd.f32 v25, v20;
	v25 =	vld [tilespmem:s22+$0xE860];
	v27 =	vadd.f32 v30, v27  }
0x115: {  	v21 =	vadd.f32 v23, v21;
	v23 =	vadd.f32 v41, v24;
	v24 =	vld [tilespmem:s22+$0xE870]  }
0x116: {  	v20 =	vadd.f32 v22, v20;
	v22 =	vld [tilespmem:s22+$0xF060];
	v27 =	vadd.f32 v28, v27  }
0x117: {  	v19 =	vadd.f32 v19, v21;
	v21 =	vadd.f32 v42, v23;
	v23 =	vld [tilespmem:s22+$0xF070]  }
0x118: {  	v18 =	vadd.f32 v18, v20;
	v20 =	vld [tilespmem:s22+$0xF860];
	v26 =	vadd.f32 v26, v27  }
0x119: {  	v13 =	vadd.f32 v13, v19;
	v19 =	vadd.f32 v25, v21;
	v21 =	vld [tilespmem:s22+$0xF870]  }
0x11a: {  	v12 =	vadd.f32 v12, v18;
	v18 =	vld [tilespmem:s22+$0x10060];
	v24 =	vadd.f32 v24, v26  }
0x11b: {  	v11 =	vadd.f32 v11, v13;
	v13 =	vadd.f32 v22, v19;
	v19 =	vld [tilespmem:s22+$0x10070]  }
0x11c: {  	v10 =	vadd.f32 v10, v12;
	v12 =	vld [tilespmem:s22+$0x10860];
	v22 =	vadd.f32 v23, v24  }
0x11d: {  	v9 =	vadd.f32 v9, v11;
	v11 =	vadd.f32 v20, v13;
	v13 =	vld [tilespmem:s22+$0x10870]  }
0x11e: {  	v8 =	vadd.f32 v0, v10;
	v10 =	vld [tilespmem:s22+$0x11060];
	v20 =	vadd.f32 v21, v22  }
0x11f: {  	v7 =	vadd.f32 v43, v9;
	v9 =	vadd.f32 v18, v11;
	v11 =	vld [tilespmem:s22+$0x11070]  }
0x120: {  	v6 =	vadd.f32 v44, v8;
	v8 =	vld [tilespmem:s22+$0x11860];
	v18 =	vadd.f32 v19, v20  }
0x121: {  	s6 =	sshra.s32 s23, $0x2;
	[tilespmem:s22+$0xA000] =	vst v17;
	v5 =	vadd.f32 v45, v7;
	v46 =	vadd.f32 v12, v9;
	v9 =	vld [tilespmem:s22+$0x11870]  }
0x122: {  	v17 =	vld [tilespmem:s6+$0x11800];
	[tilespmem:s22+$0xA010] =	vst v16;
	v4 =	vadd.f32 v47, v6;
	v48 =	vadd.f32 v13, v18  }
0x123: {  	v16 =	vld [tilespmem:s6+$0x11810];
	[tilespmem:s22+$0xA020] =	vst v15;
	v3 =	vadd.f32 v49, v5;
	v50 =	vadd.f32 v10, v46  }
0x124: {  	v15 =	vld [tilespmem:s6+$0x11820];
	[tilespmem:s22+$0xA030] =	vst v14;
	v2 =	vadd.f32 v51, v4;
	v52 =	vadd.f32 v11, v48  }
0x125: {  	v14 =	vld [tilespmem:s6+$0x11830];
	[tilespmem:s22+$0xA040] =	vst v3;
	v5 =	vadd.f32 v8, v50  }
0x126: {  	v53 =	vld [tilespmem:s6+$0x11840];
	[tilespmem:s22+$0xA050] =	vst v2;
	v4 =	vadd.f32 v9, v52  }
0x127: {  	v54 =	vld [tilespmem:s6+$0x11850];
	[tilespmem:s22+$0xA060] =	vst v5  }
0x128: {  	v26 =	vld [tilespmem:s6+$0x11000];
	[tilespmem:s22+$0xA070] =	vst v4;
	s22 =	smov.u32 s6  }
0x129: {  	v27 =	vld [tilespmem:s22+$0x11010]  }
0x12a: {  	v21 =	vld [tilespmem:s22+$0x11020]  }
0x12b: {  	v20 =	vld [tilespmem:s22+$0x11030]  }
0x12c: {  	v55 =	vld [tilespmem:s22+$0x11040]  }
0x12d: {  	v56 =	vld [tilespmem:s22+$0x11050]  }
0x12e: {  	v31 =	vld [tilespmem:s22+$0x10800]  }
0x12f: {  	v30 =	vld [tilespmem:s22+$0x10810]  }
0x130: {  	v29 =	vld [tilespmem:s22+$0x10820]  }
0x131: {  	v28 =	vld [tilespmem:s22+$0x10830]  }
0x132: {  	v57 =	vld [tilespmem:s22+$0x10840]  }
0x133: {  	v58 =	vld [tilespmem:s22+$0x10850]  }
0x134: {  	v37 =	vld [tilespmem:s22+$0x10000]  }
0x135: {  	v36 =	vld [tilespmem:s22+$0x10010]  }
0x136: {  	v35 =	vld [tilespmem:s22+$0x10020]  }
0x137: {  	v34 =	vld [tilespmem:s22+$0x10030]  }
0x138: {  	v9 =	vld [tilespmem:s22+$0x10040]  }
0x139: {  	v59 =	vld [tilespmem:s22+$0x10050]  }
0x13a: {  	v43 =	vld [tilespmem:s22+$0xF800]  }
0x13b: {  	v42 =	vld [tilespmem:s22+$0xF810]  }
0x13c: {  	v41 =	vld [tilespmem:s22+$0xF820]  }
0x13d: {  	v38 =	vld [tilespmem:s22+$0xF830]  }
0x13e: {  	v11 =	vld [tilespmem:s22+$0xF840]  }
0x13f: {  	v10 =	vld [tilespmem:s22+$0xF850]  }
0x140: {  	v47 =	vld [tilespmem:s22+$0xF000]  }
0x141: {  	v46 =	vld [tilespmem:s22+$0xF010]  }
0x142: {  	v45 =	vld [tilespmem:s22+$0xF020]  }
0x143: {  	v44 =	vld [tilespmem:s22+$0xF030]  }
0x144: {  	v13 =	vld [tilespmem:s22+$0xF040]  }
0x145: {  	v12 =	vld [tilespmem:s22+$0xF050]  }
0x146: {  	v49 =	vld [tilespmem:s22+$0xE800]  }
0x147: {  	v52 =	vld [tilespmem:s22+$0xE810]  }
0x148: {  	v51 =	vld [tilespmem:s22+$0xE820]  }
0x149: {  	v50 =	vld [tilespmem:s22+$0xE830]  }
0x14a: {  	v19 =	vld [tilespmem:s22+$0xE840]  }
0x14b: {  	v18 =	vld [tilespmem:s22+$0xE850]  }
0x14c: {  	v40 =	vld [tilespmem:s22+$0xE000]  }
0x14d: {  	v48 =	vld [tilespmem:s22+$0xE010]  }
0x14e: {  	v23 =	vld [tilespmem:s22+$0xE040]  }
0x14f: {  	v22 =	vld [tilespmem:s22+$0xE050]  }
0x150: {  	v33 =	vld [tilespmem:s22+$0xD800]  }
0x151: {  	v39 =	vld [tilespmem:s22+$0xD810]  }
0x152: {  	v25 =	vld [tilespmem:s22+$0xD000]  }
0x153: {  	v32 =	vld [tilespmem:s22+$0xD010]  }
0x154: {  	v24 =	vld [tilespmem:s22+$0xC800]  }
0x155: {  	v60 =	vld [tilespmem:s22+$0xB800]  }
0x156: {  	v61 =	vld [tilespmem:s22+$0xB810]  }
0x157: {  	v62 =	vld [tilespmem:s22+$0xB000]  }
0x158: {  	v63 =	vld [tilespmem:s22+$0xB010]  }
0x159: {  	v1 =	vld [tilespmem:s22+$0xA800]  }
0x15a: {  	v0 =	vld [tilespmem:s22+$0xA810]  }
0x15b: {  	v2 =	vld [tilespmem:s22+$0xA820]  }
0x15c: {  	v3 =	vld [tilespmem:s22+$0xA830]  }
0x15d: {  	v4 =	vld [tilespmem:s22+$0xA000]  }
0x15e: {  	v5 =	vld [tilespmem:s22+$0xA010]  }
0x15f: {  	v6 =	vld [tilespmem:s22+$0xA020]  }
0x160: {  	v7 =	vld [tilespmem:s22+$0xA030]  }
0x161: {  	v8 =	vld [tilespmem:s22+$0xB020]  }
0x162: {  	[tilespmem:$0x1FF70] =	vst v53;
	v53 =	vld [tilespmem:s22+$0xE020]  }
0x163: {  	[tilespmem:$0x1FF80] =	vst v54;
	v54 =	vld [tilespmem:s22+$0xE030]  }
0x164: {  	[tilespmem:$0x1FF90] =	vst v55;
	v55 =	vld [tilespmem:s22+$0xD820]  }
0x165: {  	[tilespmem:$0x1FFA0] =	vst v56;
	v56 =	vld [tilespmem:s22+$0xD830]  }
0x166: {  	[tilespmem:$0x1FFB0] =	vst v57;
	v57 =	vld [tilespmem:s22+$0xC810]  }
0x167: {  	[tilespmem:$0x1FFC0] =	vst v58;
	v58 =	vld [tilespmem:s22+$0xC000]  }
0x168: {  	[tilespmem:$0x1FFD0] =	vst v59;
	v59 =	vld [tilespmem:s22+$0xC010]  }
0x169: {  	v1 =	vadd.f32 v1, v4;
	v4 =	vld [tilespmem:s22+$0xB030]  }
0x16a: {  	v0 =	vadd.f32 v0, v5;
	v5 =	vld [tilespmem:s22+$0xB820]  }
0x16b: {  	v2 =	vadd.f32 v2, v6;
	v6 =	vld [tilespmem:s22+$0xB830];
	v1 =	vadd.f32 v62, v1  }
0x16c: {  	v3 =	vadd.f32 v3, v7;
	v0 =	vadd.f32 v63, v0;
	v62 =	vld [tilespmem:s22+$0xC020]  }
0x16d: {  	v7 =	vld [tilespmem:s22+$0xC030];
	v2 =	vadd.f32 v8, v2;
	v1 =	vadd.f32 v60, v1  }
0x16e: {  	v8 =	vld [tilespmem:s22+$0xC820];
	v0 =	vadd.f32 v61, v0;
	v3 =	vadd.f32 v4, v3  }
0x16f: {  	v60 =	vld [tilespmem:s22+$0xC830];
	v2 =	vadd.f32 v5, v2;
	v1 =	vadd.f32 v58, v1  }
0x170: {  	v61 =	vld [tilespmem:s22+$0xD020];
	v0 =	vadd.f32 v59, v0;
	v3 =	vadd.f32 v6, v3  }
0x171: {  	v63 =	vld [tilespmem:s22+$0xD030];
	v2 =	vadd.f32 v62, v2;
	v1 =	vadd.f32 v24, v1  }
0x172: {  	v0 =	vadd.f32 v57, v0;
	v24 =	vld [tilespmem:s22+$0xD840];
	v3 =	vadd.f32 v7, v3  }
0x173: {  	v2 =	vadd.f32 v8, v2;
	v1 =	vadd.f32 v25, v1;
	v25 =	vld [tilespmem:s22+$0xD850]  }
0x174: {  	v0 =	vadd.f32 v32, v0;
	v32 =	vld [tilespmem:s22+$0xD040];
	v3 =	vadd.f32 v60, v3  }
0x175: {  	v2 =	vadd.f32 v61, v2;
	v1 =	vadd.f32 v33, v1;
	v33 =	vld [tilespmem:s22+$0xD050]  }
0x176: {  	v0 =	vadd.f32 v39, v0;
	v39 =	vld [tilespmem:s22+$0xC840];
	v3 =	vadd.f32 v63, v3  }
0x177: {  	v2 =	vadd.f32 v55, v2;
	v1 =	vadd.f32 v40, v1;
	v40 =	vld [tilespmem:s22+$0xC850]  }
0x178: {  	v0 =	vadd.f32 v48, v0;
	v48 =	vld [tilespmem:s22+$0xC040];
	v3 =	vadd.f32 v56, v3  }
0x179: {  	v2 =	vadd.f32 v53, v2;
	v1 =	vadd.f32 v49, v1;
	v49 =	vld [tilespmem:s22+$0xC050]  }
0x17a: {  	v0 =	vadd.f32 v52, v0;
	v52 =	vld [tilespmem:s22+$0xB840];
	v3 =	vadd.f32 v54, v3  }
0x17b: {  	v2 =	vadd.f32 v51, v2;
	v1 =	vadd.f32 v47, v1;
	v47 =	vld [tilespmem:s22+$0xB850]  }
0x17c: {  	v0 =	vadd.f32 v46, v0;
	v46 =	vld [tilespmem:s22+$0xB040];
	v3 =	vadd.f32 v50, v3  }
0x17d: {  	v2 =	vadd.f32 v45, v2;
	v1 =	vadd.f32 v43, v1;
	v43 =	vld [tilespmem:s22+$0xB050]  }
0x17e: {  	v0 =	vadd.f32 v42, v0;
	v42 =	vld [tilespmem:s22+$0xA840];
	v3 =	vadd.f32 v44, v3  }
0x17f: {  	p0 =	sne.s32 s23, $0x1E00;
	v2 =	vadd.f32 v41, v2;
	v1 =	vadd.f32 v37, v1;
	v37 =	vld [tilespmem:s22+$0xA850]  }
.Ltmp1:
0x180: {  	v0 =	vadd.f32 v36, v0;
	v36 =	vld [tilespmem:s22+$0xA860];
	v3 =	vadd.f32 v38, v3;
	(pc) =	sbr.rel @p0 .LBB2_4-.Ltmp1, $4  }
0x181: {  	v2 =	vadd.f32 v35, v2;
	v1 =	vadd.f32 v31, v1;
	v31 =	vld [tilespmem:s22+$0xA870]  }
0x182: {  	v0 =	vadd.f32 v30, v0;
	v30 =	vld [tilespmem:s22+$0xA040];
	v3 =	vadd.f32 v34, v3  }
0x183: {  	v35 =	vadd.f32 v29, v2;
	v29 =	vld [tilespmem:s22+$0xA050];
	v34 =	vadd.f32 v26, v1  }
0x184: {  	s23 =	sadd.s32 $0x200, s23;
	v27 =	vadd.f32 v27, v0;
	v26 =	vld [tilespmem:s22+$0xA060];
	v28 =	vadd.f32 v28, v3  }
0x185: {  	v0 =	vld [tilespmem:s22+$0xA070]  }
0x186: {  	v3 =	vld [tilespmem:s22+$0xB060]  }
0x187: {  	v6 =	vld [tilespmem:s22+$0xB070]  }
0x188: {  	v8 =	vld [tilespmem:s22+$0xB860]  }
0x189: {  	v1 =	vadd.f32 v17, v34;
	v34 =	vld [tilespmem:s22+$0xC060]  }
0x18a: {  	v2 =	vadd.f32 v21, v35;
	v35 =	vld [tilespmem:s22+$0xC070]  }
0x18b: {  	v38 =	vld [tilespmem:s22+$0xD060]  }
0x18c: {  	v41 =	vld [tilespmem:s22+$0xD070];
	v4 =	vadd.f32 v16, v27;
	v7 =	vadd.f32 v42, v30  }
0x18d: {  	v44 =	vld [tilespmem:s22+$0xE060];
	v5 =	vadd.f32 v20, v28;
	v28 =	vadd.f32 v37, v29  }
0x18e: {  	v29 =	vld [tilespmem:s22+$0xB870];
	v7 =	vadd.f32 v46, v7;
	v30 =	vadd.f32 v36, v26  }
0x18f: {  	v45 =	vld [tilespmem:s22+$0xE070];
	v2 =	vadd.f32 v15, v2;
	v0 =	vadd.f32 v31, v0  }
0x190: {  	v50 =	vld [tilespmem:s22+$0xF860];
	v7 =	vadd.f32 v52, v7;
	v3 =	vadd.f32 v3, v30  }
0x191: {  	v5 =	vadd.f32 v14, v5;
	v36 =	vld [tilespmem:s22+$0xC860];
	v0 =	vadd.f32 v6, v0  }
0x192: {  	v37 =	vld [tilespmem:s22+$0xC870];
	v7 =	vadd.f32 v48, v7;
	v3 =	vadd.f32 v8, v3  }
0x193: {  	v51 =	vld [tilespmem:s22+$0xF870];
	v14 =	vadd.f32 v43, v28;
	v0 =	vadd.f32 v29, v0  }
0x194: {  	v53 =	vld [tilespmem:s22+$0x10070];
	v7 =	vadd.f32 v39, v7;
	v3 =	vadd.f32 v34, v3  }
0x195: {  	v42 =	vld [tilespmem:s22+$0xD860];
	v14 =	vadd.f32 v47, v14;
	v0 =	vadd.f32 v35, v0  }
0x196: {  	v43 =	vld [tilespmem:s22+$0xD870];
	v7 =	vadd.f32 v32, v7;
	v3 =	vadd.f32 v36, v3  }
0x197: {  	v54 =	vld [tilespmem:s22+$0x10860];
	v14 =	vadd.f32 v49, v14;
	v0 =	vadd.f32 v37, v0  }
0x198: {  	v55 =	vld [tilespmem:s22+$0x10870];
	v7 =	vadd.f32 v24, v7;
	v3 =	vadd.f32 v38, v3  }
0x199: {  	v46 =	vld [tilespmem:s22+$0xE860];
	v14 =	vadd.f32 v40, v14;
	v0 =	vadd.f32 v41, v0  }
0x19a: {  	v47 =	vld [tilespmem:s22+$0xE870];
	v7 =	vadd.f32 v23, v7;
	v3 =	vadd.f32 v42, v3  }
0x19b: {  	v48 =	vld [tilespmem:s22+$0xF060];
	v14 =	vadd.f32 v33, v14;
	v0 =	vadd.f32 v43, v0  }
0x19c: {  	v49 =	vld [tilespmem:s22+$0xF070];
	v7 =	vadd.f32 v19, v7;
	v3 =	vadd.f32 v44, v3  }
0x19d: {  	v56 =	vld [tilespmem:s22+$0x11060];
	v14 =	vadd.f32 v25, v14;
	v0 =	vadd.f32 v45, v0  }
0x19e: {  	v59 =	vld [tilespmem:$0x1FFB0];
	v7 =	vadd.f32 v13, v7;
	v3 =	vadd.f32 v46, v3  }
0x19f: {  	v52 =	vld [tilespmem:s22+$0x10060];
	v14 =	vadd.f32 v22, v14;
	v0 =	vadd.f32 v47, v0  }
0x1a0: {  	v57 =	vld [tilespmem:$0x1FFD0];
	v7 =	vadd.f32 v11, v7;
	v3 =	vadd.f32 v48, v3  }
0x1a1: {  	[tilespmem:s22+$0xA000] =	vst v1;
	v1 =	vld [tilespmem:$0x1FF90];
	v14 =	vadd.f32 v18, v14;
	v0 =	vadd.f32 v49, v0  }
0x1a2: {  	v58 =	vld [tilespmem:s22+$0x11070];
	v7 =	vadd.f32 v9, v7;
	v3 =	vadd.f32 v50, v3  }
0x1a3: {  	[tilespmem:s22+$0xA020] =	vst v2;
	v2 =	vld [tilespmem:$0x1FF70];
	v12 =	vadd.f32 v12, v14;
	v0 =	vadd.f32 v51, v0  }
0x1a4: {  	v61 =	vld [tilespmem:$0x1FFC0];
	v7 =	vadd.f32 v59, v7;
	v3 =	vadd.f32 v52, v3  }
0x1a5: {  	v60 =	vld [tilespmem:s22+$0x11860];
	v10 =	vadd.f32 v10, v12;
	v0 =	vadd.f32 v53, v0  }
0x1a6: {  	v63 =	vld [tilespmem:$0x1FFA0];
	v1 =	vadd.f32 v1, v7;
	v3 =	vadd.f32 v54, v3  }
0x1a7: {  	v62 =	vld [tilespmem:s22+$0x11870];
	v10 =	vadd.f32 v57, v10;
	v0 =	vadd.f32 v55, v0  }
0x1a8: {  	v1 =	vadd.f32 v2, v1;
	v2 =	vadd.f32 v56, v3;
	v3 =	vld [tilespmem:$0x1FF80]  }
0x1a9: {  	v10 =	vadd.f32 v61, v10  }
0x1aa: {  	[tilespmem:s22+$0xA010] =	vst v4;
	v0 =	vadd.f32 v58, v0  }
0x1ab: {  	v4 =	vadd.f32 v63, v10;
	[tilespmem:s22+$0xA040] =	vst v1;
	v1 =	vadd.f32 v60, v2  }
0x1ac: {  	[tilespmem:s22+$0xA030] =	vst v5;
	v0 =	vadd.f32 v62, v0  }
0x1ad: {  	[tilespmem:s22+$0xA060] =	vst v1;
	v3 =	vadd.f32 v3, v4  }
0x1ae: {  	[tilespmem:s22+$0xA070] =	vst v0  }
0x1af: {  	[tilespmem:s22+$0xA050] =	vst v3  }
0x1b0: {  	[bflag:$0x0] =	sbarrier.arrive $0xFFFF  }
0x1b1: {  	s6 =	rddreg [dreg:$0x7]  }
0x1b2: {  	[hbm:s6], [sflag:s17] =	dma.local [spmem:s18], $0x800  }
0x1b3: {  	s21 =	sadd.s32 $0x1, s21;
	s6 =	rddreg [dreg:$0x8]  }
0x1b4: {  	[hbm4b:s6+s4] =	stream.linear.scatter [tilespmem:s20], [sflag:$0x9], $0x800, $0x38;
	[tilespmem:$0x16000] =	vst v63  }
0x1b5: {  	p0 =	sne.s32 s21, s10;
	_ =	swait.ge [sflag:s24], $0x800  }
.Ltmp2:
0x1b6: {  	[sflag:s24] =	ssyncset.done $0x0;
	(pc) =	sbr.rel @p0 .LBB2_1-.Ltmp2, $4  }
0x1b7: {  	[sflag:s24] =	ssyncadd.s32 $0xFFFFF800  }
0x1b8: {  	_ =	swait.ge [sflag:s24], $0x800  }
0x1b9: {  	[sflag:s24] =	ssyncset.done $0x0  }
0x1ba: {  	v1 =	vimm.f32 $1.000000000e+00;
	v0 =	vld [tilespmem:$0x1FFF0];
	[sflag:s24] =	ssyncadd.s32 $0xFFFFF800  }
0x1bb: {  	_ =	sfence.sel $0x180000  }
0x1bc: {  	[bflag:$0x0] =	sbarrier.arrive $0xFFFF  }
0x1bd: {  	_ =	strace $0x9000004A  }
0x1be: {  	s0 =	stileid.u32;
	[bflag:$0x2] =	sbarrier.arrive $0xFFFF  }
0x1bf: {  	p0 =	sne.s32 s0, $0x0;
	s0 =	rddreg [dreg:$0x4]  }
0x1c0: {  	s0 =	sadd.s32 @!p0 $0x100000, s0  }
0x1c1: {  	[sflag:s0] =	ssyncadd.tile.s32 @!p0 $0x1;
	_ =	shalt  }
.Lfunc_end2:
_tile_overlayer_lowered:
.L_overlay_start_2:
0x1c2: {  	(tag) =	ssettag $0x2  }
0x1c3: {  	s0 =	rddreg [dreg:$0x0];
	s2 =	stileid.u32  }
0x1c4: {  	s1 =	rddreg [dreg:$0x1];
	p0 =	sne.s32 s2, $0x0  }
0x1c5: {  	s3 =	rddreg [dreg:$0x2];
	[bflag:$0x3] =	sbarrier.arrive $0xFFFF;
	s2 =	simm.s32 @!p0 $0x1C0A  }
0x1c6: {  	[timem:s3], [sflag:s2] =	dma.local @!p0 [hbm:s0], s1  }
0x1c7: {  	s0 =	simm.s32 @!p0 $0xA  }
0x1c8: {  	_ =	swait.ge @!p0 [sflag:s0], s1  }
0x1c9: {  	s1 =	ssub.s32 @!p0 $0x0, s1;
	[sflag:s0] =	ssyncset.done @!p0 $0x0  }
0x1ca: {  	[sflag:s0] =	ssyncadd.s32 @!p0 s1  }
0x1cb: {  	[bflag:$0x3] =	sbarrier.arrive $0xFFFF  }
0x1cc: {  	_ =	shalt  }

// kernel: kernel.7.cloned.1.call-start
scs
__scs_entry_jumppad:
0x0: {  	(pc) =	sbr.rel $0x88, $3  }
0x1: {  	(tag) =	ssettag $0x0;
	lr =	simm.s32 $0x1  }
0x2: {  	[smem:$0x3F98] =	sst lr;
	_ =	strace $0xD0000000  }
0x3: {  	_ = 	snop  }
0x4: {  	_ = 	snop  }
0x5: {  	_ = 	snop  }
0x6: {  	_ = 	snop  }
0x7: {  	_ = 	snop  }
__scs_overlays_trampoline_lowered:
0x8: {  	[smem:$0x3FA7] =	sst s0  }
0x9: {  	[smem:$0x3FA8] =	sst s1  }
0xa: {  	[smem:$0x3FA9] =	sst s2  }
0xb: {  	[smem:$0x3FAA] =	sst s3  }
0xc: {  	[smem:$0x3FAB] =	sst s4  }
0xd: {  	[smem:$0x3FAC] =	sst s5  }
0xe: {  	[smem:$0x3FAD] =	sst s6  }
0xf: {  	[smem:$0x3FAE] =	sst s7  }
0x10: {  	[smem:$0x3FAF] =	sst s8  }
0x11: {  	[smem:$0x3FB0] =	sst s9;
	s0 =	simm.s32 @!p0 $0x0  }
0x12: {  	s1 =	sld [smem:$0x3F96];
	s0 =	simm.s32 @p0 $0x1  }
0x13: {  	[smem:$0x3FB1] =	sst s0;
	s0 =	simm.s32 @!p1 $0x0  }
0x14: {  	s2 =	sld [smem:$0x3F95];
	s0 =	simm.s32 @p1 $0x1  }
0x15: {  	[smem:$0x3FB2] =	sst s0;
	s0 =	simm.s32 @!p2 $0x0  }
0x16: {  	s3 =	sld [smem:$0x3FDB];
	s0 =	simm.s32 @p2 $0x1  }
0x17: {  	s4 =	simm.s32 $0x1BF5;
	[smem:$0x3FB4] =	sst s0  }
0x18: {  	s0 =	sld [smem:$0x3F97];
	_ =	swait.ge [sflag:s4], $0x0  }
0x19: {  	s7 =	sld [smem:$0x3F98]  }
0x1a: {  	s8 =	sadd.s32 $0xFFFFE003, lr  }
0x1b: {  	s9 =	sadd.s32 $0xFFFFFEF7, lr;
	s5 =	simm.s32 $0xFFFFFFFF;
	p2 =	slt.u32 s8, $0xFFFFF086  }
0x1c: {  	p1 =	slt.u32 s9, $0xF7A;
	s5 =	simm.s32 @!p2 $0x0  }
0x1d: {  	s5 =	simm.s32 @p1 $0x1;
	p0 =	seq.s32 s7, s2  }
0x1e: {  	s7 =	smul.u32 @!p0 $0xF7A, s2;
	p2 =	seq.s32 @!p0 s5, $0x0  }
0x1f: {  	s9 =	smul.u32 $0xF7A, s1;
	s8 =	simm.s32 @!p0 $0x1BF5;
	p2 =	por !p2, p0  }
0x20: {  	[sflag:s8] =	ssyncset.s32 @!p0 $0xFFFFF086;
	s6 =	sadd.s32 @!p0 s3, s7;
	s7 =	simm.s32 @!p0 $0x108  }
0x21: {  	s3 =	sadd.s32 s3, s9;
	s6 =	sadd.s32 @!p0 $0x88, s6;
	s7 =	simm.s32 @p2 $0x1082  }
0x22: {  	[simem:s7], [sflag:s8] =	dma.local @!p0 [hbm:s6], $0xF7A  }
0x23: {  	s9 =	sor.u32 $0xD0000000, s2;
	s6 =	simm.s32 $0x108;
	_ =	swait.ge @!p0 [sflag:s8], $0x0  }
0x24: {  	s3 =	sadd.s32 $0x88, s3;
	s6 =	simm.s32 @!p1 $0x1082;
	[sflag:s4] =	ssyncset.s32 $0xFFFFF086  }
0x25: {  	[simem:s6], [sflag:s4] =	dma.local [hbm:s3], $0xF7A  }
0x26: {  	[smem:$0x3F98] =	sst s1;
	(tag) =	ssettag s2;
	_ =	strace s9  }
0x27: {  	s1 =	sld [smem:$0x3FA8]  }
0x28: {  	s2 =	sld [smem:$0x3FA9]  }
0x29: {  	s4 =	sld [smem:$0x3FAB]  }
0x2a: {  	p0 =	seq.s32 s5, $0x0;
	s5 =	sld [smem:$0x3FAC]  }
0x2b: {  	s6 =	sld [smem:$0x3FAD]  }
0x2c: {  	s7 =	sld [smem:$0x3FAE]  }
0x2d: {  	s3 =	simm.s32 $0x108;
	s8 =	sld [smem:$0x3FAF]  }
0x2e: {  	s3 =	simm.s32 @!p0 $0x1082;
	s9 =	sld [smem:$0x3FB0]  }
0x2f: {  	lr =	sadd.s32 s0, s3;
	s0 =	sld [smem:$0x3FA7]  }
0x30: {  	s3 =	sld [smem:$0x3FAA]  }
0x31: {  	[smem:$0x3FB3] =	sst s10  }
0x32: {  	s10 =	sld [smem:$0x3FB1];
	_ =	sdelay $0x3  }
0x33: {  	p0 =	seq.s32 s10, $0x1;
	s10 =	sld [smem:$0x3FB3];
	_ =	sdelay $0x3  }
0x34: {  	[smem:$0x3FB3] =	sst s10  }
0x35: {  	s10 =	sld [smem:$0x3FB2];
	_ =	sdelay $0x3  }
0x36: {  	p1 =	seq.s32 s10, $0x1;
	s10 =	sld [smem:$0x3FB3];
	_ =	sdelay $0x3  }
0x37: {  	[smem:$0x3FB3] =	sst s10  }
0x38: {  	s10 =	sld [smem:$0x3FB4]  }
0x39: {  	_ = 	snop;
	(pc) =	sbr.ind lr, $3  }
0x3a: {  	_ = 	snop  }
0x3b: {  	_ = 	snop  }
0x3c: {  	p2 =	seq.s32 s10, $0x1;
	s10 =	sld [smem:$0x3FB3]  }
0x3d: {  	_ =	shalt  }
0x3e: {  	_ =	shalt  }
0x3f: {  	_ =	shalt  }
0x40: {  	_ =	shalt  }
0x41: {  	_ =	shalt  }
0x42: {  	_ =	shalt  }
0x43: {  	_ =	shalt  }
0x44: {  	_ =	shalt  }
0x45: {  	_ =	shalt  }
0x46: {  	_ =	shalt  }
0x47: {  	_ =	shalt  }
0x48: {  	_ =	shalt  }
0x49: {  	_ =	shalt  }
0x4a: {  	_ =	shalt  }
0x4b: {  	_ =	shalt  }
0x4c: {  	_ =	shalt  }
0x4d: {  	_ =	shalt  }
0x4e: {  	_ =	shalt  }
0x4f: {  	_ =	shalt  }
0x50: {  	_ =	shalt  }
0x51: {  	_ =	shalt  }
0x52: {  	_ =	shalt  }
0x53: {  	_ =	shalt  }
0x54: {  	_ =	shalt  }
0x55: {  	_ =	shalt  }
0x56: {  	_ =	shalt  }
0x57: {  	_ =	shalt  }
0x58: {  	_ =	shalt  }
0x59: {  	_ =	shalt  }
0x5a: {  	_ =	shalt  }
0x5b: {  	_ =	shalt  }
0x5c: {  	_ =	shalt  }
0x5d: {  	_ =	shalt  }
0x5e: {  	_ =	shalt  }
0x5f: {  	_ =	shalt  }
0x60: {  	_ =	shalt  }
0x61: {  	_ =	shalt  }
0x62: {  	_ =	shalt  }
0x63: {  	_ =	shalt  }
0x64: {  	_ =	shalt  }
0x65: {  	_ =	shalt  }
0x66: {  	_ =	shalt  }
0x67: {  	_ =	shalt  }
0x68: {  	_ =	shalt  }
0x69: {  	_ =	shalt  }
0x6a: {  	_ =	shalt  }
0x6b: {  	_ =	shalt  }
0x6c: {  	_ =	shalt  }
0x6d: {  	_ =	shalt  }
0x6e: {  	_ =	shalt  }
0x6f: {  	_ =	shalt  }
0x70: {  	_ =	shalt  }
0x71: {  	_ =	shalt  }
0x72: {  	_ =	shalt  }
0x73: {  	_ =	shalt  }
0x74: {  	_ =	shalt  }
0x75: {  	_ =	shalt  }
0x76: {  	_ =	shalt  }
0x77: {  	_ =	shalt  }
0x78: {  	_ =	shalt  }
0x79: {  	_ =	shalt  }
0x7a: {  	_ =	shalt  }
0x7b: {  	_ =	shalt  }
0x7c: {  	_ =	shalt  }
0x7d: {  	_ =	shalt  }
0x7e: {  	_ =	shalt  }
0x7f: {  	_ =	shalt  }
0x80: {  	_ =	shalt  }
0x81: {  	_ =	shalt  }
0x82: {  	_ =	shalt  }
0x83: {  	_ =	shalt  }
0x84: {  	_ =	shalt  }
0x85: {  	_ =	shalt  }
0x86: {  	_ =	shalt  }
0x87: {  	_ =	shalt  }
.Lfunc_end0:
.L_simem_size_0:
called_computation_lowered:
.L_overlay_start_0:
0x88: {  	s2 =	sld [smem:$0x3FD9]  }
0x89: {  	s3 =	sld [smem:$0x3FFE];
	_ =	sdelay $0x1  }
0x8a: {  	s1 =	srdreg.scid  }
0x8b: {  	s0 =	sand.u32 $0x1, s1  }
0x8c: {  	s14 =	sshll.u32 s0, $0xA;
	s2 =	sadd.s32 s3, s2  }
0x8d: {  	s2 =	sadd.s32 s2, s14  }
0x8e: {  	[smem:$0x3FBF] =	sst s2  }
0x8f: {  	_ = 	snop  }
0x90: {  	s2 =	sld [smem:$0x3FD0];
	_ =	sdelay $0x2  }
0x91: {  	s4 =	simm.s32 $0xA;
	s5 =	simm.s32 $0x10;
	s15 =	sld [smem:$0x3FC9]  }
0x92: {  	[smem:s5], [sflag:s4] =	dma.local [hbm:s2], $0x1  }
0x93: {  	_ =	swait.eq [sflag:s4], $0x1  }
0x94: {  	s16 =	sld [smem:$0x10];
	[sflag:s4] =	ssyncset.done $0x0  }
0x95: {  	s17 =	sld [smem:$0x11];
	[sflag:s4] =	ssyncadd.s32 $0xFFFFFFFF  }
0x96: {  	s18 =	sld [smem:$0x12];
	(tm) =	ssettm $0x1  }
0x97: {  	s6 =	sld [smem:$0x3FFB];
	_ =	sdelay $0x3  }
0x98: {  	_ =	strace s6  }
0x99: {  	s6 =	sld [smem:$0x3FFC];
	_ =	sdelay $0x3  }
0x9a: {  	_ =	strace s6  }
0x9b: {  	s6 =	sld [smem:$0x3FFD];
	_ =	sdelay $0x3  }
0x9c: {  	_ =	strace s6  }
0x9d: {  	_ =	strace $0x8FFFFFFF  }
0x9e: {  	s19 =	sld [smem:$0x3FDB];
	_ =	sdelay $0x1  }
0x9f: {  	s7 =	simm.s32 $_scs_section_size  }
0xa0: {  	s8 =	simm.s32 $_size__tile_overlayer_lowered;
	s9 =	simm.s32 $_tile_overlayer_lowered  }
0xa1: {  	s22 =	simm.s32 $0x1BFF;
	s21 =	sshll.u32 s9, $0x1;
	s6 =	sadd.s32 s7, s19  }
0xa2: {  	s10 =	simm.s32 $0x0;
	s20 =	sshll.u32 s8, $0x1;
	s8 =	sadd.s32 s21, s6  }
0xa3: {  	[timem:s10], [sflag:s22] =	dma.local [hbm:s8], s20  }
0xa4: {  	_ =	swait.ge [sflag:s22], s20  }
0xa5: {  	s7 =	ssub.s32 $0x0, s20;
	[sflag:s22] =	ssyncset.done $0x0  }
0xa6: {  	[sflag:s22] =	ssyncadd.s32 s7;
	_ =	sdelay $0x1  }
0xa7: {  	s23 =	simm.s32 $0x1B8B  }
0xa8: {  	_ =	swait.ge [sflag:s23], $0x1  }
0xa9: {  	[sflag:s23] =	ssyncset.done $0x0  }
0xaa: {  	s25 =	simm.s32 $0x1B8E;
	s24 =	sld [smem:$0x3FFE];
	[sflag:s23] =	ssyncadd.s32 $0xFFFFFFFF  }
0xab: {  	s26 =	simm.s32 $execute0_lowered;
	[smem:$0x3FD2] =	sst s25  }
0xac: {  	s8 =	sshll.u32 s26, $0x1;
	_ =	strace $0x80000046;
	[dreg:$0x1] =	wrdreg $0xFFFFFFFF  }
0xad: {  	s28 =	simm.s32 $_size_execute0_lowered;
	s6 =	sadd.s32 s6, s8;
	[dreg:$0x0] =	wrdreg $0x0  }
0xae: {  	s8 =	sshll.u32 s28, $0x1;
	[dreg:$0x2] =	wrdreg s6  }
0xaf: {  	[dreg:$0x3] =	wrdreg s8  }
0xb0: {  	[dreg:$0x4] =	wrdreg $0xC0  }
0xb1: {  	_ =	task [dreg:s10], $0x5FFFF  }
0xb2: {  	[dreg:$0x1] =	wrdreg $0xFFFFFFFF  }
0xb3: {  	[dreg:$0x0] =	wrdreg $0x60  }
0xb4: {  	[dreg:$0x2] =	wrdreg s15  }
0xb5: {  	[dreg:$0x3] =	wrdreg s17  }
0xb6: {  	[dreg:$0x4] =	wrdreg s16  }
0xb7: {  	[dreg:$0x5] =	wrdreg s24  }
0xb8: {  	[dreg:$0x6] =	wrdreg s18  }
0xb9: {  	[dreg:$0x7] =	wrdreg $0x130000  }
0xba: {  	[dreg:$0x8] =	wrdreg $0x9  }
0xbb: {  	_ =	task.clear_ibuf [dreg:s10], $0x9FFFF;
	_ =	strace $0x90000046  }
0xbc: {  	s29 =	simm.s32 $0x9;
	_ =	strace $0x80000048  }
0xbd: {  	_ =	swait.ge [sflag:s29], $0x1  }
0xbe: {  	[sflag:s29] =	ssyncadd.s32 $0xFFFFFFFF  }
0xbf: {  	_ =	strace $0x90000048  }
0xc0: {  	_ =	sfence  }
0xc1: {  	s30 =	sld [smem:$0x0];
	_ =	sdelay $0x2  }
0xc2: {  	s31 =	sshll.u32 s1, $0xD;
	s1 =	sshrl.u32 s1, $0x2  }
0xc3: {  	s3 =	sand.u32 $0x4000, s31;
	s1 =	sadd.s32 s1, s30  }
0xc4: {  	s0 =	sor.u32 s3, s0;
	s1 =	sshll.u32 s1, $0x11  }
0xc5: {  	s0 =	sor.u32 s1, s0  }
0xc6: {  	s0 =	sadd.s32 $0x8F2B, s0  }
0xc7: {  	[sflag:s0] =	ssyncadd.remote.s32 $0x1  }
0xc8: {  	_ =	sfence.sel $0xFFFF  }
0xc9: {  	[dreg:$0x0] =	wrdreg $0xFFFFFFFF;
	(pc) =	sbr.abs _section_cstart, $3  }
0xca: {  	[dreg:$0x1] =	wrdreg $0xFFFFFFFF  }
0xcb: {  	_ =	task.clear_ibuf [dreg:s10], $0x2FFFF;
	_ =	strace $0x9FFFFFFF  }
0xcc: {  	(tm) =	ssettm $0x7FFFFFFF  }
0xcd: {  	_ =	shalt  }
tec
execute0_lowered:
.L_overlay_start_1:
0x0: {  	(tag) =	ssettag $0x1  }
0x1: {  	s0 =	rddreg [dreg:$0x0]  }
0x2: {  	s1 =	rddreg [dreg:$0x1]  }
0x3: {  	s2 =	rddreg [dreg:$0x2]  }
0x4: {  	s6 =	rddreg [dreg:$0x3];
	s3 =	srdreg.scid  }
0x5: {  	s7 =	rddreg [dreg:$0x4];
	s17 =	stileid.u32;
	s4 =	simm.s32 $0x0  }
0x6: {  	s13 =	simm.s32 $0x50;
	s14 =	simm.s32 $0x4000;
	s28 =	simm.s32 $0x9000  }
0x7: {  	s29 =	simm.s32 $0x1;
	s30 =	simm.s32 $0xB800;
	s31 =	simm.s32 $0x2  }
0x8: {  	s8 =	sand.u32 $0x1, s3;
	s3 =	rddreg [dreg:$0x5];
	s9 =	smul.u32 $0xA000, s17  }
0x9: {  	[smem:$0x7FF] =	sst s4;
	s11 =	smul.u32 $0x28000, s17;
	s24 =	sshll.u32 s17, $0x6  }
0xa: {  	s5 =	smul.u32 $0xA0000, s8;
	s10 =	ssub.s32 $0x2, s8;
	s8 =	sshll.u32 s8, $0x4  }
0xb: {  	_ =	strace $0x80000047;
	s15 =	sshrl.u32 s10, $0x1;
	s8 =	sor.u32 s17, s8  }
0xc: {  	s11 =	sshrl.u32 s11, $0x2;
	s17 =	sor.u32 $0x1C09, s24;
	s24 =	simm.s32 $0x7  }
0xd: {  	s9 =	sadd.s32 s9, s5;
	s5 =	sadd.s32 $0x2600, s6;
	s10 =	ssub.s32 s10, s15  }
0xe: {  	s16 =	sshll.u32 s8, $0xA;
	s19 =	sadd.s32 s11, s3;
	s8 =	smul.u32 $0x280, s8  }
0xf: {  	s11 =	simm.s32 $0xA;
	s9 =	sshrl.u32 s9, $0x3;
	s1 =	sadd.s32 s1, s16  }
0x10: {  	s18 =	sadd.s32 s2, s16;
	s20 =	sadd.s32 $0x2000, s19;
	s12 =	sadd.s32 $0x4000, s19  }
0x11: {  	s15 =	sadd.s32 $0x6000, s19;
	s22 =	sadd.s32 $0x8000, s19;
	s23 =	smax.u32 s10, $0x1  }
0x12: {  	s16 =	simm.s32 $0x6800;
	s2 =	simm.s32 $0x5;
	[dreg:$0x7] =	wrdreg s1  }
0x13: {  	s6 =	sadd.s32 s9, s6;
	[dreg:$0x8] =	wrdreg s18;
	s21 =	sadd.s32 s7, s8  }
0x14: {  	[dreg:$0xb] =	wrdreg s23;
	s18 =	sshrl.u32 s19, $0x3;
	s25 =	sshrl.u32 s20, $0x3  }
0x15: {  	s26 =	sshrl.u32 s12, $0x3;
	s22 =	sshrl.u32 s22, $0x3;
	[dreg:$0xa] =	wrdreg s21  }
0x16: {  	s23 =	simm.s32 $0xE000;
	s1 =	simm.s32 $0x3;
	[dreg:$0xc] =	wrdreg s25  }
0x17: {  	v0 =	vlaneseq.u32;
	s12 =	simm.s32 $0x6;
	s6 =	sadd.s32 $0x2A00, s6;
	[dreg:$0xd] =	wrdreg s26  }
0x18: {  	v1 =	vimm.f32 $1.000000000e+00;
	vm0 =	vcmask $0x1F10;
	v0 =	vand.u32 $0x3, v0;
	s21 =	sshrl.u32 s15, $0x3;
	s26 =	simm.s32 $0x9;
	s15 =	simm.s32 $0x4  }
0x19: {  	vm1 =	vcmask $0x2F20;
	vm2 =	vcmask $0x3F30;
	v0 =	vmul.u32 $0x1400, v0;
	s25 =	simm.s32 $0x8;
	[dreg:$0x9] =	wrdreg s6;
	s6 =	simm.s32 $0x0  }
.LBB2_1:
0x1a: {  	s7 =	rddreg [dreg:$0x7]  }
0x1b: {  	[tilespmem:s4], [sflag:$0xA] =	stream.linear.gather [hbm4b:s7+s4], $0x2000, $0x38;
	[tilespmem:$0x1D000] =	vst v63  }
0x1c: {  	_ =	swait.ge [sflag:s11], $0x2000  }
0x1d: {  	[sflag:s11] =	ssyncset.done $0x0  }
0x1e: {  	s8 =	simm.s32 $0x2000;
	s20 =	rddreg [dreg:$0x8];
	[sflag:s11] =	ssyncadd.s32 $0xFFFFE000  }
0x1f: {  	[tilespmem:s8], [sflag:$0x9] =	stream.linear.gather [hbm4b:s20+s4], $0x2000, $0x38;
	[tilespmem:$0x1D000] =	vst v63  }
0x20: {  	_ = 	snop  }
0x21: {  	[tilespmem:s14], [sflag:$0x1] =	stream.indirect.gather [hbm4b:s0+s13], $0x80, s4, s13, $0xb8;
	[tilespmem:$0x1D000] =	vst v63  }
0x22: {  	s9 =	simm.s32 $0x80  }
0x23: {  	[tilespmem:s16], [sflag:$0x2] =	stream.indirect.gather [hbm4b:s0+s13], $0x80, s9, s13, $0xb8;
	[tilespmem:$0x1D000] =	vst v63  }
0x24: {  	[spmem:s18], [sflag:s17] =	dma.local [hbm:s5], $0x400  }
0x25: {  	s10 =	rddreg [dreg:$0xc]  }
0x26: {  	[spmem:s10], [sflag:s17] =	dma.local [hbm:s5], $0x400  }
0x27: {  	s7 =	rddreg [dreg:$0xd]  }
0x28: {  	[spmem:s7], [sflag:s17] =	dma.local [hbm:s5], $0x400  }
0x29: {  	[spmem:s21], [sflag:s17] =	dma.local [hbm:s5], $0x400  }
0x2a: {  	[spmem:s22], [sflag:s17] =	dma.local [hbm:s5], $0x400  }
0x2b: {  	[tilespmem:s23], [sflag:$0x9] =	stream.linear.gather [hbm4b:s5+s4], $0x2000, $0x38;
	[tilespmem:$0x1D000] =	vst v63  }
0x2c: {  	s19 =	simm.s32 $0x10000  }
0x2d: {  	[tilespmem:s19], [sflag:$0x9] =	stream.linear.gather [hbm4b:s5+s4], $0x2000, $0x38;
	[tilespmem:$0x1D000] =	vst v63  }
0x2e: {  	s20 =	simm.s32 $0x12000  }
0x2f: {  	[tilespmem:s20], [sflag:$0x9] =	stream.linear.gather [hbm4b:s5+s4], $0x1000, $0x38;
	[tilespmem:$0x1D000] =	vst v63  }
0x30: {  	_ =	swait.ge [sflag:s26], $0x400  }
0x31: {  	[sflag:s26] =	ssyncset.done $0x0  }
0x32: {  	[sflag:s26] =	ssyncadd.s32 $0xFFFFFC00  }
0x33: {  	_ =	swait.ge [sflag:s26], $0x400  }
0x34: {  	[sflag:s26] =	ssyncset.done $0x0  }
0x35: {  	[sflag:s26] =	ssyncadd.s32 $0xFFFFFC00  }
0x36: {  	_ =	swait.ge [sflag:s26], $0x400  }
0x37: {  	[sflag:s26] =	ssyncset.done $0x0  }
0x38: {  	[sflag:s26] =	ssyncadd.s32 $0xFFFFFC00  }
0x39: {  	_ =	swait.ge [sflag:s26], $0x400  }
0x3a: {  	[sflag:s26] =	ssyncset.done $0x0  }
0x3b: {  	[sflag:s26] =	ssyncadd.s32 $0xFFFFFC00  }
0x3c: {  	_ =	swait.ge [sflag:s26], $0x400  }
0x3d: {  	[sflag:s26] =	ssyncset.done $0x0  }
0x3e: {  	[sflag:s26] =	ssyncadd.s32 $0xFFFFFC00  }
0x3f: {  	_ =	swait.ge [sflag:s26], $0x2000  }
0x40: {  	[sflag:s26] =	ssyncset.done $0x0  }
0x41: {  	[sflag:s26] =	ssyncadd.s32 $0xFFFFE000  }
0x42: {  	_ =	swait.ge [sflag:s26], $0x2000  }
0x43: {  	[sflag:s26] =	ssyncset.done $0x0  }
0x44: {  	[sflag:s26] =	ssyncadd.s32 $0xFFFFE000  }
0x45: {  	_ =	swait.ge [sflag:s26], $0x1000  }
0x46: {  	[sflag:s26] =	ssyncset.done $0x0  }
0x47: {  	[sflag:s26] =	ssyncadd.s32 $0xFFFFF000  }
0x48: {  	_ =	swait.ge [sflag:s26], $0x2000  }
0x49: {  	[sflag:s26] =	ssyncset.done $0x0  }
0x4a: {  	[sflag:s26] =	ssyncadd.s32 $0xFFFFE000  }
0x4b: {  	s7 =	simm.s32 $0x0;
	[bflag:$0x0] =	sbarrier.arrive $0xFFFF  }
.LBB2_2:
0x4c: {  	p0 =	seq.s32 s7, $0x0  }
0x4d: {  	s9 =	simm.s32 @!p0 $0x7  }
0x4e: {  	_ =	swait.ge @!p0 [sflag:s9], $0x2800  }
0x4f: {  	s8 =	sshra.s32 s7, $0x2;
	[sflag:s9] =	ssyncset.done @!p0 $0x0  }
0x50: {  	s19 =	sadd.s32 $0x100, s8;
	[sflag:s9] =	ssyncadd.s32 @!p0 $0xFFFFD800  }
0x51: {  	[tilespmem:s28], [sflag:$0x3] =	stream.indirect.gather [hbm4b:s0+s13], $0x80, s19, s13, $0xb8;
	[tilespmem:$0x1D000] =	vst v63  }
0x52: {  	_ =	swait.ge [sflag:s29], $0x2800  }
0x53: {  	[sflag:s29] =	ssyncset.done $0x0  }
0x54: {  	s20 =	sadd.s32 $0x2000, s8;
	[sflag:s29] =	ssyncadd.s32 $0xFFFFD800  }
0x55: {  	[spmem:s3] =	stream.indirect.scatter.add.f32 [tilespmem:s14], [sflag:$0x5], $0x80, s20, s13, $0xb8;
	[tilespmem:$0x1D000] =	vst v63  }
0x56: {  	v2 =	vld [tilespmem:s8+$0x2000];
	_ =	sdelay $0x4  }
0x57: {  	v2 =	vadd.s32 v0, v2;
	_ =	sdelay $0x4  }
0x58: {  	[tilespmem:v2+s23+$0x0] =	vst.idx.add.f32.msk $0xf, v1  }
0x59: {  	[tilespmem:v2+s23+$0x0] =	vst.idx.add.f32.msk vm0, v1  }
0x5a: {  	[tilespmem:v2+s23+$0x0] =	vst.idx.add.f32.msk vm1, v1  }
0x5b: {  	[tilespmem:v2+s23+$0x0] =	vst.idx.add.f32.msk vm2, v1  }
0x5c: {  	v2 =	vld [tilespmem:s8+$0x2010];
	_ =	sdelay $0x4  }
0x5d: {  	v2 =	vadd.s32 v0, v2;
	_ =	sdelay $0x4  }
0x5e: {  	[tilespmem:v2+s23+$0x0] =	vst.idx.add.f32.msk $0xf, v1  }
0x5f: {  	[tilespmem:v2+s23+$0x0] =	vst.idx.add.f32.msk vm0, v1  }
0x60: {  	[tilespmem:v2+s23+$0x0] =	vst.idx.add.f32.msk vm1, v1  }
0x61: {  	[tilespmem:v2+s23+$0x0] =	vst.idx.add.f32.msk vm2, v1  }
0x62: {  	v2 =	vld [tilespmem:s8+$0x2020];
	_ =	sdelay $0x4  }
0x63: {  	v2 =	vadd.s32 v0, v2;
	_ =	sdelay $0x4  }
0x64: {  	[tilespmem:v2+s23+$0x0] =	vst.idx.add.f32.msk $0xf, v1  }
0x65: {  	[tilespmem:v2+s23+$0x0] =	vst.idx.add.f32.msk vm0, v1  }
0x66: {  	[tilespmem:v2+s23+$0x0] =	vst.idx.add.f32.msk vm1, v1  }
0x67: {  	[tilespmem:v2+s23+$0x0] =	vst.idx.add.f32.msk vm2, v1  }
0x68: {  	v2 =	vld [tilespmem:s8+$0x2030];
	_ =	sdelay $0x4  }
0x69: {  	v2 =	vadd.s32 v0, v2;
	_ =	sdelay $0x4  }
0x6a: {  	[tilespmem:v2+s23+$0x0] =	vst.idx.add.f32.msk $0xf, v1  }
0x6b: {  	[tilespmem:v2+s23+$0x0] =	vst.idx.add.f32.msk vm0, v1  }
0x6c: {  	[tilespmem:v2+s23+$0x0] =	vst.idx.add.f32.msk vm1, v1  }
0x6d: {  	[tilespmem:v2+s23+$0x0] =	vst.idx.add.f32.msk vm2, v1  }
0x6e: {  	v2 =	vld [tilespmem:s8+$0x2040];
	_ =	sdelay $0x4  }
0x6f: {  	v2 =	vadd.s32 v0, v2;
	_ =	sdelay $0x4  }
0x70: {  	[tilespmem:v2+s23+$0x0] =	vst.idx.add.f32.msk $0xf, v1  }
0x71: {  	[tilespmem:v2+s23+$0x0] =	vst.idx.add.f32.msk vm0, v1  }
0x72: {  	[tilespmem:v2+s23+$0x0] =	vst.idx.add.f32.msk vm1, v1  }
0x73: {  	s9 =	simm.s32 @!p0 $0x8;
	[tilespmem:v2+s23+$0x0] =	vst.idx.add.f32.msk vm2, v1  }
0x74: {  	_ =	swait.ge @!p0 [sflag:s9], $0x2800  }
0x75: {  	[sflag:s9] =	ssyncset.done @!p0 $0x0  }
0x76: {  	s10 =	sadd.s32 $0x180, s8;
	[sflag:s9] =	ssyncadd.s32 @!p0 $0xFFFFD800  }
0x77: {  	[tilespmem:s30], [sflag:$0x4] =	stream.indirect.gather [hbm4b:s0+s13], $0x80, s10, s13, $0xb8;
	[tilespmem:$0x1D000] =	vst v63  }
0x78: {  	_ =	swait.ge [sflag:s31], $0x2800  }
0x79: {  	[sflag:s31] =	ssyncset.done $0x0  }
0x7a: {  	s19 =	sadd.s32 $0x2080, s8;
	[sflag:s31] =	ssyncadd.s32 $0xFFFFD800  }
0x7b: {  	[spmem:s3] =	stream.indirect.scatter.add.f32 [tilespmem:s16], [sflag:$0x6], $0x80, s19, s13, $0xb8;
	[tilespmem:$0x1D000] =	vst v63  }
0x7c: {  	v2 =	vld [tilespmem:s8+$0x2080];
	_ =	sdelay $0x4  }
0x7d: {  	v2 =	vadd.s32 v0, v2;
	_ =	sdelay $0x4  }
0x7e: {  	[tilespmem:v2+s23+$0x0] =	vst.idx.add.f32.msk $0xf, v1  }
0x7f: {  	[tilespmem:v2+s23+$0x0] =	vst.idx.add.f32.msk vm0, v1  }
0x80: {  	[tilespmem:v2+s23+$0x0] =	vst.idx.add.f32.msk vm1, v1  }
0x81: {  	[tilespmem:v2+s23+$0x0] =	vst.idx.add.f32.msk vm2, v1  }
0x82: {  	v2 =	vld [tilespmem:s8+$0x2090];
	_ =	sdelay $0x4  }
0x83: {  	v2 =	vadd.s32 v0, v2;
	_ =	sdelay $0x4  }
0x84: {  	[tilespmem:v2+s23+$0x0] =	vst.idx.add.f32.msk $0xf, v1  }
0x85: {  	[tilespmem:v2+s23+$0x0] =	vst.idx.add.f32.msk vm0, v1  }
0x86: {  	[tilespmem:v2+s23+$0x0] =	vst.idx.add.f32.msk vm1, v1  }
0x87: {  	[tilespmem:v2+s23+$0x0] =	vst.idx.add.f32.msk vm2, v1  }
0x88: {  	v2 =	vld [tilespmem:s8+$0x20A0];
	_ =	sdelay $0x4  }
0x89: {  	v2 =	vadd.s32 v0, v2;
	_ =	sdelay $0x4  }
0x8a: {  	[tilespmem:v2+s23+$0x0] =	vst.idx.add.f32.msk $0xf, v1  }
0x8b: {  	[tilespmem:v2+s23+$0x0] =	vst.idx.add.f32.msk vm0, v1  }
0x8c: {  	[tilespmem:v2+s23+$0x0] =	vst.idx.add.f32.msk vm1, v1  }
0x8d: {  	[tilespmem:v2+s23+$0x0] =	vst.idx.add.f32.msk vm2, v1  }
0x8e: {  	v2 =	vld [tilespmem:s8+$0x20B0];
	_ =	sdelay $0x4  }
0x8f: {  	v2 =	vadd.s32 v0, v2;
	_ =	sdelay $0x4  }
0x90: {  	[tilespmem:v2+s23+$0x0] =	vst.idx.add.f32.msk $0xf, v1  }
0x91: {  	[tilespmem:v2+s23+$0x0] =	vst.idx.add.f32.msk vm0, v1  }
0x92: {  	[tilespmem:v2+s23+$0x0] =	vst.idx.add.f32.msk vm1, v1  }
0x93: {  	[tilespmem:v2+s23+$0x0] =	vst.idx.add.f32.msk vm2, v1  }
0x94: {  	v2 =	vld [tilespmem:s8+$0x20C0];
	_ =	sdelay $0x4  }
0x95: {  	v2 =	vadd.s32 v0, v2;
	_ =	sdelay $0x4  }
0x96: {  	[tilespmem:v2+s23+$0x0] =	vst.idx.add.f32.msk $0xf, v1  }
0x97: {  	[tilespmem:v2+s23+$0x0] =	vst.idx.add.f32.msk vm0, v1  }
0x98: {  	[tilespmem:v2+s23+$0x0] =	vst.idx.add.f32.msk vm1, v1  }
0x99: {  	[tilespmem:v2+s23+$0x0] =	vst.idx.add.f32.msk vm2, v1  }
0x9a: {  	p0 =	seq.s32 s7, $0x7800;
	_ =	swait.ge [sflag:s2], $0x2800  }
0x9b: {  	s9 =	sshra.s32 @!p0 s7, $0x2;
	s20 =	simm.s32 @!p0 $0x4000;
	[sflag:s2] =	ssyncset.done $0x0  }
0x9c: {  	s10 =	sadd.s32 @!p0 $0x200, s9;
	s19 =	simm.s32 @!p0 $0x50;
	[sflag:s2] =	ssyncadd.s32 $0xFFFFD800  }
0x9d: {  	[tilespmem:s20], [sflag:$0x1] =	stream.indirect.gather @!p0 [hbm4b:s0+s19], $0x80, s10, s19, $0xb8;
	[tilespmem:$0x1D000] =	vst v63  }
0x9e: {  	_ =	swait.ge [sflag:s1], $0x2800  }
0x9f: {  	[sflag:s1] =	ssyncset.done $0x0  }
0xa0: {  	s20 =	sadd.s32 $0x2100, s8;
	[sflag:s1] =	ssyncadd.s32 $0xFFFFD800  }
0xa1: {  	[spmem:s3] =	stream.indirect.scatter.add.f32 [tilespmem:s28], [sflag:$0x7], $0x80, s20, s13, $0xb8;
	[tilespmem:$0x1D000] =	vst v63  }
0xa2: {  	v2 =	vld [tilespmem:s8+$0x2100];
	_ =	sdelay $0x4  }
0xa3: {  	v2 =	vadd.s32 v0, v2;
	_ =	sdelay $0x4  }
0xa4: {  	[tilespmem:v2+s23+$0x0] =	vst.idx.add.f32.msk $0xf, v1  }
0xa5: {  	[tilespmem:v2+s23+$0x0] =	vst.idx.add.f32.msk vm0, v1  }
0xa6: {  	[tilespmem:v2+s23+$0x0] =	vst.idx.add.f32.msk vm1, v1  }
0xa7: {  	[tilespmem:v2+s23+$0x0] =	vst.idx.add.f32.msk vm2, v1  }
0xa8: {  	v2 =	vld [tilespmem:s8+$0x2110];
	_ =	sdelay $0x4  }
0xa9: {  	v2 =	vadd.s32 v0, v2;
	_ =	sdelay $0x4  }
0xaa: {  	[tilespmem:v2+s23+$0x0] =	vst.idx.add.f32.msk $0xf, v1  }
0xab: {  	[tilespmem:v2+s23+$0x0] =	vst.idx.add.f32.msk vm0, v1  }
0xac: {  	[tilespmem:v2+s23+$0x0] =	vst.idx.add.f32.msk vm1, v1  }
0xad: {  	[tilespmem:v2+s23+$0x0] =	vst.idx.add.f32.msk vm2, v1  }
0xae: {  	v2 =	vld [tilespmem:s8+$0x2120];
	_ =	sdelay $0x4  }
0xaf: {  	v2 =	vadd.s32 v0, v2;
	_ =	sdelay $0x4  }
0xb0: {  	[tilespmem:v2+s23+$0x0] =	vst.idx.add.f32.msk $0xf, v1  }
0xb1: {  	[tilespmem:v2+s23+$0x0] =	vst.idx.add.f32.msk vm0, v1  }
0xb2: {  	[tilespmem:v2+s23+$0x0] =	vst.idx.add.f32.msk vm1, v1  }
0xb3: {  	[tilespmem:v2+s23+$0x0] =	vst.idx.add.f32.msk vm2, v1  }
0xb4: {  	v2 =	vld [tilespmem:s8+$0x2130];
	_ =	sdelay $0x4  }
0xb5: {  	v2 =	vadd.s32 v0, v2;
	_ =	sdelay $0x4  }
0xb6: {  	[tilespmem:v2+s23+$0x0] =	vst.idx.add.f32.msk $0xf, v1  }
0xb7: {  	[tilespmem:v2+s23+$0x0] =	vst.idx.add.f32.msk vm0, v1  }
0xb8: {  	[tilespmem:v2+s23+$0x0] =	vst.idx.add.f32.msk vm1, v1  }
0xb9: {  	[tilespmem:v2+s23+$0x0] =	vst.idx.add.f32.msk vm2, v1  }
0xba: {  	v2 =	vld [tilespmem:s8+$0x2140];
	_ =	sdelay $0x4  }
0xbb: {  	v2 =	vadd.s32 v0, v2;
	_ =	sdelay $0x4  }
0xbc: {  	[tilespmem:v2+s23+$0x0] =	vst.idx.add.f32.msk $0xf, v1  }
0xbd: {  	[tilespmem:v2+s23+$0x0] =	vst.idx.add.f32.msk vm0, v1  }
0xbe: {  	[tilespmem:v2+s23+$0x0] =	vst.idx.add.f32.msk vm1, v1  }
0xbf: {  	[tilespmem:v2+s23+$0x0] =	vst.idx.add.f32.msk vm2, v1  }
0xc0: {  	_ =	swait.ge [sflag:s12], $0x2800  }
0xc1: {  	[sflag:s12] =	ssyncset.done $0x0  }
0xc2: {  	s9 =	sadd.s32 @!p0 $0x280, s9;
	s10 =	simm.s32 @!p0 $0x6800;
	[sflag:s12] =	ssyncadd.s32 $0xFFFFD800  }
0xc3: {  	[tilespmem:s10], [sflag:$0x2] =	stream.indirect.gather @!p0 [hbm4b:s0+s19], $0x80, s9, s19, $0xb8;
	[tilespmem:$0x1D000] =	vst v63  }
0xc4: {  	_ =	swait.ge [sflag:s15], $0x2800  }
0xc5: {  	[sflag:s15] =	ssyncset.done $0x0  }
0xc6: {  	s20 =	sadd.s32 $0x2180, s8;
	[sflag:s15] =	ssyncadd.s32 $0xFFFFD800  }
0xc7: {  	[spmem:s3] =	stream.indirect.scatter.add.f32 [tilespmem:s30], [sflag:$0x8], $0x80, s20, s13, $0xb8;
	[tilespmem:$0x1D000] =	vst v63  }
0xc8: {  	v2 =	vld [tilespmem:s8+$0x2180];
	_ =	sdelay $0x4  }
0xc9: {  	v2 =	vadd.s32 v0, v2;
	_ =	sdelay $0x4  }
0xca: {  	[tilespmem:v2+s23+$0x0] =	vst.idx.add.f32.msk $0xf, v1  }
0xcb: {  	[tilespmem:v2+s23+$0x0] =	vst.idx.add.f32.msk vm0, v1  }
0xcc: {  	[tilespmem:v2+s23+$0x0] =	vst.idx.add.f32.msk vm1, v1  }
0xcd: {  	[tilespmem:v2+s23+$0x0] =	vst.idx.add.f32.msk vm2, v1  }
0xce: {  	v2 =	vld [tilespmem:s8+$0x2190];
	_ =	sdelay $0x4  }
0xcf: {  	v2 =	vadd.s32 v0, v2;
	_ =	sdelay $0x4  }
0xd0: {  	[tilespmem:v2+s23+$0x0] =	vst.idx.add.f32.msk $0xf, v1  }
0xd1: {  	[tilespmem:v2+s23+$0x0] =	vst.idx.add.f32.msk vm0, v1  }
0xd2: {  	[tilespmem:v2+s23+$0x0] =	vst.idx.add.f32.msk vm1, v1  }
0xd3: {  	[tilespmem:v2+s23+$0x0] =	vst.idx.add.f32.msk vm2, v1  }
0xd4: {  	v2 =	vld [tilespmem:s8+$0x21A0];
	_ =	sdelay $0x4  }
0xd5: {  	v2 =	vadd.s32 v0, v2;
	_ =	sdelay $0x4  }
0xd6: {  	[tilespmem:v2+s23+$0x0] =	vst.idx.add.f32.msk $0xf, v1  }
0xd7: {  	[tilespmem:v2+s23+$0x0] =	vst.idx.add.f32.msk vm0, v1  }
0xd8: {  	[tilespmem:v2+s23+$0x0] =	vst.idx.add.f32.msk vm1, v1  }
0xd9: {  	[tilespmem:v2+s23+$0x0] =	vst.idx.add.f32.msk vm2, v1  }
0xda: {  	v2 =	vld [tilespmem:s8+$0x21B0];
	_ =	sdelay $0x4  }
0xdb: {  	v2 =	vadd.s32 v0, v2;
	_ =	sdelay $0x4  }
0xdc: {  	[tilespmem:v2+s23+$0x0] =	vst.idx.add.f32.msk $0xf, v1  }
0xdd: {  	[tilespmem:v2+s23+$0x0] =	vst.idx.add.f32.msk vm0, v1  }
0xde: {  	[tilespmem:v2+s23+$0x0] =	vst.idx.add.f32.msk vm1, v1  }
0xdf: {  	[tilespmem:v2+s23+$0x0] =	vst.idx.add.f32.msk vm2, v1  }
0xe0: {  	v2 =	vld [tilespmem:s8+$0x21C0];
	_ =	sdelay $0x4  }
0xe1: {  	v2 =	vadd.s32 v0, v2;
	_ =	sdelay $0x1  }
0xe2: {  	s7 =	sadd.s32 $0x800, s7  }
0xe3: {  	p0 =	sne.s32 s7, $0x8000  }
.Ltmp0:
0xe4: {  	_ = 	snop;
	(pc) =	sbr.rel @p0 .LBB2_2-.Ltmp0, $4  }
0xe5: {  	[tilespmem:v2+s23+$0x0] =	vst.idx.add.f32.msk $0xf, v1  }
0xe6: {  	[tilespmem:v2+s23+$0x0] =	vst.idx.add.f32.msk vm0, v1  }
0xe7: {  	[tilespmem:v2+s23+$0x0] =	vst.idx.add.f32.msk vm1, v1  }
0xe8: {  	[tilespmem:v2+s23+$0x0] =	vst.idx.add.f32.msk vm2, v1  }
0xe9: {  	_ =	swait.ge [sflag:s24], $0x2800  }
0xea: {  	[sflag:s24] =	ssyncset.done $0x0  }
0xeb: {  	[sflag:s24] =	ssyncadd.s32 $0xFFFFD800  }
0xec: {  	_ =	swait.ge [sflag:s25], $0x2800  }
0xed: {  	[sflag:s25] =	ssyncset.done $0x0  }
0xee: {  	s7 =	simm.s32 $0xFFFFEC00;
	[sflag:s25] =	ssyncadd.s32 $0xFFFFD800  }
0xef: {  	v7 =	vld [tilespmem:s7+$0x13000]  }
0xf0: {  	v6 =	vld [tilespmem:s7+$0x13010]  }
0xf1: {  	v5 =	vld [tilespmem:s7+$0x13020]  }
0xf2: {  	v4 =	vld [tilespmem:s7+$0x13030]  }
0xf3: {  	v3 =	vld [tilespmem:s7+$0x13040]  }
0xf4: {  	v2 =	vld [tilespmem:s7+$0x13050]  }
0xf5: {  	v16 =	vld [tilespmem:s7+$0x11C00]  }
0xf6: {  	v21 =	vld [tilespmem:s7+$0x11C10]  }
0xf7: {  	v11 =	vld [tilespmem:s7+$0x11C20]  }
0xf8: {  	v10 =	vld [tilespmem:s7+$0x11C30]  }
0xf9: {  	v9 =	vld [tilespmem:s7+$0x11C40]  }
0xfa: {  	v8 =	vld [tilespmem:s7+$0x11C50]  }
0xfb: {  	v13 =	vld [tilespmem:s7+$0x10800]  }
0xfc: {  	v17 =	vld [tilespmem:s7+$0x10810]  }
0xfd: {  	v18 =	vld [tilespmem:s7+$0x10820]  }
0xfe: {  	v22 =	vld [tilespmem:s7+$0x10830]  }
0xff: {  	v14 =	vld [tilespmem:s7+$0x10840]  }
0x100: {  	v12 =	vld [tilespmem:s7+$0x10850]  }
0x101: {  	v19 =	vld [tilespmem:s7+$0xF400]  }
0x102: {  	v20 =	vld [tilespmem:s7+$0xF410]  }
0x103: {  	v23 =	vld [tilespmem:s7+$0xF420]  }
0x104: {  	v24 =	vld [tilespmem:s7+$0xF430]  }
0x105: {  	v15 =	vld [tilespmem:s7+$0x10860]  }
0x106: {  	v19 =	vadd.f32 v13, v19;
	v13 =	vld [tilespmem:s7+$0x10870]  }
0x107: {  	v25 =	vadd.f32 v17, v20;
	v17 =	vld [tilespmem:s7+$0xF440]  }
0x108: {  	v20 =	vadd.f32 v18, v23;
	v18 =	vld [tilespmem:s7+$0xF450];
	v19 =	vadd.f32 v16, v19  }
0x109: {  	s8 =	simm.s32 $0xFFFFB200;
	v22 =	vadd.f32 v22, v24;
	v21 =	vadd.f32 v21, v25;
	v16 =	vld [tilespmem:s7+$0xF460]  }
.LBB2_4:
0x10a: {  	p0 =	sne.s32 s8, $0xFFFFFE00;
	v7 =	vadd.f32 v7, v19;
	v11 =	vadd.f32 v11, v20;
	v19 =	vld [tilespmem:s7+$0xF470]  }
0x10b: {  	v6 =	vadd.f32 v6, v21;
	v10 =	vadd.f32 v10, v22;
	v20 =	vld [tilespmem:s7+$0x11C60]  }
0x10c: {  	v5 =	vadd.f32 v5, v11;
	v11 =	vadd.f32 v14, v17;
	v14 =	vld [tilespmem:s7+$0x11C70]  }
0x10d: {  	v4 =	vadd.f32 v4, v10;
	v10 =	vadd.f32 v12, v18;
	v12 =	vld [tilespmem:s7+$0x13060]  }
0x10e: {  	s9 =	sshra.s32 s8, $0x2;
	[tilespmem:s7+$0xF400] =	vst v7;
	v9 =	vadd.f32 v9, v11;
	v11 =	vadd.f32 v15, v16;
	v15 =	vld [tilespmem:s7+$0x13070]  }
0x10f: {  	v7 =	vld [tilespmem:s9+$0x13000];
	[tilespmem:s7+$0xF410] =	vst v6;
	v8 =	vadd.f32 v8, v10;
	v10 =	vadd.f32 v13, v19  }
0x110: {  	v6 =	vld [tilespmem:s9+$0x13010];
	[tilespmem:s7+$0xF420] =	vst v5;
	v3 =	vadd.f32 v3, v9;
	v9 =	vadd.f32 v20, v11  }
0x111: {  	v5 =	vld [tilespmem:s9+$0x13020];
	[tilespmem:s7+$0xF430] =	vst v4;
	v2 =	vadd.f32 v2, v8;
	v8 =	vadd.f32 v14, v10  }
0x112: {  	v4 =	vld [tilespmem:s9+$0x13030];
	[tilespmem:s7+$0xF440] =	vst v3;
	v9 =	vadd.f32 v12, v9  }
0x113: {  	v3 =	vld [tilespmem:s9+$0x13040];
	[tilespmem:s7+$0xF450] =	vst v2;
	v8 =	vadd.f32 v15, v8  }
0x114: {  	v2 =	vld [tilespmem:s9+$0x13050];
	[tilespmem:s7+$0xF460] =	vst v9  }
0x115: {  	v16 =	vld [tilespmem:s9+$0x11C00];
	[tilespmem:s7+$0xF470] =	vst v8;
	s7 =	smov.u32 s9  }
0x116: {  	v21 =	vld [tilespmem:s7+$0x11C10]  }
0x117: {  	v11 =	vld [tilespmem:s7+$0x11C20]  }
0x118: {  	v10 =	vld [tilespmem:s7+$0x11C30]  }
0x119: {  	v9 =	vld [tilespmem:s7+$0x11C40]  }
0x11a: {  	v8 =	vld [tilespmem:s7+$0x11C50]  }
0x11b: {  	v13 =	vld [tilespmem:s7+$0x10800]  }
0x11c: {  	v17 =	vld [tilespmem:s7+$0x10810]  }
0x11d: {  	v18 =	vld [tilespmem:s7+$0x10820]  }
0x11e: {  	v22 =	vld [tilespmem:s7+$0x10830]  }
0x11f: {  	v14 =	vld [tilespmem:s7+$0x10840]  }
0x120: {  	v12 =	vld [tilespmem:s7+$0x10850]  }
0x121: {  	v19 =	vld [tilespmem:s7+$0xF400]  }
0x122: {  	v20 =	vld [tilespmem:s7+$0xF410]  }
0x123: {  	v23 =	vld [tilespmem:s7+$0xF420]  }
0x124: {  	v24 =	vld [tilespmem:s7+$0xF430]  }
.Ltmp1:
0x125: {  	v15 =	vld [tilespmem:s7+$0x10860];
	(pc) =	sbr.rel @p0 .LBB2_4-.Ltmp1, $4  }
0x126: {  	v19 =	vadd.f32 v13, v19;
	v13 =	vld [tilespmem:s7+$0x10870]  }
0x127: {  	v25 =	vadd.f32 v17, v20;
	v17 =	vld [tilespmem:s7+$0xF440]  }
0x128: {  	v19 =	vadd.f32 v16, v19;
	v20 =	vadd.f32 v18, v23;
	v18 =	vld [tilespmem:s7+$0xF450]  }
0x129: {  	s8 =	sadd.s32 $0x200, s8;
	v21 =	vadd.f32 v21, v25;
	v22 =	vadd.f32 v22, v24;
	v16 =	vld [tilespmem:s7+$0xF460]  }
0x12a: {  	v23 =	vld [tilespmem:s7+$0xF470];
	v7 =	vadd.f32 v7, v19;
	v11 =	vadd.f32 v11, v20  }
0x12b: {  	v52 =	vld [tilespmem:s7+$0x11C60];
	v6 =	vadd.f32 v6, v21;
	v10 =	vadd.f32 v10, v22  }
0x12c: {  	v53 =	vld [tilespmem:s7+$0x11C70];
	v5 =	vadd.f32 v5, v11;
	v54 =	vadd.f32 v14, v17  }
0x12d: {  	v55 =	vld [tilespmem:s7+$0x13060];
	v4 =	vadd.f32 v4, v10;
	v56 =	vadd.f32 v12, v18  }
0x12e: {  	v59 =	vld [tilespmem:s7+$0x13070];
	[tilespmem:s7+$0xF400] =	vst v7;
	v57 =	vadd.f32 v9, v54;
	v58 =	vadd.f32 v15, v16  }
0x12f: {  	[tilespmem:s7+$0xF410] =	vst v6;
	v60 =	vadd.f32 v8, v56;
	v61 =	vadd.f32 v13, v23  }
0x130: {  	[tilespmem:s7+$0xF420] =	vst v5;
	v3 =	vadd.f32 v3, v57;
	v62 =	vadd.f32 v52, v58  }
0x131: {  	[tilespmem:s7+$0xF430] =	vst v4;
	v2 =	vadd.f32 v2, v60;
	v63 =	vadd.f32 v53, v61  }
0x132: {  	[tilespmem:s7+$0xF440] =	vst v3;
	v3 =	vadd.f32 v55, v62  }
0x133: {  	[tilespmem:s7+$0xF450] =	vst v2;
	v2 =	vadd.f32 v59, v63  }
0x134: {  	[tilespmem:s7+$0xF460] =	vst v3  }
0x135: {  	[tilespmem:s7+$0xF470] =	vst v2  }
0x136: {  	[bflag:$0x0] =	sbarrier.arrive $0xFFFF  }
0x137: {  	s19 =	rddreg [dreg:$0x9]  }
0x138: {  	[hbm:s19], [sflag:s17] =	dma.local [spmem:s18], $0x1400  }
0x139: {  	s7 =	rddreg [dreg:$0xa]  }
0x13a: {  	[hbm4b:s7+s4] =	stream.linear.scatter [tilespmem:s23], [sflag:$0x9], $0x1400, $0x38;
	[tilespmem:$0x1D000] =	vst v63  }
0x13b: {  	_ =	swait.ge [sflag:s26], $0x1400  }
0x13c: {  	[sflag:s26] =	ssyncset.done $0x0  }
0x13d: {  	[sflag:s26] =	ssyncadd.s32 $0xFFFFEC00  }
0x13e: {  	_ =	swait.ge [sflag:s26], $0x1400  }
0x13f: {  	s6 =	sadd.s32 $0x1, s6;
	s20 =	rddreg [dreg:$0xb]  }
0x140: {  	p0 =	sne.s32 s6, s20  }
.Ltmp2:
0x141: {  	_ = 	snop;
	(pc) =	sbr.rel @p0 .LBB2_1-.Ltmp2, $3  }
0x142: {  	_ =	sdelay $0x1  }
0x143: {  	[sflag:s26] =	ssyncset.done $0x0  }
0x144: {  	[sflag:s26] =	ssyncadd.s32 $0xFFFFEC00  }
0x145: {  	_ =	sfence.sel $0x180000  }
0x146: {  	[bflag:$0x0] =	sbarrier.arrive $0xFFFF  }
0x147: {  	_ =	strace $0x90000047  }
0x148: {  	s0 =	stileid.u32;
	[bflag:$0x2] =	sbarrier.arrive $0xFFFF  }
0x149: {  	p0 =	sne.s32 s0, $0x0;
	s0 =	rddreg [dreg:$0x6]  }
0x14a: {  	s0 =	sadd.s32 @!p0 $0x100000, s0  }
0x14b: {  	[sflag:s0] =	ssyncadd.tile.s32 @!p0 $0x1;
	_ =	shalt  }
.Lfunc_end2:
_tile_overlayer_lowered:
.L_overlay_start_2:
0x14c: {  	(tag) =	ssettag $0x2  }
0x14d: {  	s0 =	rddreg [dreg:$0x0];
	s2 =	stileid.u32  }
0x14e: {  	s1 =	rddreg [dreg:$0x1];
	p0 =	sne.s32 s2, $0x0  }
0x14f: {  	s3 =	rddreg [dreg:$0x2];
	[bflag:$0x3] =	sbarrier.arrive $0xFFFF;
	s2 =	simm.s32 @!p0 $0x1C0A  }
0x150: {  	[timem:s3], [sflag:s2] =	dma.local @!p0 [hbm:s0], s1  }
0x151: {  	s0 =	simm.s32 @!p0 $0xA  }
0x152: {  	_ =	swait.ge @!p0 [sflag:s0], s1  }
0x153: {  	s1 =	ssub.s32 @!p0 $0x0, s1;
	[sflag:s0] =	ssyncset.done @!p0 $0x0  }
0x154: {  	[sflag:s0] =	ssyncadd.s32 @!p0 s1  }
0x155: {  	[bflag:$0x3] =	sbarrier.arrive $0xFFFF  }
0x156: {  	_ =	shalt  }

</sc_bundles>
